<compile_context>
chip_gen: v7x
topology: tpu7x:2x2x1
jax: 0.10.2.dev20260603
libtpu: 0.0.44.dev20260713+nightly
codegen_flags: <defaults>
</compile_context>

<pallas_src>
import functools

import jax
import jax.numpy as jnp
from jax import lax
from jax.experimental import pallas as pl
from jax.experimental.pallas import tpu as pltpu
from jax.experimental.pallas import tpu_sc as plsc

_NC = 2
_NS = 16
_NW = _NC * _NS
_L = 16


def _proj_body(x_ref, w1_ref, b1_ref, ps_ref, pd_ref):
    h = ps_ref.shape[1]
    x = x_ref[...]
    ps_ref[...] = jnp.dot(x, w1_ref[:h, :], preferred_element_type=jnp.float32)
    pd_ref[...] = (
        jnp.dot(x, w1_ref[h : 2 * h, :], preferred_element_type=jnp.float32)
        + b1_ref[...]
    )


def _proj(x, w1, b1):
    n, h = x.shape
    return pl.pallas_call(
        _proj_body,
        out_shape=[
            jax.ShapeDtypeStruct((n, h), jnp.float32),
            jax.ShapeDtypeStruct((n, h), jnp.float32),
        ],
    )(x, w1, b1.reshape(1, h))


def _make_gather(n, e, h, chunk):
    epw = e // _NW
    n_chunks = epw // chunk
    mesh = plsc.VectorSubcoreMesh(core_axis_name="c", subcore_axis_name="s")

    @functools.partial(
        pl.kernel,
        out_type=jax.ShapeDtypeStruct((e, h), jnp.float32),
        mesh=mesh,
        scratch_types=(
            [pltpu.VMEM((n_chunks, chunk), jnp.int32)] * 2
            + [pltpu.VMEM((chunk, h), jnp.float32)] * 6
            + [pltpu.SemaphoreType.DMA] * 4
        ),
    )
    def gather_k(ps_hbm, pd_hbm, src_hbm, dst_hbm, out_hbm,
                 idxs_v, idxd_v, rs0, rs1, rd0, rd1, ro0, ro1,
                 sg0, sg1, so0, so1):
        wid = lax.axis_index("s") * _NC + lax.axis_index("c")
        base = wid * epw
        pltpu.sync_copy(src_hbm.at[wid], idxs_v)
        pltpu.sync_copy(dst_hbm.at[wid], idxd_v)

        RS, RD, RO = (rs0, rs1), (rd0, rd1), (ro0, ro1)
        SG, SO = (sg0, sg1), (so0, so1)

        def start_gather(g, b):
            pltpu.async_copy(ps_hbm.at[idxs_v.at[g]], RS[b], SG[b])
            pltpu.async_copy(pd_hbm.at[idxd_v.at[g]], RD[b], SG[b])

        def wait_gather(b):
            pltpu.make_async_copy(ps_hbm.at[idxs_v.at[0]], RS[b], SG[b]).wait()
            pltpu.make_async_copy(pd_hbm.at[idxd_v.at[0]], RD[b], SG[b]).wait()

        def add_rows(b):
            @plsc.parallel_loop(0, chunk, 1, unroll=2)
            def radd(r):
                for j in range(h // _L):
                    sl = pl.ds(j * _L, _L)
                    RO[b][r, sl] = RS[b][r, sl] + RD[b][r, sl]

        def start_out(g, b):
            pltpu.async_copy(RO[b], out_hbm.at[pl.ds(base + g * chunk, chunk)],
                             SO[b])

        def wait_out(b):
            pltpu.make_async_copy(
                RO[b], out_hbm.at[pl.ds(base, chunk)], SO[b]).wait()

        for b in range(2):
            start_gather(b, b)

        def pair(p, carry):
            for b in range(2):
                g = p * 2 + b
                wait_gather(b)

                @pl.when(g >= 2)
                def _():
                    wait_out(b)

                add_rows(b)
                start_out(g, b)

                @pl.when(g + 2 < n_chunks)
                def _():
                    start_gather(g + 2, b)

            return carry

        lax.fori_loop(0, n_chunks // 2, pair, 0)
        if n_chunks % 2:
            g = n_chunks - 1
            wait_gather(0)
            wait_out(0)
            add_rows(0)
            start_out(g, 0)
            wait_out(1)
            wait_out(0)
        else:
            wait_out(0)
            wait_out(1)

    return gather_k


def _edge_mlp_body(g_ref, ea_ref, w1c_ref, w2_ref, b2_ref, ws_ref,
                   bs_ref, dnew_ref, gated_ref):
    g = g_ref[...]
    ea = ea_ref[...]
    h1 = jnp.maximum(
        g + jnp.dot(ea, w1c_ref[...], preferred_element_type=jnp.float32), 0.0
    )
    z = jnp.dot(h1, w2_ref[...], preferred_element_type=jnp.float32) + b2_ref[...]
    msg = z * jax.nn.sigmoid(z)
    dnew_ref[...] = ea + msg
    ew = jax.nn.sigmoid(
        jnp.dot(msg, ws_ref[...], preferred_element_type=jnp.float32) + bs_ref[...]
    )
    gated_ref[...] = msg * ew


def _edge_mlp_half(g, ea, w1c, w2, b2, ws, bs, block_e, e_off, dnew_prev):
    eh, h = g.shape
    e = ea.shape[0]
    nb = eh // block_e
    off = e_off // block_e
    blk = lambda i: (i, 0)
    ebk = lambda i: (i + off, 0)
    fix = lambda i: (0, 0)

    in_specs = [
        pl.BlockSpec((block_e, h), blk),
        pl.BlockSpec((block_e, h), ebk),
        pl.BlockSpec((h, h), fix),
        pl.BlockSpec((h, h), fix),
        pl.BlockSpec((1, h), fix),
        pl.BlockSpec((h, 1), fix),
        pl.BlockSpec((1, 1), fix),
    ]
    args = [g, ea, w1c, w2, b2.reshape(1, h), ws, bs.reshape(1, 1)]
    aliases = {}
    if dnew_prev is not None:
        def body(g_ref, ea_ref, w1c_ref, w2_ref, b2_ref, ws_ref,
                 bs_ref, dn_prev, dnew_ref, gated_ref):
            _edge_mlp_body(g_ref, ea_ref, w1c_ref, w2_ref, b2_ref,
                           ws_ref, bs_ref, dnew_ref, gated_ref)

        in_specs.append(pl.BlockSpec(memory_space=pl.ANY))
        args.append(dnew_prev)
        aliases = {7: 0}
    else:
        body = _edge_mlp_body

    return pl.pallas_call(
        body,
        grid=(nb,),
        in_specs=in_specs,
        out_specs=[
            pl.BlockSpec((block_e, h), ebk),
            pl.BlockSpec((block_e, h), blk),
        ],
        out_shape=[
            jax.ShapeDtypeStruct((e, h), jnp.float32),
            jax.ShapeDtypeStruct((eh, h), jnp.float32),
        ],
        input_output_aliases=aliases,
    )(*args)


def _make_scatter(n, e, h, chunk):
    epw = e // _NW
    n_chunks = epw // chunk
    zch = 80
    n_zchunks = n // zch
    mesh = plsc.VectorSubcoreMesh(core_axis_name="c", subcore_axis_name="s")

    @functools.partial(
        pl.kernel,
        out_type=jax.ShapeDtypeStruct((_NC, n, h), jnp.float32),
        mesh=mesh,
        scratch_types=[
            pltpu.VMEM((n_chunks, chunk), jnp.int32),
            pltpu.VMEM((chunk, h), jnp.float32),
            pltpu.VMEM((chunk, h), jnp.float32),
            pltpu.VMEM((zch, h), jnp.float32),
            pltpu.VMEM_SHARED((n, h), jnp.float32),
            pltpu.SemaphoreType.DMA,
            pltpu.SemaphoreType.DMA,
        ],
    )
    def scatter_k(gated_hbm, dst_hbm, out_hbm, idx_v, rv0, rv1, zbuf, acc_sh,
                  sl0, sl1):
        c = lax.axis_index("c")
        s = lax.axis_index("s")
        wid = s * _NC + c
        base = wid * epw
        zero = jnp.zeros((_L,), jnp.float32)

        def zr(r, carry):
            for j in range(h // _L):
                zbuf[r, pl.ds(j * _L, _L)] = zero
            return carry

        lax.fori_loop(0, zch, zr, 0)

        n_mine = (n_zchunks - s + _NS - 1) // _NS

        def zdma(i, carry):
            q = s + i * _NS
            pltpu.sync_copy(zbuf, acc_sh.at[pl.ds(q * zch, zch)])
            return carry

        lax.fori_loop(0, n_mine, zdma, 0)
        pltpu.sync_copy(dst_hbm.at[wid], idx_v)
        plsc.subcore_barrier()

        RV = (rv0, rv1)
        SL = (sl0, sl1)

        def start_load(g, b):
            pltpu.async_copy(
                gated_hbm.at[pl.ds(base + g * chunk, chunk)], RV[b], SL[b])

        def wait_load(b):
            pltpu.make_async_copy(
                gated_hbm.at[pl.ds(base, chunk)], RV[b], SL[b]).wait()

        for b in range(2):
            start_load(b, b)

        def pair(p, carry):
            for b in range(2):
                g = p * 2 + b
                wait_load(b)
                pltpu.sync_copy(RV[b], acc_sh.at[idx_v.at[g]], add=True)

                @pl.when(g + 2 < n_chunks)
                def _():
                    start_load(g + 2, b)

            return carry

        lax.fori_loop(0, n_chunks // 2, pair, 0)
        if n_chunks % 2:
            g = n_chunks - 1
            wait_load(0)
            pltpu.sync_copy(RV[0], acc_sh.at[idx_v.at[g]], add=True)
        plsc.subcore_barrier()

        def odma(i, carry):
            r0 = (s + i * _NS) * zch
            pltpu.sync_copy(acc_sh.at[pl.ds(r0, zch)],
                            out_hbm.at[c, pl.ds(r0, zch)])
            return carry

        lax.fori_loop(0, n_mine, odma, 0)

    return scatter_k


def _update_body(ma_ref, mb_ref, x_ref, u1_ref, c1_ref, gam_ref, bet_ref,
                 u2_ref, c2_ref, out_ref):
    x = x_ref[...]
    u_in = ma_ref[0] + ma_ref[1] + mb_ref[0] + mb_ref[1] + x
    u1 = jnp.maximum(
        jnp.dot(u_in, u1_ref[...], preferred_element_type=jnp.float32)
        + c1_ref[...],
        0.0,
    )
    mean = jnp.mean(u1, axis=0, keepdims=True)
    var = jnp.mean((u1 - mean) ** 2, axis=0, keepdims=True)
    u1n = (u1 - mean) * lax.rsqrt(var + 1e-5) * gam_ref[...] + bet_ref[...]
    out_ref[...] = (
        jnp.dot(u1n, u2_ref[...], preferred_element_type=jnp.float32)
        + c2_ref[...]
        + x
    )


def _update(ma, mb, x, u1, c1, gamma, beta, u2, c2):
    n, h = x.shape
    return pl.pallas_call(
        _update_body,
        out_shape=jax.ShapeDtypeStruct((n, h), jnp.float32),
    )(ma, mb, x, u1, c1.reshape(1, h), gamma.reshape(1, h),
      beta.reshape(1, h), u2, c2.reshape(1, h))


def kernel(x, edge_index, edge_attr, W1, b1, W2, b2, Ws, bs,
           U1, c1, gamma, beta, U2, c2):
    n, h = x.shape
    e = edge_attr.shape[0]
    chunk = 80
    gran = _NW * chunk
    eA = (e // 2 + gran - 1) // gran * gran
    eB = e - eA
    src = edge_index[0]
    dst = edge_index[1]
    srcA = src[:eA].reshape(_NW, -1, chunk)
    dstA = dst[:eA].reshape(_NW, -1, chunk)
    srcB = src[eA:].reshape(_NW, -1, chunk)
    dstB = dst[eA:].reshape(_NW, -1, chunk)
    w1c = W1[2 * h :, :]

    ps, pd = _proj(x, W1, b1)
    gA = _make_gather(n, eA, h, chunk)(ps, pd, srcA, dstA)
    gB = _make_gather(n, eB, h, chunk)(ps, pd, srcB, dstB)
    block_e = 2560
    dnA, gatedA = _edge_mlp_half(gA, edge_attr, w1c, W2, b2, Ws, bs,
                                 block_e=block_e, e_off=0, dnew_prev=None)
    mA = _make_scatter(n, eA, h, chunk)(gatedA, dstA)
    d_new, gatedB = _edge_mlp_half(gB, edge_attr, w1c, W2, b2, Ws, bs,
                                   block_e=block_e, e_off=eA, dnew_prev=dnA)
    mB = _make_scatter(n, eB, h, chunk)(gatedB, dstB)
    feat_out = _update(mA, mB, x, U1, c1, gamma, beta, U2, c2)
    return feat_out, d_new

# --- scband reference (transcript-rebuilt; emitter-appended) ---
"""Pipeline reference for scband-net3-dlayer-30039001268914 (READ-ONLY COPY).

The authoritative reference and input builder live on the scoring server;
editing this copy changes nothing except your own understanding.
"""

import jax, jax.numpy as jnp
import numpy as np

N = 10000
E = 320000
H = 128


def _dense_init(key, shape):
    fan_in = shape[0]
    return jax.random.normal(key, shape, dtype=jnp.float32) / np.sqrt(fan_in)


def setup_inputs(seed: int = 0):
    key = jax.random.key(seed)
    ks = jax.random.split(key, 16)
    x = jax.random.normal(ks[0], (N, H), dtype=jnp.float32)
    edge_index = jax.random.randint(ks[1], (2, E), 0, N, dtype=jnp.int32)
    edge_attr = jax.random.normal(ks[2], (E, H), dtype=jnp.float32)
    return {
        "x": x,
        "edge_index": edge_index,
        "edge_attr": edge_attr,
        # message_network: MLP(3H -> H -> H) followed by SiLU
        "W1": _dense_init(ks[3], (3 * H, H)),
        "b1": jnp.zeros((H,), jnp.float32),
        "W2": _dense_init(ks[4], (H, H)),
        "b2": jnp.zeros((H,), jnp.float32),
        # soft_edge_network: Linear(H -> 1)
        "Ws": _dense_init(ks[5], (H, 1)),
        "bs": jnp.zeros((1,), jnp.float32),
        # update_network: MLP(H -> H(+BN) -> H), batch_norm=True
        "U1": _dense_init(ks[6], (H, H)),
        "c1": jnp.zeros((H,), jnp.float32),
        "gamma": jnp.ones((H,), jnp.float32),
        "beta": jnp.zeros((H,), jnp.float32),
        "U2": _dense_init(ks[7], (H, H)),
        "c2": jnp.zeros((H,), jnp.float32),
    }


def reference(x, edge_index, edge_attr, W1, b1, W2, b2, Ws, bs,
              U1, c1, gamma, beta, U2, c2):
    src = edge_index[0]
    dst = edge_index[1]
    # message_function: cat([src feat, dst feat, d]) -> MLP -> SiLU
    mi = jnp.concatenate([x[src], x[dst], edge_attr], axis=-1)
    h1 = jax.nn.relu(mi @ W1 + b1)
    msg = jax.nn.silu(h1 @ W2 + b2)
    # edges.data['d'] += message
    d_new = edge_attr + msg
    # edge gating
    ew = jax.nn.sigmoid(msg @ Ws + bs)
    # reduce 'sum' over incoming edges at dst
    m_sum = jax.ops.segment_sum(msg * ew, dst, num_segments=N)
    # update_function: MLP(m_sum + feat) with batch norm (training-mode batch stats)
    u_in = m_sum + x
    u1 = jax.nn.relu(u_in @ U1 + c1)
    mean = jnp.mean(u1, axis=0)
    var = jnp.var(u1, axis=0)
    u1n = (u1 - mean) / jnp.sqrt(var + 1e-5) * gamma + beta
    h_new = u1n @ U2 + c2
    feat_out = h_new + x
    return feat_out, d_new

if __name__ == "__main__":
    import jax
    _d = setup_inputs()
    print(jax.jit(kernel)(*tuple(_d.values())))

</pallas_src>

<mosaic_0001>
#map = affine_map<(d0, d1) -> (0, 0)>
#map1 = affine_map<(d0, d1) -> (0, 0, 0)>
module attributes {stable_mosaic.version = 14 : i64} {
  func.func @scatter_k(%arg0: i32, %arg1: i32, %arg2: memref<158720x128xf32, #tpu.memory_space<hbm>>, %arg3: memref<32x62x80xi32, #tpu.memory_space<hbm>>, %arg4: memref<2x10000x128xf32, #tpu.memory_space<hbm>>, %arg5: memref<62x80xi32, #tpu.memory_space<vmem>>, %arg6: memref<80x128xf32, #tpu.memory_space<vmem>>, %arg7: memref<80x128xf32, #tpu.memory_space<vmem>>, %arg8: memref<80x128xf32, #tpu.memory_space<vmem>>, %arg9: memref<10000x128xf32, #tpu.memory_space<vmem_shared>>, %arg10: memref<!tpu.dma_semaphore, #tpu.memory_space<semaphore_mem>>, %arg11: memref<!tpu.dma_semaphore, #tpu.memory_space<semaphore_mem>>) attributes {dimension_semantics = [#tpu.dimension_semantics<core_parallel>, #tpu.dimension_semantics<subcore_parallel>], iteration_bounds = array<i64: 2, 16>, scalar_prefetch = 0 : i64, scratch_operands = 7 : i64, tpu.core_type = #tpu.core_type<sc_vector_subcore>, window_params = [{transform_indices = #map}, {transform_indices = #map1}, {transform_indices = #map1}]} {
    %mul3A = arith.constant 2 : i32
    %mul3A_0 = arith.muli %arg1, %mul3A : i32
    %add3A = arith.addi %mul3A_0, %arg0 : i32
    %mul3A_1 = arith.constant 4960 : i32
    %mul3A_2 = arith.muli %add3A, %mul3A_1 : i32
    %broadcast_in_dim3A = arith.constant 0.000000e+00 : f32
    %broadcast_in_dim3A_3 = vector.broadcast %broadcast_in_dim3A : f32 to vector<16xf32>
    %scan3A = arith.constant 0 : i32
    %scan3A_4 = arith.constant 0 : i32
    %scan3A_5 = arith.constant 80 : i32
    %scan3A_6 = arith.addi %scan3A_4, %scan3A_5 : i32
    %scan3A_7 = arith.constant 1 : i32
    scf.for %scan3A_68 = %scan3A_4 to %scan3A_6 step %scan3A_7  : i32 {
      %swap3A = arith.index_cast %scan3A_68 : i32 to index
      %swap3A_69 = arith.constant 0 : index
      %swap3A_70 = tpu.vector_load %arg8[%swap3A, %swap3A_69] {strides = array<i32>} : memref<80x128xf32, #tpu.memory_space<vmem>>, vector<1x16xf32>,
      %swap3A_71 = vector.shape_cast %swap3A_70 : vector<1x16xf32> to vector<16xf32>
      %swap3A_72 = vector.shape_cast %broadcast_in_dim3A_3 : vector<16xf32> to vector<1x16xf32>
      tpu.vector_store %arg8[%swap3A, %swap3A_69], %swap3A_72 {strides = array<i32>} : memref<80x128xf32, #tpu.memory_space<vmem>>, vector<1x16xf32>,
      %swap3A_73 = arith.index_cast %scan3A_68 : i32 to index
      %swap3A_74 = arith.constant 16 : index
      %swap3A_75 = tpu.vector_load %arg8[%swap3A_73, %swap3A_74] {strides = array<i32>} : memref<80x128xf32, #tpu.memory_space<vmem>>, vector<1x16xf32>,
      %swap3A_76 = vector.shape_cast %swap3A_75 : vector<1x16xf32> to vector<16xf32>
      %swap3A_77 = vector.shape_cast %broadcast_in_dim3A_3 : vector<16xf32> to vector<1x16xf32>
      tpu.vector_store %arg8[%swap3A_73, %swap3A_74], %swap3A_77 {strides = array<i32>} : memref<80x128xf32, #tpu.memory_space<vmem>>, vector<1x16xf32>,
      %swap3A_78 = arith.index_cast %scan3A_68 : i32 to index
      %swap3A_79 = arith.constant 32 : index
      %swap3A_80 = tpu.vector_load %arg8[%swap3A_78, %swap3A_79] {strides = array<i32>} : memref<80x128xf32, #tpu.memory_space<vmem>>, vector<1x16xf32>,
      %swap3A_81 = vector.shape_cast %swap3A_80 : vector<1x16xf32> to vector<16xf32>
      %swap3A_82 = vector.shape_cast %broadcast_in_dim3A_3 : vector<16xf32> to vector<1x16xf32>
      tpu.vector_store %arg8[%swap3A_78, %swap3A_79], %swap3A_82 {strides = array<i32>} : memref<80x128xf32, #tpu.memory_space<vmem>>, vector<1x16xf32>,
      %swap3A_83 = arith.index_cast %scan3A_68 : i32 to index
      %swap3A_84 = arith.constant 48 : index
      %swap3A_85 = tpu.vector_load %arg8[%swap3A_83, %swap3A_84] {strides = array<i32>} : memref<80x128xf32, #tpu.memory_space<vmem>>, vector<1x16xf32>,
      %swap3A_86 = vector.shape_cast %swap3A_85 : vector<1x16xf32> to vector<16xf32>
      %swap3A_87 = vector.shape_cast %broadcast_in_dim3A_3 : vector<16xf32> to vector<1x16xf32>
      tpu.vector_store %arg8[%swap3A_83, %swap3A_84], %swap3A_87 {strides = array<i32>} : memref<80x128xf32, #tpu.memory_space<vmem>>, vector<1x16xf32>,
      %swap3A_88 = arith.index_cast %scan3A_68 : i32 to index
      %swap3A_89 = arith.constant 64 : index
      %swap3A_90 = tpu.vector_load %arg8[%swap3A_88, %swap3A_89] {strides = array<i32>} : memref<80x128xf32, #tpu.memory_space<vmem>>, vector<1x16xf32>,
      %swap3A_91 = vector.shape_cast %swap3A_90 : vector<1x16xf32> to vector<16xf32>
      %swap3A_92 = vector.shape_cast %broadcast_in_dim3A_3 : vector<16xf32> to vector<1x16xf32>
      tpu.vector_store %arg8[%swap3A_88, %swap3A_89], %swap3A_92 {strides = array<i32>} : memref<80x128xf32, #tpu.memory_space<vmem>>, vector<1x16xf32>,
      %swap3A_93 = arith.index_cast %scan3A_68 : i32 to index
      %swap3A_94 = arith.constant 80 : index
      %swap3A_95 = tpu.vector_load %arg8[%swap3A_93, %swap3A_94] {strides = array<i32>} : memref<80x128xf32, #tpu.memory_space<vmem>>, vector<1x16xf32>,
      %swap3A_96 = vector.shape_cast %swap3A_95 : vector<1x16xf32> to vector<16xf32>
      %swap3A_97 = vector.shape_cast %broadcast_in_dim3A_3 : vector<16xf32> to vector<1x16xf32>
      tpu.vector_store %arg8[%swap3A_93, %swap3A_94], %swap3A_97 {strides = array<i32>} : memref<80x128xf32, #tpu.memory_space<vmem>>, vector<1x16xf32>,
      %swap3A_98 = arith.index_cast %scan3A_68 : i32 to index
      %swap3A_99 = arith.constant 96 : index
      %swap3A_100 = tpu.vector_load %arg8[%swap3A_98, %swap3A_99] {strides = array<i32>} : memref<80x128xf32, #tpu.memory_space<vmem>>, vector<1x16xf32>,
      %swap3A_101 = vector.shape_cast %swap3A_100 : vector<1x16xf32> to vector<16xf32>
      %swap3A_102 = vector.shape_cast %broadcast_in_dim3A_3 : vector<16xf32> to vector<1x16xf32>
      tpu.vector_store %arg8[%swap3A_98, %swap3A_99], %swap3A_102 {strides = array<i32>} : memref<80x128xf32, #tpu.memory_space<vmem>>, vector<1x16xf32>,
      %swap3A_103 = arith.index_cast %scan3A_68 : i32 to index
      %swap3A_104 = arith.constant 112 : index
      %swap3A_105 = tpu.vector_load %arg8[%swap3A_103, %swap3A_104] {strides = array<i32>} : memref<80x128xf32, #tpu.memory_space<vmem>>, vector<1x16xf32>,
      %swap3A_106 = vector.shape_cast %swap3A_105 : vector<1x16xf32> to vector<16xf32>
      %swap3A_107 = vector.shape_cast %broadcast_in_dim3A_3 : vector<16xf32> to vector<1x16xf32>
      tpu.vector_store %arg8[%swap3A_103, %swap3A_104], %swap3A_107 {strides = array<i32>} : memref<80x128xf32, #tpu.memory_space<vmem>>, vector<1x16xf32>,
    }
    %scan3A_8 = arith.constant 80 : i32
    %sub3A = arith.constant 125 : i32
    %sub3A_9 = arith.subi %sub3A, %arg1 : i32
    %add3A_10 = arith.constant 16 : i32
    %add3A_11 = arith.addi %sub3A_9, %add3A_10 : i32
    %sub3A_12 = arith.constant 1 : i32
    %sub3A_13 = arith.subi %add3A_11, %sub3A_12 : i32
    %jit3A = arith.constant 16 : i32
    %div3A = arith.divsi %sub3A_13, %jit3A : i32
    %sign3A = arith.constant 0 : i32
    %sign3A_14 = arith.cmpi sgt, %sub3A_13, %sign3A : i32
    %sign3A_15 = arith.extui %sign3A_14 : i1 to i32
    %sign3A_16 = arith.constant 0 : i32
    %sign3A_17 = arith.cmpi slt, %sub3A_13, %sign3A_16 : i32
    %sign3A_18 = arith.extui %sign3A_17 : i1 to i32
    %sign3A_19 = arith.subi %sign3A_15, %sign3A_18 : i32
    %sign3A_20 = arith.constant 0 : i32
    %sign3A_21 = arith.cmpi sgt, %jit3A, %sign3A_20 : i32
    %sign3A_22 = arith.extui %sign3A_21 : i1 to i32
    %sign3A_23 = arith.constant 0 : i32
    %sign3A_24 = arith.cmpi slt, %jit3A, %sign3A_23 : i32
    %sign3A_25 = arith.extui %sign3A_24 : i1 to i32
    %sign3A_26 = arith.subi %sign3A_22, %sign3A_25 : i32
    %ne3A = arith.cmpi ne, %sign3A_19, %sign3A_26 : i32
    %rem3A = arith.remsi %sub3A_13, %jit3A : i32
    %ne3A_27 = arith.constant 0 : i32
    %ne3A_28 = arith.cmpi ne, %rem3A, %ne3A_27 : i32
    %and3A = arith.andi %ne3A, %ne3A_28 : i1
    %sub3A_29 = arith.constant 1 : i32
    %sub3A_30 = arith.subi %div3A, %sub3A_29 : i32
    %select_n3A = arith.select %and3A, %sub3A_30, %div3A : i32
    %while3A = arith.constant 0 : i32
    %while3A_31 = arith.constant 0 : i32
    %while3A_32 = arith.subi %select_n3A, %while3A_31 : i32
    %while3A_33 = arith.addi %while3A_31, %while3A_32 : i32
    %while3A_34 = arith.constant 1 : i32
    %while3A_35 = arith.divsi %while3A_32, %while3A_34 : i32
    %while3A_36 = arith.muli %while3A_35, %while3A_34 : i32
    %while3A_37 = arith.addi %while3A_31, %while3A_36 : i32
    %while3A_38 = arith.constant 1 : i32
    scf.for %while3A_68 = %while3A_31 to %while3A_37 step %while3A_38  : i32 {
      %mul3A_69 = arith.constant 16 : i32
      %mul3A_70 = arith.muli %while3A_68, %mul3A_69 : i32
      %add3A_71 = arith.addi %arg1, %mul3A_70 : i32
      %mul3A_72 = arith.constant 80 : i32
      %mul3A_73 = arith.muli %add3A_71, %mul3A_72 : i32
      "tpu.region"() ({
        %run_scoped3A = tpu.sem_alloc : memref<!tpu.dma_semaphore, #tpu.memory_space<semaphore_mem>>
        %dma_start3A_74 = arith.constant 0 : i32
        %dma_start3A_75 = tpu.memref_slice %arg9[%mul3A_73, %dma_start3A_74] : memref<10000x128xf32, #tpu.memory_space<vmem_shared>> -> memref<80x128xf32, #tpu.memory_space<vmem_shared>>
        %dma_start3A_76 = arith.constant 0 : i32
        %dma_start3A_77 = tpu.memref_slice %arg9[%mul3A_73, %dma_start3A_76] : memref<10000x128xf32, #tpu.memory_space<vmem_shared>> -> memref<80x128xf32, #tpu.memory_space<vmem_shared>>
        tpu.enqueue_dma source(%arg8 : memref<80x128xf32, #tpu.memory_space<vmem>>) target(%dma_start3A_77 : memref<80x128xf32, #tpu.memory_space<vmem_shared>>) target_semaphore(%run_scoped3A : memref<!tpu.dma_semaphore, #tpu.memory_space<semaphore_mem>>)
        %dma_wait3A = arith.constant 0 : i32
        %dma_wait3A_78 = tpu.memref_slice %arg9[%mul3A_73, %dma_wait3A] : memref<10000x128xf32, #tpu.memory_space<vmem_shared>> -> memref<80x128xf32, #tpu.memory_space<vmem_shared>>
        %dma_wait3A_79 = arith.constant 0 : i32
        %dma_wait3A_80 = tpu.memref_slice %arg9[%mul3A_73, %dma_wait3A_79] : memref<10000x128xf32, #tpu.memory_space<vmem_shared>> -> memref<80x128xf32, #tpu.memory_space<vmem_shared>>
        tpu.wait_dma2 semaphore(%run_scoped3A : memref<!tpu.dma_semaphore, #tpu.memory_space<semaphore_mem>>) src(%arg8 : memref<80x128xf32, #tpu.memory_space<vmem>>) dst(%dma_wait3A_80 : memref<80x128xf32, #tpu.memory_space<vmem_shared>>)
        tpu.yield
      }) : () -> ()
    }
    %while3A_39 = arith.constant 1 : i32
    scf.for %while3A_68 = %while3A_37 to %while3A_33 step %while3A_39  : i32 {
      %mul3A_69 = arith.constant 16 : i32
      %mul3A_70 = arith.muli %while3A_68, %mul3A_69 : i32
      %add3A_71 = arith.addi %arg1, %mul3A_70 : i32
      %mul3A_72 = arith.constant 80 : i32
      %mul3A_73 = arith.muli %add3A_71, %mul3A_72 : i32
      "tpu.region"() ({
        %run_scoped3A = tpu.sem_alloc : memref<!tpu.dma_semaphore, #tpu.memory_space<semaphore_mem>>
        %dma_start3A_74 = arith.constant 0 : i32
        %dma_start3A_75 = tpu.memref_slice %arg9[%mul3A_73, %dma_start3A_74] : memref<10000x128xf32, #tpu.memory_space<vmem_shared>> -> memref<80x128xf32, #tpu.memory_space<vmem_shared>>
        %dma_start3A_76 = arith.constant 0 : i32
        %dma_start3A_77 = tpu.memref_slice %arg9[%mul3A_73, %dma_start3A_76] : memref<10000x128xf32, #tpu.memory_space<vmem_shared>> -> memref<80x128xf32, #tpu.memory_space<vmem_shared>>
        tpu.enqueue_dma source(%arg8 : memref<80x128xf32, #tpu.memory_space<vmem>>) target(%dma_start3A_77 : memref<80x128xf32, #tpu.memory_space<vmem_shared>>) target_semaphore(%run_scoped3A : memref<!tpu.dma_semaphore, #tpu.memory_space<semaphore_mem>>)
        %dma_wait3A = arith.constant 0 : i32
        %dma_wait3A_78 = tpu.memref_slice %arg9[%mul3A_73, %dma_wait3A] : memref<10000x128xf32, #tpu.memory_space<vmem_shared>> -> memref<80x128xf32, #tpu.memory_space<vmem_shared>>
        %dma_wait3A_79 = arith.constant 0 : i32
        %dma_wait3A_80 = tpu.memref_slice %arg9[%mul3A_73, %dma_wait3A_79] : memref<10000x128xf32, #tpu.memory_space<vmem_shared>> -> memref<80x128xf32, #tpu.memory_space<vmem_shared>>
        tpu.wait_dma2 semaphore(%run_scoped3A : memref<!tpu.dma_semaphore, #tpu.memory_space<semaphore_mem>>) src(%arg8 : memref<80x128xf32, #tpu.memory_space<vmem>>) dst(%dma_wait3A_80 : memref<80x128xf32, #tpu.memory_space<vmem_shared>>)
        tpu.yield
      }) : () -> ()
    }
    "tpu.region"() ({
      %run_scoped3A = tpu.sem_alloc : memref<!tpu.dma_semaphore, #tpu.memory_space<semaphore_mem>>
      %dma_start3A_68 = arith.constant 0 : i32
      %dma_start3A_69 = arith.constant 0 : i32
      %dma_start3A_70 = tpu.memref_slice %arg3[%add3A, %dma_start3A_68, %dma_start3A_69] : memref<32x62x80xi32, #tpu.memory_space<hbm>> -> memref<1x62x80xi32, #tpu.memory_space<hbm>>
      %dma_start3A_71 = tpu.memref_squeeze %dma_start3A_70 : memref<1x62x80xi32, #tpu.memory_space<hbm>> -> memref<62x80xi32, #tpu.memory_space<hbm>>
      %dma_start3A_72 = arith.constant 0 : i32
      %dma_start3A_73 = arith.constant 0 : i32
      %dma_start3A_74 = tpu.memref_slice %arg3[%add3A, %dma_start3A_72, %dma_start3A_73] : memref<32x62x80xi32, #tpu.memory_space<hbm>> -> memref<1x62x80xi32, #tpu.memory_space<hbm>>
      %dma_start3A_75 = tpu.memref_squeeze %dma_start3A_74 : memref<1x62x80xi32, #tpu.memory_space<hbm>> -> memref<62x80xi32, #tpu.memory_space<hbm>>
      tpu.enqueue_dma source(%dma_start3A_75 : memref<62x80xi32, #tpu.memory_space<hbm>>) target(%arg5 : memref<62x80xi32, #tpu.memory_space<vmem>>) target_semaphore(%run_scoped3A : memref<!tpu.dma_semaphore, #tpu.memory_space<semaphore_mem>>)
      %dma_wait3A = arith.constant 0 : i32
      %dma_wait3A_76 = arith.constant 0 : i32
      %dma_wait3A_77 = tpu.memref_slice %arg3[%add3A, %dma_wait3A, %dma_wait3A_76] : memref<32x62x80xi32, #tpu.memory_space<hbm>> -> memref<1x62x80xi32, #tpu.memory_space<hbm>>
      %dma_wait3A_78 = tpu.memref_squeeze %dma_wait3A_77 : memref<1x62x80xi32, #tpu.memory_space<hbm>> -> memref<62x80xi32, #tpu.memory_space<hbm>>
      %dma_wait3A_79 = arith.constant 0 : i32
      %dma_wait3A_80 = arith.constant 0 : i32
      %dma_wait3A_81 = tpu.memref_slice %arg3[%add3A, %dma_wait3A_79, %dma_wait3A_80] : memref<32x62x80xi32, #tpu.memory_space<hbm>> -> memref<1x62x80xi32, #tpu.memory_space<hbm>>
      %dma_wait3A_82 = tpu.memref_squeeze %dma_wait3A_81 : memref<1x62x80xi32, #tpu.memory_space<hbm>> -> memref<62x80xi32, #tpu.memory_space<hbm>>
      tpu.wait_dma2 semaphore(%run_scoped3A : memref<!tpu.dma_semaphore, #tpu.memory_space<semaphore_mem>>) src(%dma_wait3A_82 : memref<62x80xi32, #tpu.memory_space<hbm>>) dst(%arg5 : memref<62x80xi32, #tpu.memory_space<vmem>>)
      tpu.yield
    }) : () -> ()
    %barrier3A = arith.constant 0 : index
    tpu.barrier barrier_id(%barrier3A)
    %add3A_40 = arith.constant 0 : i32
    %add3A_41 = arith.addi %mul3A_2, %add3A_40 : i32
    %dma_start3A = arith.constant 0 : i32
    %dma_start3A_42 = tpu.memref_slice %arg2[%add3A_41, %dma_start3A] : memref<158720x128xf32, #tpu.memory_space<hbm>> -> memref<80x128xf32, #tpu.memory_space<hbm>>
    %dma_start3A_43 = arith.constant 0 : i32
    %dma_start3A_44 = tpu.memref_slice %arg2[%add3A_41, %dma_start3A_43] : memref<158720x128xf32, #tpu.memory_space<hbm>> -> memref<80x128xf32, #tpu.memory_space<hbm>>
    tpu.enqueue_dma source(%dma_start3A_44 : memref<80x128xf32, #tpu.memory_space<hbm>>) target(%arg6 : memref<80x128xf32, #tpu.memory_space<vmem>>) target_semaphore(%arg10 : memref<!tpu.dma_semaphore, #tpu.memory_space<semaphore_mem>>)
    %add3A_45 = arith.constant 80 : i32
    %add3A_46 = arith.addi %mul3A_2, %add3A_45 : i32
    %dma_start3A_47 = arith.constant 0 : i32
    %dma_start3A_48 = tpu.memref_slice %arg2[%add3A_46, %dma_start3A_47] : memref<158720x128xf32, #tpu.memory_space<hbm>> -> memref<80x128xf32, #tpu.memory_space<hbm>>
    %dma_start3A_49 = arith.constant 0 : i32
    %dma_start3A_50 = tpu.memref_slice %arg2[%add3A_46, %dma_start3A_49] : memref<158720x128xf32, #tpu.memory_space<hbm>> -> memref<80x128xf32, #tpu.memory_space<hbm>>
    tpu.enqueue_dma source(%dma_start3A_50 : memref<80x128xf32, #tpu.memory_space<hbm>>) target(%arg7 : memref<80x128xf32, #tpu.memory_space<vmem>>) target_semaphore(%arg11 : memref<!tpu.dma_semaphore, #tpu.memory_space<semaphore_mem>>)
    %scan3A_51 = arith.constant 0 : i32
    %scan3A_52 = arith.constant 0 : i32
    %scan3A_53 = arith.constant 31 : i32
    %scan3A_54 = arith.addi %scan3A_52, %scan3A_53 : i32
    %scan3A_55 = arith.constant 1 : i32
    scf.for %scan3A_68 = %scan3A_52 to %scan3A_54 step %scan3A_55  : i32 {
      %mul3A_69 = arith.constant 2 : i32
      %mul3A_70 = arith.muli %scan3A_68, %mul3A_69 : i32
      %add3A_71 = arith.constant 0 : i32
      %add3A_72 = arith.addi %mul3A_70, %add3A_71 : i32
      %dma_wait3A = arith.constant 0 : i32
      %dma_wait3A_73 = tpu.memref_slice %arg2[%mul3A_2, %dma_wait3A] : memref<158720x128xf32, #tpu.memory_space<hbm>> -> memref<80x128xf32, #tpu.memory_space<hbm>>
      %dma_wait3A_74 = arith.constant 0 : i32
      %dma_wait3A_75 = tpu.memref_slice %arg2[%mul3A_2, %dma_wait3A_74] : memref<158720x128xf32, #tpu.memory_space<hbm>> -> memref<80x128xf32, #tpu.memory_space<hbm>>
      tpu.wait_dma2 semaphore(%arg10 : memref<!tpu.dma_semaphore, #tpu.memory_space<semaphore_mem>>) src(%dma_wait3A_75 : memref<80x128xf32, #tpu.memory_space<hbm>>) dst(%arg6 : memref<80x128xf32, #tpu.memory_space<vmem>>)
      "tpu.region"() ({
        %run_scoped3A = tpu.sem_alloc : memref<!tpu.dma_semaphore, #tpu.memory_space<semaphore_mem>>
        %dma_start3A_95 = arith.constant 0 : i32
        %dma_start3A_96 = tpu.memref_slice %arg5[%add3A_72, %dma_start3A_95] : memref<62x80xi32, #tpu.memory_space<vmem>> -> memref<1x80xi32, #tpu.memory_space<vmem>>
        %dma_start3A_97 = tpu.memref_squeeze %dma_start3A_96 : memref<1x80xi32, #tpu.memory_space<vmem>> -> memref<80xi32, #tpu.memory_space<vmem>>
        %dma_start3A_98 = arith.constant 0 : i32
        %dma_start3A_99 = arith.constant 0 : i32
        %dma_start3A_100 = tpu.memref_slice %arg9[%dma_start3A_98, %dma_start3A_99] : memref<10000x128xf32, #tpu.memory_space<vmem_shared>> -> memref<10000x128xf32, #tpu.memory_space<vmem_shared>>
        tpu.enqueue_indirect_dma source(%arg6 : memref<80x128xf32, #tpu.memory_space<vmem>>) target(%dma_start3A_100 : memref<10000x128xf32, #tpu.memory_space<vmem_shared>>) offsets(%dma_start3A_97 : memref<80xi32, #tpu.memory_space<vmem>>) semaphore(%run_scoped3A : memref<!tpu.dma_semaphore, #tpu.memory_space<semaphore_mem>>) {add = true}
        %dma_wait3A_101 = arith.constant 0 : i32
        %dma_wait3A_102 = tpu.memref_slice %arg5[%add3A_72, %dma_wait3A_101] : memref<62x80xi32, #tpu.memory_space<vmem>> -> memref<1x80xi32, #tpu.memory_space<vmem>>
        %dma_wait3A_103 = tpu.memref_squeeze %dma_wait3A_102 : memref<1x80xi32, #tpu.memory_space<vmem>> -> memref<80xi32, #tpu.memory_space<vmem>>
        %dma_wait3A_104 = arith.constant 0 : i32
        %dma_wait3A_105 = arith.constant 0 : i32
        %dma_wait3A_106 = tpu.memref_slice %arg9[%dma_wait3A_104, %dma_wait3A_105] : memref<10000x128xf32, #tpu.memory_space<vmem_shared>> -> memref<10000x128xf32, #tpu.memory_space<vmem_shared>>
        tpu.wait_indirect_dma semaphore(%run_scoped3A : memref<!tpu.dma_semaphore, #tpu.memory_space<semaphore_mem>>) src(%arg6 : memref<80x128xf32, #tpu.memory_space<vmem>>) dst(%dma_wait3A_106 : memref<10000x128xf32, #tpu.memory_space<vmem_shared>>)
        tpu.yield
      }) : () -> ()
      %add3A_76 = arith.constant 2 : i32
      %add3A_77 = arith.addi %add3A_72, %add3A_76 : i32
      %lt3A = arith.constant 62 : i32
      %lt3A_78 = arith.cmpi slt, %add3A_77, %lt3A : i32
      %convert_element_type3A = arith.extui %lt3A_78 : i1 to i32
      %cond3A = arith.constant 0 : i32
      %cond3A_79 = arith.cmpi ne, %convert_element_type3A, %cond3A : i32
      scf.if %cond3A_79 {
        %add3A_95 = arith.constant 2 : i32
        %add3A_96 = arith.addi %add3A_72, %add3A_95 : i32
        %mul3A_97 = arith.constant 80 : i32
        %mul3A_98 = arith.muli %add3A_96, %mul3A_97 : i32
        %add3A_99 = arith.addi %mul3A_2, %mul3A_98 : i32
        %dma_start3A_100 = arith.constant 0 : i32
        %dma_start3A_101 = tpu.memref_slice %arg2[%add3A_99, %dma_start3A_100] : memref<158720x128xf32, #tpu.memory_space<hbm>> -> memref<80x128xf32, #tpu.memory_space<hbm>>
        %dma_start3A_102 = arith.constant 0 : i32
        %dma_start3A_103 = tpu.memref_slice %arg2[%add3A_99, %dma_start3A_102] : memref<158720x128xf32, #tpu.memory_space<hbm>> -> memref<80x128xf32, #tpu.memory_space<hbm>>
        tpu.enqueue_dma source(%dma_start3A_103 : memref<80x128xf32, #tpu.memory_space<hbm>>) target(%arg6 : memref<80x128xf32, #tpu.memory_space<vmem>>) target_semaphore(%arg10 : memref<!tpu.dma_semaphore, #tpu.memory_space<semaphore_mem>>)
      } else {
      }
      %mul3A_80 = arith.constant 2 : i32
      %mul3A_81 = arith.muli %scan3A_68, %mul3A_80 : i32
      %add3A_82 = arith.constant 1 : i32
      %add3A_83 = arith.addi %mul3A_81, %add3A_82 : i32
      %dma_wait3A_84 = arith.constant 0 : i32
      %dma_wait3A_85 = tpu.memref_slice %arg2[%mul3A_2, %dma_wait3A_84] : memref<158720x128xf32, #tpu.memory_space<hbm>> -> memref<80x128xf32, #tpu.memory_space<hbm>>
      %dma_wait3A_86 = arith.constant 0 : i32
      %dma_wait3A_87 = tpu.memref_slice %arg2[%mul3A_2, %dma_wait3A_86] : memref<158720x128xf32, #tpu.memory_space<hbm>> -> memref<80x128xf32, #tpu.memory_space<hbm>>
      tpu.wait_dma2 semaphore(%arg11 : memref<!tpu.dma_semaphore, #tpu.memory_space<semaphore_mem>>) src(%dma_wait3A_87 : memref<80x128xf32, #tpu.memory_space<hbm>>) dst(%arg7 : memref<80x128xf32, #tpu.memory_space<vmem>>)
      "tpu.region"() ({
        %run_scoped3A = tpu.sem_alloc : memref<!tpu.dma_semaphore, #tpu.memory_space<semaphore_mem>>
        %dma_start3A_95 = arith.constant 0 : i32
        %dma_start3A_96 = tpu.memref_slice %arg5[%add3A_83, %dma_start3A_95] : memref<62x80xi32, #tpu.memory_space<vmem>> -> memref<1x80xi32, #tpu.memory_space<vmem>>
        %dma_start3A_97 = tpu.memref_squeeze %dma_start3A_96 : memref<1x80xi32, #tpu.memory_space<vmem>> -> memref<80xi32, #tpu.memory_space<vmem>>
        %dma_start3A_98 = arith.constant 0 : i32
        %dma_start3A_99 = arith.constant 0 : i32
        %dma_start3A_100 = tpu.memref_slice %arg9[%dma_start3A_98, %dma_start3A_99] : memref<10000x128xf32, #tpu.memory_space<vmem_shared>> -> memref<10000x128xf32, #tpu.memory_space<vmem_shared>>
        tpu.enqueue_indirect_dma source(%arg7 : memref<80x128xf32, #tpu.memory_space<vmem>>) target(%dma_start3A_100 : memref<10000x128xf32, #tpu.memory_space<vmem_shared>>) offsets(%dma_start3A_97 : memref<80xi32, #tpu.memory_space<vmem>>) semaphore(%run_scoped3A : memref<!tpu.dma_semaphore, #tpu.memory_space<semaphore_mem>>) {add = true}
        %dma_wait3A_101 = arith.constant 0 : i32
        %dma_wait3A_102 = tpu.memref_slice %arg5[%add3A_83, %dma_wait3A_101] : memref<62x80xi32, #tpu.memory_space<vmem>> -> memref<1x80xi32, #tpu.memory_space<vmem>>
        %dma_wait3A_103 = tpu.memref_squeeze %dma_wait3A_102 : memref<1x80xi32, #tpu.memory_space<vmem>> -> memref<80xi32, #tpu.memory_space<vmem>>
        %dma_wait3A_104 = arith.constant 0 : i32
        %dma_wait3A_105 = arith.constant 0 : i32
        %dma_wait3A_106 = tpu.memref_slice %arg9[%dma_wait3A_104, %dma_wait3A_105] : memref<10000x128xf32, #tpu.memory_space<vmem_shared>> -> memref<10000x128xf32, #tpu.memory_space<vmem_shared>>
        tpu.wait_indirect_dma semaphore(%run_scoped3A : memref<!tpu.dma_semaphore, #tpu.memory_space<semaphore_mem>>) src(%arg7 : memref<80x128xf32, #tpu.memory_space<vmem>>) dst(%dma_wait3A_106 : memref<10000x128xf32, #tpu.memory_space<vmem_shared>>)
        tpu.yield
      }) : () -> ()
      %add3A_88 = arith.constant 2 : i32
      %add3A_89 = arith.addi %add3A_83, %add3A_88 : i32
      %lt3A_90 = arith.constant 62 : i32
      %lt3A_91 = arith.cmpi slt, %add3A_89, %lt3A_90 : i32
      %convert_element_type3A_92 = arith.extui %lt3A_91 : i1 to i32
      %cond3A_93 = arith.constant 0 : i32
      %cond3A_94 = arith.cmpi ne, %convert_element_type3A_92, %cond3A_93 : i32
      scf.if %cond3A_94 {
        %add3A_95 = arith.constant 2 : i32
        %add3A_96 = arith.addi %add3A_83, %add3A_95 : i32
        %mul3A_97 = arith.constant 80 : i32
        %mul3A_98 = arith.muli %add3A_96, %mul3A_97 : i32
        %add3A_99 = arith.addi %mul3A_2, %mul3A_98 : i32
        %dma_start3A_100 = arith.constant 0 : i32
        %dma_start3A_101 = tpu.memref_slice %arg2[%add3A_99, %dma_start3A_100] : memref<158720x128xf32, #tpu.memory_space<hbm>> -> memref<80x128xf32, #tpu.memory_space<hbm>>
        %dma_start3A_102 = arith.constant 0 : i32
        %dma_start3A_103 = tpu.memref_slice %arg2[%add3A_99, %dma_start3A_102] : memref<158720x128xf32, #tpu.memory_space<hbm>> -> memref<80x128xf32, #tpu.memory_space<hbm>>
        tpu.enqueue_dma source(%dma_start3A_103 : memref<80x128xf32, #tpu.memory_space<hbm>>) target(%arg7 : memref<80x128xf32, #tpu.memory_space<vmem>>) target_semaphore(%arg11 : memref<!tpu.dma_semaphore, #tpu.memory_space<semaphore_mem>>)
      } else {
      }
    }
    %scan3A_56 = arith.constant 31 : i32
    %barrier3A_57 = arith.constant 0 : index
    tpu.barrier barrier_id(%barrier3A_57)
    %while3A_58 = arith.constant 0 : i32
    %while3A_59 = arith.constant 0 : i32
    %while3A_60 = arith.subi %select_n3A, %while3A_59 : i32
    %while3A_61 = arith.addi %while3A_59, %while3A_60 : i32
    %while3A_62 = arith.constant 1 : i32
    %while3A_63 = arith.divsi %while3A_60, %while3A_62 : i32
    %while3A_64 = arith.muli %while3A_63, %while3A_62 : i32
    %while3A_65 = arith.addi %while3A_59, %while3A_64 : i32
    %while3A_66 = arith.constant 1 : i32
    scf.for %while3A_68 = %while3A_59 to %while3A_65 step %while3A_66  : i32 {
      %mul3A_69 = arith.constant 16 : i32
      %mul3A_70 = arith.muli %while3A_68, %mul3A_69 : i32
      %add3A_71 = arith.addi %arg1, %mul3A_70 : i32
      %mul3A_72 = arith.constant 80 : i32
      %mul3A_73 = arith.muli %add3A_71, %mul3A_72 : i32
      "tpu.region"() ({
        %run_scoped3A = tpu.sem_alloc : memref<!tpu.dma_semaphore, #tpu.memory_space<semaphore_mem>>
        %dma_start3A_74 = arith.constant 0 : i32
        %dma_start3A_75 = tpu.memref_slice %arg4[%arg0, %mul3A_73, %dma_start3A_74] : memref<2x10000x128xf32, #tpu.memory_space<hbm>> -> memref<1x80x128xf32, #tpu.memory_space<hbm>>
        %dma_start3A_76 = tpu.memref_squeeze %dma_start3A_75 : memref<1x80x128xf32, #tpu.memory_space<hbm>> -> memref<80x128xf32, #tpu.memory_space<hbm>>
        %dma_start3A_77 = arith.constant 0 : i32
        %dma_start3A_78 = tpu.memref_slice %arg9[%mul3A_73, %dma_start3A_77] : memref<10000x128xf32, #tpu.memory_space<vmem_shared>> -> memref<80x128xf32, #tpu.memory_space<vmem_shared>>
        tpu.enqueue_dma source(%dma_start3A_78 : memref<80x128xf32, #tpu.memory_space<vmem_shared>>) target(%dma_start3A_76 : memref<80x128xf32, #tpu.memory_space<hbm>>) target_semaphore(%run_scoped3A : memref<!tpu.dma_semaphore, #tpu.memory_space<semaphore_mem>>)
        %dma_wait3A = arith.constant 0 : i32
        %dma_wait3A_79 = tpu.memref_slice %arg4[%arg0, %mul3A_73, %dma_wait3A] : memref<2x10000x128xf32, #tpu.memory_space<hbm>> -> memref<1x80x128xf32, #tpu.memory_space<hbm>>
        %dma_wait3A_80 = tpu.memref_squeeze %dma_wait3A_79 : memref<1x80x128xf32, #tpu.memory_space<hbm>> -> memref<80x128xf32, #tpu.memory_space<hbm>>
        %dma_wait3A_81 = arith.constant 0 : i32
        %dma_wait3A_82 = tpu.memref_slice %arg9[%mul3A_73, %dma_wait3A_81] : memref<10000x128xf32, #tpu.memory_space<vmem_shared>> -> memref<80x128xf32, #tpu.memory_space<vmem_shared>>
        tpu.wait_dma2 semaphore(%run_scoped3A : memref<!tpu.dma_semaphore, #tpu.memory_space<semaphore_mem>>) src(%dma_wait3A_82 : memref<80x128xf32, #tpu.memory_space<vmem_shared>>) dst(%dma_wait3A_80 : memref<80x128xf32, #tpu.memory_space<hbm>>)
        tpu.yield
      }) : () -> ()
    }
    %while3A_67 = arith.constant 1 : i32
    scf.for %while3A_68 = %while3A_65 to %while3A_61 step %while3A_67  : i32 {
      %mul3A_69 = arith.constant 16 : i32
      %mul3A_70 = arith.muli %while3A_68, %mul3A_69 : i32
      %add3A_71 = arith.addi %arg1, %mul3A_70 : i32
      %mul3A_72 = arith.constant 80 : i32
      %mul3A_73 = arith.muli %add3A_71, %mul3A_72 : i32
      "tpu.region"() ({
        %run_scoped3A = tpu.sem_alloc : memref<!tpu.dma_semaphore, #tpu.memory_space<semaphore_mem>>
        %dma_start3A_74 = arith.constant 0 : i32
        %dma_start3A_75 = tpu.memref_slice %arg4[%arg0, %mul3A_73, %dma_start3A_74] : memref<2x10000x128xf32, #tpu.memory_space<hbm>> -> memref<1x80x128xf32, #tpu.memory_space<hbm>>
        %dma_start3A_76 = tpu.memref_squeeze %dma_start3A_75 : memref<1x80x128xf32, #tpu.memory_space<hbm>> -> memref<80x128xf32, #tpu.memory_space<hbm>>
        %dma_start3A_77 = arith.constant 0 : i32
        %dma_start3A_78 = tpu.memref_slice %arg9[%mul3A_73, %dma_start3A_77] : memref<10000x128xf32, #tpu.memory_space<vmem_shared>> -> memref<80x128xf32, #tpu.memory_space<vmem_shared>>
        tpu.enqueue_dma source(%dma_start3A_78 : memref<80x128xf32, #tpu.memory_space<vmem_shared>>) target(%dma_start3A_76 : memref<80x128xf32, #tpu.memory_space<hbm>>) target_semaphore(%run_scoped3A : memref<!tpu.dma_semaphore, #tpu.memory_space<semaphore_mem>>)
        %dma_wait3A = arith.constant 0 : i32
        %dma_wait3A_79 = tpu.memref_slice %arg4[%arg0, %mul3A_73, %dma_wait3A] : memref<2x10000x128xf32, #tpu.memory_space<hbm>> -> memref<1x80x128xf32, #tpu.memory_space<hbm>>
        %dma_wait3A_80 = tpu.memref_squeeze %dma_wait3A_79 : memref<1x80x128xf32, #tpu.memory_space<hbm>> -> memref<80x128xf32, #tpu.memory_space<hbm>>
        %dma_wait3A_81 = arith.constant 0 : i32
        %dma_wait3A_82 = tpu.memref_slice %arg9[%mul3A_73, %dma_wait3A_81] : memref<10000x128xf32, #tpu.memory_space<vmem_shared>> -> memref<80x128xf32, #tpu.memory_space<vmem_shared>>
        tpu.wait_dma2 semaphore(%run_scoped3A : memref<!tpu.dma_semaphore, #tpu.memory_space<semaphore_mem>>) src(%dma_wait3A_82 : memref<80x128xf32, #tpu.memory_space<vmem_shared>>) dst(%dma_wait3A_80 : memref<80x128xf32, #tpu.memory_space<hbm>>)
        tpu.yield
      }) : () -> ()
    }
    return
  }
}

#map = affine_map<(d0, d1) -> (0, 0)>
#map1 = affine_map<(d0, d1) -> (0, 0, 0)>
module attributes {stable_mosaic.version = 14 : i64} {
  func.func @scatter_k(%arg0: i32, %arg1: i32, %arg2: memref<161280x128xf32, #tpu.memory_space<hbm>>, %arg3: memref<32x63x80xi32, #tpu.memory_space<hbm>>, %arg4: memref<2x10000x128xf32, #tpu.memory_space<hbm>>, %arg5: memref<63x80xi32, #tpu.memory_space<vmem>>, %arg6: memref<80x128xf32, #tpu.memory_space<vmem>>, %arg7: memref<80x128xf32, #tpu.memory_space<vmem>>, %arg8: memref<80x128xf32, #tpu.memory_space<vmem>>, %arg9: memref<10000x128xf32, #tpu.memory_space<vmem_shared>>, %arg10: memref<!tpu.dma_semaphore, #tpu.memory_space<semaphore_mem>>, %arg11: memref<!tpu.dma_semaphore, #tpu.memory_space<semaphore_mem>>) attributes {dimension_semantics = [#tpu.dimension_semantics<core_parallel>, #tpu.dimension_semantics<subcore_parallel>], iteration_bounds = array<i64: 2, 16>, scalar_prefetch = 0 : i64, scratch_operands = 7 : i64, tpu.core_type = #tpu.core_type<sc_vector_subcore>, window_params = [{transform_indices = #map}, {transform_indices = #map1}, {transform_indices = #map1}]} {
    %mul3A = arith.constant 2 : i32
    %mul3A_0 = arith.muli %arg1, %mul3A : i32
    %add3A = arith.addi %mul3A_0, %arg0 : i32
    %mul3A_1 = arith.constant 5040 : i32
    %mul3A_2 = arith.muli %add3A, %mul3A_1 : i32
    %broadcast_in_dim3A = arith.constant 0.000000e+00 : f32
    %broadcast_in_dim3A_3 = vector.broadcast %broadcast_in_dim3A : f32 to vector<16xf32>
    %scan3A = arith.constant 0 : i32
    %scan3A_4 = arith.constant 0 : i32
    %scan3A_5 = arith.constant 80 : i32
    %scan3A_6 = arith.addi %scan3A_4, %scan3A_5 : i32
    %scan3A_7 = arith.constant 1 : i32
    scf.for %scan3A_71 = %scan3A_4 to %scan3A_6 step %scan3A_7  : i32 {
      %swap3A = arith.index_cast %scan3A_71 : i32 to index
      %swap3A_72 = arith.constant 0 : index
      %swap3A_73 = tpu.vector_load %arg8[%swap3A, %swap3A_72] {strides = array<i32>} : memref<80x128xf32, #tpu.memory_space<vmem>>, vector<1x16xf32>,
      %swap3A_74 = vector.shape_cast %swap3A_73 : vector<1x16xf32> to vector<16xf32>
      %swap3A_75 = vector.shape_cast %broadcast_in_dim3A_3 : vector<16xf32> to vector<1x16xf32>
      tpu.vector_store %arg8[%swap3A, %swap3A_72], %swap3A_75 {strides = array<i32>} : memref<80x128xf32, #tpu.memory_space<vmem>>, vector<1x16xf32>,
      %swap3A_76 = arith.index_cast %scan3A_71 : i32 to index
      %swap3A_77 = arith.constant 16 : index
      %swap3A_78 = tpu.vector_load %arg8[%swap3A_76, %swap3A_77] {strides = array<i32>} : memref<80x128xf32, #tpu.memory_space<vmem>>, vector<1x16xf32>,
      %swap3A_79 = vector.shape_cast %swap3A_78 : vector<1x16xf32> to vector<16xf32>
      %swap3A_80 = vector.shape_cast %broadcast_in_dim3A_3 : vector<16xf32> to vector<1x16xf32>
      tpu.vector_store %arg8[%swap3A_76, %swap3A_77], %swap3A_80 {strides = array<i32>} : memref<80x128xf32, #tpu.memory_space<vmem>>, vector<1x16xf32>,
      %swap3A_81 = arith.index_cast %scan3A_71 : i32 to index
      %swap3A_82 = arith.constant 32 : index
      %swap3A_83 = tpu.vector_load %arg8[%swap3A_81, %swap3A_82] {strides = array<i32>} : memref<80x128xf32, #tpu.memory_space<vmem>>, vector<1x16xf32>,
      %swap3A_84 = vector.shape_cast %swap3A_83 : vector<1x16xf32> to vector<16xf32>
      %swap3A_85 = vector.shape_cast %broadcast_in_dim3A_3 : vector<16xf32> to vector<1x16xf32>
      tpu.vector_store %arg8[%swap3A_81, %swap3A_82], %swap3A_85 {strides = array<i32>} : memref<80x128xf32, #tpu.memory_space<vmem>>, vector<1x16xf32>,
      %swap3A_86 = arith.index_cast %scan3A_71 : i32 to index
      %swap3A_87 = arith.constant 48 : index
      %swap3A_88 = tpu.vector_load %arg8[%swap3A_86, %swap3A_87] {strides = array<i32>} : memref<80x128xf32, #tpu.memory_space<vmem>>, vector<1x16xf32>,
      %swap3A_89 = vector.shape_cast %swap3A_88 : vector<1x16xf32> to vector<16xf32>
      %swap3A_90 = vector.shape_cast %broadcast_in_dim3A_3 : vector<16xf32> to vector<1x16xf32>
      tpu.vector_store %arg8[%swap3A_86, %swap3A_87], %swap3A_90 {strides = array<i32>} : memref<80x128xf32, #tpu.memory_space<vmem>>, vector<1x16xf32>,
      %swap3A_91 = arith.index_cast %scan3A_71 : i32 to index
      %swap3A_92 = arith.constant 64 : index
      %swap3A_93 = tpu.vector_load %arg8[%swap3A_91, %swap3A_92] {strides = array<i32>} : memref<80x128xf32, #tpu.memory_space<vmem>>, vector<1x16xf32>,
      %swap3A_94 = vector.shape_cast %swap3A_93 : vector<1x16xf32> to vector<16xf32>
      %swap3A_95 = vector.shape_cast %broadcast_in_dim3A_3 : vector<16xf32> to vector<1x16xf32>
      tpu.vector_store %arg8[%swap3A_91, %swap3A_92], %swap3A_95 {strides = array<i32>} : memref<80x128xf32, #tpu.memory_space<vmem>>, vector<1x16xf32>,
      %swap3A_96 = arith.index_cast %scan3A_71 : i32 to index
      %swap3A_97 = arith.constant 80 : index
      %swap3A_98 = tpu.vector_load %arg8[%swap3A_96, %swap3A_97] {strides = array<i32>} : memref<80x128xf32, #tpu.memory_space<vmem>>, vector<1x16xf32>,
      %swap3A_99 = vector.shape_cast %swap3A_98 : vector<1x16xf32> to vector<16xf32>
      %swap3A_100 = vector.shape_cast %broadcast_in_dim3A_3 : vector<16xf32> to vector<1x16xf32>
      tpu.vector_store %arg8[%swap3A_96, %swap3A_97], %swap3A_100 {strides = array<i32>} : memref<80x128xf32, #tpu.memory_space<vmem>>, vector<1x16xf32>,
      %swap3A_101 = arith.index_cast %scan3A_71 : i32 to index
      %swap3A_102 = arith.constant 96 : index
      %swap3A_103 = tpu.vector_load %arg8[%swap3A_101, %swap3A_102] {strides = array<i32>} : memref<80x128xf32, #tpu.memory_space<vmem>>, vector<1x16xf32>,
      %swap3A_104 = vector.shape_cast %swap3A_103 : vector<1x16xf32> to vector<16xf32>
      %swap3A_105 = vector.shape_cast %broadcast_in_dim3A_3 : vector<16xf32> to vector<1x16xf32>
      tpu.vector_store %arg8[%swap3A_101, %swap3A_102], %swap3A_105 {strides = array<i32>} : memref<80x128xf32, #tpu.memory_space<vmem>>, vector<1x16xf32>,
      %swap3A_106 = arith.index_cast %scan3A_71 : i32 to index
      %swap3A_107 = arith.constant 112 : index
      %swap3A_108 = tpu.vector_load %arg8[%swap3A_106, %swap3A_107] {strides = array<i32>} : memref<80x128xf32, #tpu.memory_space<vmem>>, vector<1x16xf32>,
      %swap3A_109 = vector.shape_cast %swap3A_108 : vector<1x16xf32> to vector<16xf32>
      %swap3A_110 = vector.shape_cast %broadcast_in_dim3A_3 : vector<16xf32> to vector<1x16xf32>
      tpu.vector_store %arg8[%swap3A_106, %swap3A_107], %swap3A_110 {strides = array<i32>} : memref<80x128xf32, #tpu.memory_space<vmem>>, vector<1x16xf32>,
    }
    %scan3A_8 = arith.constant 80 : i32
    %sub3A = arith.constant 125 : i32
    %sub3A_9 = arith.subi %sub3A, %arg1 : i32
    %add3A_10 = arith.constant 16 : i32
    %add3A_11 = arith.addi %sub3A_9, %add3A_10 : i32
    %sub3A_12 = arith.constant 1 : i32
    %sub3A_13 = arith.subi %add3A_11, %sub3A_12 : i32
    %jit3A = arith.constant 16 : i32
    %div3A = arith.divsi %sub3A_13, %jit3A : i32
    %sign3A = arith.constant 0 : i32
    %sign3A_14 = arith.cmpi sgt, %sub3A_13, %sign3A : i32
    %sign3A_15 = arith.extui %sign3A_14 : i1 to i32
    %sign3A_16 = arith.constant 0 : i32
    %sign3A_17 = arith.cmpi slt, %sub3A_13, %sign3A_16 : i32
    %sign3A_18 = arith.extui %sign3A_17 : i1 to i32
    %sign3A_19 = arith.subi %sign3A_15, %sign3A_18 : i32
    %sign3A_20 = arith.constant 0 : i32
    %sign3A_21 = arith.cmpi sgt, %jit3A, %sign3A_20 : i32
    %sign3A_22 = arith.extui %sign3A_21 : i1 to i32
    %sign3A_23 = arith.constant 0 : i32
    %sign3A_24 = arith.cmpi slt, %jit3A, %sign3A_23 : i32
    %sign3A_25 = arith.extui %sign3A_24 : i1 to i32
    %sign3A_26 = arith.subi %sign3A_22, %sign3A_25 : i32
    %ne3A = arith.cmpi ne, %sign3A_19, %sign3A_26 : i32
    %rem3A = arith.remsi %sub3A_13, %jit3A : i32
    %ne3A_27 = arith.constant 0 : i32
    %ne3A_28 = arith.cmpi ne, %rem3A, %ne3A_27 : i32
    %and3A = arith.andi %ne3A, %ne3A_28 : i1
    %sub3A_29 = arith.constant 1 : i32
    %sub3A_30 = arith.subi %div3A, %sub3A_29 : i32
    %select_n3A = arith.select %and3A, %sub3A_30, %div3A : i32
    %while3A = arith.constant 0 : i32
    %while3A_31 = arith.constant 0 : i32
    %while3A_32 = arith.subi %select_n3A, %while3A_31 : i32
    %while3A_33 = arith.addi %while3A_31, %while3A_32 : i32
    %while3A_34 = arith.constant 1 : i32
    %while3A_35 = arith.divsi %while3A_32, %while3A_34 : i32
    %while3A_36 = arith.muli %while3A_35, %while3A_34 : i32
    %while3A_37 = arith.addi %while3A_31, %while3A_36 : i32
    %while3A_38 = arith.constant 1 : i32
    scf.for %while3A_71 = %while3A_31 to %while3A_37 step %while3A_38  : i32 {
      %mul3A_72 = arith.constant 16 : i32
      %mul3A_73 = arith.muli %while3A_71, %mul3A_72 : i32
      %add3A_74 = arith.addi %arg1, %mul3A_73 : i32
      %mul3A_75 = arith.constant 80 : i32
      %mul3A_76 = arith.muli %add3A_74, %mul3A_75 : i32
      "tpu.region"() ({
        %run_scoped3A_77 = tpu.sem_alloc : memref<!tpu.dma_semaphore, #tpu.memory_space<semaphore_mem>>
        %dma_start3A_78 = arith.constant 0 : i32
        %dma_start3A_79 = tpu.memref_slice %arg9[%mul3A_76, %dma_start3A_78] : memref<10000x128xf32, #tpu.memory_space<vmem_shared>> -> memref<80x128xf32, #tpu.memory_space<vmem_shared>>
        %dma_start3A_80 = arith.constant 0 : i32
        %dma_start3A_81 = tpu.memref_slice %arg9[%mul3A_76, %dma_start3A_80] : memref<10000x128xf32, #tpu.memory_space<vmem_shared>> -> memref<80x128xf32, #tpu.memory_space<vmem_shared>>
        tpu.enqueue_dma source(%arg8 : memref<80x128xf32, #tpu.memory_space<vmem>>) target(%dma_start3A_81 : memref<80x128xf32, #tpu.memory_space<vmem_shared>>) target_semaphore(%run_scoped3A_77 : memref<!tpu.dma_semaphore, #tpu.memory_space<semaphore_mem>>)
        %dma_wait3A_82 = arith.constant 0 : i32
        %dma_wait3A_83 = tpu.memref_slice %arg9[%mul3A_76, %dma_wait3A_82] : memref<10000x128xf32, #tpu.memory_space<vmem_shared>> -> memref<80x128xf32, #tpu.memory_space<vmem_shared>>
        %dma_wait3A_84 = arith.constant 0 : i32
        %dma_wait3A_85 = tpu.memref_slice %arg9[%mul3A_76, %dma_wait3A_84] : memref<10000x128xf32, #tpu.memory_space<vmem_shared>> -> memref<80x128xf32, #tpu.memory_space<vmem_shared>>
        tpu.wait_dma2 semaphore(%run_scoped3A_77 : memref<!tpu.dma_semaphore, #tpu.memory_space<semaphore_mem>>) src(%arg8 : memref<80x128xf32, #tpu.memory_space<vmem>>) dst(%dma_wait3A_85 : memref<80x128xf32, #tpu.memory_space<vmem_shared>>)
        tpu.yield
      }) : () -> ()
    }
    %while3A_39 = arith.constant 1 : i32
    scf.for %while3A_71 = %while3A_37 to %while3A_33 step %while3A_39  : i32 {
      %mul3A_72 = arith.constant 16 : i32
      %mul3A_73 = arith.muli %while3A_71, %mul3A_72 : i32
      %add3A_74 = arith.addi %arg1, %mul3A_73 : i32
      %mul3A_75 = arith.constant 80 : i32
      %mul3A_76 = arith.muli %add3A_74, %mul3A_75 : i32
      "tpu.region"() ({
        %run_scoped3A_77 = tpu.sem_alloc : memref<!tpu.dma_semaphore, #tpu.memory_space<semaphore_mem>>
        %dma_start3A_78 = arith.constant 0 : i32
        %dma_start3A_79 = tpu.memref_slice %arg9[%mul3A_76, %dma_start3A_78] : memref<10000x128xf32, #tpu.memory_space<vmem_shared>> -> memref<80x128xf32, #tpu.memory_space<vmem_shared>>
        %dma_start3A_80 = arith.constant 0 : i32
        %dma_start3A_81 = tpu.memref_slice %arg9[%mul3A_76, %dma_start3A_80] : memref<10000x128xf32, #tpu.memory_space<vmem_shared>> -> memref<80x128xf32, #tpu.memory_space<vmem_shared>>
        tpu.enqueue_dma source(%arg8 : memref<80x128xf32, #tpu.memory_space<vmem>>) target(%dma_start3A_81 : memref<80x128xf32, #tpu.memory_space<vmem_shared>>) target_semaphore(%run_scoped3A_77 : memref<!tpu.dma_semaphore, #tpu.memory_space<semaphore_mem>>)
        %dma_wait3A_82 = arith.constant 0 : i32
        %dma_wait3A_83 = tpu.memref_slice %arg9[%mul3A_76, %dma_wait3A_82] : memref<10000x128xf32, #tpu.memory_space<vmem_shared>> -> memref<80x128xf32, #tpu.memory_space<vmem_shared>>
        %dma_wait3A_84 = arith.constant 0 : i32
        %dma_wait3A_85 = tpu.memref_slice %arg9[%mul3A_76, %dma_wait3A_84] : memref<10000x128xf32, #tpu.memory_space<vmem_shared>> -> memref<80x128xf32, #tpu.memory_space<vmem_shared>>
        tpu.wait_dma2 semaphore(%run_scoped3A_77 : memref<!tpu.dma_semaphore, #tpu.memory_space<semaphore_mem>>) src(%arg8 : memref<80x128xf32, #tpu.memory_space<vmem>>) dst(%dma_wait3A_85 : memref<80x128xf32, #tpu.memory_space<vmem_shared>>)
        tpu.yield
      }) : () -> ()
    }
    "tpu.region"() ({
      %run_scoped3A_71 = tpu.sem_alloc : memref<!tpu.dma_semaphore, #tpu.memory_space<semaphore_mem>>
      %dma_start3A_72 = arith.constant 0 : i32
      %dma_start3A_73 = arith.constant 0 : i32
      %dma_start3A_74 = tpu.memref_slice %arg3[%add3A, %dma_start3A_72, %dma_start3A_73] : memref<32x63x80xi32, #tpu.memory_space<hbm>> -> memref<1x63x80xi32, #tpu.memory_space<hbm>>
      %dma_start3A_75 = tpu.memref_squeeze %dma_start3A_74 : memref<1x63x80xi32, #tpu.memory_space<hbm>> -> memref<63x80xi32, #tpu.memory_space<hbm>>
      %dma_start3A_76 = arith.constant 0 : i32
      %dma_start3A_77 = arith.constant 0 : i32
      %dma_start3A_78 = tpu.memref_slice %arg3[%add3A, %dma_start3A_76, %dma_start3A_77] : memref<32x63x80xi32, #tpu.memory_space<hbm>> -> memref<1x63x80xi32, #tpu.memory_space<hbm>>
      %dma_start3A_79 = tpu.memref_squeeze %dma_start3A_78 : memref<1x63x80xi32, #tpu.memory_space<hbm>> -> memref<63x80xi32, #tpu.memory_space<hbm>>
      tpu.enqueue_dma source(%dma_start3A_79 : memref<63x80xi32, #tpu.memory_space<hbm>>) target(%arg5 : memref<63x80xi32, #tpu.memory_space<vmem>>) target_semaphore(%run_scoped3A_71 : memref<!tpu.dma_semaphore, #tpu.memory_space<semaphore_mem>>)
      %dma_wait3A_80 = arith.constant 0 : i32
      %dma_wait3A_81 = arith.constant 0 : i32
      %dma_wait3A_82 = tpu.memref_slice %arg3[%add3A, %dma_wait3A_80, %dma_wait3A_81] : memref<32x63x80xi32, #tpu.memory_space<hbm>> -> memref<1x63x80xi32, #tpu.memory_space<hbm>>
      %dma_wait3A_83 = tpu.memref_squeeze %dma_wait3A_82 : memref<1x63x80xi32, #tpu.memory_space<hbm>> -> memref<63x80xi32, #tpu.memory_space<hbm>>
      %dma_wait3A_84 = arith.constant 0 : i32
      %dma_wait3A_85 = arith.constant 0 : i32
      %dma_wait3A_86 = tpu.memref_slice %arg3[%add3A, %dma_wait3A_84, %dma_wait3A_85] : memref<32x63x80xi32, #tpu.memory_space<hbm>> -> memref<1x63x80xi32, #tpu.memory_space<hbm>>
      %dma_wait3A_87 = tpu.memref_squeeze %dma_wait3A_86 : memref<1x63x80xi32, #tpu.memory_space<hbm>> -> memref<63x80xi32, #tpu.memory_space<hbm>>
      tpu.wait_dma2 semaphore(%run_scoped3A_71 : memref<!tpu.dma_semaphore, #tpu.memory_space<semaphore_mem>>) src(%dma_wait3A_87 : memref<63x80xi32, #tpu.memory_space<hbm>>) dst(%arg5 : memref<63x80xi32, #tpu.memory_space<vmem>>)
      tpu.yield
    }) : () -> ()
    %barrier3A = arith.constant 0 : index
    tpu.barrier barrier_id(%barrier3A)
    %add3A_40 = arith.constant 0 : i32
    %add3A_41 = arith.addi %mul3A_2, %add3A_40 : i32
    %dma_start3A = arith.constant 0 : i32
    %dma_start3A_42 = tpu.memref_slice %arg2[%add3A_41, %dma_start3A] : memref<161280x128xf32, #tpu.memory_space<hbm>> -> memref<80x128xf32, #tpu.memory_space<hbm>>
    %dma_start3A_43 = arith.constant 0 : i32
    %dma_start3A_44 = tpu.memref_slice %arg2[%add3A_41, %dma_start3A_43] : memref<161280x128xf32, #tpu.memory_space<hbm>> -> memref<80x128xf32, #tpu.memory_space<hbm>>
    tpu.enqueue_dma source(%dma_start3A_44 : memref<80x128xf32, #tpu.memory_space<hbm>>) target(%arg6 : memref<80x128xf32, #tpu.memory_space<vmem>>) target_semaphore(%arg10 : memref<!tpu.dma_semaphore, #tpu.memory_space<semaphore_mem>>)
    %add3A_45 = arith.constant 80 : i32
    %add3A_46 = arith.addi %mul3A_2, %add3A_45 : i32
    %dma_start3A_47 = arith.constant 0 : i32
    %dma_start3A_48 = tpu.memref_slice %arg2[%add3A_46, %dma_start3A_47] : memref<161280x128xf32, #tpu.memory_space<hbm>> -> memref<80x128xf32, #tpu.memory_space<hbm>>
    %dma_start3A_49 = arith.constant 0 : i32
    %dma_start3A_50 = tpu.memref_slice %arg2[%add3A_46, %dma_start3A_49] : memref<161280x128xf32, #tpu.memory_space<hbm>> -> memref<80x128xf32, #tpu.memory_space<hbm>>
    tpu.enqueue_dma source(%dma_start3A_50 : memref<80x128xf32, #tpu.memory_space<hbm>>) target(%arg7 : memref<80x128xf32, #tpu.memory_space<vmem>>) target_semaphore(%arg11 : memref<!tpu.dma_semaphore, #tpu.memory_space<semaphore_mem>>)
    %scan3A_51 = arith.constant 0 : i32
    %scan3A_52 = arith.constant 0 : i32
    %scan3A_53 = arith.constant 31 : i32
    %scan3A_54 = arith.addi %scan3A_52, %scan3A_53 : i32
    %scan3A_55 = arith.constant 1 : i32
    scf.for %scan3A_71 = %scan3A_52 to %scan3A_54 step %scan3A_55  : i32 {
      %mul3A_72 = arith.constant 2 : i32
      %mul3A_73 = arith.muli %scan3A_71, %mul3A_72 : i32
      %add3A_74 = arith.constant 0 : i32
      %add3A_75 = arith.addi %mul3A_73, %add3A_74 : i32
      %dma_wait3A_76 = arith.constant 0 : i32
      %dma_wait3A_77 = tpu.memref_slice %arg2[%mul3A_2, %dma_wait3A_76] : memref<161280x128xf32, #tpu.memory_space<hbm>> -> memref<80x128xf32, #tpu.memory_space<hbm>>
      %dma_wait3A_78 = arith.constant 0 : i32
      %dma_wait3A_79 = tpu.memref_slice %arg2[%mul3A_2, %dma_wait3A_78] : memref<161280x128xf32, #tpu.memory_space<hbm>> -> memref<80x128xf32, #tpu.memory_space<hbm>>
      tpu.wait_dma2 semaphore(%arg10 : memref<!tpu.dma_semaphore, #tpu.memory_space<semaphore_mem>>) src(%dma_wait3A_79 : memref<80x128xf32, #tpu.memory_space<hbm>>) dst(%arg6 : memref<80x128xf32, #tpu.memory_space<vmem>>)
      "tpu.region"() ({
        %run_scoped3A_99 = tpu.sem_alloc : memref<!tpu.dma_semaphore, #tpu.memory_space<semaphore_mem>>
        %dma_start3A_100 = arith.constant 0 : i32
        %dma_start3A_101 = tpu.memref_slice %arg5[%add3A_75, %dma_start3A_100] : memref<63x80xi32, #tpu.memory_space<vmem>> -> memref<1x80xi32, #tpu.memory_space<vmem>>
        %dma_start3A_102 = tpu.memref_squeeze %dma_start3A_101 : memref<1x80xi32, #tpu.memory_space<vmem>> -> memref<80xi32, #tpu.memory_space<vmem>>
        %dma_start3A_103 = arith.constant 0 : i32
        %dma_start3A_104 = arith.constant 0 : i32
        %dma_start3A_105 = tpu.memref_slice %arg9[%dma_start3A_103, %dma_start3A_104] : memref<10000x128xf32, #tpu.memory_space<vmem_shared>> -> memref<10000x128xf32, #tpu.memory_space<vmem_shared>>
        tpu.enqueue_indirect_dma source(%arg6 : memref<80x128xf32, #tpu.memory_space<vmem>>) target(%dma_start3A_105 : memref<10000x128xf32, #tpu.memory_space<vmem_shared>>) offsets(%dma_start3A_102 : memref<80xi32, #tpu.memory_space<vmem>>) semaphore(%run_scoped3A_99 : memref<!tpu.dma_semaphore, #tpu.memory_space<semaphore_mem>>) {add = true}
        %dma_wait3A_106 = arith.constant 0 : i32
        %dma_wait3A_107 = tpu.memref_slice %arg5[%add3A_75, %dma_wait3A_106] : memref<63x80xi32, #tpu.memory_space<vmem>> -> memref<1x80xi32, #tpu.memory_space<vmem>>
        %dma_wait3A_108 = tpu.memref_squeeze %dma_wait3A_107 : memref<1x80xi32, #tpu.memory_space<vmem>> -> memref<80xi32, #tpu.memory_space<vmem>>
        %dma_wait3A_109 = arith.constant 0 : i32
        %dma_wait3A_110 = arith.constant 0 : i32
        %dma_wait3A_111 = tpu.memref_slice %arg9[%dma_wait3A_109, %dma_wait3A_110] : memref<10000x128xf32, #tpu.memory_space<vmem_shared>> -> memref<10000x128xf32, #tpu.memory_space<vmem_shared>>
        tpu.wait_indirect_dma semaphore(%run_scoped3A_99 : memref<!tpu.dma_semaphore, #tpu.memory_space<semaphore_mem>>) src(%arg6 : memref<80x128xf32, #tpu.memory_space<vmem>>) dst(%dma_wait3A_111 : memref<10000x128xf32, #tpu.memory_space<vmem_shared>>)
        tpu.yield
      }) : () -> ()
      %add3A_80 = arith.constant 2 : i32
      %add3A_81 = arith.addi %add3A_75, %add3A_80 : i32
      %lt3A = arith.constant 63 : i32
      %lt3A_82 = arith.cmpi slt, %add3A_81, %lt3A : i32
      %convert_element_type3A = arith.extui %lt3A_82 : i1 to i32
      %cond3A = arith.constant 0 : i32
      %cond3A_83 = arith.cmpi ne, %convert_element_type3A, %cond3A : i32
      scf.if %cond3A_83 {
        %add3A_99 = arith.constant 2 : i32
        %add3A_100 = arith.addi %add3A_75, %add3A_99 : i32
        %mul3A_101 = arith.constant 80 : i32
        %mul3A_102 = arith.muli %add3A_100, %mul3A_101 : i32
        %add3A_103 = arith.addi %mul3A_2, %mul3A_102 : i32
        %dma_start3A_104 = arith.constant 0 : i32
        %dma_start3A_105 = tpu.memref_slice %arg2[%add3A_103, %dma_start3A_104] : memref<161280x128xf32, #tpu.memory_space<hbm>> -> memref<80x128xf32, #tpu.memory_space<hbm>>
        %dma_start3A_106 = arith.constant 0 : i32
        %dma_start3A_107 = tpu.memref_slice %arg2[%add3A_103, %dma_start3A_106] : memref<161280x128xf32, #tpu.memory_space<hbm>> -> memref<80x128xf32, #tpu.memory_space<hbm>>
        tpu.enqueue_dma source(%dma_start3A_107 : memref<80x128xf32, #tpu.memory_space<hbm>>) target(%arg6 : memref<80x128xf32, #tpu.memory_space<vmem>>) target_semaphore(%arg10 : memref<!tpu.dma_semaphore, #tpu.memory_space<semaphore_mem>>)
      } else {
      }
      %mul3A_84 = arith.constant 2 : i32
      %mul3A_85 = arith.muli %scan3A_71, %mul3A_84 : i32
      %add3A_86 = arith.constant 1 : i32
      %add3A_87 = arith.addi %mul3A_85, %add3A_86 : i32
      %dma_wait3A_88 = arith.constant 0 : i32
      %dma_wait3A_89 = tpu.memref_slice %arg2[%mul3A_2, %dma_wait3A_88] : memref<161280x128xf32, #tpu.memory_space<hbm>> -> memref<80x128xf32, #tpu.memory_space<hbm>>
      %dma_wait3A_90 = arith.constant 0 : i32
      %dma_wait3A_91 = tpu.memref_slice %arg2[%mul3A_2, %dma_wait3A_90] : memref<161280x128xf32, #tpu.memory_space<hbm>> -> memref<80x128xf32, #tpu.memory_space<hbm>>
      tpu.wait_dma2 semaphore(%arg11 : memref<!tpu.dma_semaphore, #tpu.memory_space<semaphore_mem>>) src(%dma_wait3A_91 : memref<80x128xf32, #tpu.memory_space<hbm>>) dst(%arg7 : memref<80x128xf32, #tpu.memory_space<vmem>>)
      "tpu.region"() ({
        %run_scoped3A_99 = tpu.sem_alloc : memref<!tpu.dma_semaphore, #tpu.memory_space<semaphore_mem>>
        %dma_start3A_100 = arith.constant 0 : i32
        %dma_start3A_101 = tpu.memref_slice %arg5[%add3A_87, %dma_start3A_100] : memref<63x80xi32, #tpu.memory_space<vmem>> -> memref<1x80xi32, #tpu.memory_space<vmem>>
        %dma_start3A_102 = tpu.memref_squeeze %dma_start3A_101 : memref<1x80xi32, #tpu.memory_space<vmem>> -> memref<80xi32, #tpu.memory_space<vmem>>
        %dma_start3A_103 = arith.constant 0 : i32
        %dma_start3A_104 = arith.constant 0 : i32
        %dma_start3A_105 = tpu.memref_slice %arg9[%dma_start3A_103, %dma_start3A_104] : memref<10000x128xf32, #tpu.memory_space<vmem_shared>> -> memref<10000x128xf32, #tpu.memory_space<vmem_shared>>
        tpu.enqueue_indirect_dma source(%arg7 : memref<80x128xf32, #tpu.memory_space<vmem>>) target(%dma_start3A_105 : memref<10000x128xf32, #tpu.memory_space<vmem_shared>>) offsets(%dma_start3A_102 : memref<80xi32, #tpu.memory_space<vmem>>) semaphore(%run_scoped3A_99 : memref<!tpu.dma_semaphore, #tpu.memory_space<semaphore_mem>>) {add = true}
        %dma_wait3A_106 = arith.constant 0 : i32
        %dma_wait3A_107 = tpu.memref_slice %arg5[%add3A_87, %dma_wait3A_106] : memref<63x80xi32, #tpu.memory_space<vmem>> -> memref<1x80xi32, #tpu.memory_space<vmem>>
        %dma_wait3A_108 = tpu.memref_squeeze %dma_wait3A_107 : memref<1x80xi32, #tpu.memory_space<vmem>> -> memref<80xi32, #tpu.memory_space<vmem>>
        %dma_wait3A_109 = arith.constant 0 : i32
        %dma_wait3A_110 = arith.constant 0 : i32
        %dma_wait3A_111 = tpu.memref_slice %arg9[%dma_wait3A_109, %dma_wait3A_110] : memref<10000x128xf32, #tpu.memory_space<vmem_shared>> -> memref<10000x128xf32, #tpu.memory_space<vmem_shared>>
        tpu.wait_indirect_dma semaphore(%run_scoped3A_99 : memref<!tpu.dma_semaphore, #tpu.memory_space<semaphore_mem>>) src(%arg7 : memref<80x128xf32, #tpu.memory_space<vmem>>) dst(%dma_wait3A_111 : memref<10000x128xf32, #tpu.memory_space<vmem_shared>>)
        tpu.yield
      }) : () -> ()
      %add3A_92 = arith.constant 2 : i32
      %add3A_93 = arith.addi %add3A_87, %add3A_92 : i32
      %lt3A_94 = arith.constant 63 : i32
      %lt3A_95 = arith.cmpi slt, %add3A_93, %lt3A_94 : i32
      %convert_element_type3A_96 = arith.extui %lt3A_95 : i1 to i32
      %cond3A_97 = arith.constant 0 : i32
      %cond3A_98 = arith.cmpi ne, %convert_element_type3A_96, %cond3A_97 : i32
      scf.if %cond3A_98 {
        %add3A_99 = arith.constant 2 : i32
        %add3A_100 = arith.addi %add3A_87, %add3A_99 : i32
        %mul3A_101 = arith.constant 80 : i32
        %mul3A_102 = arith.muli %add3A_100, %mul3A_101 : i32
        %add3A_103 = arith.addi %mul3A_2, %mul3A_102 : i32
        %dma_start3A_104 = arith.constant 0 : i32
        %dma_start3A_105 = tpu.memref_slice %arg2[%add3A_103, %dma_start3A_104] : memref<161280x128xf32, #tpu.memory_space<hbm>> -> memref<80x128xf32, #tpu.memory_space<hbm>>
        %dma_start3A_106 = arith.constant 0 : i32
        %dma_start3A_107 = tpu.memref_slice %arg2[%add3A_103, %dma_start3A_106] : memref<161280x128xf32, #tpu.memory_space<hbm>> -> memref<80x128xf32, #tpu.memory_space<hbm>>
        tpu.enqueue_dma source(%dma_start3A_107 : memref<80x128xf32, #tpu.memory_space<hbm>>) target(%arg7 : memref<80x128xf32, #tpu.memory_space<vmem>>) target_semaphore(%arg11 : memref<!tpu.dma_semaphore, #tpu.memory_space<semaphore_mem>>)
      } else {
      }
    }
    %scan3A_56 = arith.constant 31 : i32
    %dma_wait3A = arith.constant 0 : i32
    %dma_wait3A_57 = tpu.memref_slice %arg2[%mul3A_2, %dma_wait3A] : memref<161280x128xf32, #tpu.memory_space<hbm>> -> memref<80x128xf32, #tpu.memory_space<hbm>>
    %dma_wait3A_58 = arith.constant 0 : i32
    %dma_wait3A_59 = tpu.memref_slice %arg2[%mul3A_2, %dma_wait3A_58] : memref<161280x128xf32, #tpu.memory_space<hbm>> -> memref<80x128xf32, #tpu.memory_space<hbm>>
    tpu.wait_dma2 semaphore(%arg10 : memref<!tpu.dma_semaphore, #tpu.memory_space<semaphore_mem>>) src(%dma_wait3A_59 : memref<80x128xf32, #tpu.memory_space<hbm>>) dst(%arg6 : memref<80x128xf32, #tpu.memory_space<vmem>>)
    %run_scoped3A = arith.constant 62 : i32
    "tpu.region"() ({
      %run_scoped3A_71 = tpu.sem_alloc : memref<!tpu.dma_semaphore, #tpu.memory_space<semaphore_mem>>
      %dma_start3A_72 = arith.constant 0 : i32
      %dma_start3A_73 = tpu.memref_slice %arg5[%run_scoped3A, %dma_start3A_72] : memref<63x80xi32, #tpu.memory_space<vmem>> -> memref<1x80xi32, #tpu.memory_space<vmem>>
      %dma_start3A_74 = tpu.memref_squeeze %dma_start3A_73 : memref<1x80xi32, #tpu.memory_space<vmem>> -> memref<80xi32, #tpu.memory_space<vmem>>
      %dma_start3A_75 = arith.constant 0 : i32
      %dma_start3A_76 = arith.constant 0 : i32
      %dma_start3A_77 = tpu.memref_slice %arg9[%dma_start3A_75, %dma_start3A_76] : memref<10000x128xf32, #tpu.memory_space<vmem_shared>> -> memref<10000x128xf32, #tpu.memory_space<vmem_shared>>
      tpu.enqueue_indirect_dma source(%arg6 : memref<80x128xf32, #tpu.memory_space<vmem>>) target(%dma_start3A_77 : memref<10000x128xf32, #tpu.memory_space<vmem_shared>>) offsets(%dma_start3A_74 : memref<80xi32, #tpu.memory_space<vmem>>) semaphore(%run_scoped3A_71 : memref<!tpu.dma_semaphore, #tpu.memory_space<semaphore_mem>>) {add = true}
      %dma_wait3A_78 = arith.constant 0 : i32
      %dma_wait3A_79 = tpu.memref_slice %arg5[%run_scoped3A, %dma_wait3A_78] : memref<63x80xi32, #tpu.memory_space<vmem>> -> memref<1x80xi32, #tpu.memory_space<vmem>>
      %dma_wait3A_80 = tpu.memref_squeeze %dma_wait3A_79 : memref<1x80xi32, #tpu.memory_space<vmem>> -> memref<80xi32, #tpu.memory_space<vmem>>
      %dma_wait3A_81 = arith.constant 0 : i32
      %dma_wait3A_82 = arith.constant 0 : i32
      %dma_wait3A_83 = tpu.memref_slice %arg9[%dma_wait3A_81, %dma_wait3A_82] : memref<10000x128xf32, #tpu.memory_space<vmem_shared>> -> memref<10000x128xf32, #tpu.memory_space<vmem_shared>>
      tpu.wait_indirect_dma semaphore(%run_scoped3A_71 : memref<!tpu.dma_semaphore, #tpu.memory_space<semaphore_mem>>) src(%arg6 : memref<80x128xf32, #tpu.memory_space<vmem>>) dst(%dma_wait3A_83 : memref<10000x128xf32, #tpu.memory_space<vmem_shared>>)
      tpu.yield
    }) : () -> ()
    %barrier3A_60 = arith.constant 0 : index
    tpu.barrier barrier_id(%barrier3A_60)
    %while3A_61 = arith.constant 0 : i32
    %while3A_62 = arith.constant 0 : i32
    %while3A_63 = arith.subi %select_n3A, %while3A_62 : i32
    %while3A_64 = arith.addi %while3A_62, %while3A_63 : i32
    %while3A_65 = arith.constant 1 : i32
    %while3A_66 = arith.divsi %while3A_63, %while3A_65 : i32
    %while3A_67 = arith.muli %while3A_66, %while3A_65 : i32
    %while3A_68 = arith.addi %while3A_62, %while3A_67 : i32
    %while3A_69 = arith.constant 1 : i32
    scf.for %while3A_71 = %while3A_62 to %while3A_68 step %while3A_69  : i32 {
      %mul3A_72 = arith.constant 16 : i32
      %mul3A_73 = arith.muli %while3A_71, %mul3A_72 : i32
      %add3A_74 = arith.addi %arg1, %mul3A_73 : i32
      %mul3A_75 = arith.constant 80 : i32
      %mul3A_76 = arith.muli %add3A_74, %mul3A_75 : i32
      "tpu.region"() ({
        %run_scoped3A_77 = tpu.sem_alloc : memref<!tpu.dma_semaphore, #tpu.memory_space<semaphore_mem>>
        %dma_start3A_78 = arith.constant 0 : i32
        %dma_start3A_79 = tpu.memref_slice %arg4[%arg0, %mul3A_76, %dma_start3A_78] : memref<2x10000x128xf32, #tpu.memory_space<hbm>> -> memref<1x80x128xf32, #tpu.memory_space<hbm>>
        %dma_start3A_80 = tpu.memref_squeeze %dma_start3A_79 : memref<1x80x128xf32, #tpu.memory_space<hbm>> -> memref<80x128xf32, #tpu.memory_space<hbm>>
        %dma_start3A_81 = arith.constant 0 : i32
        %dma_start3A_82 = tpu.memref_slice %arg9[%mul3A_76, %dma_start3A_81] : memref<10000x128xf32, #tpu.memory_space<vmem_shared>> -> memref<80x128xf32, #tpu.memory_space<vmem_shared>>
        tpu.enqueue_dma source(%dma_start3A_82 : memref<80x128xf32, #tpu.memory_space<vmem_shared>>) target(%dma_start3A_80 : memref<80x128xf32, #tpu.memory_space<hbm>>) target_semaphore(%run_scoped3A_77 : memref<!tpu.dma_semaphore, #tpu.memory_space<semaphore_mem>>)
        %dma_wait3A_83 = arith.constant 0 : i32
        %dma_wait3A_84 = tpu.memref_slice %arg4[%arg0, %mul3A_76, %dma_wait3A_83] : memref<2x10000x128xf32, #tpu.memory_space<hbm>> -> memref<1x80x128xf32, #tpu.memory_space<hbm>>
        %dma_wait3A_85 = tpu.memref_squeeze %dma_wait3A_84 : memref<1x80x128xf32, #tpu.memory_space<hbm>> -> memref<80x128xf32, #tpu.memory_space<hbm>>
        %dma_wait3A_86 = arith.constant 0 : i32
        %dma_wait3A_87 = tpu.memref_slice %arg9[%mul3A_76, %dma_wait3A_86] : memref<10000x128xf32, #tpu.memory_space<vmem_shared>> -> memref<80x128xf32, #tpu.memory_space<vmem_shared>>
        tpu.wait_dma2 semaphore(%run_scoped3A_77 : memref<!tpu.dma_semaphore, #tpu.memory_space<semaphore_mem>>) src(%dma_wait3A_87 : memref<80x128xf32, #tpu.memory_space<vmem_shared>>) dst(%dma_wait3A_85 : memref<80x128xf32, #tpu.memory_space<hbm>>)
        tpu.yield
      }) : () -> ()
    }
    %while3A_70 = arith.constant 1 : i32
    scf.for %while3A_71 = %while3A_68 to %while3A_64 step %while3A_70  : i32 {
      %mul3A_72 = arith.constant 16 : i32
      %mul3A_73 = arith.muli %while3A_71, %mul3A_72 : i32
      %add3A_74 = arith.addi %arg1, %mul3A_73 : i32
      %mul3A_75 = arith.constant 80 : i32
      %mul3A_76 = arith.muli %add3A_74, %mul3A_75 : i32
      "tpu.region"() ({
        %run_scoped3A_77 = tpu.sem_alloc : memref<!tpu.dma_semaphore, #tpu.memory_space<semaphore_mem>>
        %dma_start3A_78 = arith.constant 0 : i32
        %dma_start3A_79 = tpu.memref_slice %arg4[%arg0, %mul3A_76, %dma_start3A_78] : memref<2x10000x128xf32, #tpu.memory_space<hbm>> -> memref<1x80x128xf32, #tpu.memory_space<hbm>>
        %dma_start3A_80 = tpu.memref_squeeze %dma_start3A_79 : memref<1x80x128xf32, #tpu.memory_space<hbm>> -> memref<80x128xf32, #tpu.memory_space<hbm>>
        %dma_start3A_81 = arith.constant 0 : i32
        %dma_start3A_82 = tpu.memref_slice %arg9[%mul3A_76, %dma_start3A_81] : memref<10000x128xf32, #tpu.memory_space<vmem_shared>> -> memref<80x128xf32, #tpu.memory_space<vmem_shared>>
        tpu.enqueue_dma source(%dma_start3A_82 : memref<80x128xf32, #tpu.memory_space<vmem_shared>>) target(%dma_start3A_80 : memref<80x128xf32, #tpu.memory_space<hbm>>) target_semaphore(%run_scoped3A_77 : memref<!tpu.dma_semaphore, #tpu.memory_space<semaphore_mem>>)
        %dma_wait3A_83 = arith.constant 0 : i32
        %dma_wait3A_84 = tpu.memref_slice %arg4[%arg0, %mul3A_76, %dma_wait3A_83] : memref<2x10000x128xf32, #tpu.memory_space<hbm>> -> memref<1x80x128xf32, #tpu.memory_space<hbm>>
        %dma_wait3A_85 = tpu.memref_squeeze %dma_wait3A_84 : memref<1x80x128xf32, #tpu.memory_space<hbm>> -> memref<80x128xf32, #tpu.memory_space<hbm>>
        %dma_wait3A_86 = arith.constant 0 : i32
        %dma_wait3A_87 = tpu.memref_slice %arg9[%mul3A_76, %dma_wait3A_86] : memref<10000x128xf32, #tpu.memory_space<vmem_shared>> -> memref<80x128xf32, #tpu.memory_space<vmem_shared>>
        tpu.wait_dma2 semaphore(%run_scoped3A_77 : memref<!tpu.dma_semaphore, #tpu.memory_space<semaphore_mem>>) src(%dma_wait3A_87 : memref<80x128xf32, #tpu.memory_space<vmem_shared>>) dst(%dma_wait3A_85 : memref<80x128xf32, #tpu.memory_space<hbm>>)
        tpu.yield
      }) : () -> ()
    }
    return
  }
}

#map = affine_map<(d0, d1) -> (0, 0)>
#map1 = affine_map<(d0, d1) -> (0, 0, 0)>
module attributes {stable_mosaic.version = 14 : i64} {
  func.func @gather_k(%arg0: i32, %arg1: i32, %arg2: memref<10000x128xf32, #tpu.memory_space<hbm>>, %arg3: memref<10000x128xf32, #tpu.memory_space<hbm>>, %arg4: memref<32x62x80xi32, #tpu.memory_space<hbm>>, %arg5: memref<32x62x80xi32, #tpu.memory_space<hbm>>, %arg6: memref<158720x128xf32, #tpu.memory_space<hbm>>, %arg7: memref<62x80xi32, #tpu.memory_space<vmem>>, %arg8: memref<62x80xi32, #tpu.memory_space<vmem>>, %arg9: memref<80x128xf32, #tpu.memory_space<vmem>>, %arg10: memref<80x128xf32, #tpu.memory_space<vmem>>, %arg11: memref<80x128xf32, #tpu.memory_space<vmem>>, %arg12: memref<80x128xf32, #tpu.memory_space<vmem>>, %arg13: memref<80x128xf32, #tpu.memory_space<vmem>>, %arg14: memref<80x128xf32, #tpu.memory_space<vmem>>, %arg15: memref<!tpu.dma_semaphore, #tpu.memory_space<semaphore_mem>>, %arg16: memref<!tpu.dma_semaphore, #tpu.memory_space<semaphore_mem>>, %arg17: memref<!tpu.dma_semaphore, #tpu.memory_space<semaphore_mem>>, %arg18: memref<!tpu.dma_semaphore, #tpu.memory_space<semaphore_mem>>) attributes {dimension_semantics = [#tpu.dimension_semantics<core_parallel>, #tpu.dimension_semantics<subcore_parallel>], iteration_bounds = array<i64: 2, 16>, scalar_prefetch = 0 : i64, scratch_operands = 12 : i64, tpu.core_type = #tpu.core_type<sc_vector_subcore>, window_params = [{transform_indices = #map}, {transform_indices = #map}, {transform_indices = #map1}, {transform_indices = #map1}, {transform_indices = #map}]} {
    %mul3A = arith.constant 2 : i32
    %mul3A_0 = arith.muli %arg1, %mul3A : i32
    %add3A = arith.addi %mul3A_0, %arg0 : i32
    %mul3A_1 = arith.constant 4960 : i32
    %mul3A_2 = arith.muli %add3A, %mul3A_1 : i32
    "tpu.region"() ({
      %run_scoped3A = tpu.sem_alloc : memref<!tpu.dma_semaphore, #tpu.memory_space<semaphore_mem>>
      %dma_start3A_42 = arith.constant 0 : i32
      %dma_start3A_43 = arith.constant 0 : i32
      %dma_start3A_44 = tpu.memref_slice %arg4[%add3A, %dma_start3A_42, %dma_start3A_43] : memref<32x62x80xi32, #tpu.memory_space<hbm>> -> memref<1x62x80xi32, #tpu.memory_space<hbm>>
      %dma_start3A_45 = tpu.memref_squeeze %dma_start3A_44 : memref<1x62x80xi32, #tpu.memory_space<hbm>> -> memref<62x80xi32, #tpu.memory_space<hbm>>
      %dma_start3A_46 = arith.constant 0 : i32
      %dma_start3A_47 = arith.constant 0 : i32
      %dma_start3A_48 = tpu.memref_slice %arg4[%add3A, %dma_start3A_46, %dma_start3A_47] : memref<32x62x80xi32, #tpu.memory_space<hbm>> -> memref<1x62x80xi32, #tpu.memory_space<hbm>>
      %dma_start3A_49 = tpu.memref_squeeze %dma_start3A_48 : memref<1x62x80xi32, #tpu.memory_space<hbm>> -> memref<62x80xi32, #tpu.memory_space<hbm>>
      tpu.enqueue_dma source(%dma_start3A_49 : memref<62x80xi32, #tpu.memory_space<hbm>>) target(%arg7 : memref<62x80xi32, #tpu.memory_space<vmem>>) target_semaphore(%run_scoped3A : memref<!tpu.dma_semaphore, #tpu.memory_space<semaphore_mem>>)
      %dma_wait3A_50 = arith.constant 0 : i32
      %dma_wait3A_51 = arith.constant 0 : i32
      %dma_wait3A_52 = tpu.memref_slice %arg4[%add3A, %dma_wait3A_50, %dma_wait3A_51] : memref<32x62x80xi32, #tpu.memory_space<hbm>> -> memref<1x62x80xi32, #tpu.memory_space<hbm>>
      %dma_wait3A_53 = tpu.memref_squeeze %dma_wait3A_52 : memref<1x62x80xi32, #tpu.memory_space<hbm>> -> memref<62x80xi32, #tpu.memory_space<hbm>>
      %dma_wait3A_54 = arith.constant 0 : i32
      %dma_wait3A_55 = arith.constant 0 : i32
      %dma_wait3A_56 = tpu.memref_slice %arg4[%add3A, %dma_wait3A_54, %dma_wait3A_55] : memref<32x62x80xi32, #tpu.memory_space<hbm>> -> memref<1x62x80xi32, #tpu.memory_space<hbm>>
      %dma_wait3A_57 = tpu.memref_squeeze %dma_wait3A_56 : memref<1x62x80xi32, #tpu.memory_space<hbm>> -> memref<62x80xi32, #tpu.memory_space<hbm>>
      tpu.wait_dma2 semaphore(%run_scoped3A : memref<!tpu.dma_semaphore, #tpu.memory_space<semaphore_mem>>) src(%dma_wait3A_57 : memref<62x80xi32, #tpu.memory_space<hbm>>) dst(%arg7 : memref<62x80xi32, #tpu.memory_space<vmem>>)
      tpu.yield
    }) : () -> ()
    "tpu.region"() ({
      %run_scoped3A = tpu.sem_alloc : memref<!tpu.dma_semaphore, #tpu.memory_space<semaphore_mem>>
      %dma_start3A_42 = arith.constant 0 : i32
      %dma_start3A_43 = arith.constant 0 : i32
      %dma_start3A_44 = tpu.memref_slice %arg5[%add3A, %dma_start3A_42, %dma_start3A_43] : memref<32x62x80xi32, #tpu.memory_space<hbm>> -> memref<1x62x80xi32, #tpu.memory_space<hbm>>
      %dma_start3A_45 = tpu.memref_squeeze %dma_start3A_44 : memref<1x62x80xi32, #tpu.memory_space<hbm>> -> memref<62x80xi32, #tpu.memory_space<hbm>>
      %dma_start3A_46 = arith.constant 0 : i32
      %dma_start3A_47 = arith.constant 0 : i32
      %dma_start3A_48 = tpu.memref_slice %arg5[%add3A, %dma_start3A_46, %dma_start3A_47] : memref<32x62x80xi32, #tpu.memory_space<hbm>> -> memref<1x62x80xi32, #tpu.memory_space<hbm>>
      %dma_start3A_49 = tpu.memref_squeeze %dma_start3A_48 : memref<1x62x80xi32, #tpu.memory_space<hbm>> -> memref<62x80xi32, #tpu.memory_space<hbm>>
      tpu.enqueue_dma source(%dma_start3A_49 : memref<62x80xi32, #tpu.memory_space<hbm>>) target(%arg8 : memref<62x80xi32, #tpu.memory_space<vmem>>) target_semaphore(%run_scoped3A : memref<!tpu.dma_semaphore, #tpu.memory_space<semaphore_mem>>)
      %dma_wait3A_50 = arith.constant 0 : i32
      %dma_wait3A_51 = arith.constant 0 : i32
      %dma_wait3A_52 = tpu.memref_slice %arg5[%add3A, %dma_wait3A_50, %dma_wait3A_51] : memref<32x62x80xi32, #tpu.memory_space<hbm>> -> memref<1x62x80xi32, #tpu.memory_space<hbm>>
      %dma_wait3A_53 = tpu.memref_squeeze %dma_wait3A_52 : memref<1x62x80xi32, #tpu.memory_space<hbm>> -> memref<62x80xi32, #tpu.memory_space<hbm>>
      %dma_wait3A_54 = arith.constant 0 : i32
      %dma_wait3A_55 = arith.constant 0 : i32
      %dma_wait3A_56 = tpu.memref_slice %arg5[%add3A, %dma_wait3A_54, %dma_wait3A_55] : memref<32x62x80xi32, #tpu.memory_space<hbm>> -> memref<1x62x80xi32, #tpu.memory_space<hbm>>
      %dma_wait3A_57 = tpu.memref_squeeze %dma_wait3A_56 : memref<1x62x80xi32, #tpu.memory_space<hbm>> -> memref<62x80xi32, #tpu.memory_space<hbm>>
      tpu.wait_dma2 semaphore(%run_scoped3A : memref<!tpu.dma_semaphore, #tpu.memory_space<semaphore_mem>>) src(%dma_wait3A_57 : memref<62x80xi32, #tpu.memory_space<hbm>>) dst(%arg8 : memref<62x80xi32, #tpu.memory_space<vmem>>)
      tpu.yield
    }) : () -> ()
    %dma_start3A = arith.constant 0 : i32
    %dma_start3A_3 = arith.constant 0 : i32
    %dma_start3A_4 = tpu.memref_slice %arg7[%dma_start3A, %dma_start3A_3] : memref<62x80xi32, #tpu.memory_space<vmem>> -> memref<1x80xi32, #tpu.memory_space<vmem>>
    %dma_start3A_5 = tpu.memref_squeeze %dma_start3A_4 : memref<1x80xi32, #tpu.memory_space<vmem>> -> memref<80xi32, #tpu.memory_space<vmem>>
    %dma_start3A_6 = arith.constant 0 : i32
    %dma_start3A_7 = arith.constant 0 : i32
    %dma_start3A_8 = tpu.memref_slice %arg2[%dma_start3A_6, %dma_start3A_7] : memref<10000x128xf32, #tpu.memory_space<hbm>> -> memref<10000x128xf32, #tpu.memory_space<hbm>>
    tpu.enqueue_indirect_dma source(%dma_start3A_8 : memref<10000x128xf32, #tpu.memory_space<hbm>>) target(%arg9 : memref<80x128xf32, #tpu.memory_space<vmem>>) offsets(%dma_start3A_5 : memref<80xi32, #tpu.memory_space<vmem>>) semaphore(%arg15 : memref<!tpu.dma_semaphore, #tpu.memory_space<semaphore_mem>>)
    %dma_start3A_9 = arith.constant 0 : i32
    %dma_start3A_10 = arith.constant 0 : i32
    %dma_start3A_11 = tpu.memref_slice %arg8[%dma_start3A_9, %dma_start3A_10] : memref<62x80xi32, #tpu.memory_space<vmem>> -> memref<1x80xi32, #tpu.memory_space<vmem>>
    %dma_start3A_12 = tpu.memref_squeeze %dma_start3A_11 : memref<1x80xi32, #tpu.memory_space<vmem>> -> memref<80xi32, #tpu.memory_space<vmem>>
    %dma_start3A_13 = arith.constant 0 : i32
    %dma_start3A_14 = arith.constant 0 : i32
    %dma_start3A_15 = tpu.memref_slice %arg3[%dma_start3A_13, %dma_start3A_14] : memref<10000x128xf32, #tpu.memory_space<hbm>> -> memref<10000x128xf32, #tpu.memory_space<hbm>>
    tpu.enqueue_indirect_dma source(%dma_start3A_15 : memref<10000x128xf32, #tpu.memory_space<hbm>>) target(%arg11 : memref<80x128xf32, #tpu.memory_space<vmem>>) offsets(%dma_start3A_12 : memref<80xi32, #tpu.memory_space<vmem>>) semaphore(%arg15 : memref<!tpu.dma_semaphore, #tpu.memory_space<semaphore_mem>>)
    %dma_start3A_16 = arith.constant 1 : i32
    %dma_start3A_17 = arith.constant 0 : i32
    %dma_start3A_18 = tpu.memref_slice %arg7[%dma_start3A_16, %dma_start3A_17] : memref<62x80xi32, #tpu.memory_space<vmem>> -> memref<1x80xi32, #tpu.memory_space<vmem>>
    %dma_start3A_19 = tpu.memref_squeeze %dma_start3A_18 : memref<1x80xi32, #tpu.memory_space<vmem>> -> memref<80xi32, #tpu.memory_space<vmem>>
    %dma_start3A_20 = arith.constant 0 : i32
    %dma_start3A_21 = arith.constant 0 : i32
    %dma_start3A_22 = tpu.memref_slice %arg2[%dma_start3A_20, %dma_start3A_21] : memref<10000x128xf32, #tpu.memory_space<hbm>> -> memref<10000x128xf32, #tpu.memory_space<hbm>>
    tpu.enqueue_indirect_dma source(%dma_start3A_22 : memref<10000x128xf32, #tpu.memory_space<hbm>>) target(%arg10 : memref<80x128xf32, #tpu.memory_space<vmem>>) offsets(%dma_start3A_19 : memref<80xi32, #tpu.memory_space<vmem>>) semaphore(%arg16 : memref<!tpu.dma_semaphore, #tpu.memory_space<semaphore_mem>>)
    %dma_start3A_23 = arith.constant 1 : i32
    %dma_start3A_24 = arith.constant 0 : i32
    %dma_start3A_25 = tpu.memref_slice %arg8[%dma_start3A_23, %dma_start3A_24] : memref<62x80xi32, #tpu.memory_space<vmem>> -> memref<1x80xi32, #tpu.memory_space<vmem>>
    %dma_start3A_26 = tpu.memref_squeeze %dma_start3A_25 : memref<1x80xi32, #tpu.memory_space<vmem>> -> memref<80xi32, #tpu.memory_space<vmem>>
    %dma_start3A_27 = arith.constant 0 : i32
    %dma_start3A_28 = arith.constant 0 : i32
    %dma_start3A_29 = tpu.memref_slice %arg3[%dma_start3A_27, %dma_start3A_28] : memref<10000x128xf32, #tpu.memory_space<hbm>> -> memref<10000x128xf32, #tpu.memory_space<hbm>>
    tpu.enqueue_indirect_dma source(%dma_start3A_29 : memref<10000x128xf32, #tpu.memory_space<hbm>>) target(%arg12 : memref<80x128xf32, #tpu.memory_space<vmem>>) offsets(%dma_start3A_26 : memref<80xi32, #tpu.memory_space<vmem>>) semaphore(%arg16 : memref<!tpu.dma_semaphore, #tpu.memory_space<semaphore_mem>>)
    %scan3A = arith.constant 0 : i32
    %scan3A_30 = arith.constant 0 : i32
    %scan3A_31 = arith.constant 31 : i32
    %scan3A_32 = arith.addi %scan3A_30, %scan3A_31 : i32
    %scan3A_33 = arith.constant 1 : i32
    scf.for %scan3A_42 = %scan3A_30 to %scan3A_32 step %scan3A_33  : i32 {
      %mul3A_43 = arith.constant 2 : i32
      %mul3A_44 = arith.muli %scan3A_42, %mul3A_43 : i32
      %add3A_45 = arith.constant 0 : i32
      %add3A_46 = arith.addi %mul3A_44, %add3A_45 : i32
      %dma_wait3A_47 = arith.constant 0 : i32
      %dma_wait3A_48 = arith.constant 0 : i32
      %dma_wait3A_49 = tpu.memref_slice %arg7[%dma_wait3A_47, %dma_wait3A_48] : memref<62x80xi32, #tpu.memory_space<vmem>> -> memref<1x80xi32, #tpu.memory_space<vmem>>
      %dma_wait3A_50 = tpu.memref_squeeze %dma_wait3A_49 : memref<1x80xi32, #tpu.memory_space<vmem>> -> memref<80xi32, #tpu.memory_space<vmem>>
      %dma_wait3A_51 = arith.constant 0 : i32
      %dma_wait3A_52 = arith.constant 0 : i32
      %dma_wait3A_53 = tpu.memref_slice %arg2[%dma_wait3A_51, %dma_wait3A_52] : memref<10000x128xf32, #tpu.memory_space<hbm>> -> memref<10000x128xf32, #tpu.memory_space<hbm>>
      tpu.wait_indirect_dma semaphore(%arg15 : memref<!tpu.dma_semaphore, #tpu.memory_space<semaphore_mem>>) src(%dma_wait3A_53 : memref<10000x128xf32, #tpu.memory_space<hbm>>) dst(%arg9 : memref<80x128xf32, #tpu.memory_space<vmem>>)
      %dma_wait3A_54 = arith.constant 0 : i32
      %dma_wait3A_55 = arith.constant 0 : i32
      %dma_wait3A_56 = tpu.memref_slice %arg8[%dma_wait3A_54, %dma_wait3A_55] : memref<62x80xi32, #tpu.memory_space<vmem>> -> memref<1x80xi32, #tpu.memory_space<vmem>>
      %dma_wait3A_57 = tpu.memref_squeeze %dma_wait3A_56 : memref<1x80xi32, #tpu.memory_space<vmem>> -> memref<80xi32, #tpu.memory_space<vmem>>
      %dma_wait3A_58 = arith.constant 0 : i32
      %dma_wait3A_59 = arith.constant 0 : i32
      %dma_wait3A_60 = tpu.memref_slice %arg3[%dma_wait3A_58, %dma_wait3A_59] : memref<10000x128xf32, #tpu.memory_space<hbm>> -> memref<10000x128xf32, #tpu.memory_space<hbm>>
      tpu.wait_indirect_dma semaphore(%arg15 : memref<!tpu.dma_semaphore, #tpu.memory_space<semaphore_mem>>) src(%dma_wait3A_60 : memref<10000x128xf32, #tpu.memory_space<hbm>>) dst(%arg11 : memref<80x128xf32, #tpu.memory_space<vmem>>)
      %ge3A = arith.constant 2 : i32
      %ge3A_61 = arith.cmpi sge, %add3A_46, %ge3A : i32
      %convert_element_type3A = arith.extui %ge3A_61 : i1 to i32
      %cond3A = arith.constant 0 : i32
      %cond3A_62 = arith.cmpi ne, %convert_element_type3A, %cond3A : i32
      scf.if %cond3A_62 {
        %dma_wait3A_118 = arith.constant 0 : i32
        %dma_wait3A_119 = tpu.memref_slice %arg6[%mul3A_2, %dma_wait3A_118] : memref<158720x128xf32, #tpu.memory_space<hbm>> -> memref<80x128xf32, #tpu.memory_space<hbm>>
        %dma_wait3A_120 = arith.constant 0 : i32
        %dma_wait3A_121 = tpu.memref_slice %arg6[%mul3A_2, %dma_wait3A_120] : memref<158720x128xf32, #tpu.memory_space<hbm>> -> memref<80x128xf32, #tpu.memory_space<hbm>>
        tpu.wait_dma2 semaphore(%arg17 : memref<!tpu.dma_semaphore, #tpu.memory_space<semaphore_mem>>) src(%arg13 : memref<80x128xf32, #tpu.memory_space<vmem>>) dst(%dma_wait3A_121 : memref<80x128xf32, #tpu.memory_space<hbm>>)
      } else {
      }
      %parallel_loop3A = arith.constant 0 : i32
      %parallel_loop3A_63 = arith.constant 80 : i32
      %parallel_loop3A_64 = arith.constant 1 : i32
      scf.for %parallel_loop3A_118 = %parallel_loop3A to %parallel_loop3A_63 step %parallel_loop3A_64  : i32 {
        %parallel_loop3A_119 = arith.index_cast %parallel_loop3A_118 : i32 to index
        %parallel_loop3A_120 = arith.constant 0 : index
        %parallel_loop3A_121 = tpu.vector_load %arg9[%parallel_loop3A_119, %parallel_loop3A_120] {strides = array<i32>} : memref<80x128xf32, #tpu.memory_space<vmem>>, vector<1x16xf32>,
        %parallel_loop3A_122 = vector.shape_cast %parallel_loop3A_121 : vector<1x16xf32> to vector<16xf32>
        %parallel_loop3A_123 = arith.index_cast %parallel_loop3A_118 : i32 to index
        %parallel_loop3A_124 = arith.constant 0 : index
        %parallel_loop3A_125 = tpu.vector_load %arg11[%parallel_loop3A_123, %parallel_loop3A_124] {strides = array<i32>} : memref<80x128xf32, #tpu.memory_space<vmem>>, vector<1x16xf32>,
        %parallel_loop3A_126 = vector.shape_cast %parallel_loop3A_125 : vector<1x16xf32> to vector<16xf32>
        %parallel_loop3A_127 = arith.addf %parallel_loop3A_122, %parallel_loop3A_126 : vector<16xf32>
        %parallel_loop3A_128 = arith.index_cast %parallel_loop3A_118 : i32 to index
        %parallel_loop3A_129 = arith.constant 0 : index
        %parallel_loop3A_130 = tpu.vector_load %arg13[%parallel_loop3A_128, %parallel_loop3A_129] {strides = array<i32>} : memref<80x128xf32, #tpu.memory_space<vmem>>, vector<1x16xf32>,
        %parallel_loop3A_131 = vector.shape_cast %parallel_loop3A_130 : vector<1x16xf32> to vector<16xf32>
        %parallel_loop3A_132 = vector.shape_cast %parallel_loop3A_127 : vector<16xf32> to vector<1x16xf32>
        tpu.vector_store %arg13[%parallel_loop3A_128, %parallel_loop3A_129], %parallel_loop3A_132 {strides = array<i32>} : memref<80x128xf32, #tpu.memory_space<vmem>>, vector<1x16xf32>,
        %parallel_loop3A_133 = arith.index_cast %parallel_loop3A_118 : i32 to index
        %parallel_loop3A_134 = arith.constant 16 : index
        %parallel_loop3A_135 = tpu.vector_load %arg9[%parallel_loop3A_133, %parallel_loop3A_134] {strides = array<i32>} : memref<80x128xf32, #tpu.memory_space<vmem>>, vector<1x16xf32>,
        %parallel_loop3A_136 = vector.shape_cast %parallel_loop3A_135 : vector<1x16xf32> to vector<16xf32>
        %parallel_loop3A_137 = arith.index_cast %parallel_loop3A_118 : i32 to index
        %parallel_loop3A_138 = arith.constant 16 : index
        %parallel_loop3A_139 = tpu.vector_load %arg11[%parallel_loop3A_137, %parallel_loop3A_138] {strides = array<i32>} : memref<80x128xf32, #tpu.memory_space<vmem>>, vector<1x16xf32>,
        %parallel_loop3A_140 = vector.shape_cast %parallel_loop3A_139 : vector<1x16xf32> to vector<16xf32>
        %parallel_loop3A_141 = arith.addf %parallel_loop3A_136, %parallel_loop3A_140 : vector<16xf32>
        %parallel_loop3A_142 = arith.index_cast %parallel_loop3A_118 : i32 to index
        %parallel_loop3A_143 = arith.constant 16 : index
        %parallel_loop3A_144 = tpu.vector_load %arg13[%parallel_loop3A_142, %parallel_loop3A_143] {strides = array<i32>} : memref<80x128xf32, #tpu.memory_space<vmem>>, vector<1x16xf32>,
        %parallel_loop3A_145 = vector.shape_cast %parallel_loop3A_144 : vector<1x16xf32> to vector<16xf32>
        %parallel_loop3A_146 = vector.shape_cast %parallel_loop3A_141 : vector<16xf32> to vector<1x16xf32>
        tpu.vector_store %arg13[%parallel_loop3A_142, %parallel_loop3A_143], %parallel_loop3A_146 {strides = array<i32>} : memref<80x128xf32, #tpu.memory_space<vmem>>, vector<1x16xf32>,
        %parallel_loop3A_147 = arith.index_cast %parallel_loop3A_118 : i32 to index
        %parallel_loop3A_148 = arith.constant 32 : index
        %parallel_loop3A_149 = tpu.vector_load %arg9[%parallel_loop3A_147, %parallel_loop3A_148] {strides = array<i32>} : memref<80x128xf32, #tpu.memory_space<vmem>>, vector<1x16xf32>,
        %parallel_loop3A_150 = vector.shape_cast %parallel_loop3A_149 : vector<1x16xf32> to vector<16xf32>
        %parallel_loop3A_151 = arith.index_cast %parallel_loop3A_118 : i32 to index
        %parallel_loop3A_152 = arith.constant 32 : index
        %parallel_loop3A_153 = tpu.vector_load %arg11[%parallel_loop3A_151, %parallel_loop3A_152] {strides = array<i32>} : memref<80x128xf32, #tpu.memory_space<vmem>>, vector<1x16xf32>,
        %parallel_loop3A_154 = vector.shape_cast %parallel_loop3A_153 : vector<1x16xf32> to vector<16xf32>
        %parallel_loop3A_155 = arith.addf %parallel_loop3A_150, %parallel_loop3A_154 : vector<16xf32>
        %parallel_loop3A_156 = arith.index_cast %parallel_loop3A_118 : i32 to index
        %parallel_loop3A_157 = arith.constant 32 : index
        %parallel_loop3A_158 = tpu.vector_load %arg13[%parallel_loop3A_156, %parallel_loop3A_157] {strides = array<i32>} : memref<80x128xf32, #tpu.memory_space<vmem>>, vector<1x16xf32>,
        %parallel_loop3A_159 = vector.shape_cast %parallel_loop3A_158 : vector<1x16xf32> to vector<16xf32>
        %parallel_loop3A_160 = vector.shape_cast %parallel_loop3A_155 : vector<16xf32> to vector<1x16xf32>
        tpu.vector_store %arg13[%parallel_loop3A_156, %parallel_loop3A_157], %parallel_loop3A_160 {strides = array<i32>} : memref<80x128xf32, #tpu.memory_space<vmem>>, vector<1x16xf32>,
        %parallel_loop3A_161 = arith.index_cast %parallel_loop3A_118 : i32 to index
        %parallel_loop3A_162 = arith.constant 48 : index
        %parallel_loop3A_163 = tpu.vector_load %arg9[%parallel_loop3A_161, %parallel_loop3A_162] {strides = array<i32>} : memref<80x128xf32, #tpu.memory_space<vmem>>, vector<1x16xf32>,
        %parallel_loop3A_164 = vector.shape_cast %parallel_loop3A_163 : vector<1x16xf32> to vector<16xf32>
        %parallel_loop3A_165 = arith.index_cast %parallel_loop3A_118 : i32 to index
        %parallel_loop3A_166 = arith.constant 48 : index
        %parallel_loop3A_167 = tpu.vector_load %arg11[%parallel_loop3A_165, %parallel_loop3A_166] {strides = array<i32>} : memref<80x128xf32, #tpu.memory_space<vmem>>, vector<1x16xf32>,
        %parallel_loop3A_168 = vector.shape_cast %parallel_loop3A_167 : vector<1x16xf32> to vector<16xf32>
        %parallel_loop3A_169 = arith.addf %parallel_loop3A_164, %parallel_loop3A_168 : vector<16xf32>
        %parallel_loop3A_170 = arith.index_cast %parallel_loop3A_118 : i32 to index
        %parallel_loop3A_171 = arith.constant 48 : index
        %parallel_loop3A_172 = tpu.vector_load %arg13[%parallel_loop3A_170, %parallel_loop3A_171] {strides = array<i32>} : memref<80x128xf32, #tpu.memory_space<vmem>>, vector<1x16xf32>,
        %parallel_loop3A_173 = vector.shape_cast %parallel_loop3A_172 : vector<1x16xf32> to vector<16xf32>
        %parallel_loop3A_174 = vector.shape_cast %parallel_loop3A_169 : vector<16xf32> to vector<1x16xf32>
        tpu.vector_store %arg13[%parallel_loop3A_170, %parallel_loop3A_171], %parallel_loop3A_174 {strides = array<i32>} : memref<80x128xf32, #tpu.memory_space<vmem>>, vector<1x16xf32>,
        %parallel_loop3A_175 = arith.index_cast %parallel_loop3A_118 : i32 to index
        %parallel_loop3A_176 = arith.constant 64 : index
        %parallel_loop3A_177 = tpu.vector_load %arg9[%parallel_loop3A_175, %parallel_loop3A_176] {strides = array<i32>} : memref<80x128xf32, #tpu.memory_space<vmem>>, vector<1x16xf32>,
        %parallel_loop3A_178 = vector.shape_cast %parallel_loop3A_177 : vector<1x16xf32> to vector<16xf32>
        %parallel_loop3A_179 = arith.index_cast %parallel_loop3A_118 : i32 to index
        %parallel_loop3A_180 = arith.constant 64 : index
        %parallel_loop3A_181 = tpu.vector_load %arg11[%parallel_loop3A_179, %parallel_loop3A_180] {strides = array<i32>} : memref<80x128xf32, #tpu.memory_space<vmem>>, vector<1x16xf32>,
        %parallel_loop3A_182 = vector.shape_cast %parallel_loop3A_181 : vector<1x16xf32> to vector<16xf32>
        %parallel_loop3A_183 = arith.addf %parallel_loop3A_178, %parallel_loop3A_182 : vector<16xf32>
        %parallel_loop3A_184 = arith.index_cast %parallel_loop3A_118 : i32 to index
        %parallel_loop3A_185 = arith.constant 64 : index
        %parallel_loop3A_186 = tpu.vector_load %arg13[%parallel_loop3A_184, %parallel_loop3A_185] {strides = array<i32>} : memref<80x128xf32, #tpu.memory_space<vmem>>, vector<1x16xf32>,
        %parallel_loop3A_187 = vector.shape_cast %parallel_loop3A_186 : vector<1x16xf32> to vector<16xf32>
        %parallel_loop3A_188 = vector.shape_cast %parallel_loop3A_183 : vector<16xf32> to vector<1x16xf32>
        tpu.vector_store %arg13[%parallel_loop3A_184, %parallel_loop3A_185], %parallel_loop3A_188 {strides = array<i32>} : memref<80x128xf32, #tpu.memory_space<vmem>>, vector<1x16xf32>,
        %parallel_loop3A_189 = arith.index_cast %parallel_loop3A_118 : i32 to index
        %parallel_loop3A_190 = arith.constant 80 : index
        %parallel_loop3A_191 = tpu.vector_load %arg9[%parallel_loop3A_189, %parallel_loop3A_190] {strides = array<i32>} : memref<80x128xf32, #tpu.memory_space<vmem>>, vector<1x16xf32>,
        %parallel_loop3A_192 = vector.shape_cast %parallel_loop3A_191 : vector<1x16xf32> to vector<16xf32>
        %parallel_loop3A_193 = arith.index_cast %parallel_loop3A_118 : i32 to index
        %parallel_loop3A_194 = arith.constant 80 : index
        %parallel_loop3A_195 = tpu.vector_load %arg11[%parallel_loop3A_193, %parallel_loop3A_194] {strides = array<i32>} : memref<80x128xf32, #tpu.memory_space<vmem>>, vector<1x16xf32>,
        %parallel_loop3A_196 = vector.shape_cast %parallel_loop3A_195 : vector<1x16xf32> to vector<16xf32>
        %parallel_loop3A_197 = arith.addf %parallel_loop3A_192, %parallel_loop3A_196 : vector<16xf32>
        %parallel_loop3A_198 = arith.index_cast %parallel_loop3A_118 : i32 to index
        %parallel_loop3A_199 = arith.constant 80 : index
        %parallel_loop3A_200 = tpu.vector_load %arg13[%parallel_loop3A_198, %parallel_loop3A_199] {strides = array<i32>} : memref<80x128xf32, #tpu.memory_space<vmem>>, vector<1x16xf32>,
        %parallel_loop3A_201 = vector.shape_cast %parallel_loop3A_200 : vector<1x16xf32> to vector<16xf32>
        %parallel_loop3A_202 = vector.shape_cast %parallel_loop3A_197 : vector<16xf32> to vector<1x16xf32>
        tpu.vector_store %arg13[%parallel_loop3A_198, %parallel_loop3A_199], %parallel_loop3A_202 {strides = array<i32>} : memref<80x128xf32, #tpu.memory_space<vmem>>, vector<1x16xf32>,
        %parallel_loop3A_203 = arith.index_cast %parallel_loop3A_118 : i32 to index
        %parallel_loop3A_204 = arith.constant 96 : index
        %parallel_loop3A_205 = tpu.vector_load %arg9[%parallel_loop3A_203, %parallel_loop3A_204] {strides = array<i32>} : memref<80x128xf32, #tpu.memory_space<vmem>>, vector<1x16xf32>,
        %parallel_loop3A_206 = vector.shape_cast %parallel_loop3A_205 : vector<1x16xf32> to vector<16xf32>
        %parallel_loop3A_207 = arith.index_cast %parallel_loop3A_118 : i32 to index
        %parallel_loop3A_208 = arith.constant 96 : index
        %parallel_loop3A_209 = tpu.vector_load %arg11[%parallel_loop3A_207, %parallel_loop3A_208] {strides = array<i32>} : memref<80x128xf32, #tpu.memory_space<vmem>>, vector<1x16xf32>,
        %parallel_loop3A_210 = vector.shape_cast %parallel_loop3A_209 : vector<1x16xf32> to vector<16xf32>
        %parallel_loop3A_211 = arith.addf %parallel_loop3A_206, %parallel_loop3A_210 : vector<16xf32>
        %parallel_loop3A_212 = arith.index_cast %parallel_loop3A_118 : i32 to index
        %parallel_loop3A_213 = arith.constant 96 : index
        %parallel_loop3A_214 = tpu.vector_load %arg13[%parallel_loop3A_212, %parallel_loop3A_213] {strides = array<i32>} : memref<80x128xf32, #tpu.memory_space<vmem>>, vector<1x16xf32>,
        %parallel_loop3A_215 = vector.shape_cast %parallel_loop3A_214 : vector<1x16xf32> to vector<16xf32>
        %parallel_loop3A_216 = vector.shape_cast %parallel_loop3A_211 : vector<16xf32> to vector<1x16xf32>
        tpu.vector_store %arg13[%parallel_loop3A_212, %parallel_loop3A_213], %parallel_loop3A_216 {strides = array<i32>} : memref<80x128xf32, #tpu.memory_space<vmem>>, vector<1x16xf32>,
        %parallel_loop3A_217 = arith.index_cast %parallel_loop3A_118 : i32 to index
        %parallel_loop3A_218 = arith.constant 112 : index
        %parallel_loop3A_219 = tpu.vector_load %arg9[%parallel_loop3A_217, %parallel_loop3A_218] {strides = array<i32>} : memref<80x128xf32, #tpu.memory_space<vmem>>, vector<1x16xf32>,
        %parallel_loop3A_220 = vector.shape_cast %parallel_loop3A_219 : vector<1x16xf32> to vector<16xf32>
        %parallel_loop3A_221 = arith.index_cast %parallel_loop3A_118 : i32 to index
        %parallel_loop3A_222 = arith.constant 112 : index
        %parallel_loop3A_223 = tpu.vector_load %arg11[%parallel_loop3A_221, %parallel_loop3A_222] {strides = array<i32>} : memref<80x128xf32, #tpu.memory_space<vmem>>, vector<1x16xf32>,
        %parallel_loop3A_224 = vector.shape_cast %parallel_loop3A_223 : vector<1x16xf32> to vector<16xf32>
        %parallel_loop3A_225 = arith.addf %parallel_loop3A_220, %parallel_loop3A_224 : vector<16xf32>
        %parallel_loop3A_226 = arith.index_cast %parallel_loop3A_118 : i32 to index
        %parallel_loop3A_227 = arith.constant 112 : index
        %parallel_loop3A_228 = tpu.vector_load %arg13[%parallel_loop3A_226, %parallel_loop3A_227] {strides = array<i32>} : memref<80x128xf32, #tpu.memory_space<vmem>>, vector<1x16xf32>,
        %parallel_loop3A_229 = vector.shape_cast %parallel_loop3A_228 : vector<1x16xf32> to vector<16xf32>
        %parallel_loop3A_230 = vector.shape_cast %parallel_loop3A_225 : vector<16xf32> to vector<1x16xf32>
        tpu.vector_store %arg13[%parallel_loop3A_226, %parallel_loop3A_227], %parallel_loop3A_230 {strides = array<i32>} : memref<80x128xf32, #tpu.memory_space<vmem>>, vector<1x16xf32>,
      } {sc.loop_unroll_factor = 2 : i64, sc.parallel_access}
      %mul3A_65 = arith.constant 80 : i32
      %mul3A_66 = arith.muli %add3A_46, %mul3A_65 : i32
      %add3A_67 = arith.addi %mul3A_2, %mul3A_66 : i32
      %dma_start3A_68 = arith.constant 0 : i32
      %dma_start3A_69 = tpu.memref_slice %arg6[%add3A_67, %dma_start3A_68] : memref<158720x128xf32, #tpu.memory_space<hbm>> -> memref<80x128xf32, #tpu.memory_space<hbm>>
      %dma_start3A_70 = arith.constant 0 : i32
      %dma_start3A_71 = tpu.memref_slice %arg6[%add3A_67, %dma_start3A_70] : memref<158720x128xf32, #tpu.memory_space<hbm>> -> memref<80x128xf32, #tpu.memory_space<hbm>>
      tpu.enqueue_dma source(%arg13 : memref<80x128xf32, #tpu.memory_space<vmem>>) target(%dma_start3A_71 : memref<80x128xf32, #tpu.memory_space<hbm>>) target_semaphore(%arg17 : memref<!tpu.dma_semaphore, #tpu.memory_space<semaphore_mem>>)
      %add3A_72 = arith.constant 2 : i32
      %add3A_73 = arith.addi %add3A_46, %add3A_72 : i32
      %lt3A = arith.constant 62 : i32
      %lt3A_74 = arith.cmpi slt, %add3A_73, %lt3A : i32
      %convert_element_type3A_75 = arith.extui %lt3A_74 : i1 to i32
      %cond3A_76 = arith.constant 0 : i32
      %cond3A_77 = arith.cmpi ne, %convert_element_type3A_75, %cond3A_76 : i32
      scf.if %cond3A_77 {
        %add3A_118 = arith.constant 2 : i32
        %add3A_119 = arith.addi %add3A_46, %add3A_118 : i32
        %dma_start3A_120 = arith.constant 0 : i32
        %dma_start3A_121 = tpu.memref_slice %arg7[%add3A_119, %dma_start3A_120] : memref<62x80xi32, #tpu.memory_space<vmem>> -> memref<1x80xi32, #tpu.memory_space<vmem>>
        %dma_start3A_122 = tpu.memref_squeeze %dma_start3A_121 : memref<1x80xi32, #tpu.memory_space<vmem>> -> memref<80xi32, #tpu.memory_space<vmem>>
        %dma_start3A_123 = arith.constant 0 : i32
        %dma_start3A_124 = arith.constant 0 : i32
        %dma_start3A_125 = tpu.memref_slice %arg2[%dma_start3A_123, %dma_start3A_124] : memref<10000x128xf32, #tpu.memory_space<hbm>> -> memref<10000x128xf32, #tpu.memory_space<hbm>>
        tpu.enqueue_indirect_dma source(%dma_start3A_125 : memref<10000x128xf32, #tpu.memory_space<hbm>>) target(%arg9 : memref<80x128xf32, #tpu.memory_space<vmem>>) offsets(%dma_start3A_122 : memref<80xi32, #tpu.memory_space<vmem>>) semaphore(%arg15 : memref<!tpu.dma_semaphore, #tpu.memory_space<semaphore_mem>>)
        %dma_start3A_126 = arith.constant 0 : i32
        %dma_start3A_127 = tpu.memref_slice %arg8[%add3A_119, %dma_start3A_126] : memref<62x80xi32, #tpu.memory_space<vmem>> -> memref<1x80xi32, #tpu.memory_space<vmem>>
        %dma_start3A_128 = tpu.memref_squeeze %dma_start3A_127 : memref<1x80xi32, #tpu.memory_space<vmem>> -> memref<80xi32, #tpu.memory_space<vmem>>
        %dma_start3A_129 = arith.constant 0 : i32
        %dma_start3A_130 = arith.constant 0 : i32
        %dma_start3A_131 = tpu.memref_slice %arg3[%dma_start3A_129, %dma_start3A_130] : memref<10000x128xf32, #tpu.memory_space<hbm>> -> memref<10000x128xf32, #tpu.memory_space<hbm>>
        tpu.enqueue_indirect_dma source(%dma_start3A_131 : memref<10000x128xf32, #tpu.memory_space<hbm>>) target(%arg11 : memref<80x128xf32, #tpu.memory_space<vmem>>) offsets(%dma_start3A_128 : memref<80xi32, #tpu.memory_space<vmem>>) semaphore(%arg15 : memref<!tpu.dma_semaphore, #tpu.memory_space<semaphore_mem>>)
      } else {
      }
      %mul3A_78 = arith.constant 2 : i32
      %mul3A_79 = arith.muli %scan3A_42, %mul3A_78 : i32
      %add3A_80 = arith.constant 1 : i32
      %add3A_81 = arith.addi %mul3A_79, %add3A_80 : i32
      %dma_wait3A_82 = arith.constant 0 : i32
      %dma_wait3A_83 = arith.constant 0 : i32
      %dma_wait3A_84 = tpu.memref_slice %arg7[%dma_wait3A_82, %dma_wait3A_83] : memref<62x80xi32, #tpu.memory_space<vmem>> -> memref<1x80xi32, #tpu.memory_space<vmem>>
      %dma_wait3A_85 = tpu.memref_squeeze %dma_wait3A_84 : memref<1x80xi32, #tpu.memory_space<vmem>> -> memref<80xi32, #tpu.memory_space<vmem>>
      %dma_wait3A_86 = arith.constant 0 : i32
      %dma_wait3A_87 = arith.constant 0 : i32
      %dma_wait3A_88 = tpu.memref_slice %arg2[%dma_wait3A_86, %dma_wait3A_87] : memref<10000x128xf32, #tpu.memory_space<hbm>> -> memref<10000x128xf32, #tpu.memory_space<hbm>>
      tpu.wait_indirect_dma semaphore(%arg16 : memref<!tpu.dma_semaphore, #tpu.memory_space<semaphore_mem>>) src(%dma_wait3A_88 : memref<10000x128xf32, #tpu.memory_space<hbm>>) dst(%arg10 : memref<80x128xf32, #tpu.memory_space<vmem>>)
      %dma_wait3A_89 = arith.constant 0 : i32
      %dma_wait3A_90 = arith.constant 0 : i32
      %dma_wait3A_91 = tpu.memref_slice %arg8[%dma_wait3A_89, %dma_wait3A_90] : memref<62x80xi32, #tpu.memory_space<vmem>> -> memref<1x80xi32, #tpu.memory_space<vmem>>
      %dma_wait3A_92 = tpu.memref_squeeze %dma_wait3A_91 : memref<1x80xi32, #tpu.memory_space<vmem>> -> memref<80xi32, #tpu.memory_space<vmem>>
      %dma_wait3A_93 = arith.constant 0 : i32
      %dma_wait3A_94 = arith.constant 0 : i32
      %dma_wait3A_95 = tpu.memref_slice %arg3[%dma_wait3A_93, %dma_wait3A_94] : memref<10000x128xf32, #tpu.memory_space<hbm>> -> memref<10000x128xf32, #tpu.memory_space<hbm>>
      tpu.wait_indirect_dma semaphore(%arg16 : memref<!tpu.dma_semaphore, #tpu.memory_space<semaphore_mem>>) src(%dma_wait3A_95 : memref<10000x128xf32, #tpu.memory_space<hbm>>) dst(%arg12 : memref<80x128xf32, #tpu.memory_space<vmem>>)
      %ge3A_96 = arith.constant 2 : i32
      %ge3A_97 = arith.cmpi sge, %add3A_81, %ge3A_96 : i32
      %convert_element_type3A_98 = arith.extui %ge3A_97 : i1 to i32
      %cond3A_99 = arith.constant 0 : i32
      %cond3A_100 = arith.cmpi ne, %convert_element_type3A_98, %cond3A_99 : i32
      scf.if %cond3A_100 {
        %dma_wait3A_118 = arith.constant 0 : i32
        %dma_wait3A_119 = tpu.memref_slice %arg6[%mul3A_2, %dma_wait3A_118] : memref<158720x128xf32, #tpu.memory_space<hbm>> -> memref<80x128xf32, #tpu.memory_space<hbm>>
        %dma_wait3A_120 = arith.constant 0 : i32
        %dma_wait3A_121 = tpu.memref_slice %arg6[%mul3A_2, %dma_wait3A_120] : memref<158720x128xf32, #tpu.memory_space<hbm>> -> memref<80x128xf32, #tpu.memory_space<hbm>>
        tpu.wait_dma2 semaphore(%arg18 : memref<!tpu.dma_semaphore, #tpu.memory_space<semaphore_mem>>) src(%arg14 : memref<80x128xf32, #tpu.memory_space<vmem>>) dst(%dma_wait3A_121 : memref<80x128xf32, #tpu.memory_space<hbm>>)
      } else {
      }
      %parallel_loop3A_101 = arith.constant 0 : i32
      %parallel_loop3A_102 = arith.constant 80 : i32
      %parallel_loop3A_103 = arith.constant 1 : i32
      scf.for %parallel_loop3A_118 = %parallel_loop3A_101 to %parallel_loop3A_102 step %parallel_loop3A_103  : i32 {
        %parallel_loop3A_119 = arith.index_cast %parallel_loop3A_118 : i32 to index
        %parallel_loop3A_120 = arith.constant 0 : index
        %parallel_loop3A_121 = tpu.vector_load %arg10[%parallel_loop3A_119, %parallel_loop3A_120] {strides = array<i32>} : memref<80x128xf32, #tpu.memory_space<vmem>>, vector<1x16xf32>,
        %parallel_loop3A_122 = vector.shape_cast %parallel_loop3A_121 : vector<1x16xf32> to vector<16xf32>
        %parallel_loop3A_123 = arith.index_cast %parallel_loop3A_118 : i32 to index
        %parallel_loop3A_124 = arith.constant 0 : index
        %parallel_loop3A_125 = tpu.vector_load %arg12[%parallel_loop3A_123, %parallel_loop3A_124] {strides = array<i32>} : memref<80x128xf32, #tpu.memory_space<vmem>>, vector<1x16xf32>,
        %parallel_loop3A_126 = vector.shape_cast %parallel_loop3A_125 : vector<1x16xf32> to vector<16xf32>
        %parallel_loop3A_127 = arith.addf %parallel_loop3A_122, %parallel_loop3A_126 : vector<16xf32>
        %parallel_loop3A_128 = arith.index_cast %parallel_loop3A_118 : i32 to index
        %parallel_loop3A_129 = arith.constant 0 : index
        %parallel_loop3A_130 = tpu.vector_load %arg14[%parallel_loop3A_128, %parallel_loop3A_129] {strides = array<i32>} : memref<80x128xf32, #tpu.memory_space<vmem>>, vector<1x16xf32>,
        %parallel_loop3A_131 = vector.shape_cast %parallel_loop3A_130 : vector<1x16xf32> to vector<16xf32>
        %parallel_loop3A_132 = vector.shape_cast %parallel_loop3A_127 : vector<16xf32> to vector<1x16xf32>
        tpu.vector_store %arg14[%parallel_loop3A_128, %parallel_loop3A_129], %parallel_loop3A_132 {strides = array<i32>} : memref<80x128xf32, #tpu.memory_space<vmem>>, vector<1x16xf32>,
        %parallel_loop3A_133 = arith.index_cast %parallel_loop3A_118 : i32 to index
        %parallel_loop3A_134 = arith.constant 16 : index
        %parallel_loop3A_135 = tpu.vector_load %arg10[%parallel_loop3A_133, %parallel_loop3A_134] {strides = array<i32>} : memref<80x128xf32, #tpu.memory_space<vmem>>, vector<1x16xf32>,
        %parallel_loop3A_136 = vector.shape_cast %parallel_loop3A_135 : vector<1x16xf32> to vector<16xf32>
        %parallel_loop3A_137 = arith.index_cast %parallel_loop3A_118 : i32 to index
        %parallel_loop3A_138 = arith.constant 16 : index
        %parallel_loop3A_139 = tpu.vector_load %arg12[%parallel_loop3A_137, %parallel_loop3A_138] {strides = array<i32>} : memref<80x128xf32, #tpu.memory_space<vmem>>, vector<1x16xf32>,
        %parallel_loop3A_140 = vector.shape_cast %parallel_loop3A_139 : vector<1x16xf32> to vector<16xf32>
        %parallel_loop3A_141 = arith.addf %parallel_loop3A_136, %parallel_loop3A_140 : vector<16xf32>
        %parallel_loop3A_142 = arith.index_cast %parallel_loop3A_118 : i32 to index
        %parallel_loop3A_143 = arith.constant 16 : index
        %parallel_loop3A_144 = tpu.vector_load %arg14[%parallel_loop3A_142, %parallel_loop3A_143] {strides = array<i32>} : memref<80x128xf32, #tpu.memory_space<vmem>>, vector<1x16xf32>,
        %parallel_loop3A_145 = vector.shape_cast %parallel_loop3A_144 : vector<1x16xf32> to vector<16xf32>
        %parallel_loop3A_146 = vector.shape_cast %parallel_loop3A_141 : vector<16xf32> to vector<1x16xf32>
        tpu.vector_store %arg14[%parallel_loop3A_142, %parallel_loop3A_143], %parallel_loop3A_146 {strides = array<i32>} : memref<80x128xf32, #tpu.memory_space<vmem>>, vector<1x16xf32>,
        %parallel_loop3A_147 = arith.index_cast %parallel_loop3A_118 : i32 to index
        %parallel_loop3A_148 = arith.constant 32 : index
        %parallel_loop3A_149 = tpu.vector_load %arg10[%parallel_loop3A_147, %parallel_loop3A_148] {strides = array<i32>} : memref<80x128xf32, #tpu.memory_space<vmem>>, vector<1x16xf32>,
        %parallel_loop3A_150 = vector.shape_cast %parallel_loop3A_149 : vector<1x16xf32> to vector<16xf32>
        %parallel_loop3A_151 = arith.index_cast %parallel_loop3A_118 : i32 to index
        %parallel_loop3A_152 = arith.constant 32 : index
        %parallel_loop3A_153 = tpu.vector_load %arg12[%parallel_loop3A_151, %parallel_loop3A_152] {strides = array<i32>} : memref<80x128xf32, #tpu.memory_space<vmem>>, vector<1x16xf32>,
        %parallel_loop3A_154 = vector.shape_cast %parallel_loop3A_153 : vector<1x16xf32> to vector<16xf32>
        %parallel_loop3A_155 = arith.addf %parallel_loop3A_150, %parallel_loop3A_154 : vector<16xf32>
        %parallel_loop3A_156 = arith.index_cast %parallel_loop3A_118 : i32 to index
        %parallel_loop3A_157 = arith.constant 32 : index
        %parallel_loop3A_158 = tpu.vector_load %arg14[%parallel_loop3A_156, %parallel_loop3A_157] {strides = array<i32>} : memref<80x128xf32, #tpu.memory_space<vmem>>, vector<1x16xf32>,
        %parallel_loop3A_159 = vector.shape_cast %parallel_loop3A_158 : vector<1x16xf32> to vector<16xf32>
        %parallel_loop3A_160 = vector.shape_cast %parallel_loop3A_155 : vector<16xf32> to vector<1x16xf32>
        tpu.vector_store %arg14[%parallel_loop3A_156, %parallel_loop3A_157], %parallel_loop3A_160 {strides = array<i32>} : memref<80x128xf32, #tpu.memory_space<vmem>>, vector<1x16xf32>,
        %parallel_loop3A_161 = arith.index_cast %parallel_loop3A_118 : i32 to index
        %parallel_loop3A_162 = arith.constant 48 : index
        %parallel_loop3A_163 = tpu.vector_load %arg10[%parallel_loop3A_161, %parallel_loop3A_162] {strides = array<i32>} : memref<80x128xf32, #tpu.memory_space<vmem>>, vector<1x16xf32>,
        %parallel_loop3A_164 = vector.shape_cast %parallel_loop3A_163 : vector<1x16xf32> to vector<16xf32>
        %parallel_loop3A_165 = arith.index_cast %parallel_loop3A_118 : i32 to index
        %parallel_loop3A_166 = arith.constant 48 : index
        %parallel_loop3A_167 = tpu.vector_load %arg12[%parallel_loop3A_165, %parallel_loop3A_166] {strides = array<i32>} : memref<80x128xf32, #tpu.memory_space<vmem>>, vector<1x16xf32>,
        %parallel_loop3A_168 = vector.shape_cast %parallel_loop3A_167 : vector<1x16xf32> to vector<16xf32>
        %parallel_loop3A_169 = arith.addf %parallel_loop3A_164, %parallel_loop3A_168 : vector<16xf32>
        %parallel_loop3A_170 = arith.index_cast %parallel_loop3A_118 : i32 to index
        %parallel_loop3A_171 = arith.constant 48 : index
        %parallel_loop3A_172 = tpu.vector_load %arg14[%parallel_loop3A_170, %parallel_loop3A_171] {strides = array<i32>} : memref<80x128xf32, #tpu.memory_space<vmem>>, vector<1x16xf32>,
        %parallel_loop3A_173 = vector.shape_cast %parallel_loop3A_172 : vector<1x16xf32> to vector<16xf32>
        %parallel_loop3A_174 = vector.shape_cast %parallel_loop3A_169 : vector<16xf32> to vector<1x16xf32>
        tpu.vector_store %arg14[%parallel_loop3A_170, %parallel_loop3A_171], %parallel_loop3A_174 {strides = array<i32>} : memref<80x128xf32, #tpu.memory_space<vmem>>, vector<1x16xf32>,
        %parallel_loop3A_175 = arith.index_cast %parallel_loop3A_118 : i32 to index
        %parallel_loop3A_176 = arith.constant 64 : index
        %parallel_loop3A_177 = tpu.vector_load %arg10[%parallel_loop3A_175, %parallel_loop3A_176] {strides = array<i32>} : memref<80x128xf32, #tpu.memory_space<vmem>>, vector<1x16xf32>,
        %parallel_loop3A_178 = vector.shape_cast %parallel_loop3A_177 : vector<1x16xf32> to vector<16xf32>
        %parallel_loop3A_179 = arith.index_cast %parallel_loop3A_118 : i32 to index
        %parallel_loop3A_180 = arith.constant 64 : index
        %parallel_loop3A_181 = tpu.vector_load %arg12[%parallel_loop3A_179, %parallel_loop3A_180] {strides = array<i32>} : memref<80x128xf32, #tpu.memory_space<vmem>>, vector<1x16xf32>,
        %parallel_loop3A_182 = vector.shape_cast %parallel_loop3A_181 : vector<1x16xf32> to vector<16xf32>
        %parallel_loop3A_183 = arith.addf %parallel_loop3A_178, %parallel_loop3A_182 : vector<16xf32>
        %parallel_loop3A_184 = arith.index_cast %parallel_loop3A_118 : i32 to index
        %parallel_loop3A_185 = arith.constant 64 : index
        %parallel_loop3A_186 = tpu.vector_load %arg14[%parallel_loop3A_184, %parallel_loop3A_185] {strides = array<i32>} : memref<80x128xf32, #tpu.memory_space<vmem>>, vector<1x16xf32>,
        %parallel_loop3A_187 = vector.shape_cast %parallel_loop3A_186 : vector<1x16xf32> to vector<16xf32>
        %parallel_loop3A_188 = vector.shape_cast %parallel_loop3A_183 : vector<16xf32> to vector<1x16xf32>
        tpu.vector_store %arg14[%parallel_loop3A_184, %parallel_loop3A_185], %parallel_loop3A_188 {strides = array<i32>} : memref<80x128xf32, #tpu.memory_space<vmem>>, vector<1x16xf32>,
        %parallel_loop3A_189 = arith.index_cast %parallel_loop3A_118 : i32 to index
        %parallel_loop3A_190 = arith.constant 80 : index
        %parallel_loop3A_191 = tpu.vector_load %arg10[%parallel_loop3A_189, %parallel_loop3A_190] {strides = array<i32>} : memref<80x128xf32, #tpu.memory_space<vmem>>, vector<1x16xf32>,
        %parallel_loop3A_192 = vector.shape_cast %parallel_loop3A_191 : vector<1x16xf32> to vector<16xf32>
        %parallel_loop3A_193 = arith.index_cast %parallel_loop3A_118 : i32 to index
        %parallel_loop3A_194 = arith.constant 80 : index
        %parallel_loop3A_195 = tpu.vector_load %arg12[%parallel_loop3A_193, %parallel_loop3A_194] {strides = array<i32>} : memref<80x128xf32, #tpu.memory_space<vmem>>, vector<1x16xf32>,
        %parallel_loop3A_196 = vector.shape_cast %parallel_loop3A_195 : vector<1x16xf32> to vector<16xf32>
        %parallel_loop3A_197 = arith.addf %parallel_loop3A_192, %parallel_loop3A_196 : vector<16xf32>
        %parallel_loop3A_198 = arith.index_cast %parallel_loop3A_118 : i32 to index
        %parallel_loop3A_199 = arith.constant 80 : index
        %parallel_loop3A_200 = tpu.vector_load %arg14[%parallel_loop3A_198, %parallel_loop3A_199] {strides = array<i32>} : memref<80x128xf32, #tpu.memory_space<vmem>>, vector<1x16xf32>,
        %parallel_loop3A_201 = vector.shape_cast %parallel_loop3A_200 : vector<1x16xf32> to vector<16xf32>
        %parallel_loop3A_202 = vector.shape_cast %parallel_loop3A_197 : vector<16xf32> to vector<1x16xf32>
        tpu.vector_store %arg14[%parallel_loop3A_198, %parallel_loop3A_199], %parallel_loop3A_202 {strides = array<i32>} : memref<80x128xf32, #tpu.memory_space<vmem>>, vector<1x16xf32>,
        %parallel_loop3A_203 = arith.index_cast %parallel_loop3A_118 : i32 to index
        %parallel_loop3A_204 = arith.constant 96 : index
        %parallel_loop3A_205 = tpu.vector_load %arg10[%parallel_loop3A_203, %parallel_loop3A_204] {strides = array<i32>} : memref<80x128xf32, #tpu.memory_space<vmem>>, vector<1x16xf32>,
        %parallel_loop3A_206 = vector.shape_cast %parallel_loop3A_205 : vector<1x16xf32> to vector<16xf32>
        %parallel_loop3A_207 = arith.index_cast %parallel_loop3A_118 : i32 to index
        %parallel_loop3A_208 = arith.constant 96 : index
        %parallel_loop3A_209 = tpu.vector_load %arg12[%parallel_loop3A_207, %parallel_loop3A_208] {strides = array<i32>} : memref<80x128xf32, #tpu.memory_space<vmem>>, vector<1x16xf32>,
        %parallel_loop3A_210 = vector.shape_cast %parallel_loop3A_209 : vector<1x16xf32> to vector<16xf32>
        %parallel_loop3A_211 = arith.addf %parallel_loop3A_206, %parallel_loop3A_210 : vector<16xf32>
        %parallel_loop3A_212 = arith.index_cast %parallel_loop3A_118 : i32 to index
        %parallel_loop3A_213 = arith.constant 96 : index
        %parallel_loop3A_214 = tpu.vector_load %arg14[%parallel_loop3A_212, %parallel_loop3A_213] {strides = array<i32>} : memref<80x128xf32, #tpu.memory_space<vmem>>, vector<1x16xf32>,
        %parallel_loop3A_215 = vector.shape_cast %parallel_loop3A_214 : vector<1x16xf32> to vector<16xf32>
        %parallel_loop3A_216 = vector.shape_cast %parallel_loop3A_211 : vector<16xf32> to vector<1x16xf32>
        tpu.vector_store %arg14[%parallel_loop3A_212, %parallel_loop3A_213], %parallel_loop3A_216 {strides = array<i32>} : memref<80x128xf32, #tpu.memory_space<vmem>>, vector<1x16xf32>,
        %parallel_loop3A_217 = arith.index_cast %parallel_loop3A_118 : i32 to index
        %parallel_loop3A_218 = arith.constant 112 : index
        %parallel_loop3A_219 = tpu.vector_load %arg10[%parallel_loop3A_217, %parallel_loop3A_218] {strides = array<i32>} : memref<80x128xf32, #tpu.memory_space<vmem>>, vector<1x16xf32>,
        %parallel_loop3A_220 = vector.shape_cast %parallel_loop3A_219 : vector<1x16xf32> to vector<16xf32>
        %parallel_loop3A_221 = arith.index_cast %parallel_loop3A_118 : i32 to index
        %parallel_loop3A_222 = arith.constant 112 : index
        %parallel_loop3A_223 = tpu.vector_load %arg12[%parallel_loop3A_221, %parallel_loop3A_222] {strides = array<i32>} : memref<80x128xf32, #tpu.memory_space<vmem>>, vector<1x16xf32>,
        %parallel_loop3A_224 = vector.shape_cast %parallel_loop3A_223 : vector<1x16xf32> to vector<16xf32>
        %parallel_loop3A_225 = arith.addf %parallel_loop3A_220, %parallel_loop3A_224 : vector<16xf32>
        %parallel_loop3A_226 = arith.index_cast %parallel_loop3A_118 : i32 to index
        %parallel_loop3A_227 = arith.constant 112 : index
        %parallel_loop3A_228 = tpu.vector_load %arg14[%parallel_loop3A_226, %parallel_loop3A_227] {strides = array<i32>} : memref<80x128xf32, #tpu.memory_space<vmem>>, vector<1x16xf32>,
        %parallel_loop3A_229 = vector.shape_cast %parallel_loop3A_228 : vector<1x16xf32> to vector<16xf32>
        %parallel_loop3A_230 = vector.shape_cast %parallel_loop3A_225 : vector<16xf32> to vector<1x16xf32>
        tpu.vector_store %arg14[%parallel_loop3A_226, %parallel_loop3A_227], %parallel_loop3A_230 {strides = array<i32>} : memref<80x128xf32, #tpu.memory_space<vmem>>, vector<1x16xf32>,
      } {sc.loop_unroll_factor = 2 : i64, sc.parallel_access}
      %mul3A_104 = arith.constant 80 : i32
      %mul3A_105 = arith.muli %add3A_81, %mul3A_104 : i32
      %add3A_106 = arith.addi %mul3A_2, %mul3A_105 : i32
      %dma_start3A_107 = arith.constant 0 : i32
      %dma_start3A_108 = tpu.memref_slice %arg6[%add3A_106, %dma_start3A_107] : memref<158720x128xf32, #tpu.memory_space<hbm>> -> memref<80x128xf32, #tpu.memory_space<hbm>>
      %dma_start3A_109 = arith.constant 0 : i32
      %dma_start3A_110 = tpu.memref_slice %arg6[%add3A_106, %dma_start3A_109] : memref<158720x128xf32, #tpu.memory_space<hbm>> -> memref<80x128xf32, #tpu.memory_space<hbm>>
      tpu.enqueue_dma source(%arg14 : memref<80x128xf32, #tpu.memory_space<vmem>>) target(%dma_start3A_110 : memref<80x128xf32, #tpu.memory_space<hbm>>) target_semaphore(%arg18 : memref<!tpu.dma_semaphore, #tpu.memory_space<semaphore_mem>>)
      %add3A_111 = arith.constant 2 : i32
      %add3A_112 = arith.addi %add3A_81, %add3A_111 : i32
      %lt3A_113 = arith.constant 62 : i32
      %lt3A_114 = arith.cmpi slt, %add3A_112, %lt3A_113 : i32
      %convert_element_type3A_115 = arith.extui %lt3A_114 : i1 to i32
      %cond3A_116 = arith.constant 0 : i32
      %cond3A_117 = arith.cmpi ne, %convert_element_type3A_115, %cond3A_116 : i32
      scf.if %cond3A_117 {
        %add3A_118 = arith.constant 2 : i32
        %add3A_119 = arith.addi %add3A_81, %add3A_118 : i32
        %dma_start3A_120 = arith.constant 0 : i32
        %dma_start3A_121 = tpu.memref_slice %arg7[%add3A_119, %dma_start3A_120] : memref<62x80xi32, #tpu.memory_space<vmem>> -> memref<1x80xi32, #tpu.memory_space<vmem>>
        %dma_start3A_122 = tpu.memref_squeeze %dma_start3A_121 : memref<1x80xi32, #tpu.memory_space<vmem>> -> memref<80xi32, #tpu.memory_space<vmem>>
        %dma_start3A_123 = arith.constant 0 : i32
        %dma_start3A_124 = arith.constant 0 : i32
        %dma_start3A_125 = tpu.memref_slice %arg2[%dma_start3A_123, %dma_start3A_124] : memref<10000x128xf32, #tpu.memory_space<hbm>> -> memref<10000x128xf32, #tpu.memory_space<hbm>>
        tpu.enqueue_indirect_dma source(%dma_start3A_125 : memref<10000x128xf32, #tpu.memory_space<hbm>>) target(%arg10 : memref<80x128xf32, #tpu.memory_space<vmem>>) offsets(%dma_start3A_122 : memref<80xi32, #tpu.memory_space<vmem>>) semaphore(%arg16 : memref<!tpu.dma_semaphore, #tpu.memory_space<semaphore_mem>>)
        %dma_start3A_126 = arith.constant 0 : i32
        %dma_start3A_127 = tpu.memref_slice %arg8[%add3A_119, %dma_start3A_126] : memref<62x80xi32, #tpu.memory_space<vmem>> -> memref<1x80xi32, #tpu.memory_space<vmem>>
        %dma_start3A_128 = tpu.memref_squeeze %dma_start3A_127 : memref<1x80xi32, #tpu.memory_space<vmem>> -> memref<80xi32, #tpu.memory_space<vmem>>
        %dma_start3A_129 = arith.constant 0 : i32
        %dma_start3A_130 = arith.constant 0 : i32
        %dma_start3A_131 = tpu.memref_slice %arg3[%dma_start3A_129, %dma_start3A_130] : memref<10000x128xf32, #tpu.memory_space<hbm>> -> memref<10000x128xf32, #tpu.memory_space<hbm>>
        tpu.enqueue_indirect_dma source(%dma_start3A_131 : memref<10000x128xf32, #tpu.memory_space<hbm>>) target(%arg12 : memref<80x128xf32, #tpu.memory_space<vmem>>) offsets(%dma_start3A_128 : memref<80xi32, #tpu.memory_space<vmem>>) semaphore(%arg16 : memref<!tpu.dma_semaphore, #tpu.memory_space<semaphore_mem>>)
      } else {
      }
    }
    %scan3A_34 = arith.constant 31 : i32
    %dma_wait3A = arith.constant 0 : i32
    %dma_wait3A_35 = tpu.memref_slice %arg6[%mul3A_2, %dma_wait3A] : memref<158720x128xf32, #tpu.memory_space<hbm>> -> memref<80x128xf32, #tpu.memory_space<hbm>>
    %dma_wait3A_36 = arith.constant 0 : i32
    %dma_wait3A_37 = tpu.memref_slice %arg6[%mul3A_2, %dma_wait3A_36] : memref<158720x128xf32, #tpu.memory_space<hbm>> -> memref<80x128xf32, #tpu.memory_space<hbm>>
    tpu.wait_dma2 semaphore(%arg17 : memref<!tpu.dma_semaphore, #tpu.memory_space<semaphore_mem>>) src(%arg13 : memref<80x128xf32, #tpu.memory_space<vmem>>) dst(%dma_wait3A_37 : memref<80x128xf32, #tpu.memory_space<hbm>>)
    %dma_wait3A_38 = arith.constant 0 : i32
    %dma_wait3A_39 = tpu.memref_slice %arg6[%mul3A_2, %dma_wait3A_38] : memref<158720x128xf32, #tpu.memory_space<hbm>> -> memref<80x128xf32, #tpu.memory_space<hbm>>
    %dma_wait3A_40 = arith.constant 0 : i32
    %dma_wait3A_41 = tpu.memref_slice %arg6[%mul3A_2, %dma_wait3A_40] : memref<158720x128xf32, #tpu.memory_space<hbm>> -> memref<80x128xf32, #tpu.memory_space<hbm>>
    tpu.wait_dma2 semaphore(%arg18 : memref<!tpu.dma_semaphore, #tpu.memory_space<semaphore_mem>>) src(%arg14 : memref<80x128xf32, #tpu.memory_space<vmem>>) dst(%dma_wait3A_41 : memref<80x128xf32, #tpu.memory_space<hbm>>)
    return
  }
}

#map = affine_map<(d0, d1) -> (0, 0)>
#map1 = affine_map<(d0, d1) -> (0, 0, 0)>
module attributes {stable_mosaic.version = 14 : i64} {
  func.func @gather_k(%arg0: i32, %arg1: i32, %arg2: memref<10000x128xf32, #tpu.memory_space<hbm>>, %arg3: memref<10000x128xf32, #tpu.memory_space<hbm>>, %arg4: memref<32x63x80xi32, #tpu.memory_space<hbm>>, %arg5: memref<32x63x80xi32, #tpu.memory_space<hbm>>, %arg6: memref<161280x128xf32, #tpu.memory_space<hbm>>, %arg7: memref<63x80xi32, #tpu.memory_space<vmem>>, %arg8: memref<63x80xi32, #tpu.memory_space<vmem>>, %arg9: memref<80x128xf32, #tpu.memory_space<vmem>>, %arg10: memref<80x128xf32, #tpu.memory_space<vmem>>, %arg11: memref<80x128xf32, #tpu.memory_space<vmem>>, %arg12: memref<80x128xf32, #tpu.memory_space<vmem>>, %arg13: memref<80x128xf32, #tpu.memory_space<vmem>>, %arg14: memref<80x128xf32, #tpu.memory_space<vmem>>, %arg15: memref<!tpu.dma_semaphore, #tpu.memory_space<semaphore_mem>>, %arg16: memref<!tpu.dma_semaphore, #tpu.memory_space<semaphore_mem>>, %arg17: memref<!tpu.dma_semaphore, #tpu.memory_space<semaphore_mem>>, %arg18: memref<!tpu.dma_semaphore, #tpu.memory_space<semaphore_mem>>) attributes {dimension_semantics = [#tpu.dimension_semantics<core_parallel>, #tpu.dimension_semantics<subcore_parallel>], iteration_bounds = array<i64: 2, 16>, scalar_prefetch = 0 : i64, scratch_operands = 12 : i64, tpu.core_type = #tpu.core_type<sc_vector_subcore>, window_params = [{transform_indices = #map}, {transform_indices = #map}, {transform_indices = #map1}, {transform_indices = #map1}, {transform_indices = #map}]} {
    %mul3A = arith.constant 2 : i32
    %mul3A_0 = arith.muli %arg1, %mul3A : i32
    %add3A = arith.addi %mul3A_0, %arg0 : i32
    %mul3A_1 = arith.constant 5040 : i32
    %mul3A_2 = arith.muli %add3A, %mul3A_1 : i32
    "tpu.region"() ({
      %run_scoped3A = tpu.sem_alloc : memref<!tpu.dma_semaphore, #tpu.memory_space<semaphore_mem>>
      %dma_start3A_68 = arith.constant 0 : i32
      %dma_start3A_69 = arith.constant 0 : i32
      %dma_start3A_70 = tpu.memref_slice %arg4[%add3A, %dma_start3A_68, %dma_start3A_69] : memref<32x63x80xi32, #tpu.memory_space<hbm>> -> memref<1x63x80xi32, #tpu.memory_space<hbm>>
      %dma_start3A_71 = tpu.memref_squeeze %dma_start3A_70 : memref<1x63x80xi32, #tpu.memory_space<hbm>> -> memref<63x80xi32, #tpu.memory_space<hbm>>
      %dma_start3A_72 = arith.constant 0 : i32
      %dma_start3A_73 = arith.constant 0 : i32
      %dma_start3A_74 = tpu.memref_slice %arg4[%add3A, %dma_start3A_72, %dma_start3A_73] : memref<32x63x80xi32, #tpu.memory_space<hbm>> -> memref<1x63x80xi32, #tpu.memory_space<hbm>>
      %dma_start3A_75 = tpu.memref_squeeze %dma_start3A_74 : memref<1x63x80xi32, #tpu.memory_space<hbm>> -> memref<63x80xi32, #tpu.memory_space<hbm>>
      tpu.enqueue_dma source(%dma_start3A_75 : memref<63x80xi32, #tpu.memory_space<hbm>>) target(%arg7 : memref<63x80xi32, #tpu.memory_space<vmem>>) target_semaphore(%run_scoped3A : memref<!tpu.dma_semaphore, #tpu.memory_space<semaphore_mem>>)
      %dma_wait3A_76 = arith.constant 0 : i32
      %dma_wait3A_77 = arith.constant 0 : i32
      %dma_wait3A_78 = tpu.memref_slice %arg4[%add3A, %dma_wait3A_76, %dma_wait3A_77] : memref<32x63x80xi32, #tpu.memory_space<hbm>> -> memref<1x63x80xi32, #tpu.memory_space<hbm>>
      %dma_wait3A_79 = tpu.memref_squeeze %dma_wait3A_78 : memref<1x63x80xi32, #tpu.memory_space<hbm>> -> memref<63x80xi32, #tpu.memory_space<hbm>>
      %dma_wait3A_80 = arith.constant 0 : i32
      %dma_wait3A_81 = arith.constant 0 : i32
      %dma_wait3A_82 = tpu.memref_slice %arg4[%add3A, %dma_wait3A_80, %dma_wait3A_81] : memref<32x63x80xi32, #tpu.memory_space<hbm>> -> memref<1x63x80xi32, #tpu.memory_space<hbm>>
      %dma_wait3A_83 = tpu.memref_squeeze %dma_wait3A_82 : memref<1x63x80xi32, #tpu.memory_space<hbm>> -> memref<63x80xi32, #tpu.memory_space<hbm>>
      tpu.wait_dma2 semaphore(%run_scoped3A : memref<!tpu.dma_semaphore, #tpu.memory_space<semaphore_mem>>) src(%dma_wait3A_83 : memref<63x80xi32, #tpu.memory_space<hbm>>) dst(%arg7 : memref<63x80xi32, #tpu.memory_space<vmem>>)
      tpu.yield
    }) : () -> ()
    "tpu.region"() ({
      %run_scoped3A = tpu.sem_alloc : memref<!tpu.dma_semaphore, #tpu.memory_space<semaphore_mem>>
      %dma_start3A_68 = arith.constant 0 : i32
      %dma_start3A_69 = arith.constant 0 : i32
      %dma_start3A_70 = tpu.memref_slice %arg5[%add3A, %dma_start3A_68, %dma_start3A_69] : memref<32x63x80xi32, #tpu.memory_space<hbm>> -> memref<1x63x80xi32, #tpu.memory_space<hbm>>
      %dma_start3A_71 = tpu.memref_squeeze %dma_start3A_70 : memref<1x63x80xi32, #tpu.memory_space<hbm>> -> memref<63x80xi32, #tpu.memory_space<hbm>>
      %dma_start3A_72 = arith.constant 0 : i32
      %dma_start3A_73 = arith.constant 0 : i32
      %dma_start3A_74 = tpu.memref_slice %arg5[%add3A, %dma_start3A_72, %dma_start3A_73] : memref<32x63x80xi32, #tpu.memory_space<hbm>> -> memref<1x63x80xi32, #tpu.memory_space<hbm>>
      %dma_start3A_75 = tpu.memref_squeeze %dma_start3A_74 : memref<1x63x80xi32, #tpu.memory_space<hbm>> -> memref<63x80xi32, #tpu.memory_space<hbm>>
      tpu.enqueue_dma source(%dma_start3A_75 : memref<63x80xi32, #tpu.memory_space<hbm>>) target(%arg8 : memref<63x80xi32, #tpu.memory_space<vmem>>) target_semaphore(%run_scoped3A : memref<!tpu.dma_semaphore, #tpu.memory_space<semaphore_mem>>)
      %dma_wait3A_76 = arith.constant 0 : i32
      %dma_wait3A_77 = arith.constant 0 : i32
      %dma_wait3A_78 = tpu.memref_slice %arg5[%add3A, %dma_wait3A_76, %dma_wait3A_77] : memref<32x63x80xi32, #tpu.memory_space<hbm>> -> memref<1x63x80xi32, #tpu.memory_space<hbm>>
      %dma_wait3A_79 = tpu.memref_squeeze %dma_wait3A_78 : memref<1x63x80xi32, #tpu.memory_space<hbm>> -> memref<63x80xi32, #tpu.memory_space<hbm>>
      %dma_wait3A_80 = arith.constant 0 : i32
      %dma_wait3A_81 = arith.constant 0 : i32
      %dma_wait3A_82 = tpu.memref_slice %arg5[%add3A, %dma_wait3A_80, %dma_wait3A_81] : memref<32x63x80xi32, #tpu.memory_space<hbm>> -> memref<1x63x80xi32, #tpu.memory_space<hbm>>
      %dma_wait3A_83 = tpu.memref_squeeze %dma_wait3A_82 : memref<1x63x80xi32, #tpu.memory_space<hbm>> -> memref<63x80xi32, #tpu.memory_space<hbm>>
      tpu.wait_dma2 semaphore(%run_scoped3A : memref<!tpu.dma_semaphore, #tpu.memory_space<semaphore_mem>>) src(%dma_wait3A_83 : memref<63x80xi32, #tpu.memory_space<hbm>>) dst(%arg8 : memref<63x80xi32, #tpu.memory_space<vmem>>)
      tpu.yield
    }) : () -> ()
    %dma_start3A = arith.constant 0 : i32
    %dma_start3A_3 = arith.constant 0 : i32
    %dma_start3A_4 = tpu.memref_slice %arg7[%dma_start3A, %dma_start3A_3] : memref<63x80xi32, #tpu.memory_space<vmem>> -> memref<1x80xi32, #tpu.memory_space<vmem>>
    %dma_start3A_5 = tpu.memref_squeeze %dma_start3A_4 : memref<1x80xi32, #tpu.memory_space<vmem>> -> memref<80xi32, #tpu.memory_space<vmem>>
    %dma_start3A_6 = arith.constant 0 : i32
    %dma_start3A_7 = arith.constant 0 : i32
    %dma_start3A_8 = tpu.memref_slice %arg2[%dma_start3A_6, %dma_start3A_7] : memref<10000x128xf32, #tpu.memory_space<hbm>> -> memref<10000x128xf32, #tpu.memory_space<hbm>>
    tpu.enqueue_indirect_dma source(%dma_start3A_8 : memref<10000x128xf32, #tpu.memory_space<hbm>>) target(%arg9 : memref<80x128xf32, #tpu.memory_space<vmem>>) offsets(%dma_start3A_5 : memref<80xi32, #tpu.memory_space<vmem>>) semaphore(%arg15 : memref<!tpu.dma_semaphore, #tpu.memory_space<semaphore_mem>>)
    %dma_start3A_9 = arith.constant 0 : i32
    %dma_start3A_10 = arith.constant 0 : i32
    %dma_start3A_11 = tpu.memref_slice %arg8[%dma_start3A_9, %dma_start3A_10] : memref<63x80xi32, #tpu.memory_space<vmem>> -> memref<1x80xi32, #tpu.memory_space<vmem>>
    %dma_start3A_12 = tpu.memref_squeeze %dma_start3A_11 : memref<1x80xi32, #tpu.memory_space<vmem>> -> memref<80xi32, #tpu.memory_space<vmem>>
    %dma_start3A_13 = arith.constant 0 : i32
    %dma_start3A_14 = arith.constant 0 : i32
    %dma_start3A_15 = tpu.memref_slice %arg3[%dma_start3A_13, %dma_start3A_14] : memref<10000x128xf32, #tpu.memory_space<hbm>> -> memref<10000x128xf32, #tpu.memory_space<hbm>>
    tpu.enqueue_indirect_dma source(%dma_start3A_15 : memref<10000x128xf32, #tpu.memory_space<hbm>>) target(%arg11 : memref<80x128xf32, #tpu.memory_space<vmem>>) offsets(%dma_start3A_12 : memref<80xi32, #tpu.memory_space<vmem>>) semaphore(%arg15 : memref<!tpu.dma_semaphore, #tpu.memory_space<semaphore_mem>>)
    %dma_start3A_16 = arith.constant 1 : i32
    %dma_start3A_17 = arith.constant 0 : i32
    %dma_start3A_18 = tpu.memref_slice %arg7[%dma_start3A_16, %dma_start3A_17] : memref<63x80xi32, #tpu.memory_space<vmem>> -> memref<1x80xi32, #tpu.memory_space<vmem>>
    %dma_start3A_19 = tpu.memref_squeeze %dma_start3A_18 : memref<1x80xi32, #tpu.memory_space<vmem>> -> memref<80xi32, #tpu.memory_space<vmem>>
    %dma_start3A_20 = arith.constant 0 : i32
    %dma_start3A_21 = arith.constant 0 : i32
    %dma_start3A_22 = tpu.memref_slice %arg2[%dma_start3A_20, %dma_start3A_21] : memref<10000x128xf32, #tpu.memory_space<hbm>> -> memref<10000x128xf32, #tpu.memory_space<hbm>>
    tpu.enqueue_indirect_dma source(%dma_start3A_22 : memref<10000x128xf32, #tpu.memory_space<hbm>>) target(%arg10 : memref<80x128xf32, #tpu.memory_space<vmem>>) offsets(%dma_start3A_19 : memref<80xi32, #tpu.memory_space<vmem>>) semaphore(%arg16 : memref<!tpu.dma_semaphore, #tpu.memory_space<semaphore_mem>>)
    %dma_start3A_23 = arith.constant 1 : i32
    %dma_start3A_24 = arith.constant 0 : i32
    %dma_start3A_25 = tpu.memref_slice %arg8[%dma_start3A_23, %dma_start3A_24] : memref<63x80xi32, #tpu.memory_space<vmem>> -> memref<1x80xi32, #tpu.memory_space<vmem>>
    %dma_start3A_26 = tpu.memref_squeeze %dma_start3A_25 : memref<1x80xi32, #tpu.memory_space<vmem>> -> memref<80xi32, #tpu.memory_space<vmem>>
    %dma_start3A_27 = arith.constant 0 : i32
    %dma_start3A_28 = arith.constant 0 : i32
    %dma_start3A_29 = tpu.memref_slice %arg3[%dma_start3A_27, %dma_start3A_28] : memref<10000x128xf32, #tpu.memory_space<hbm>> -> memref<10000x128xf32, #tpu.memory_space<hbm>>
    tpu.enqueue_indirect_dma source(%dma_start3A_29 : memref<10000x128xf32, #tpu.memory_space<hbm>>) target(%arg12 : memref<80x128xf32, #tpu.memory_space<vmem>>) offsets(%dma_start3A_26 : memref<80xi32, #tpu.memory_space<vmem>>) semaphore(%arg16 : memref<!tpu.dma_semaphore, #tpu.memory_space<semaphore_mem>>)
    %scan3A = arith.constant 0 : i32
    %scan3A_30 = arith.constant 0 : i32
    %scan3A_31 = arith.constant 31 : i32
    %scan3A_32 = arith.addi %scan3A_30, %scan3A_31 : i32
    %scan3A_33 = arith.constant 1 : i32
    scf.for %scan3A_68 = %scan3A_30 to %scan3A_32 step %scan3A_33  : i32 {
      %mul3A_69 = arith.constant 2 : i32
      %mul3A_70 = arith.muli %scan3A_68, %mul3A_69 : i32
      %add3A_71 = arith.constant 0 : i32
      %add3A_72 = arith.addi %mul3A_70, %add3A_71 : i32
      %dma_wait3A_73 = arith.constant 0 : i32
      %dma_wait3A_74 = arith.constant 0 : i32
      %dma_wait3A_75 = tpu.memref_slice %arg7[%dma_wait3A_73, %dma_wait3A_74] : memref<63x80xi32, #tpu.memory_space<vmem>> -> memref<1x80xi32, #tpu.memory_space<vmem>>
      %dma_wait3A_76 = tpu.memref_squeeze %dma_wait3A_75 : memref<1x80xi32, #tpu.memory_space<vmem>> -> memref<80xi32, #tpu.memory_space<vmem>>
      %dma_wait3A_77 = arith.constant 0 : i32
      %dma_wait3A_78 = arith.constant 0 : i32
      %dma_wait3A_79 = tpu.memref_slice %arg2[%dma_wait3A_77, %dma_wait3A_78] : memref<10000x128xf32, #tpu.memory_space<hbm>> -> memref<10000x128xf32, #tpu.memory_space<hbm>>
      tpu.wait_indirect_dma semaphore(%arg15 : memref<!tpu.dma_semaphore, #tpu.memory_space<semaphore_mem>>) src(%dma_wait3A_79 : memref<10000x128xf32, #tpu.memory_space<hbm>>) dst(%arg9 : memref<80x128xf32, #tpu.memory_space<vmem>>)
      %dma_wait3A_80 = arith.constant 0 : i32
      %dma_wait3A_81 = arith.constant 0 : i32
      %dma_wait3A_82 = tpu.memref_slice %arg8[%dma_wait3A_80, %dma_wait3A_81] : memref<63x80xi32, #tpu.memory_space<vmem>> -> memref<1x80xi32, #tpu.memory_space<vmem>>
      %dma_wait3A_83 = tpu.memref_squeeze %dma_wait3A_82 : memref<1x80xi32, #tpu.memory_space<vmem>> -> memref<80xi32, #tpu.memory_space<vmem>>
      %dma_wait3A_84 = arith.constant 0 : i32
      %dma_wait3A_85 = arith.constant 0 : i32
      %dma_wait3A_86 = tpu.memref_slice %arg3[%dma_wait3A_84, %dma_wait3A_85] : memref<10000x128xf32, #tpu.memory_space<hbm>> -> memref<10000x128xf32, #tpu.memory_space<hbm>>
      tpu.wait_indirect_dma semaphore(%arg15 : memref<!tpu.dma_semaphore, #tpu.memory_space<semaphore_mem>>) src(%dma_wait3A_86 : memref<10000x128xf32, #tpu.memory_space<hbm>>) dst(%arg11 : memref<80x128xf32, #tpu.memory_space<vmem>>)
      %ge3A = arith.constant 2 : i32
      %ge3A_87 = arith.cmpi sge, %add3A_72, %ge3A : i32
      %convert_element_type3A = arith.extui %ge3A_87 : i1 to i32
      %cond3A = arith.constant 0 : i32
      %cond3A_88 = arith.cmpi ne, %convert_element_type3A, %cond3A : i32
      scf.if %cond3A_88 {
        %dma_wait3A_145 = arith.constant 0 : i32
        %dma_wait3A_146 = tpu.memref_slice %arg6[%mul3A_2, %dma_wait3A_145] : memref<161280x128xf32, #tpu.memory_space<hbm>> -> memref<80x128xf32, #tpu.memory_space<hbm>>
        %dma_wait3A_147 = arith.constant 0 : i32
        %dma_wait3A_148 = tpu.memref_slice %arg6[%mul3A_2, %dma_wait3A_147] : memref<161280x128xf32, #tpu.memory_space<hbm>> -> memref<80x128xf32, #tpu.memory_space<hbm>>
        tpu.wait_dma2 semaphore(%arg17 : memref<!tpu.dma_semaphore, #tpu.memory_space<semaphore_mem>>) src(%arg13 : memref<80x128xf32, #tpu.memory_space<vmem>>) dst(%dma_wait3A_148 : memref<80x128xf32, #tpu.memory_space<hbm>>)
      } else {
      }
      %parallel_loop3A_89 = arith.constant 0 : i32
      %parallel_loop3A_90 = arith.constant 80 : i32
      %parallel_loop3A_91 = arith.constant 1 : i32
      scf.for %parallel_loop3A_145 = %parallel_loop3A_89 to %parallel_loop3A_90 step %parallel_loop3A_91  : i32 {
        %parallel_loop3A_146 = arith.index_cast %parallel_loop3A_145 : i32 to index
        %parallel_loop3A_147 = arith.constant 0 : index
        %parallel_loop3A_148 = tpu.vector_load %arg9[%parallel_loop3A_146, %parallel_loop3A_147] {strides = array<i32>} : memref<80x128xf32, #tpu.memory_space<vmem>>, vector<1x16xf32>,
        %parallel_loop3A_149 = vector.shape_cast %parallel_loop3A_148 : vector<1x16xf32> to vector<16xf32>
        %parallel_loop3A_150 = arith.index_cast %parallel_loop3A_145 : i32 to index
        %parallel_loop3A_151 = arith.constant 0 : index
        %parallel_loop3A_152 = tpu.vector_load %arg11[%parallel_loop3A_150, %parallel_loop3A_151] {strides = array<i32>} : memref<80x128xf32, #tpu.memory_space<vmem>>, vector<1x16xf32>,
        %parallel_loop3A_153 = vector.shape_cast %parallel_loop3A_152 : vector<1x16xf32> to vector<16xf32>
        %parallel_loop3A_154 = arith.addf %parallel_loop3A_149, %parallel_loop3A_153 : vector<16xf32>
        %parallel_loop3A_155 = arith.index_cast %parallel_loop3A_145 : i32 to index
        %parallel_loop3A_156 = arith.constant 0 : index
        %parallel_loop3A_157 = tpu.vector_load %arg13[%parallel_loop3A_155, %parallel_loop3A_156] {strides = array<i32>} : memref<80x128xf32, #tpu.memory_space<vmem>>, vector<1x16xf32>,
        %parallel_loop3A_158 = vector.shape_cast %parallel_loop3A_157 : vector<1x16xf32> to vector<16xf32>
        %parallel_loop3A_159 = vector.shape_cast %parallel_loop3A_154 : vector<16xf32> to vector<1x16xf32>
        tpu.vector_store %arg13[%parallel_loop3A_155, %parallel_loop3A_156], %parallel_loop3A_159 {strides = array<i32>} : memref<80x128xf32, #tpu.memory_space<vmem>>, vector<1x16xf32>,
        %parallel_loop3A_160 = arith.index_cast %parallel_loop3A_145 : i32 to index
        %parallel_loop3A_161 = arith.constant 16 : index
        %parallel_loop3A_162 = tpu.vector_load %arg9[%parallel_loop3A_160, %parallel_loop3A_161] {strides = array<i32>} : memref<80x128xf32, #tpu.memory_space<vmem>>, vector<1x16xf32>,
        %parallel_loop3A_163 = vector.shape_cast %parallel_loop3A_162 : vector<1x16xf32> to vector<16xf32>
        %parallel_loop3A_164 = arith.index_cast %parallel_loop3A_145 : i32 to index
        %parallel_loop3A_165 = arith.constant 16 : index
        %parallel_loop3A_166 = tpu.vector_load %arg11[%parallel_loop3A_164, %parallel_loop3A_165] {strides = array<i32>} : memref<80x128xf32, #tpu.memory_space<vmem>>, vector<1x16xf32>,
        %parallel_loop3A_167 = vector.shape_cast %parallel_loop3A_166 : vector<1x16xf32> to vector<16xf32>
        %parallel_loop3A_168 = arith.addf %parallel_loop3A_163, %parallel_loop3A_167 : vector<16xf32>
        %parallel_loop3A_169 = arith.index_cast %parallel_loop3A_145 : i32 to index
        %parallel_loop3A_170 = arith.constant 16 : index
        %parallel_loop3A_171 = tpu.vector_load %arg13[%parallel_loop3A_169, %parallel_loop3A_170] {strides = array<i32>} : memref<80x128xf32, #tpu.memory_space<vmem>>, vector<1x16xf32>,
        %parallel_loop3A_172 = vector.shape_cast %parallel_loop3A_171 : vector<1x16xf32> to vector<16xf32>
        %parallel_loop3A_173 = vector.shape_cast %parallel_loop3A_168 : vector<16xf32> to vector<1x16xf32>
        tpu.vector_store %arg13[%parallel_loop3A_169, %parallel_loop3A_170], %parallel_loop3A_173 {strides = array<i32>} : memref<80x128xf32, #tpu.memory_space<vmem>>, vector<1x16xf32>,
        %parallel_loop3A_174 = arith.index_cast %parallel_loop3A_145 : i32 to index
        %parallel_loop3A_175 = arith.constant 32 : index
        %parallel_loop3A_176 = tpu.vector_load %arg9[%parallel_loop3A_174, %parallel_loop3A_175] {strides = array<i32>} : memref<80x128xf32, #tpu.memory_space<vmem>>, vector<1x16xf32>,
        %parallel_loop3A_177 = vector.shape_cast %parallel_loop3A_176 : vector<1x16xf32> to vector<16xf32>
        %parallel_loop3A_178 = arith.index_cast %parallel_loop3A_145 : i32 to index
        %parallel_loop3A_179 = arith.constant 32 : index
        %parallel_loop3A_180 = tpu.vector_load %arg11[%parallel_loop3A_178, %parallel_loop3A_179] {strides = array<i32>} : memref<80x128xf32, #tpu.memory_space<vmem>>, vector<1x16xf32>,
        %parallel_loop3A_181 = vector.shape_cast %parallel_loop3A_180 : vector<1x16xf32> to vector<16xf32>
        %parallel_loop3A_182 = arith.addf %parallel_loop3A_177, %parallel_loop3A_181 : vector<16xf32>
        %parallel_loop3A_183 = arith.index_cast %parallel_loop3A_145 : i32 to index
        %parallel_loop3A_184 = arith.constant 32 : index
        %parallel_loop3A_185 = tpu.vector_load %arg13[%parallel_loop3A_183, %parallel_loop3A_184] {strides = array<i32>} : memref<80x128xf32, #tpu.memory_space<vmem>>, vector<1x16xf32>,
        %parallel_loop3A_186 = vector.shape_cast %parallel_loop3A_185 : vector<1x16xf32> to vector<16xf32>
        %parallel_loop3A_187 = vector.shape_cast %parallel_loop3A_182 : vector<16xf32> to vector<1x16xf32>
        tpu.vector_store %arg13[%parallel_loop3A_183, %parallel_loop3A_184], %parallel_loop3A_187 {strides = array<i32>} : memref<80x128xf32, #tpu.memory_space<vmem>>, vector<1x16xf32>,
        %parallel_loop3A_188 = arith.index_cast %parallel_loop3A_145 : i32 to index
        %parallel_loop3A_189 = arith.constant 48 : index
        %parallel_loop3A_190 = tpu.vector_load %arg9[%parallel_loop3A_188, %parallel_loop3A_189] {strides = array<i32>} : memref<80x128xf32, #tpu.memory_space<vmem>>, vector<1x16xf32>,
        %parallel_loop3A_191 = vector.shape_cast %parallel_loop3A_190 : vector<1x16xf32> to vector<16xf32>
        %parallel_loop3A_192 = arith.index_cast %parallel_loop3A_145 : i32 to index
        %parallel_loop3A_193 = arith.constant 48 : index
        %parallel_loop3A_194 = tpu.vector_load %arg11[%parallel_loop3A_192, %parallel_loop3A_193] {strides = array<i32>} : memref<80x128xf32, #tpu.memory_space<vmem>>, vector<1x16xf32>,
        %parallel_loop3A_195 = vector.shape_cast %parallel_loop3A_194 : vector<1x16xf32> to vector<16xf32>
        %parallel_loop3A_196 = arith.addf %parallel_loop3A_191, %parallel_loop3A_195 : vector<16xf32>
        %parallel_loop3A_197 = arith.index_cast %parallel_loop3A_145 : i32 to index
        %parallel_loop3A_198 = arith.constant 48 : index
        %parallel_loop3A_199 = tpu.vector_load %arg13[%parallel_loop3A_197, %parallel_loop3A_198] {strides = array<i32>} : memref<80x128xf32, #tpu.memory_space<vmem>>, vector<1x16xf32>,
        %parallel_loop3A_200 = vector.shape_cast %parallel_loop3A_199 : vector<1x16xf32> to vector<16xf32>
        %parallel_loop3A_201 = vector.shape_cast %parallel_loop3A_196 : vector<16xf32> to vector<1x16xf32>
        tpu.vector_store %arg13[%parallel_loop3A_197, %parallel_loop3A_198], %parallel_loop3A_201 {strides = array<i32>} : memref<80x128xf32, #tpu.memory_space<vmem>>, vector<1x16xf32>,
        %parallel_loop3A_202 = arith.index_cast %parallel_loop3A_145 : i32 to index
        %parallel_loop3A_203 = arith.constant 64 : index
        %parallel_loop3A_204 = tpu.vector_load %arg9[%parallel_loop3A_202, %parallel_loop3A_203] {strides = array<i32>} : memref<80x128xf32, #tpu.memory_space<vmem>>, vector<1x16xf32>,
        %parallel_loop3A_205 = vector.shape_cast %parallel_loop3A_204 : vector<1x16xf32> to vector<16xf32>
        %parallel_loop3A_206 = arith.index_cast %parallel_loop3A_145 : i32 to index
        %parallel_loop3A_207 = arith.constant 64 : index
        %parallel_loop3A_208 = tpu.vector_load %arg11[%parallel_loop3A_206, %parallel_loop3A_207] {strides = array<i32>} : memref<80x128xf32, #tpu.memory_space<vmem>>, vector<1x16xf32>,
        %parallel_loop3A_209 = vector.shape_cast %parallel_loop3A_208 : vector<1x16xf32> to vector<16xf32>
        %parallel_loop3A_210 = arith.addf %parallel_loop3A_205, %parallel_loop3A_209 : vector<16xf32>
        %parallel_loop3A_211 = arith.index_cast %parallel_loop3A_145 : i32 to index
        %parallel_loop3A_212 = arith.constant 64 : index
        %parallel_loop3A_213 = tpu.vector_load %arg13[%parallel_loop3A_211, %parallel_loop3A_212] {strides = array<i32>} : memref<80x128xf32, #tpu.memory_space<vmem>>, vector<1x16xf32>,
        %parallel_loop3A_214 = vector.shape_cast %parallel_loop3A_213 : vector<1x16xf32> to vector<16xf32>
        %parallel_loop3A_215 = vector.shape_cast %parallel_loop3A_210 : vector<16xf32> to vector<1x16xf32>
        tpu.vector_store %arg13[%parallel_loop3A_211, %parallel_loop3A_212], %parallel_loop3A_215 {strides = array<i32>} : memref<80x128xf32, #tpu.memory_space<vmem>>, vector<1x16xf32>,
        %parallel_loop3A_216 = arith.index_cast %parallel_loop3A_145 : i32 to index
        %parallel_loop3A_217 = arith.constant 80 : index
        %parallel_loop3A_218 = tpu.vector_load %arg9[%parallel_loop3A_216, %parallel_loop3A_217] {strides = array<i32>} : memref<80x128xf32, #tpu.memory_space<vmem>>, vector<1x16xf32>,
        %parallel_loop3A_219 = vector.shape_cast %parallel_loop3A_218 : vector<1x16xf32> to vector<16xf32>
        %parallel_loop3A_220 = arith.index_cast %parallel_loop3A_145 : i32 to index
        %parallel_loop3A_221 = arith.constant 80 : index
        %parallel_loop3A_222 = tpu.vector_load %arg11[%parallel_loop3A_220, %parallel_loop3A_221] {strides = array<i32>} : memref<80x128xf32, #tpu.memory_space<vmem>>, vector<1x16xf32>,
        %parallel_loop3A_223 = vector.shape_cast %parallel_loop3A_222 : vector<1x16xf32> to vector<16xf32>
        %parallel_loop3A_224 = arith.addf %parallel_loop3A_219, %parallel_loop3A_223 : vector<16xf32>
        %parallel_loop3A_225 = arith.index_cast %parallel_loop3A_145 : i32 to index
        %parallel_loop3A_226 = arith.constant 80 : index
        %parallel_loop3A_227 = tpu.vector_load %arg13[%parallel_loop3A_225, %parallel_loop3A_226] {strides = array<i32>} : memref<80x128xf32, #tpu.memory_space<vmem>>, vector<1x16xf32>,
        %parallel_loop3A_228 = vector.shape_cast %parallel_loop3A_227 : vector<1x16xf32> to vector<16xf32>
        %parallel_loop3A_229 = vector.shape_cast %parallel_loop3A_224 : vector<16xf32> to vector<1x16xf32>
        tpu.vector_store %arg13[%parallel_loop3A_225, %parallel_loop3A_226], %parallel_loop3A_229 {strides = array<i32>} : memref<80x128xf32, #tpu.memory_space<vmem>>, vector<1x16xf32>,
        %parallel_loop3A_230 = arith.index_cast %parallel_loop3A_145 : i32 to index
        %parallel_loop3A_231 = arith.constant 96 : index
        %parallel_loop3A_232 = tpu.vector_load %arg9[%parallel_loop3A_230, %parallel_loop3A_231] {strides = array<i32>} : memref<80x128xf32, #tpu.memory_space<vmem>>, vector<1x16xf32>,
        %parallel_loop3A_233 = vector.shape_cast %parallel_loop3A_232 : vector<1x16xf32> to vector<16xf32>
        %parallel_loop3A_234 = arith.index_cast %parallel_loop3A_145 : i32 to index
        %parallel_loop3A_235 = arith.constant 96 : index
        %parallel_loop3A_236 = tpu.vector_load %arg11[%parallel_loop3A_234, %parallel_loop3A_235] {strides = array<i32>} : memref<80x128xf32, #tpu.memory_space<vmem>>, vector<1x16xf32>,
        %parallel_loop3A_237 = vector.shape_cast %parallel_loop3A_236 : vector<1x16xf32> to vector<16xf32>
        %parallel_loop3A_238 = arith.addf %parallel_loop3A_233, %parallel_loop3A_237 : vector<16xf32>
        %parallel_loop3A_239 = arith.index_cast %parallel_loop3A_145 : i32 to index
        %parallel_loop3A_240 = arith.constant 96 : index
        %parallel_loop3A_241 = tpu.vector_load %arg13[%parallel_loop3A_239, %parallel_loop3A_240] {strides = array<i32>} : memref<80x128xf32, #tpu.memory_space<vmem>>, vector<1x16xf32>,
        %parallel_loop3A_242 = vector.shape_cast %parallel_loop3A_241 : vector<1x16xf32> to vector<16xf32>
        %parallel_loop3A_243 = vector.shape_cast %parallel_loop3A_238 : vector<16xf32> to vector<1x16xf32>
        tpu.vector_store %arg13[%parallel_loop3A_239, %parallel_loop3A_240], %parallel_loop3A_243 {strides = array<i32>} : memref<80x128xf32, #tpu.memory_space<vmem>>, vector<1x16xf32>,
        %parallel_loop3A_244 = arith.index_cast %parallel_loop3A_145 : i32 to index
        %parallel_loop3A_245 = arith.constant 112 : index
        %parallel_loop3A_246 = tpu.vector_load %arg9[%parallel_loop3A_244, %parallel_loop3A_245] {strides = array<i32>} : memref<80x128xf32, #tpu.memory_space<vmem>>, vector<1x16xf32>,
        %parallel_loop3A_247 = vector.shape_cast %parallel_loop3A_246 : vector<1x16xf32> to vector<16xf32>
        %parallel_loop3A_248 = arith.index_cast %parallel_loop3A_145 : i32 to index
        %parallel_loop3A_249 = arith.constant 112 : index
        %parallel_loop3A_250 = tpu.vector_load %arg11[%parallel_loop3A_248, %parallel_loop3A_249] {strides = array<i32>} : memref<80x128xf32, #tpu.memory_space<vmem>>, vector<1x16xf32>,
        %parallel_loop3A_251 = vector.shape_cast %parallel_loop3A_250 : vector<1x16xf32> to vector<16xf32>
        %parallel_loop3A_252 = arith.addf %parallel_loop3A_247, %parallel_loop3A_251 : vector<16xf32>
        %parallel_loop3A_253 = arith.index_cast %parallel_loop3A_145 : i32 to index
        %parallel_loop3A_254 = arith.constant 112 : index
        %parallel_loop3A_255 = tpu.vector_load %arg13[%parallel_loop3A_253, %parallel_loop3A_254] {strides = array<i32>} : memref<80x128xf32, #tpu.memory_space<vmem>>, vector<1x16xf32>,
        %parallel_loop3A_256 = vector.shape_cast %parallel_loop3A_255 : vector<1x16xf32> to vector<16xf32>
        %parallel_loop3A_257 = vector.shape_cast %parallel_loop3A_252 : vector<16xf32> to vector<1x16xf32>
        tpu.vector_store %arg13[%parallel_loop3A_253, %parallel_loop3A_254], %parallel_loop3A_257 {strides = array<i32>} : memref<80x128xf32, #tpu.memory_space<vmem>>, vector<1x16xf32>,
      } {sc.loop_unroll_factor = 2 : i64, sc.parallel_access}
      %mul3A_92 = arith.constant 80 : i32
      %mul3A_93 = arith.muli %add3A_72, %mul3A_92 : i32
      %add3A_94 = arith.addi %mul3A_2, %mul3A_93 : i32
      %dma_start3A_95 = arith.constant 0 : i32
      %dma_start3A_96 = tpu.memref_slice %arg6[%add3A_94, %dma_start3A_95] : memref<161280x128xf32, #tpu.memory_space<hbm>> -> memref<80x128xf32, #tpu.memory_space<hbm>>
      %dma_start3A_97 = arith.constant 0 : i32
      %dma_start3A_98 = tpu.memref_slice %arg6[%add3A_94, %dma_start3A_97] : memref<161280x128xf32, #tpu.memory_space<hbm>> -> memref<80x128xf32, #tpu.memory_space<hbm>>
      tpu.enqueue_dma source(%arg13 : memref<80x128xf32, #tpu.memory_space<vmem>>) target(%dma_start3A_98 : memref<80x128xf32, #tpu.memory_space<hbm>>) target_semaphore(%arg17 : memref<!tpu.dma_semaphore, #tpu.memory_space<semaphore_mem>>)
      %add3A_99 = arith.constant 2 : i32
      %add3A_100 = arith.addi %add3A_72, %add3A_99 : i32
      %lt3A = arith.constant 63 : i32
      %lt3A_101 = arith.cmpi slt, %add3A_100, %lt3A : i32
      %convert_element_type3A_102 = arith.extui %lt3A_101 : i1 to i32
      %cond3A_103 = arith.constant 0 : i32
      %cond3A_104 = arith.cmpi ne, %convert_element_type3A_102, %cond3A_103 : i32
      scf.if %cond3A_104 {
        %add3A_145 = arith.constant 2 : i32
        %add3A_146 = arith.addi %add3A_72, %add3A_145 : i32
        %dma_start3A_147 = arith.constant 0 : i32
        %dma_start3A_148 = tpu.memref_slice %arg7[%add3A_146, %dma_start3A_147] : memref<63x80xi32, #tpu.memory_space<vmem>> -> memref<1x80xi32, #tpu.memory_space<vmem>>
        %dma_start3A_149 = tpu.memref_squeeze %dma_start3A_148 : memref<1x80xi32, #tpu.memory_space<vmem>> -> memref<80xi32, #tpu.memory_space<vmem>>
        %dma_start3A_150 = arith.constant 0 : i32
        %dma_start3A_151 = arith.constant 0 : i32
        %dma_start3A_152 = tpu.memref_slice %arg2[%dma_start3A_150, %dma_start3A_151] : memref<10000x128xf32, #tpu.memory_space<hbm>> -> memref<10000x128xf32, #tpu.memory_space<hbm>>
        tpu.enqueue_indirect_dma source(%dma_start3A_152 : memref<10000x128xf32, #tpu.memory_space<hbm>>) target(%arg9 : memref<80x128xf32, #tpu.memory_space<vmem>>) offsets(%dma_start3A_149 : memref<80xi32, #tpu.memory_space<vmem>>) semaphore(%arg15 : memref<!tpu.dma_semaphore, #tpu.memory_space<semaphore_mem>>)
        %dma_start3A_153 = arith.constant 0 : i32
        %dma_start3A_154 = tpu.memref_slice %arg8[%add3A_146, %dma_start3A_153] : memref<63x80xi32, #tpu.memory_space<vmem>> -> memref<1x80xi32, #tpu.memory_space<vmem>>
        %dma_start3A_155 = tpu.memref_squeeze %dma_start3A_154 : memref<1x80xi32, #tpu.memory_space<vmem>> -> memref<80xi32, #tpu.memory_space<vmem>>
        %dma_start3A_156 = arith.constant 0 : i32
        %dma_start3A_157 = arith.constant 0 : i32
        %dma_start3A_158 = tpu.memref_slice %arg3[%dma_start3A_156, %dma_start3A_157] : memref<10000x128xf32, #tpu.memory_space<hbm>> -> memref<10000x128xf32, #tpu.memory_space<hbm>>
        tpu.enqueue_indirect_dma source(%dma_start3A_158 : memref<10000x128xf32, #tpu.memory_space<hbm>>) target(%arg11 : memref<80x128xf32, #tpu.memory_space<vmem>>) offsets(%dma_start3A_155 : memref<80xi32, #tpu.memory_space<vmem>>) semaphore(%arg15 : memref<!tpu.dma_semaphore, #tpu.memory_space<semaphore_mem>>)
      } else {
      }
      %mul3A_105 = arith.constant 2 : i32
      %mul3A_106 = arith.muli %scan3A_68, %mul3A_105 : i32
      %add3A_107 = arith.constant 1 : i32
      %add3A_108 = arith.addi %mul3A_106, %add3A_107 : i32
      %dma_wait3A_109 = arith.constant 0 : i32
      %dma_wait3A_110 = arith.constant 0 : i32
      %dma_wait3A_111 = tpu.memref_slice %arg7[%dma_wait3A_109, %dma_wait3A_110] : memref<63x80xi32, #tpu.memory_space<vmem>> -> memref<1x80xi32, #tpu.memory_space<vmem>>
      %dma_wait3A_112 = tpu.memref_squeeze %dma_wait3A_111 : memref<1x80xi32, #tpu.memory_space<vmem>> -> memref<80xi32, #tpu.memory_space<vmem>>
      %dma_wait3A_113 = arith.constant 0 : i32
      %dma_wait3A_114 = arith.constant 0 : i32
      %dma_wait3A_115 = tpu.memref_slice %arg2[%dma_wait3A_113, %dma_wait3A_114] : memref<10000x128xf32, #tpu.memory_space<hbm>> -> memref<10000x128xf32, #tpu.memory_space<hbm>>
      tpu.wait_indirect_dma semaphore(%arg16 : memref<!tpu.dma_semaphore, #tpu.memory_space<semaphore_mem>>) src(%dma_wait3A_115 : memref<10000x128xf32, #tpu.memory_space<hbm>>) dst(%arg10 : memref<80x128xf32, #tpu.memory_space<vmem>>)
      %dma_wait3A_116 = arith.constant 0 : i32
      %dma_wait3A_117 = arith.constant 0 : i32
      %dma_wait3A_118 = tpu.memref_slice %arg8[%dma_wait3A_116, %dma_wait3A_117] : memref<63x80xi32, #tpu.memory_space<vmem>> -> memref<1x80xi32, #tpu.memory_space<vmem>>
      %dma_wait3A_119 = tpu.memref_squeeze %dma_wait3A_118 : memref<1x80xi32, #tpu.memory_space<vmem>> -> memref<80xi32, #tpu.memory_space<vmem>>
      %dma_wait3A_120 = arith.constant 0 : i32
      %dma_wait3A_121 = arith.constant 0 : i32
      %dma_wait3A_122 = tpu.memref_slice %arg3[%dma_wait3A_120, %dma_wait3A_121] : memref<10000x128xf32, #tpu.memory_space<hbm>> -> memref<10000x128xf32, #tpu.memory_space<hbm>>
      tpu.wait_indirect_dma semaphore(%arg16 : memref<!tpu.dma_semaphore, #tpu.memory_space<semaphore_mem>>) src(%dma_wait3A_122 : memref<10000x128xf32, #tpu.memory_space<hbm>>) dst(%arg12 : memref<80x128xf32, #tpu.memory_space<vmem>>)
      %ge3A_123 = arith.constant 2 : i32
      %ge3A_124 = arith.cmpi sge, %add3A_108, %ge3A_123 : i32
      %convert_element_type3A_125 = arith.extui %ge3A_124 : i1 to i32
      %cond3A_126 = arith.constant 0 : i32
      %cond3A_127 = arith.cmpi ne, %convert_element_type3A_125, %cond3A_126 : i32
      scf.if %cond3A_127 {
        %dma_wait3A_145 = arith.constant 0 : i32
        %dma_wait3A_146 = tpu.memref_slice %arg6[%mul3A_2, %dma_wait3A_145] : memref<161280x128xf32, #tpu.memory_space<hbm>> -> memref<80x128xf32, #tpu.memory_space<hbm>>
        %dma_wait3A_147 = arith.constant 0 : i32
        %dma_wait3A_148 = tpu.memref_slice %arg6[%mul3A_2, %dma_wait3A_147] : memref<161280x128xf32, #tpu.memory_space<hbm>> -> memref<80x128xf32, #tpu.memory_space<hbm>>
        tpu.wait_dma2 semaphore(%arg18 : memref<!tpu.dma_semaphore, #tpu.memory_space<semaphore_mem>>) src(%arg14 : memref<80x128xf32, #tpu.memory_space<vmem>>) dst(%dma_wait3A_148 : memref<80x128xf32, #tpu.memory_space<hbm>>)
      } else {
      }
      %parallel_loop3A_128 = arith.constant 0 : i32
      %parallel_loop3A_129 = arith.constant 80 : i32
      %parallel_loop3A_130 = arith.constant 1 : i32
      scf.for %parallel_loop3A_145 = %parallel_loop3A_128 to %parallel_loop3A_129 step %parallel_loop3A_130  : i32 {
        %parallel_loop3A_146 = arith.index_cast %parallel_loop3A_145 : i32 to index
        %parallel_loop3A_147 = arith.constant 0 : index
        %parallel_loop3A_148 = tpu.vector_load %arg10[%parallel_loop3A_146, %parallel_loop3A_147] {strides = array<i32>} : memref<80x128xf32, #tpu.memory_space<vmem>>, vector<1x16xf32>,
        %parallel_loop3A_149 = vector.shape_cast %parallel_loop3A_148 : vector<1x16xf32> to vector<16xf32>
        %parallel_loop3A_150 = arith.index_cast %parallel_loop3A_145 : i32 to index
        %parallel_loop3A_151 = arith.constant 0 : index
        %parallel_loop3A_152 = tpu.vector_load %arg12[%parallel_loop3A_150, %parallel_loop3A_151] {strides = array<i32>} : memref<80x128xf32, #tpu.memory_space<vmem>>, vector<1x16xf32>,
        %parallel_loop3A_153 = vector.shape_cast %parallel_loop3A_152 : vector<1x16xf32> to vector<16xf32>
        %parallel_loop3A_154 = arith.addf %parallel_loop3A_149, %parallel_loop3A_153 : vector<16xf32>
        %parallel_loop3A_155 = arith.index_cast %parallel_loop3A_145 : i32 to index
        %parallel_loop3A_156 = arith.constant 0 : index
        %parallel_loop3A_157 = tpu.vector_load %arg14[%parallel_loop3A_155, %parallel_loop3A_156] {strides = array<i32>} : memref<80x128xf32, #tpu.memory_space<vmem>>, vector<1x16xf32>,
        %parallel_loop3A_158 = vector.shape_cast %parallel_loop3A_157 : vector<1x16xf32> to vector<16xf32>
        %parallel_loop3A_159 = vector.shape_cast %parallel_loop3A_154 : vector<16xf32> to vector<1x16xf32>
        tpu.vector_store %arg14[%parallel_loop3A_155, %parallel_loop3A_156], %parallel_loop3A_159 {strides = array<i32>} : memref<80x128xf32, #tpu.memory_space<vmem>>, vector<1x16xf32>,
        %parallel_loop3A_160 = arith.index_cast %parallel_loop3A_145 : i32 to index
        %parallel_loop3A_161 = arith.constant 16 : index
        %parallel_loop3A_162 = tpu.vector_load %arg10[%parallel_loop3A_160, %parallel_loop3A_161] {strides = array<i32>} : memref<80x128xf32, #tpu.memory_space<vmem>>, vector<1x16xf32>,
        %parallel_loop3A_163 = vector.shape_cast %parallel_loop3A_162 : vector<1x16xf32> to vector<16xf32>
        %parallel_loop3A_164 = arith.index_cast %parallel_loop3A_145 : i32 to index
        %parallel_loop3A_165 = arith.constant 16 : index
        %parallel_loop3A_166 = tpu.vector_load %arg12[%parallel_loop3A_164, %parallel_loop3A_165] {strides = array<i32>} : memref<80x128xf32, #tpu.memory_space<vmem>>, vector<1x16xf32>,
        %parallel_loop3A_167 = vector.shape_cast %parallel_loop3A_166 : vector<1x16xf32> to vector<16xf32>
        %parallel_loop3A_168 = arith.addf %parallel_loop3A_163, %parallel_loop3A_167 : vector<16xf32>
        %parallel_loop3A_169 = arith.index_cast %parallel_loop3A_145 : i32 to index
        %parallel_loop3A_170 = arith.constant 16 : index
        %parallel_loop3A_171 = tpu.vector_load %arg14[%parallel_loop3A_169, %parallel_loop3A_170] {strides = array<i32>} : memref<80x128xf32, #tpu.memory_space<vmem>>, vector<1x16xf32>,
        %parallel_loop3A_172 = vector.shape_cast %parallel_loop3A_171 : vector<1x16xf32> to vector<16xf32>
        %parallel_loop3A_173 = vector.shape_cast %parallel_loop3A_168 : vector<16xf32> to vector<1x16xf32>
        tpu.vector_store %arg14[%parallel_loop3A_169, %parallel_loop3A_170], %parallel_loop3A_173 {strides = array<i32>} : memref<80x128xf32, #tpu.memory_space<vmem>>, vector<1x16xf32>,
        %parallel_loop3A_174 = arith.index_cast %parallel_loop3A_145 : i32 to index
        %parallel_loop3A_175 = arith.constant 32 : index
        %parallel_loop3A_176 = tpu.vector_load %arg10[%parallel_loop3A_174, %parallel_loop3A_175] {strides = array<i32>} : memref<80x128xf32, #tpu.memory_space<vmem>>, vector<1x16xf32>,
        %parallel_loop3A_177 = vector.shape_cast %parallel_loop3A_176 : vector<1x16xf32> to vector<16xf32>
        %parallel_loop3A_178 = arith.index_cast %parallel_loop3A_145 : i32 to index
        %parallel_loop3A_179 = arith.constant 32 : index
        %parallel_loop3A_180 = tpu.vector_load %arg12[%parallel_loop3A_178, %parallel_loop3A_179] {strides = array<i32>} : memref<80x128xf32, #tpu.memory_space<vmem>>, vector<1x16xf32>,
        %parallel_loop3A_181 = vector.shape_cast %parallel_loop3A_180 : vector<1x16xf32> to vector<16xf32>
        %parallel_loop3A_182 = arith.addf %parallel_loop3A_177, %parallel_loop3A_181 : vector<16xf32>
        %parallel_loop3A_183 = arith.index_cast %parallel_loop3A_145 : i32 to index
        %parallel_loop3A_184 = arith.constant 32 : index
        %parallel_loop3A_185 = tpu.vector_load %arg14[%parallel_loop3A_183, %parallel_loop3A_184] {strides = array<i32>} : memref<80x128xf32, #tpu.memory_space<vmem>>, vector<1x16xf32>,
        %parallel_loop3A_186 = vector.shape_cast %parallel_loop3A_185 : vector<1x16xf32> to vector<16xf32>
        %parallel_loop3A_187 = vector.shape_cast %parallel_loop3A_182 : vector<16xf32> to vector<1x16xf32>
        tpu.vector_store %arg14[%parallel_loop3A_183, %parallel_loop3A_184], %parallel_loop3A_187 {strides = array<i32>} : memref<80x128xf32, #tpu.memory_space<vmem>>, vector<1x16xf32>,
        %parallel_loop3A_188 = arith.index_cast %parallel_loop3A_145 : i32 to index
        %parallel_loop3A_189 = arith.constant 48 : index
        %parallel_loop3A_190 = tpu.vector_load %arg10[%parallel_loop3A_188, %parallel_loop3A_189] {strides = array<i32>} : memref<80x128xf32, #tpu.memory_space<vmem>>, vector<1x16xf32>,
        %parallel_loop3A_191 = vector.shape_cast %parallel_loop3A_190 : vector<1x16xf32> to vector<16xf32>
        %parallel_loop3A_192 = arith.index_cast %parallel_loop3A_145 : i32 to index
        %parallel_loop3A_193 = arith.constant 48 : index
        %parallel_loop3A_194 = tpu.vector_load %arg12[%parallel_loop3A_192, %parallel_loop3A_193] {strides = array<i32>} : memref<80x128xf32, #tpu.memory_space<vmem>>, vector<1x16xf32>,
        %parallel_loop3A_195 = vector.shape_cast %parallel_loop3A_194 : vector<1x16xf32> to vector<16xf32>
        %parallel_loop3A_196 = arith.addf %parallel_loop3A_191, %parallel_loop3A_195 : vector<16xf32>
        %parallel_loop3A_197 = arith.index_cast %parallel_loop3A_145 : i32 to index
        %parallel_loop3A_198 = arith.constant 48 : index
        %parallel_loop3A_199 = tpu.vector_load %arg14[%parallel_loop3A_197, %parallel_loop3A_198] {strides = array<i32>} : memref<80x128xf32, #tpu.memory_space<vmem>>, vector<1x16xf32>,
        %parallel_loop3A_200 = vector.shape_cast %parallel_loop3A_199 : vector<1x16xf32> to vector<16xf32>
        %parallel_loop3A_201 = vector.shape_cast %parallel_loop3A_196 : vector<16xf32> to vector<1x16xf32>
        tpu.vector_store %arg14[%parallel_loop3A_197, %parallel_loop3A_198], %parallel_loop3A_201 {strides = array<i32>} : memref<80x128xf32, #tpu.memory_space<vmem>>, vector<1x16xf32>,
        %parallel_loop3A_202 = arith.index_cast %parallel_loop3A_145 : i32 to index
        %parallel_loop3A_203 = arith.constant 64 : index
        %parallel_loop3A_204 = tpu.vector_load %arg10[%parallel_loop3A_202, %parallel_loop3A_203] {strides = array<i32>} : memref<80x128xf32, #tpu.memory_space<vmem>>, vector<1x16xf32>,
        %parallel_loop3A_205 = vector.shape_cast %parallel_loop3A_204 : vector<1x16xf32> to vector<16xf32>
        %parallel_loop3A_206 = arith.index_cast %parallel_loop3A_145 : i32 to index
        %parallel_loop3A_207 = arith.constant 64 : index
        %parallel_loop3A_208 = tpu.vector_load %arg12[%parallel_loop3A_206, %parallel_loop3A_207] {strides = array<i32>} : memref<80x128xf32, #tpu.memory_space<vmem>>, vector<1x16xf32>,
        %parallel_loop3A_209 = vector.shape_cast %parallel_loop3A_208 : vector<1x16xf32> to vector<16xf32>
        %parallel_loop3A_210 = arith.addf %parallel_loop3A_205, %parallel_loop3A_209 : vector<16xf32>
        %parallel_loop3A_211 = arith.index_cast %parallel_loop3A_145 : i32 to index
        %parallel_loop3A_212 = arith.constant 64 : index
        %parallel_loop3A_213 = tpu.vector_load %arg14[%parallel_loop3A_211, %parallel_loop3A_212] {strides = array<i32>} : memref<80x128xf32, #tpu.memory_space<vmem>>, vector<1x16xf32>,
        %parallel_loop3A_214 = vector.shape_cast %parallel_loop3A_213 : vector<1x16xf32> to vector<16xf32>
        %parallel_loop3A_215 = vector.shape_cast %parallel_loop3A_210 : vector<16xf32> to vector<1x16xf32>
        tpu.vector_store %arg14[%parallel_loop3A_211, %parallel_loop3A_212], %parallel_loop3A_215 {strides = array<i32>} : memref<80x128xf32, #tpu.memory_space<vmem>>, vector<1x16xf32>,
        %parallel_loop3A_216 = arith.index_cast %parallel_loop3A_145 : i32 to index
        %parallel_loop3A_217 = arith.constant 80 : index
        %parallel_loop3A_218 = tpu.vector_load %arg10[%parallel_loop3A_216, %parallel_loop3A_217] {strides = array<i32>} : memref<80x128xf32, #tpu.memory_space<vmem>>, vector<1x16xf32>,
        %parallel_loop3A_219 = vector.shape_cast %parallel_loop3A_218 : vector<1x16xf32> to vector<16xf32>
        %parallel_loop3A_220 = arith.index_cast %parallel_loop3A_145 : i32 to index
        %parallel_loop3A_221 = arith.constant 80 : index
        %parallel_loop3A_222 = tpu.vector_load %arg12[%parallel_loop3A_220, %parallel_loop3A_221] {strides = array<i32>} : memref<80x128xf32, #tpu.memory_space<vmem>>, vector<1x16xf32>,
        %parallel_loop3A_223 = vector.shape_cast %parallel_loop3A_222 : vector<1x16xf32> to vector<16xf32>
        %parallel_loop3A_224 = arith.addf %parallel_loop3A_219, %parallel_loop3A_223 : vector<16xf32>
        %parallel_loop3A_225 = arith.index_cast %parallel_loop3A_145 : i32 to index
        %parallel_loop3A_226 = arith.constant 80 : index
        %parallel_loop3A_227 = tpu.vector_load %arg14[%parallel_loop3A_225, %parallel_loop3A_226] {strides = array<i32>} : memref<80x128xf32, #tpu.memory_space<vmem>>, vector<1x16xf32>,
        %parallel_loop3A_228 = vector.shape_cast %parallel_loop3A_227 : vector<1x16xf32> to vector<16xf32>
        %parallel_loop3A_229 = vector.shape_cast %parallel_loop3A_224 : vector<16xf32> to vector<1x16xf32>
        tpu.vector_store %arg14[%parallel_loop3A_225, %parallel_loop3A_226], %parallel_loop3A_229 {strides = array<i32>} : memref<80x128xf32, #tpu.memory_space<vmem>>, vector<1x16xf32>,
        %parallel_loop3A_230 = arith.index_cast %parallel_loop3A_145 : i32 to index
        %parallel_loop3A_231 = arith.constant 96 : index
        %parallel_loop3A_232 = tpu.vector_load %arg10[%parallel_loop3A_230, %parallel_loop3A_231] {strides = array<i32>} : memref<80x128xf32, #tpu.memory_space<vmem>>, vector<1x16xf32>,
        %parallel_loop3A_233 = vector.shape_cast %parallel_loop3A_232 : vector<1x16xf32> to vector<16xf32>
        %parallel_loop3A_234 = arith.index_cast %parallel_loop3A_145 : i32 to index
        %parallel_loop3A_235 = arith.constant 96 : index
        %parallel_loop3A_236 = tpu.vector_load %arg12[%parallel_loop3A_234, %parallel_loop3A_235] {strides = array<i32>} : memref<80x128xf32, #tpu.memory_space<vmem>>, vector<1x16xf32>,
        %parallel_loop3A_237 = vector.shape_cast %parallel_loop3A_236 : vector<1x16xf32> to vector<16xf32>
        %parallel_loop3A_238 = arith.addf %parallel_loop3A_233, %parallel_loop3A_237 : vector<16xf32>
        %parallel_loop3A_239 = arith.index_cast %parallel_loop3A_145 : i32 to index
        %parallel_loop3A_240 = arith.constant 96 : index
        %parallel_loop3A_241 = tpu.vector_load %arg14[%parallel_loop3A_239, %parallel_loop3A_240] {strides = array<i32>} : memref<80x128xf32, #tpu.memory_space<vmem>>, vector<1x16xf32>,
        %parallel_loop3A_242 = vector.shape_cast %parallel_loop3A_241 : vector<1x16xf32> to vector<16xf32>
        %parallel_loop3A_243 = vector.shape_cast %parallel_loop3A_238 : vector<16xf32> to vector<1x16xf32>
        tpu.vector_store %arg14[%parallel_loop3A_239, %parallel_loop3A_240], %parallel_loop3A_243 {strides = array<i32>} : memref<80x128xf32, #tpu.memory_space<vmem>>, vector<1x16xf32>,
        %parallel_loop3A_244 = arith.index_cast %parallel_loop3A_145 : i32 to index
        %parallel_loop3A_245 = arith.constant 112 : index
        %parallel_loop3A_246 = tpu.vector_load %arg10[%parallel_loop3A_244, %parallel_loop3A_245] {strides = array<i32>} : memref<80x128xf32, #tpu.memory_space<vmem>>, vector<1x16xf32>,
        %parallel_loop3A_247 = vector.shape_cast %parallel_loop3A_246 : vector<1x16xf32> to vector<16xf32>
        %parallel_loop3A_248 = arith.index_cast %parallel_loop3A_145 : i32 to index
        %parallel_loop3A_249 = arith.constant 112 : index
        %parallel_loop3A_250 = tpu.vector_load %arg12[%parallel_loop3A_248, %parallel_loop3A_249] {strides = array<i32>} : memref<80x128xf32, #tpu.memory_space<vmem>>, vector<1x16xf32>,
        %parallel_loop3A_251 = vector.shape_cast %parallel_loop3A_250 : vector<1x16xf32> to vector<16xf32>
        %parallel_loop3A_252 = arith.addf %parallel_loop3A_247, %parallel_loop3A_251 : vector<16xf32>
        %parallel_loop3A_253 = arith.index_cast %parallel_loop3A_145 : i32 to index
        %parallel_loop3A_254 = arith.constant 112 : index
        %parallel_loop3A_255 = tpu.vector_load %arg14[%parallel_loop3A_253, %parallel_loop3A_254] {strides = array<i32>} : memref<80x128xf32, #tpu.memory_space<vmem>>, vector<1x16xf32>,
        %parallel_loop3A_256 = vector.shape_cast %parallel_loop3A_255 : vector<1x16xf32> to vector<16xf32>
        %parallel_loop3A_257 = vector.shape_cast %parallel_loop3A_252 : vector<16xf32> to vector<1x16xf32>
        tpu.vector_store %arg14[%parallel_loop3A_253, %parallel_loop3A_254], %parallel_loop3A_257 {strides = array<i32>} : memref<80x128xf32, #tpu.memory_space<vmem>>, vector<1x16xf32>,
      } {sc.loop_unroll_factor = 2 : i64, sc.parallel_access}
      %mul3A_131 = arith.constant 80 : i32
      %mul3A_132 = arith.muli %add3A_108, %mul3A_131 : i32
      %add3A_133 = arith.addi %mul3A_2, %mul3A_132 : i32
      %dma_start3A_134 = arith.constant 0 : i32
      %dma_start3A_135 = tpu.memref_slice %arg6[%add3A_133, %dma_start3A_134] : memref<161280x128xf32, #tpu.memory_space<hbm>> -> memref<80x128xf32, #tpu.memory_space<hbm>>
      %dma_start3A_136 = arith.constant 0 : i32
      %dma_start3A_137 = tpu.memref_slice %arg6[%add3A_133, %dma_start3A_136] : memref<161280x128xf32, #tpu.memory_space<hbm>> -> memref<80x128xf32, #tpu.memory_space<hbm>>
      tpu.enqueue_dma source(%arg14 : memref<80x128xf32, #tpu.memory_space<vmem>>) target(%dma_start3A_137 : memref<80x128xf32, #tpu.memory_space<hbm>>) target_semaphore(%arg18 : memref<!tpu.dma_semaphore, #tpu.memory_space<semaphore_mem>>)
      %add3A_138 = arith.constant 2 : i32
      %add3A_139 = arith.addi %add3A_108, %add3A_138 : i32
      %lt3A_140 = arith.constant 63 : i32
      %lt3A_141 = arith.cmpi slt, %add3A_139, %lt3A_140 : i32
      %convert_element_type3A_142 = arith.extui %lt3A_141 : i1 to i32
      %cond3A_143 = arith.constant 0 : i32
      %cond3A_144 = arith.cmpi ne, %convert_element_type3A_142, %cond3A_143 : i32
      scf.if %cond3A_144 {
        %add3A_145 = arith.constant 2 : i32
        %add3A_146 = arith.addi %add3A_108, %add3A_145 : i32
        %dma_start3A_147 = arith.constant 0 : i32
        %dma_start3A_148 = tpu.memref_slice %arg7[%add3A_146, %dma_start3A_147] : memref<63x80xi32, #tpu.memory_space<vmem>> -> memref<1x80xi32, #tpu.memory_space<vmem>>
        %dma_start3A_149 = tpu.memref_squeeze %dma_start3A_148 : memref<1x80xi32, #tpu.memory_space<vmem>> -> memref<80xi32, #tpu.memory_space<vmem>>
        %dma_start3A_150 = arith.constant 0 : i32
        %dma_start3A_151 = arith.constant 0 : i32
        %dma_start3A_152 = tpu.memref_slice %arg2[%dma_start3A_150, %dma_start3A_151] : memref<10000x128xf32, #tpu.memory_space<hbm>> -> memref<10000x128xf32, #tpu.memory_space<hbm>>
        tpu.enqueue_indirect_dma source(%dma_start3A_152 : memref<10000x128xf32, #tpu.memory_space<hbm>>) target(%arg10 : memref<80x128xf32, #tpu.memory_space<vmem>>) offsets(%dma_start3A_149 : memref<80xi32, #tpu.memory_space<vmem>>) semaphore(%arg16 : memref<!tpu.dma_semaphore, #tpu.memory_space<semaphore_mem>>)
        %dma_start3A_153 = arith.constant 0 : i32
        %dma_start3A_154 = tpu.memref_slice %arg8[%add3A_146, %dma_start3A_153] : memref<63x80xi32, #tpu.memory_space<vmem>> -> memref<1x80xi32, #tpu.memory_space<vmem>>
        %dma_start3A_155 = tpu.memref_squeeze %dma_start3A_154 : memref<1x80xi32, #tpu.memory_space<vmem>> -> memref<80xi32, #tpu.memory_space<vmem>>
        %dma_start3A_156 = arith.constant 0 : i32
        %dma_start3A_157 = arith.constant 0 : i32
        %dma_start3A_158 = tpu.memref_slice %arg3[%dma_start3A_156, %dma_start3A_157] : memref<10000x128xf32, #tpu.memory_space<hbm>> -> memref<10000x128xf32, #tpu.memory_space<hbm>>
        tpu.enqueue_indirect_dma source(%dma_start3A_158 : memref<10000x128xf32, #tpu.memory_space<hbm>>) target(%arg12 : memref<80x128xf32, #tpu.memory_space<vmem>>) offsets(%dma_start3A_155 : memref<80xi32, #tpu.memory_space<vmem>>) semaphore(%arg16 : memref<!tpu.dma_semaphore, #tpu.memory_space<semaphore_mem>>)
      } else {
      }
    }
    %scan3A_34 = arith.constant 31 : i32
    %dma_wait3A = arith.constant 0 : i32
    %dma_wait3A_35 = arith.constant 0 : i32
    %dma_wait3A_36 = tpu.memref_slice %arg7[%dma_wait3A, %dma_wait3A_35] : memref<63x80xi32, #tpu.memory_space<vmem>> -> memref<1x80xi32, #tpu.memory_space<vmem>>
    %dma_wait3A_37 = tpu.memref_squeeze %dma_wait3A_36 : memref<1x80xi32, #tpu.memory_space<vmem>> -> memref<80xi32, #tpu.memory_space<vmem>>
    %dma_wait3A_38 = arith.constant 0 : i32
    %dma_wait3A_39 = arith.constant 0 : i32
    %dma_wait3A_40 = tpu.memref_slice %arg2[%dma_wait3A_38, %dma_wait3A_39] : memref<10000x128xf32, #tpu.memory_space<hbm>> -> memref<10000x128xf32, #tpu.memory_space<hbm>>
    tpu.wait_indirect_dma semaphore(%arg15 : memref<!tpu.dma_semaphore, #tpu.memory_space<semaphore_mem>>) src(%dma_wait3A_40 : memref<10000x128xf32, #tpu.memory_space<hbm>>) dst(%arg9 : memref<80x128xf32, #tpu.memory_space<vmem>>)
    %dma_wait3A_41 = arith.constant 0 : i32
    %dma_wait3A_42 = arith.constant 0 : i32
    %dma_wait3A_43 = tpu.memref_slice %arg8[%dma_wait3A_41, %dma_wait3A_42] : memref<63x80xi32, #tpu.memory_space<vmem>> -> memref<1x80xi32, #tpu.memory_space<vmem>>
    %dma_wait3A_44 = tpu.memref_squeeze %dma_wait3A_43 : memref<1x80xi32, #tpu.memory_space<vmem>> -> memref<80xi32, #tpu.memory_space<vmem>>
    %dma_wait3A_45 = arith.constant 0 : i32
    %dma_wait3A_46 = arith.constant 0 : i32
    %dma_wait3A_47 = tpu.memref_slice %arg3[%dma_wait3A_45, %dma_wait3A_46] : memref<10000x128xf32, #tpu.memory_space<hbm>> -> memref<10000x128xf32, #tpu.memory_space<hbm>>
    tpu.wait_indirect_dma semaphore(%arg15 : memref<!tpu.dma_semaphore, #tpu.memory_space<semaphore_mem>>) src(%dma_wait3A_47 : memref<10000x128xf32, #tpu.memory_space<hbm>>) dst(%arg11 : memref<80x128xf32, #tpu.memory_space<vmem>>)
    %dma_wait3A_48 = arith.constant 0 : i32
    %dma_wait3A_49 = tpu.memref_slice %arg6[%mul3A_2, %dma_wait3A_48] : memref<161280x128xf32, #tpu.memory_space<hbm>> -> memref<80x128xf32, #tpu.memory_space<hbm>>
    %dma_wait3A_50 = arith.constant 0 : i32
    %dma_wait3A_51 = tpu.memref_slice %arg6[%mul3A_2, %dma_wait3A_50] : memref<161280x128xf32, #tpu.memory_space<hbm>> -> memref<80x128xf32, #tpu.memory_space<hbm>>
    tpu.wait_dma2 semaphore(%arg17 : memref<!tpu.dma_semaphore, #tpu.memory_space<semaphore_mem>>) src(%arg13 : memref<80x128xf32, #tpu.memory_space<vmem>>) dst(%dma_wait3A_51 : memref<80x128xf32, #tpu.memory_space<hbm>>)
    %parallel_loop3A = arith.constant 0 : i32
    %parallel_loop3A_52 = arith.constant 80 : i32
    %parallel_loop3A_53 = arith.constant 1 : i32
    scf.for %parallel_loop3A_68 = %parallel_loop3A to %parallel_loop3A_52 step %parallel_loop3A_53  : i32 {
      %parallel_loop3A_69 = arith.index_cast %parallel_loop3A_68 : i32 to index
      %parallel_loop3A_70 = arith.constant 0 : index
      %parallel_loop3A_71 = tpu.vector_load %arg9[%parallel_loop3A_69, %parallel_loop3A_70] {strides = array<i32>} : memref<80x128xf32, #tpu.memory_space<vmem>>, vector<1x16xf32>,
      %parallel_loop3A_72 = vector.shape_cast %parallel_loop3A_71 : vector<1x16xf32> to vector<16xf32>
      %parallel_loop3A_73 = arith.index_cast %parallel_loop3A_68 : i32 to index
      %parallel_loop3A_74 = arith.constant 0 : index
      %parallel_loop3A_75 = tpu.vector_load %arg11[%parallel_loop3A_73, %parallel_loop3A_74] {strides = array<i32>} : memref<80x128xf32, #tpu.memory_space<vmem>>, vector<1x16xf32>,
      %parallel_loop3A_76 = vector.shape_cast %parallel_loop3A_75 : vector<1x16xf32> to vector<16xf32>
      %parallel_loop3A_77 = arith.addf %parallel_loop3A_72, %parallel_loop3A_76 : vector<16xf32>
      %parallel_loop3A_78 = arith.index_cast %parallel_loop3A_68 : i32 to index
      %parallel_loop3A_79 = arith.constant 0 : index
      %parallel_loop3A_80 = tpu.vector_load %arg13[%parallel_loop3A_78, %parallel_loop3A_79] {strides = array<i32>} : memref<80x128xf32, #tpu.memory_space<vmem>>, vector<1x16xf32>,
      %parallel_loop3A_81 = vector.shape_cast %parallel_loop3A_80 : vector<1x16xf32> to vector<16xf32>
      %parallel_loop3A_82 = vector.shape_cast %parallel_loop3A_77 : vector<16xf32> to vector<1x16xf32>
      tpu.vector_store %arg13[%parallel_loop3A_78, %parallel_loop3A_79], %parallel_loop3A_82 {strides = array<i32>} : memref<80x128xf32, #tpu.memory_space<vmem>>, vector<1x16xf32>,
      %parallel_loop3A_83 = arith.index_cast %parallel_loop3A_68 : i32 to index
      %parallel_loop3A_84 = arith.constant 16 : index
      %parallel_loop3A_85 = tpu.vector_load %arg9[%parallel_loop3A_83, %parallel_loop3A_84] {strides = array<i32>} : memref<80x128xf32, #tpu.memory_space<vmem>>, vector<1x16xf32>,
      %parallel_loop3A_86 = vector.shape_cast %parallel_loop3A_85 : vector<1x16xf32> to vector<16xf32>
      %parallel_loop3A_87 = arith.index_cast %parallel_loop3A_68 : i32 to index
      %parallel_loop3A_88 = arith.constant 16 : index
      %parallel_loop3A_89 = tpu.vector_load %arg11[%parallel_loop3A_87, %parallel_loop3A_88] {strides = array<i32>} : memref<80x128xf32, #tpu.memory_space<vmem>>, vector<1x16xf32>,
      %parallel_loop3A_90 = vector.shape_cast %parallel_loop3A_89 : vector<1x16xf32> to vector<16xf32>
      %parallel_loop3A_91 = arith.addf %parallel_loop3A_86, %parallel_loop3A_90 : vector<16xf32>
      %parallel_loop3A_92 = arith.index_cast %parallel_loop3A_68 : i32 to index
      %parallel_loop3A_93 = arith.constant 16 : index
      %parallel_loop3A_94 = tpu.vector_load %arg13[%parallel_loop3A_92, %parallel_loop3A_93] {strides = array<i32>} : memref<80x128xf32, #tpu.memory_space<vmem>>, vector<1x16xf32>,
      %parallel_loop3A_95 = vector.shape_cast %parallel_loop3A_94 : vector<1x16xf32> to vector<16xf32>
      %parallel_loop3A_96 = vector.shape_cast %parallel_loop3A_91 : vector<16xf32> to vector<1x16xf32>
      tpu.vector_store %arg13[%parallel_loop3A_92, %parallel_loop3A_93], %parallel_loop3A_96 {strides = array<i32>} : memref<80x128xf32, #tpu.memory_space<vmem>>, vector<1x16xf32>,
      %parallel_loop3A_97 = arith.index_cast %parallel_loop3A_68 : i32 to index
      %parallel_loop3A_98 = arith.constant 32 : index
      %parallel_loop3A_99 = tpu.vector_load %arg9[%parallel_loop3A_97, %parallel_loop3A_98] {strides = array<i32>} : memref<80x128xf32, #tpu.memory_space<vmem>>, vector<1x16xf32>,
      %parallel_loop3A_100 = vector.shape_cast %parallel_loop3A_99 : vector<1x16xf32> to vector<16xf32>
      %parallel_loop3A_101 = arith.index_cast %parallel_loop3A_68 : i32 to index
      %parallel_loop3A_102 = arith.constant 32 : index
      %parallel_loop3A_103 = tpu.vector_load %arg11[%parallel_loop3A_101, %parallel_loop3A_102] {strides = array<i32>} : memref<80x128xf32, #tpu.memory_space<vmem>>, vector<1x16xf32>,
      %parallel_loop3A_104 = vector.shape_cast %parallel_loop3A_103 : vector<1x16xf32> to vector<16xf32>
      %parallel_loop3A_105 = arith.addf %parallel_loop3A_100, %parallel_loop3A_104 : vector<16xf32>
      %parallel_loop3A_106 = arith.index_cast %parallel_loop3A_68 : i32 to index
      %parallel_loop3A_107 = arith.constant 32 : index
      %parallel_loop3A_108 = tpu.vector_load %arg13[%parallel_loop3A_106, %parallel_loop3A_107] {strides = array<i32>} : memref<80x128xf32, #tpu.memory_space<vmem>>, vector<1x16xf32>,
      %parallel_loop3A_109 = vector.shape_cast %parallel_loop3A_108 : vector<1x16xf32> to vector<16xf32>
      %parallel_loop3A_110 = vector.shape_cast %parallel_loop3A_105 : vector<16xf32> to vector<1x16xf32>
      tpu.vector_store %arg13[%parallel_loop3A_106, %parallel_loop3A_107], %parallel_loop3A_110 {strides = array<i32>} : memref<80x128xf32, #tpu.memory_space<vmem>>, vector<1x16xf32>,
      %parallel_loop3A_111 = arith.index_cast %parallel_loop3A_68 : i32 to index
      %parallel_loop3A_112 = arith.constant 48 : index
      %parallel_loop3A_113 = tpu.vector_load %arg9[%parallel_loop3A_111, %parallel_loop3A_112] {strides = array<i32>} : memref<80x128xf32, #tpu.memory_space<vmem>>, vector<1x16xf32>,
      %parallel_loop3A_114 = vector.shape_cast %parallel_loop3A_113 : vector<1x16xf32> to vector<16xf32>
      %parallel_loop3A_115 = arith.index_cast %parallel_loop3A_68 : i32 to index
      %parallel_loop3A_116 = arith.constant 48 : index
      %parallel_loop3A_117 = tpu.vector_load %arg11[%parallel_loop3A_115, %parallel_loop3A_116] {strides = array<i32>} : memref<80x128xf32, #tpu.memory_space<vmem>>, vector<1x16xf32>,
      %parallel_loop3A_118 = vector.shape_cast %parallel_loop3A_117 : vector<1x16xf32> to vector<16xf32>
      %parallel_loop3A_119 = arith.addf %parallel_loop3A_114, %parallel_loop3A_118 : vector<16xf32>
      %parallel_loop3A_120 = arith.index_cast %parallel_loop3A_68 : i32 to index
      %parallel_loop3A_121 = arith.constant 48 : index
      %parallel_loop3A_122 = tpu.vector_load %arg13[%parallel_loop3A_120, %parallel_loop3A_121] {strides = array<i32>} : memref<80x128xf32, #tpu.memory_space<vmem>>, vector<1x16xf32>,
      %parallel_loop3A_123 = vector.shape_cast %parallel_loop3A_122 : vector<1x16xf32> to vector<16xf32>
      %parallel_loop3A_124 = vector.shape_cast %parallel_loop3A_119 : vector<16xf32> to vector<1x16xf32>
      tpu.vector_store %arg13[%parallel_loop3A_120, %parallel_loop3A_121], %parallel_loop3A_124 {strides = array<i32>} : memref<80x128xf32, #tpu.memory_space<vmem>>, vector<1x16xf32>,
      %parallel_loop3A_125 = arith.index_cast %parallel_loop3A_68 : i32 to index
      %parallel_loop3A_126 = arith.constant 64 : index
      %parallel_loop3A_127 = tpu.vector_load %arg9[%parallel_loop3A_125, %parallel_loop3A_126] {strides = array<i32>} : memref<80x128xf32, #tpu.memory_space<vmem>>, vector<1x16xf32>,
      %parallel_loop3A_128 = vector.shape_cast %parallel_loop3A_127 : vector<1x16xf32> to vector<16xf32>
      %parallel_loop3A_129 = arith.index_cast %parallel_loop3A_68 : i32 to index
      %parallel_loop3A_130 = arith.constant 64 : index
      %parallel_loop3A_131 = tpu.vector_load %arg11[%parallel_loop3A_129, %parallel_loop3A_130] {strides = array<i32>} : memref<80x128xf32, #tpu.memory_space<vmem>>, vector<1x16xf32>,
      %parallel_loop3A_132 = vector.shape_cast %parallel_loop3A_131 : vector<1x16xf32> to vector<16xf32>
      %parallel_loop3A_133 = arith.addf %parallel_loop3A_128, %parallel_loop3A_132 : vector<16xf32>
      %parallel_loop3A_134 = arith.index_cast %parallel_loop3A_68 : i32 to index
      %parallel_loop3A_135 = arith.constant 64 : index
      %parallel_loop3A_136 = tpu.vector_load %arg13[%parallel_loop3A_134, %parallel_loop3A_135] {strides = array<i32>} : memref<80x128xf32, #tpu.memory_space<vmem>>, vector<1x16xf32>,
      %parallel_loop3A_137 = vector.shape_cast %parallel_loop3A_136 : vector<1x16xf32> to vector<16xf32>
      %parallel_loop3A_138 = vector.shape_cast %parallel_loop3A_133 : vector<16xf32> to vector<1x16xf32>
      tpu.vector_store %arg13[%parallel_loop3A_134, %parallel_loop3A_135], %parallel_loop3A_138 {strides = array<i32>} : memref<80x128xf32, #tpu.memory_space<vmem>>, vector<1x16xf32>,
      %parallel_loop3A_139 = arith.index_cast %parallel_loop3A_68 : i32 to index
      %parallel_loop3A_140 = arith.constant 80 : index
      %parallel_loop3A_141 = tpu.vector_load %arg9[%parallel_loop3A_139, %parallel_loop3A_140] {strides = array<i32>} : memref<80x128xf32, #tpu.memory_space<vmem>>, vector<1x16xf32>,
      %parallel_loop3A_142 = vector.shape_cast %parallel_loop3A_141 : vector<1x16xf32> to vector<16xf32>
      %parallel_loop3A_143 = arith.index_cast %parallel_loop3A_68 : i32 to index
      %parallel_loop3A_144 = arith.constant 80 : index
      %parallel_loop3A_145 = tpu.vector_load %arg11[%parallel_loop3A_143, %parallel_loop3A_144] {strides = array<i32>} : memref<80x128xf32, #tpu.memory_space<vmem>>, vector<1x16xf32>,
      %parallel_loop3A_146 = vector.shape_cast %parallel_loop3A_145 : vector<1x16xf32> to vector<16xf32>
      %parallel_loop3A_147 = arith.addf %parallel_loop3A_142, %parallel_loop3A_146 : vector<16xf32>
      %parallel_loop3A_148 = arith.index_cast %parallel_loop3A_68 : i32 to index
      %parallel_loop3A_149 = arith.constant 80 : index
      %parallel_loop3A_150 = tpu.vector_load %arg13[%parallel_loop3A_148, %parallel_loop3A_149] {strides = array<i32>} : memref<80x128xf32, #tpu.memory_space<vmem>>, vector<1x16xf32>,
      %parallel_loop3A_151 = vector.shape_cast %parallel_loop3A_150 : vector<1x16xf32> to vector<16xf32>
      %parallel_loop3A_152 = vector.shape_cast %parallel_loop3A_147 : vector<16xf32> to vector<1x16xf32>
      tpu.vector_store %arg13[%parallel_loop3A_148, %parallel_loop3A_149], %parallel_loop3A_152 {strides = array<i32>} : memref<80x128xf32, #tpu.memory_space<vmem>>, vector<1x16xf32>,
      %parallel_loop3A_153 = arith.index_cast %parallel_loop3A_68 : i32 to index
      %parallel_loop3A_154 = arith.constant 96 : index
      %parallel_loop3A_155 = tpu.vector_load %arg9[%parallel_loop3A_153, %parallel_loop3A_154] {strides = array<i32>} : memref<80x128xf32, #tpu.memory_space<vmem>>, vector<1x16xf32>,
      %parallel_loop3A_156 = vector.shape_cast %parallel_loop3A_155 : vector<1x16xf32> to vector<16xf32>
      %parallel_loop3A_157 = arith.index_cast %parallel_loop3A_68 : i32 to index
      %parallel_loop3A_158 = arith.constant 96 : index
      %parallel_loop3A_159 = tpu.vector_load %arg11[%parallel_loop3A_157, %parallel_loop3A_158] {strides = array<i32>} : memref<80x128xf32, #tpu.memory_space<vmem>>, vector<1x16xf32>,
      %parallel_loop3A_160 = vector.shape_cast %parallel_loop3A_159 : vector<1x16xf32> to vector<16xf32>
      %parallel_loop3A_161 = arith.addf %parallel_loop3A_156, %parallel_loop3A_160 : vector<16xf32>
      %parallel_loop3A_162 = arith.index_cast %parallel_loop3A_68 : i32 to index
      %parallel_loop3A_163 = arith.constant 96 : index
      %parallel_loop3A_164 = tpu.vector_load %arg13[%parallel_loop3A_162, %parallel_loop3A_163] {strides = array<i32>} : memref<80x128xf32, #tpu.memory_space<vmem>>, vector<1x16xf32>,
      %parallel_loop3A_165 = vector.shape_cast %parallel_loop3A_164 : vector<1x16xf32> to vector<16xf32>
      %parallel_loop3A_166 = vector.shape_cast %parallel_loop3A_161 : vector<16xf32> to vector<1x16xf32>
      tpu.vector_store %arg13[%parallel_loop3A_162, %parallel_loop3A_163], %parallel_loop3A_166 {strides = array<i32>} : memref<80x128xf32, #tpu.memory_space<vmem>>, vector<1x16xf32>,
      %parallel_loop3A_167 = arith.index_cast %parallel_loop3A_68 : i32 to index
      %parallel_loop3A_168 = arith.constant 112 : index
      %parallel_loop3A_169 = tpu.vector_load %arg9[%parallel_loop3A_167, %parallel_loop3A_168] {strides = array<i32>} : memref<80x128xf32, #tpu.memory_space<vmem>>, vector<1x16xf32>,
      %parallel_loop3A_170 = vector.shape_cast %parallel_loop3A_169 : vector<1x16xf32> to vector<16xf32>
      %parallel_loop3A_171 = arith.index_cast %parallel_loop3A_68 : i32 to index
      %parallel_loop3A_172 = arith.constant 112 : index
      %parallel_loop3A_173 = tpu.vector_load %arg11[%parallel_loop3A_171, %parallel_loop3A_172] {strides = array<i32>} : memref<80x128xf32, #tpu.memory_space<vmem>>, vector<1x16xf32>,
      %parallel_loop3A_174 = vector.shape_cast %parallel_loop3A_173 : vector<1x16xf32> to vector<16xf32>
      %parallel_loop3A_175 = arith.addf %parallel_loop3A_170, %parallel_loop3A_174 : vector<16xf32>
      %parallel_loop3A_176 = arith.index_cast %parallel_loop3A_68 : i32 to index
      %parallel_loop3A_177 = arith.constant 112 : index
      %parallel_loop3A_178 = tpu.vector_load %arg13[%parallel_loop3A_176, %parallel_loop3A_177] {strides = array<i32>} : memref<80x128xf32, #tpu.memory_space<vmem>>, vector<1x16xf32>,
      %parallel_loop3A_179 = vector.shape_cast %parallel_loop3A_178 : vector<1x16xf32> to vector<16xf32>
      %parallel_loop3A_180 = vector.shape_cast %parallel_loop3A_175 : vector<16xf32> to vector<1x16xf32>
      tpu.vector_store %arg13[%parallel_loop3A_176, %parallel_loop3A_177], %parallel_loop3A_180 {strides = array<i32>} : memref<80x128xf32, #tpu.memory_space<vmem>>, vector<1x16xf32>,
    } {sc.loop_unroll_factor = 2 : i64, sc.parallel_access}
    %add3A_54 = arith.constant 4960 : i32
    %add3A_55 = arith.addi %mul3A_2, %add3A_54 : i32
    %dma_start3A_56 = arith.constant 0 : i32
    %dma_start3A_57 = tpu.memref_slice %arg6[%add3A_55, %dma_start3A_56] : memref<161280x128xf32, #tpu.memory_space<hbm>> -> memref<80x128xf32, #tpu.memory_space<hbm>>
    %dma_start3A_58 = arith.constant 0 : i32
    %dma_start3A_59 = tpu.memref_slice %arg6[%add3A_55, %dma_start3A_58] : memref<161280x128xf32, #tpu.memory_space<hbm>> -> memref<80x128xf32, #tpu.memory_space<hbm>>
    tpu.enqueue_dma source(%arg13 : memref<80x128xf32, #tpu.memory_space<vmem>>) target(%dma_start3A_59 : memref<80x128xf32, #tpu.memory_space<hbm>>) target_semaphore(%arg17 : memref<!tpu.dma_semaphore, #tpu.memory_space<semaphore_mem>>)
    %dma_wait3A_60 = arith.constant 0 : i32
    %dma_wait3A_61 = tpu.memref_slice %arg6[%mul3A_2, %dma_wait3A_60] : memref<161280x128xf32, #tpu.memory_space<hbm>> -> memref<80x128xf32, #tpu.memory_space<hbm>>
    %dma_wait3A_62 = arith.constant 0 : i32
    %dma_wait3A_63 = tpu.memref_slice %arg6[%mul3A_2, %dma_wait3A_62] : memref<161280x128xf32, #tpu.memory_space<hbm>> -> memref<80x128xf32, #tpu.memory_space<hbm>>
    tpu.wait_dma2 semaphore(%arg18 : memref<!tpu.dma_semaphore, #tpu.memory_space<semaphore_mem>>) src(%arg14 : memref<80x128xf32, #tpu.memory_space<vmem>>) dst(%dma_wait3A_63 : memref<80x128xf32, #tpu.memory_space<hbm>>)
    %dma_wait3A_64 = arith.constant 0 : i32
    %dma_wait3A_65 = tpu.memref_slice %arg6[%mul3A_2, %dma_wait3A_64] : memref<161280x128xf32, #tpu.memory_space<hbm>> -> memref<80x128xf32, #tpu.memory_space<hbm>>
    %dma_wait3A_66 = arith.constant 0 : i32
    %dma_wait3A_67 = tpu.memref_slice %arg6[%mul3A_2, %dma_wait3A_66] : memref<161280x128xf32, #tpu.memory_space<hbm>> -> memref<80x128xf32, #tpu.memory_space<hbm>>
    tpu.wait_dma2 semaphore(%arg17 : memref<!tpu.dma_semaphore, #tpu.memory_space<semaphore_mem>>) src(%arg13 : memref<80x128xf32, #tpu.memory_space<vmem>>) dst(%dma_wait3A_67 : memref<80x128xf32, #tpu.memory_space<hbm>>)
    return
  }
}

module attributes {stable_mosaic.version = 14 : i64} {
  func.func @_proj_body(%arg0: memref<10000x128xf32, #tpu.memory_space<vmem>>, %arg1: memref<384x128xf32, #tpu.memory_space<vmem>>, %arg2: memref<1x128xf32, #tpu.memory_space<vmem>>, %arg3: memref<10000x128xf32, #tpu.memory_space<vmem>>, %arg4: memref<10000x128xf32, #tpu.memory_space<vmem>>) attributes {dimension_semantics = [], scalar_prefetch = 0 : i64, scratch_operands = 0 : i64, tpu.core_type = #tpu.core_type<tc>} {
    %get3A = arith.constant 0 : index
    %get3A_0 = arith.constant 0 : index
    %get3A_1 = vector.load %arg0[%get3A, %get3A_0] : memref<10000x128xf32, #tpu.memory_space<vmem>>, vector<10000x128xf32>
    %get3A_2 = arith.constant 0 : index
    %get3A_3 = arith.constant 0 : index
    %get3A_4 = vector.load %arg1[%get3A_2, %get3A_3] : memref<384x128xf32, #tpu.memory_space<vmem>>, vector<128x128xf32>
    %dot_general3A = arith.constant dense<0.000000e+00> : vector<10000x128xf32>
    %dot_general3A_5 = tpu.matmul %get3A_1, %get3A_4, %dot_general3A {dimension_numbers = #tpu.dot_dimension_numbers<[1], [0], [0], [1], [0, 0, 1, 1], [], []>, transpose_lhs_hint = false} : vector<10000x128xf32>, vector<128x128xf32>, vector<10000x128xf32> -> vector<10000x128xf32>
    %swap3A = arith.constant 0 : index
    %swap3A_6 = arith.constant 0 : index
    %swap3A_7 = vector.load %arg3[%swap3A, %swap3A_6] : memref<10000x128xf32, #tpu.memory_space<vmem>>, vector<10000x128xf32>
    tpu.vector_store %arg3[%swap3A, %swap3A_6], %dot_general3A_5 {strides = array<i32>} : memref<10000x128xf32, #tpu.memory_space<vmem>>, vector<10000x128xf32>,
    %get3A_8 = arith.constant 128 : index
    %get3A_9 = arith.constant 0 : index
    %get3A_10 = vector.load %arg1[%get3A_8, %get3A_9] : memref<384x128xf32, #tpu.memory_space<vmem>>, vector<128x128xf32>
    %dot_general3A_11 = arith.constant dense<0.000000e+00> : vector<10000x128xf32>
    %dot_general3A_12 = tpu.matmul %get3A_1, %get3A_10, %dot_general3A_11 {dimension_numbers = #tpu.dot_dimension_numbers<[1], [0], [0], [1], [0, 0, 1, 1], [], []>, transpose_lhs_hint = false} : vector<10000x128xf32>, vector<128x128xf32>, vector<10000x128xf32> -> vector<10000x128xf32>
    %get3A_13 = arith.constant 0 : index
    %get3A_14 = arith.constant 0 : index
    %get3A_15 = vector.load %arg2[%get3A_13, %get3A_14] : memref<1x128xf32, #tpu.memory_space<vmem>>, vector<1x128xf32>
    %add3A = vector.broadcast %get3A_15 : vector<1x128xf32> to vector<10000x128xf32>
    %add3A_16 = arith.addf %dot_general3A_12, %add3A : vector<10000x128xf32>
    %swap3A_17 = arith.constant 0 : index
    %swap3A_18 = arith.constant 0 : index
    %swap3A_19 = vector.load %arg4[%swap3A_17, %swap3A_18] : memref<10000x128xf32, #tpu.memory_space<vmem>>, vector<10000x128xf32>
    tpu.vector_store %arg4[%swap3A_17, %swap3A_18], %add3A_16 {strides = array<i32>} : memref<10000x128xf32, #tpu.memory_space<vmem>>, vector<10000x128xf32>,
    return
  }
}

module attributes {stable_mosaic.version = 14 : i64} {
  func.func @_edge_mlp_body(%arg0: i32, %arg1: memref<2560x128xf32, #tpu.memory_space<vmem>>, %arg2: memref<2560x128xf32, #tpu.memory_space<vmem>>, %arg3: memref<128x128xf32, #tpu.memory_space<vmem>>, %arg4: memref<128x128xf32, #tpu.memory_space<vmem>>, %arg5: memref<1x128xf32, #tpu.memory_space<vmem>>, %arg6: memref<128x1xf32, #tpu.memory_space<vmem>>, %arg7: memref<1x1xf32, #tpu.memory_space<vmem>>, %arg8: memref<2560x128xf32, #tpu.memory_space<vmem>>, %arg9: memref<2560x128xf32, #tpu.memory_space<vmem>>) attributes {dimension_semantics = [#tpu.dimension_semantics<arbitrary>], iteration_bounds = array<i64: 63>, scalar_prefetch = 0 : i64, scratch_operands = 0 : i64, tpu.core_type = #tpu.core_type<tc>, window_params = [{transform_indices = @transform_0, window_bounds = array<i64: 2560, 128>}, {transform_indices = @transform_1, window_bounds = array<i64: 2560, 128>}, {pipeline_mode = #tpu.pipeline_mode<synchronous>, transform_indices = @transform_2, window_bounds = array<i64: 128, 128>}, {pipeline_mode = #tpu.pipeline_mode<synchronous>, transform_indices = @transform_3, window_bounds = array<i64: 128, 128>}, {pipeline_mode = #tpu.pipeline_mode<synchronous>, transform_indices = @transform_4, window_bounds = array<i64: 1, 128>}, {pipeline_mode = #tpu.pipeline_mode<synchronous>, transform_indices = @transform_5, window_bounds = array<i64: 128, 1>}, {pipeline_mode = #tpu.pipeline_mode<synchronous>, transform_indices = @transform_6, window_bounds = array<i64: 1, 1>}, {transform_indices = @transform_7, window_bounds = array<i64: 2560, 128>}, {transform_indices = @transform_8, window_bounds = array<i64: 2560, 128>}]} {
    %get3A = arith.constant 0 : index
    %get3A_0 = arith.constant 0 : index
    %get3A_1 = vector.load %arg1[%get3A, %get3A_0] : memref<2560x128xf32, #tpu.memory_space<vmem>>, vector<2560x128xf32>
    %get3A_2 = arith.constant 0 : index
    %get3A_3 = arith.constant 0 : index
    %get3A_4 = vector.load %arg2[%get3A_2, %get3A_3] : memref<2560x128xf32, #tpu.memory_space<vmem>>, vector<2560x128xf32>
    %get3A_5 = arith.constant 0 : index
    %get3A_6 = arith.constant 0 : index
    %get3A_7 = vector.load %arg3[%get3A_5, %get3A_6] : memref<128x128xf32, #tpu.memory_space<vmem>>, vector<128x128xf32>
    %dot_general3A = arith.constant dense<0.000000e+00> : vector<2560x128xf32>
    %dot_general3A_8 = tpu.matmul %get3A_4, %get3A_7, %dot_general3A {dimension_numbers = #tpu.dot_dimension_numbers<[1], [0], [0], [1], [0, 0, 1, 1], [], []>, transpose_lhs_hint = false} : vector<2560x128xf32>, vector<128x128xf32>, vector<2560x128xf32> -> vector<2560x128xf32>
    %add3A = arith.addf %get3A_1, %dot_general3A_8 : vector<2560x128xf32>
    %max3A = arith.constant 0.000000e+00 : f32
    %max3A_9 = vector.broadcast %max3A : f32 to vector<2560x128xf32>
    %max3A_10 = arith.maximumf %add3A, %max3A_9 : vector<2560x128xf32>
    %get3A_11 = arith.constant 0 : index
    %get3A_12 = arith.constant 0 : index
    %get3A_13 = vector.load %arg4[%get3A_11, %get3A_12] : memref<128x128xf32, #tpu.memory_space<vmem>>, vector<128x128xf32>
    %dot_general3A_14 = arith.constant dense<0.000000e+00> : vector<2560x128xf32>
    %dot_general3A_15 = tpu.matmul %max3A_10, %get3A_13, %dot_general3A_14 {dimension_numbers = #tpu.dot_dimension_numbers<[1], [0], [0], [1], [0, 0, 1, 1], [], []>, transpose_lhs_hint = false} : vector<2560x128xf32>, vector<128x128xf32>, vector<2560x128xf32> -> vector<2560x128xf32>
    %get3A_16 = arith.constant 0 : index
    %get3A_17 = arith.constant 0 : index
    %get3A_18 = vector.load %arg5[%get3A_16, %get3A_17] : memref<1x128xf32, #tpu.memory_space<vmem>>, vector<1x128xf32>
    %add3A_19 = vector.broadcast %get3A_18 : vector<1x128xf32> to vector<2560x128xf32>
    %add3A_20 = arith.addf %dot_general3A_15, %add3A_19 : vector<2560x128xf32>
    %logistic3A = arith.negf %add3A_20 : vector<2560x128xf32>
    %logistic3A_21 = math.exp %logistic3A : vector<2560x128xf32>
    %logistic3A_22 = arith.constant 1.000000e+00 : f32
    %logistic3A_23 = vector.broadcast %logistic3A_22 : f32 to vector<2560x128xf32>
    %logistic3A_24 = arith.addf %logistic3A_23, %logistic3A_21 : vector<2560x128xf32>
    %logistic3A_25 = arith.divf %logistic3A_23, %logistic3A_24 : vector<2560x128xf32>
    %mul3A = arith.mulf %add3A_20, %logistic3A_25 : vector<2560x128xf32>
    %add3A_26 = arith.addf %get3A_4, %mul3A : vector<2560x128xf32>
    %swap3A = arith.constant 0 : index
    %swap3A_27 = arith.constant 0 : index
    %swap3A_28 = vector.load %arg8[%swap3A, %swap3A_27] : memref<2560x128xf32, #tpu.memory_space<vmem>>, vector<2560x128xf32>
    tpu.vector_store %arg8[%swap3A, %swap3A_27], %add3A_26 {strides = array<i32>} : memref<2560x128xf32, #tpu.memory_space<vmem>>, vector<2560x128xf32>,
    %get3A_29 = arith.constant 0 : index
    %get3A_30 = arith.constant 0 : index
    %get3A_31 = vector.load %arg6[%get3A_29, %get3A_30] : memref<128x1xf32, #tpu.memory_space<vmem>>, vector<128x1xf32>
    %dot_general3A_32 = arith.constant dense<0.000000e+00> : vector<2560x1xf32>
    %dot_general3A_33 = tpu.matmul %mul3A, %get3A_31, %dot_general3A_32 {dimension_numbers = #tpu.dot_dimension_numbers<[1], [0], [0], [1], [0, 0, 1, 1], [], []>, transpose_lhs_hint = false} : vector<2560x128xf32>, vector<128x1xf32>, vector<2560x1xf32> -> vector<2560x1xf32>
    %get3A_34 = arith.constant 0 : index
    %get3A_35 = arith.constant 0 : index
    %get3A_36 = vector.load %arg7[%get3A_34, %get3A_35] : memref<1x1xf32, #tpu.memory_space<vmem>>, vector<1x1xf32>
    %add3A_37 = vector.broadcast %get3A_36 : vector<1x1xf32> to vector<2560x1xf32>
    %add3A_38 = arith.addf %dot_general3A_33, %add3A_37 : vector<2560x1xf32>
    %logistic3A_39 = arith.negf %add3A_38 : vector<2560x1xf32>
    %logistic3A_40 = math.exp %logistic3A_39 : vector<2560x1xf32>
    %logistic3A_41 = arith.constant 1.000000e+00 : f32
    %logistic3A_42 = vector.broadcast %logistic3A_41 : f32 to vector<2560x1xf32>
    %logistic3A_43 = arith.addf %logistic3A_42, %logistic3A_40 : vector<2560x1xf32>
    %logistic3A_44 = arith.divf %logistic3A_42, %logistic3A_43 : vector<2560x1xf32>
    %mul3A_45 = vector.broadcast %logistic3A_44 : vector<2560x1xf32> to vector<2560x128xf32>
    %mul3A_46 = arith.mulf %mul3A, %mul3A_45 : vector<2560x128xf32>
    %swap3A_47 = arith.constant 0 : index
    %swap3A_48 = arith.constant 0 : index
    %swap3A_49 = vector.load %arg9[%swap3A_47, %swap3A_48] : memref<2560x128xf32, #tpu.memory_space<vmem>>, vector<2560x128xf32>
    tpu.vector_store %arg9[%swap3A_47, %swap3A_48], %mul3A_46 {strides = array<i32>} : memref<2560x128xf32, #tpu.memory_space<vmem>>, vector<2560x128xf32>,
    return
  }
  func.func @transform_0(%arg0: i32) -> (i32, i32) {
    %c0_i32 = arith.constant 0 : i32
    %c0_i32_0 = arith.constant 0 : i32
    return %arg0, %c0_i32 : i32, i32
  }
  func.func @transform_1(%arg0: i32) -> (i32, i32) {
    %add3A = arith.constant 0 : i32
    %add3A_0 = arith.addi %arg0, %add3A : i32
    %c0_i32 = arith.constant 0 : i32
    %c0_i32_1 = arith.constant 0 : i32
    return %add3A_0, %c0_i32 : i32, i32
  }
  func.func @transform_2(%arg0: i32) -> (i32, i32) {
    %c0_i32 = arith.constant 0 : i32
    %c0_i32_0 = arith.constant 0 : i32
    %c0_i32_1 = arith.constant 0 : i32
    return %c0_i32, %c0_i32_0 : i32, i32
  }
  func.func @transform_3(%arg0: i32) -> (i32, i32) {
    %c0_i32 = arith.constant 0 : i32
    %c0_i32_0 = arith.constant 0 : i32
    %c0_i32_1 = arith.constant 0 : i32
    return %c0_i32, %c0_i32_0 : i32, i32
  }
  func.func @transform_4(%arg0: i32) -> (i32, i32) {
    %c0_i32 = arith.constant 0 : i32
    %c0_i32_0 = arith.constant 0 : i32
    %c0_i32_1 = arith.constant 0 : i32
    return %c0_i32, %c0_i32_0 : i32, i32
  }
  func.func @transform_5(%arg0: i32) -> (i32, i32) {
    %c0_i32 = arith.constant 0 : i32
    %c0_i32_0 = arith.constant 0 : i32
    %c0_i32_1 = arith.constant 0 : i32
    return %c0_i32, %c0_i32_0 : i32, i32
  }
  func.func @transform_6(%arg0: i32) -> (i32, i32) {
    %c0_i32 = arith.constant 0 : i32
    %c0_i32_0 = arith.constant 0 : i32
    %c0_i32_1 = arith.constant 0 : i32
    return %c0_i32, %c0_i32_0 : i32, i32
  }
  func.func @transform_7(%arg0: i32) -> (i32, i32) {
    %add3A = arith.constant 0 : i32
    %add3A_0 = arith.addi %arg0, %add3A : i32
    %c0_i32 = arith.constant 0 : i32
    %c0_i32_1 = arith.constant 0 : i32
    return %add3A_0, %c0_i32 : i32, i32
  }
  func.func @transform_8(%arg0: i32) -> (i32, i32) {
    %c0_i32 = arith.constant 0 : i32
    %c0_i32_0 = arith.constant 0 : i32
    return %arg0, %c0_i32 : i32, i32
  }
}

module attributes {stable_mosaic.version = 14 : i64} {
  func.func @body(%arg0: i32, %arg1: memref<2560x128xf32, #tpu.memory_space<vmem>>, %arg2: memref<2560x128xf32, #tpu.memory_space<vmem>>, %arg3: memref<128x128xf32, #tpu.memory_space<vmem>>, %arg4: memref<128x128xf32, #tpu.memory_space<vmem>>, %arg5: memref<1x128xf32, #tpu.memory_space<vmem>>, %arg6: memref<128x1xf32, #tpu.memory_space<vmem>>, %arg7: memref<1x1xf32, #tpu.memory_space<vmem>>, %arg8: memref<320000x128xf32, #tpu.memory_space<any>>, %arg9: memref<2560x128xf32, #tpu.memory_space<vmem>>, %arg10: memref<2560x128xf32, #tpu.memory_space<vmem>>) attributes {dimension_semantics = [#tpu.dimension_semantics<arbitrary>], iteration_bounds = array<i64: 62>, scalar_prefetch = 0 : i64, scratch_operands = 0 : i64, tpu.core_type = #tpu.core_type<tc>, window_params = [{transform_indices = @transform_0, window_bounds = array<i64: 2560, 128>}, {transform_indices = @transform_1, window_bounds = array<i64: 2560, 128>}, {pipeline_mode = #tpu.pipeline_mode<synchronous>, transform_indices = @transform_2, window_bounds = array<i64: 128, 128>}, {pipeline_mode = #tpu.pipeline_mode<synchronous>, transform_indices = @transform_3, window_bounds = array<i64: 128, 128>}, {pipeline_mode = #tpu.pipeline_mode<synchronous>, transform_indices = @transform_4, window_bounds = array<i64: 1, 128>}, {pipeline_mode = #tpu.pipeline_mode<synchronous>, transform_indices = @transform_5, window_bounds = array<i64: 128, 1>}, {pipeline_mode = #tpu.pipeline_mode<synchronous>, transform_indices = @transform_6, window_bounds = array<i64: 1, 1>}, {}, {transform_indices = @transform_8, window_bounds = array<i64: 2560, 128>}, {transform_indices = @transform_9, window_bounds = array<i64: 2560, 128>}]} {
    %get3A = arith.constant 0 : index
    %get3A_0 = arith.constant 0 : index
    %get3A_1 = vector.load %arg1[%get3A, %get3A_0] : memref<2560x128xf32, #tpu.memory_space<vmem>>, vector<2560x128xf32>
    %get3A_2 = arith.constant 0 : index
    %get3A_3 = arith.constant 0 : index
    %get3A_4 = vector.load %arg2[%get3A_2, %get3A_3] : memref<2560x128xf32, #tpu.memory_space<vmem>>, vector<2560x128xf32>
    %get3A_5 = arith.constant 0 : index
    %get3A_6 = arith.constant 0 : index
    %get3A_7 = vector.load %arg3[%get3A_5, %get3A_6] : memref<128x128xf32, #tpu.memory_space<vmem>>, vector<128x128xf32>
    %dot_general3A = arith.constant dense<0.000000e+00> : vector<2560x128xf32>
    %dot_general3A_8 = tpu.matmul %get3A_4, %get3A_7, %dot_general3A {dimension_numbers = #tpu.dot_dimension_numbers<[1], [0], [0], [1], [0, 0, 1, 1], [], []>, transpose_lhs_hint = false} : vector<2560x128xf32>, vector<128x128xf32>, vector<2560x128xf32> -> vector<2560x128xf32>
    %add3A = arith.addf %get3A_1, %dot_general3A_8 : vector<2560x128xf32>
    %max3A = arith.constant 0.000000e+00 : f32
    %max3A_9 = vector.broadcast %max3A : f32 to vector<2560x128xf32>
    %max3A_10 = arith.maximumf %add3A, %max3A_9 : vector<2560x128xf32>
    %get3A_11 = arith.constant 0 : index
    %get3A_12 = arith.constant 0 : index
    %get3A_13 = vector.load %arg4[%get3A_11, %get3A_12] : memref<128x128xf32, #tpu.memory_space<vmem>>, vector<128x128xf32>
    %dot_general3A_14 = arith.constant dense<0.000000e+00> : vector<2560x128xf32>
    %dot_general3A_15 = tpu.matmul %max3A_10, %get3A_13, %dot_general3A_14 {dimension_numbers = #tpu.dot_dimension_numbers<[1], [0], [0], [1], [0, 0, 1, 1], [], []>, transpose_lhs_hint = false} : vector<2560x128xf32>, vector<128x128xf32>, vector<2560x128xf32> -> vector<2560x128xf32>
    %get3A_16 = arith.constant 0 : index
    %get3A_17 = arith.constant 0 : index
    %get3A_18 = vector.load %arg5[%get3A_16, %get3A_17] : memref<1x128xf32, #tpu.memory_space<vmem>>, vector<1x128xf32>
    %add3A_19 = vector.broadcast %get3A_18 : vector<1x128xf32> to vector<2560x128xf32>
    %add3A_20 = arith.addf %dot_general3A_15, %add3A_19 : vector<2560x128xf32>
    %logistic3A = arith.negf %add3A_20 : vector<2560x128xf32>
    %logistic3A_21 = math.exp %logistic3A : vector<2560x128xf32>
    %logistic3A_22 = arith.constant 1.000000e+00 : f32
    %logistic3A_23 = vector.broadcast %logistic3A_22 : f32 to vector<2560x128xf32>
    %logistic3A_24 = arith.addf %logistic3A_23, %logistic3A_21 : vector<2560x128xf32>
    %logistic3A_25 = arith.divf %logistic3A_23, %logistic3A_24 : vector<2560x128xf32>
    %mul3A = arith.mulf %add3A_20, %logistic3A_25 : vector<2560x128xf32>
    %add3A_26 = arith.addf %get3A_4, %mul3A : vector<2560x128xf32>
    %swap3A = arith.constant 0 : index
    %swap3A_27 = arith.constant 0 : index
    %swap3A_28 = vector.load %arg9[%swap3A, %swap3A_27] : memref<2560x128xf32, #tpu.memory_space<vmem>>, vector<2560x128xf32>
    tpu.vector_store %arg9[%swap3A, %swap3A_27], %add3A_26 {strides = array<i32>} : memref<2560x128xf32, #tpu.memory_space<vmem>>, vector<2560x128xf32>,
    %get3A_29 = arith.constant 0 : index
    %get3A_30 = arith.constant 0 : index
    %get3A_31 = vector.load %arg6[%get3A_29, %get3A_30] : memref<128x1xf32, #tpu.memory_space<vmem>>, vector<128x1xf32>
    %dot_general3A_32 = arith.constant dense<0.000000e+00> : vector<2560x1xf32>
    %dot_general3A_33 = tpu.matmul %mul3A, %get3A_31, %dot_general3A_32 {dimension_numbers = #tpu.dot_dimension_numbers<[1], [0], [0], [1], [0, 0, 1, 1], [], []>, transpose_lhs_hint = false} : vector<2560x128xf32>, vector<128x1xf32>, vector<2560x1xf32> -> vector<2560x1xf32>
    %get3A_34 = arith.constant 0 : index
    %get3A_35 = arith.constant 0 : index
    %get3A_36 = vector.load %arg7[%get3A_34, %get3A_35] : memref<1x1xf32, #tpu.memory_space<vmem>>, vector<1x1xf32>
    %add3A_37 = vector.broadcast %get3A_36 : vector<1x1xf32> to vector<2560x1xf32>
    %add3A_38 = arith.addf %dot_general3A_33, %add3A_37 : vector<2560x1xf32>
    %logistic3A_39 = arith.negf %add3A_38 : vector<2560x1xf32>
    %logistic3A_40 = math.exp %logistic3A_39 : vector<2560x1xf32>
    %logistic3A_41 = arith.constant 1.000000e+00 : f32
    %logistic3A_42 = vector.broadcast %logistic3A_41 : f32 to vector<2560x1xf32>
    %logistic3A_43 = arith.addf %logistic3A_42, %logistic3A_40 : vector<2560x1xf32>
    %logistic3A_44 = arith.divf %logistic3A_42, %logistic3A_43 : vector<2560x1xf32>
    %mul3A_45 = vector.broadcast %logistic3A_44 : vector<2560x1xf32> to vector<2560x128xf32>
    %mul3A_46 = arith.mulf %mul3A, %mul3A_45 : vector<2560x128xf32>
    %swap3A_47 = arith.constant 0 : index
    %swap3A_48 = arith.constant 0 : index
    %swap3A_49 = vector.load %arg10[%swap3A_47, %swap3A_48] : memref<2560x128xf32, #tpu.memory_space<vmem>>, vector<2560x128xf32>
    tpu.vector_store %arg10[%swap3A_47, %swap3A_48], %mul3A_46 {strides = array<i32>} : memref<2560x128xf32, #tpu.memory_space<vmem>>, vector<2560x128xf32>,
    return
  }
  func.func @transform_0(%arg0: i32) -> (i32, i32) {
    %c0_i32 = arith.constant 0 : i32
    %c0_i32_0 = arith.constant 0 : i32
    return %arg0, %c0_i32 : i32, i32
  }
  func.func @transform_1(%arg0: i32) -> (i32, i32) {
    %add3A = arith.constant 63 : i32
    %add3A_0 = arith.addi %arg0, %add3A : i32
    %c0_i32 = arith.constant 0 : i32
    %c0_i32_1 = arith.constant 0 : i32
    return %add3A_0, %c0_i32 : i32, i32
  }
  func.func @transform_2(%arg0: i32) -> (i32, i32) {
    %c0_i32 = arith.constant 0 : i32
    %c0_i32_0 = arith.constant 0 : i32
    %c0_i32_1 = arith.constant 0 : i32
    return %c0_i32, %c0_i32_0 : i32, i32
  }
  func.func @transform_3(%arg0: i32) -> (i32, i32) {
    %c0_i32 = arith.constant 0 : i32
    %c0_i32_0 = arith.constant 0 : i32
    %c0_i32_1 = arith.constant 0 : i32
    return %c0_i32, %c0_i32_0 : i32, i32
  }
  func.func @transform_4(%arg0: i32) -> (i32, i32) {
    %c0_i32 = arith.constant 0 : i32
    %c0_i32_0 = arith.constant 0 : i32
    %c0_i32_1 = arith.constant 0 : i32
    return %c0_i32, %c0_i32_0 : i32, i32
  }
  func.func @transform_5(%arg0: i32) -> (i32, i32) {
    %c0_i32 = arith.constant 0 : i32
    %c0_i32_0 = arith.constant 0 : i32
    %c0_i32_1 = arith.constant 0 : i32
    return %c0_i32, %c0_i32_0 : i32, i32
  }
  func.func @transform_6(%arg0: i32) -> (i32, i32) {
    %c0_i32 = arith.constant 0 : i32
    %c0_i32_0 = arith.constant 0 : i32
    %c0_i32_1 = arith.constant 0 : i32
    return %c0_i32, %c0_i32_0 : i32, i32
  }
  func.func @transform_8(%arg0: i32) -> (i32, i32) {
    %add3A = arith.constant 63 : i32
    %add3A_0 = arith.addi %arg0, %add3A : i32
    %c0_i32 = arith.constant 0 : i32
    %c0_i32_1 = arith.constant 0 : i32
    return %add3A_0, %c0_i32 : i32, i32
  }
  func.func @transform_9(%arg0: i32) -> (i32, i32) {
    %c0_i32 = arith.constant 0 : i32
    %c0_i32_0 = arith.constant 0 : i32
    return %arg0, %c0_i32 : i32, i32
  }
}

module attributes {stable_mosaic.version = 14 : i64} {
  func.func @_update_body(%arg0: memref<2x10000x128xf32, #tpu.memory_space<vmem>>, %arg1: memref<2x10000x128xf32, #tpu.memory_space<vmem>>, %arg2: memref<10000x128xf32, #tpu.memory_space<vmem>>, %arg3: memref<128x128xf32, #tpu.memory_space<vmem>>, %arg4: memref<1x128xf32, #tpu.memory_space<vmem>>, %arg5: memref<1x128xf32, #tpu.memory_space<vmem>>, %arg6: memref<1x128xf32, #tpu.memory_space<vmem>>, %arg7: memref<128x128xf32, #tpu.memory_space<vmem>>, %arg8: memref<1x128xf32, #tpu.memory_space<vmem>>, %arg9: memref<10000x128xf32, #tpu.memory_space<vmem>>) attributes {dimension_semantics = [], scalar_prefetch = 0 : i64, scratch_operands = 0 : i64, tpu.core_type = #tpu.core_type<tc>} {
    %get3A = arith.constant 0 : index
    %get3A_0 = arith.constant 0 : index
    %get3A_1 = vector.load %arg2[%get3A, %get3A_0] : memref<10000x128xf32, #tpu.memory_space<vmem>>, vector<10000x128xf32>
    %get3A_2 = arith.constant 0 : index
    %get3A_3 = arith.constant 0 : index
    %get3A_4 = arith.constant 0 : index
    %get3A_5 = vector.load %arg0[%get3A_2, %get3A_3, %get3A_4] : memref<2x10000x128xf32, #tpu.memory_space<vmem>>, vector<1x10000x128xf32>
    %get3A_6 = vector.shape_cast %get3A_5 : vector<1x10000x128xf32> to vector<10000x128xf32>
    %get3A_7 = arith.constant 1 : index
    %get3A_8 = arith.constant 0 : index
    %get3A_9 = arith.constant 0 : index
    %get3A_10 = vector.load %arg0[%get3A_7, %get3A_8, %get3A_9] : memref<2x10000x128xf32, #tpu.memory_space<vmem>>, vector<1x10000x128xf32>
    %get3A_11 = vector.shape_cast %get3A_10 : vector<1x10000x128xf32> to vector<10000x128xf32>
    %add3A = arith.addf %get3A_6, %get3A_11 : vector<10000x128xf32>
    %get3A_12 = arith.constant 0 : index
    %get3A_13 = arith.constant 0 : index
    %get3A_14 = arith.constant 0 : index
    %get3A_15 = vector.load %arg1[%get3A_12, %get3A_13, %get3A_14] : memref<2x10000x128xf32, #tpu.memory_space<vmem>>, vector<1x10000x128xf32>
    %get3A_16 = vector.shape_cast %get3A_15 : vector<1x10000x128xf32> to vector<10000x128xf32>
    %add3A_17 = arith.addf %add3A, %get3A_16 : vector<10000x128xf32>
    %get3A_18 = arith.constant 1 : index
    %get3A_19 = arith.constant 0 : index
    %get3A_20 = arith.constant 0 : index
    %get3A_21 = vector.load %arg1[%get3A_18, %get3A_19, %get3A_20] : memref<2x10000x128xf32, #tpu.memory_space<vmem>>, vector<1x10000x128xf32>
    %get3A_22 = vector.shape_cast %get3A_21 : vector<1x10000x128xf32> to vector<10000x128xf32>
    %add3A_23 = arith.addf %add3A_17, %get3A_22 : vector<10000x128xf32>
    %add3A_24 = arith.addf %add3A_23, %get3A_1 : vector<10000x128xf32>
    %get3A_25 = arith.constant 0 : index
    %get3A_26 = arith.constant 0 : index
    %get3A_27 = vector.load %arg3[%get3A_25, %get3A_26] : memref<128x128xf32, #tpu.memory_space<vmem>>, vector<128x128xf32>
    %dot_general3A = arith.constant dense<0.000000e+00> : vector<10000x128xf32>
    %dot_general3A_28 = tpu.matmul %add3A_24, %get3A_27, %dot_general3A {dimension_numbers = #tpu.dot_dimension_numbers<[1], [0], [0], [1], [0, 0, 1, 1], [], []>, transpose_lhs_hint = false} : vector<10000x128xf32>, vector<128x128xf32>, vector<10000x128xf32> -> vector<10000x128xf32>
    %get3A_29 = arith.constant 0 : index
    %get3A_30 = arith.constant 0 : index
    %get3A_31 = vector.load %arg4[%get3A_29, %get3A_30] : memref<1x128xf32, #tpu.memory_space<vmem>>, vector<1x128xf32>
    %add3A_32 = vector.broadcast %get3A_31 : vector<1x128xf32> to vector<10000x128xf32>
    %add3A_33 = arith.addf %dot_general3A_28, %add3A_32 : vector<10000x128xf32>
    %max3A = arith.constant 0.000000e+00 : f32
    %max3A_34 = vector.broadcast %max3A : f32 to vector<10000x128xf32>
    %max3A_35 = arith.maximumf %add3A_33, %max3A_34 : vector<10000x128xf32>
    %reduce_sum3A = arith.constant dense<0.000000e+00> : vector<128xf32>
    %reduce_sum3A_36 = vector.multi_reduction <add>, %max3A_35, %reduce_sum3A [0] : vector<10000x128xf32> to vector<128xf32>
    %broadcast_in_dim3A = vector.shape_cast %reduce_sum3A_36 : vector<128xf32> to vector<1x128xf32>
    %div3A = arith.constant 1.000000e+04 : f32
    %div3A_37 = vector.broadcast %div3A : f32 to vector<1x128xf32>
    %div3A_38 = arith.divf %broadcast_in_dim3A, %div3A_37 : vector<1x128xf32>
    %sub3A = vector.broadcast %div3A_38 : vector<1x128xf32> to vector<10000x128xf32>
    %sub3A_39 = arith.subf %max3A_35, %sub3A : vector<10000x128xf32>
    %integer_pow3A = arith.mulf %sub3A_39, %sub3A_39 : vector<10000x128xf32>
    %reduce_sum3A_40 = arith.constant dense<0.000000e+00> : vector<128xf32>
    %reduce_sum3A_41 = vector.multi_reduction <add>, %integer_pow3A, %reduce_sum3A_40 [0] : vector<10000x128xf32> to vector<128xf32>
    %broadcast_in_dim3A_42 = vector.shape_cast %reduce_sum3A_41 : vector<128xf32> to vector<1x128xf32>
    %div3A_43 = arith.constant 1.000000e+04 : f32
    %div3A_44 = vector.broadcast %div3A_43 : f32 to vector<1x128xf32>
    %div3A_45 = arith.divf %broadcast_in_dim3A_42, %div3A_44 : vector<1x128xf32>
    %sub3A_46 = vector.broadcast %div3A_38 : vector<1x128xf32> to vector<10000x128xf32>
    %sub3A_47 = arith.subf %max3A_35, %sub3A_46 : vector<10000x128xf32>
    %add3A_48 = arith.constant 9.99999974E-6 : f32
    %add3A_49 = vector.broadcast %add3A_48 : f32 to vector<1x128xf32>
    %add3A_50 = arith.addf %div3A_45, %add3A_49 : vector<1x128xf32>
    %rsqrt3A = math.rsqrt %add3A_50 : vector<1x128xf32>
    %mul3A = vector.broadcast %rsqrt3A : vector<1x128xf32> to vector<10000x128xf32>
    %mul3A_51 = arith.mulf %sub3A_47, %mul3A : vector<10000x128xf32>
    %get3A_52 = arith.constant 0 : index
    %get3A_53 = arith.constant 0 : index
    %get3A_54 = vector.load %arg5[%get3A_52, %get3A_53] : memref<1x128xf32, #tpu.memory_space<vmem>>, vector<1x128xf32>
    %mul3A_55 = vector.broadcast %get3A_54 : vector<1x128xf32> to vector<10000x128xf32>
    %mul3A_56 = arith.mulf %mul3A_51, %mul3A_55 : vector<10000x128xf32>
    %get3A_57 = arith.constant 0 : index
    %get3A_58 = arith.constant 0 : index
    %get3A_59 = vector.load %arg6[%get3A_57, %get3A_58] : memref<1x128xf32, #tpu.memory_space<vmem>>, vector<1x128xf32>
    %add3A_60 = vector.broadcast %get3A_59 : vector<1x128xf32> to vector<10000x128xf32>
    %add3A_61 = arith.addf %mul3A_56, %add3A_60 : vector<10000x128xf32>
    %get3A_62 = arith.constant 0 : index
    %get3A_63 = arith.constant 0 : index
    %get3A_64 = vector.load %arg7[%get3A_62, %get3A_63] : memref<128x128xf32, #tpu.memory_space<vmem>>, vector<128x128xf32>
    %dot_general3A_65 = arith.constant dense<0.000000e+00> : vector<10000x128xf32>
    %dot_general3A_66 = tpu.matmul %add3A_61, %get3A_64, %dot_general3A_65 {dimension_numbers = #tpu.dot_dimension_numbers<[1], [0], [0], [1], [0, 0, 1, 1], [], []>, transpose_lhs_hint = false} : vector<10000x128xf32>, vector<128x128xf32>, vector<10000x128xf32> -> vector<10000x128xf32>
    %get3A_67 = arith.constant 0 : index
    %get3A_68 = arith.constant 0 : index
    %get3A_69 = vector.load %arg8[%get3A_67, %get3A_68] : memref<1x128xf32, #tpu.memory_space<vmem>>, vector<1x128xf32>
    %add3A_70 = vector.broadcast %get3A_69 : vector<1x128xf32> to vector<10000x128xf32>
    %add3A_71 = arith.addf %dot_general3A_66, %add3A_70 : vector<10000x128xf32>
    %add3A_72 = arith.addf %add3A_71, %get3A_1 : vector<10000x128xf32>
    %swap3A = arith.constant 0 : index
    %swap3A_73 = arith.constant 0 : index
    %swap3A_74 = vector.load %arg9[%swap3A, %swap3A_73] : memref<10000x128xf32, #tpu.memory_space<vmem>>, vector<10000x128xf32>
    tpu.vector_store %arg9[%swap3A, %swap3A_73], %add3A_72 {strides = array<i32>} : memref<10000x128xf32, #tpu.memory_space<vmem>>, vector<10000x128xf32>,
    return
  }
}

</mosaic_0001>

<sc_bundles>
// kernel: kernel.10.cloned.1.call-start
scs
__scs_entry_jumppad:
0x0: {  	(pc) =	sbr.rel $0x88, $3  }
0x1: {  	(tag) =	ssettag $0x0;
	lr =	simm.s32 $0x1  }
0x2: {  	[smem:$0x3F92] =	sst lr;
	_ =	strace $0xD0000000  }
0x3: {  	_ = 	snop  }
0x4: {  	_ = 	snop  }
0x5: {  	_ = 	snop  }
0x6: {  	_ = 	snop  }
0x7: {  	_ = 	snop  }
__scs_overlays_trampoline_lowered:
0x8: {  	[smem:$0x3FA1] =	sst s0  }
0x9: {  	[smem:$0x3FA2] =	sst s1  }
0xa: {  	[smem:$0x3FA3] =	sst s2  }
0xb: {  	[smem:$0x3FA4] =	sst s3  }
0xc: {  	[smem:$0x3FA5] =	sst s4  }
0xd: {  	[smem:$0x3FA6] =	sst s5  }
0xe: {  	[smem:$0x3FA7] =	sst s6  }
0xf: {  	[smem:$0x3FA8] =	sst s7  }
0x10: {  	[smem:$0x3FA9] =	sst s8  }
0x11: {  	[smem:$0x3FAA] =	sst s9;
	s0 =	simm.s32 @!p0 $0x0  }
0x12: {  	s1 =	sld [smem:$0x3F90];
	s0 =	simm.s32 @p0 $0x1  }
0x13: {  	[smem:$0x3FAB] =	sst s0;
	s0 =	simm.s32 @!p1 $0x0  }
0x14: {  	s2 =	sld [smem:$0x3F8F];
	s0 =	simm.s32 @p1 $0x1  }
0x15: {  	[smem:$0x3FAC] =	sst s0;
	s0 =	simm.s32 @!p2 $0x0  }
0x16: {  	s3 =	sld [smem:$0x3FDB];
	s0 =	simm.s32 @p2 $0x1  }
0x17: {  	s4 =	simm.s32 $0x1BF5;
	[smem:$0x3FAE] =	sst s0  }
0x18: {  	s0 =	sld [smem:$0x3F91];
	_ =	swait.ge [sflag:s4], $0x0  }
0x19: {  	s7 =	sld [smem:$0x3F92]  }
0x1a: {  	s8 =	sadd.s32 $0xFFFFE003, lr  }
0x1b: {  	s9 =	sadd.s32 $0xFFFFFEF7, lr;
	s5 =	simm.s32 $0xFFFFFFFF;
	p2 =	slt.u32 s8, $0xFFFFF086  }
0x1c: {  	p1 =	slt.u32 s9, $0xF7A;
	s5 =	simm.s32 @!p2 $0x0  }
0x1d: {  	s5 =	simm.s32 @p1 $0x1;
	p0 =	seq.s32 s7, s2  }
0x1e: {  	s7 =	smul.u32 @!p0 $0xF7A, s2;
	p2 =	seq.s32 @!p0 s5, $0x0  }
0x1f: {  	s9 =	smul.u32 $0xF7A, s1;
	s8 =	simm.s32 @!p0 $0x1BF5;
	p2 =	por !p2, p0  }
0x20: {  	[sflag:s8] =	ssyncset.s32 @!p0 $0xFFFFF086;
	s6 =	sadd.s32 @!p0 s3, s7;
	s7 =	simm.s32 @!p0 $0x108  }
0x21: {  	s3 =	sadd.s32 s3, s9;
	s6 =	sadd.s32 @!p0 $0x88, s6;
	s7 =	simm.s32 @p2 $0x1082  }
0x22: {  	[simem:s7], [sflag:s8] =	dma.local @!p0 [hbm:s6], $0xF7A  }
0x23: {  	s9 =	sor.u32 $0xD0000000, s2;
	s6 =	simm.s32 $0x108;
	_ =	swait.ge @!p0 [sflag:s8], $0x0  }
0x24: {  	s3 =	sadd.s32 $0x88, s3;
	s6 =	simm.s32 @!p1 $0x1082;
	[sflag:s4] =	ssyncset.s32 $0xFFFFF086  }
0x25: {  	[simem:s6], [sflag:s4] =	dma.local [hbm:s3], $0xF7A  }
0x26: {  	[smem:$0x3F92] =	sst s1;
	(tag) =	ssettag s2;
	_ =	strace s9  }
0x27: {  	s1 =	sld [smem:$0x3FA2]  }
0x28: {  	s2 =	sld [smem:$0x3FA3]  }
0x29: {  	s4 =	sld [smem:$0x3FA5]  }
0x2a: {  	p0 =	seq.s32 s5, $0x0;
	s5 =	sld [smem:$0x3FA6]  }
0x2b: {  	s6 =	sld [smem:$0x3FA7]  }
0x2c: {  	s7 =	sld [smem:$0x3FA8]  }
0x2d: {  	s3 =	simm.s32 $0x108;
	s8 =	sld [smem:$0x3FA9]  }
0x2e: {  	s3 =	simm.s32 @!p0 $0x1082;
	s9 =	sld [smem:$0x3FAA]  }
0x2f: {  	lr =	sadd.s32 s0, s3;
	s0 =	sld [smem:$0x3FA1]  }
0x30: {  	s3 =	sld [smem:$0x3FA4]  }
0x31: {  	[smem:$0x3FAD] =	sst s10  }
0x32: {  	s10 =	sld [smem:$0x3FAB];
	_ =	sdelay $0x3  }
0x33: {  	p0 =	seq.s32 s10, $0x1;
	s10 =	sld [smem:$0x3FAD];
	_ =	sdelay $0x3  }
0x34: {  	[smem:$0x3FAD] =	sst s10  }
0x35: {  	s10 =	sld [smem:$0x3FAC];
	_ =	sdelay $0x3  }
0x36: {  	p1 =	seq.s32 s10, $0x1;
	s10 =	sld [smem:$0x3FAD];
	_ =	sdelay $0x3  }
0x37: {  	[smem:$0x3FAD] =	sst s10  }
0x38: {  	s10 =	sld [smem:$0x3FAE]  }
0x39: {  	_ = 	snop;
	(pc) =	sbr.ind lr, $3  }
0x3a: {  	_ = 	snop  }
0x3b: {  	_ = 	snop  }
0x3c: {  	p2 =	seq.s32 s10, $0x1;
	s10 =	sld [smem:$0x3FAD]  }
0x3d: {  	_ =	shalt  }
0x3e: {  	_ =	shalt  }
0x3f: {  	_ =	shalt  }
0x40: {  	_ =	shalt  }
0x41: {  	_ =	shalt  }
0x42: {  	_ =	shalt  }
0x43: {  	_ =	shalt  }
0x44: {  	_ =	shalt  }
0x45: {  	_ =	shalt  }
0x46: {  	_ =	shalt  }
0x47: {  	_ =	shalt  }
0x48: {  	_ =	shalt  }
0x49: {  	_ =	shalt  }
0x4a: {  	_ =	shalt  }
0x4b: {  	_ =	shalt  }
0x4c: {  	_ =	shalt  }
0x4d: {  	_ =	shalt  }
0x4e: {  	_ =	shalt  }
0x4f: {  	_ =	shalt  }
0x50: {  	_ =	shalt  }
0x51: {  	_ =	shalt  }
0x52: {  	_ =	shalt  }
0x53: {  	_ =	shalt  }
0x54: {  	_ =	shalt  }
0x55: {  	_ =	shalt  }
0x56: {  	_ =	shalt  }
0x57: {  	_ =	shalt  }
0x58: {  	_ =	shalt  }
0x59: {  	_ =	shalt  }
0x5a: {  	_ =	shalt  }
0x5b: {  	_ =	shalt  }
0x5c: {  	_ =	shalt  }
0x5d: {  	_ =	shalt  }
0x5e: {  	_ =	shalt  }
0x5f: {  	_ =	shalt  }
0x60: {  	_ =	shalt  }
0x61: {  	_ =	shalt  }
0x62: {  	_ =	shalt  }
0x63: {  	_ =	shalt  }
0x64: {  	_ =	shalt  }
0x65: {  	_ =	shalt  }
0x66: {  	_ =	shalt  }
0x67: {  	_ =	shalt  }
0x68: {  	_ =	shalt  }
0x69: {  	_ =	shalt  }
0x6a: {  	_ =	shalt  }
0x6b: {  	_ =	shalt  }
0x6c: {  	_ =	shalt  }
0x6d: {  	_ =	shalt  }
0x6e: {  	_ =	shalt  }
0x6f: {  	_ =	shalt  }
0x70: {  	_ =	shalt  }
0x71: {  	_ =	shalt  }
0x72: {  	_ =	shalt  }
0x73: {  	_ =	shalt  }
0x74: {  	_ =	shalt  }
0x75: {  	_ =	shalt  }
0x76: {  	_ =	shalt  }
0x77: {  	_ =	shalt  }
0x78: {  	_ =	shalt  }
0x79: {  	_ =	shalt  }
0x7a: {  	_ =	shalt  }
0x7b: {  	_ =	shalt  }
0x7c: {  	_ =	shalt  }
0x7d: {  	_ =	shalt  }
0x7e: {  	_ =	shalt  }
0x7f: {  	_ =	shalt  }
0x80: {  	_ =	shalt  }
0x81: {  	_ =	shalt  }
0x82: {  	_ =	shalt  }
0x83: {  	_ =	shalt  }
0x84: {  	_ =	shalt  }
0x85: {  	_ =	shalt  }
0x86: {  	_ =	shalt  }
0x87: {  	_ =	shalt  }
.Lfunc_end0:
.L_simem_size_0:
called_computation_lowered:
.L_overlay_start_0:
0x88: {  	s2 =	sld [smem:$0x3FD9]  }
0x89: {  	s3 =	sld [smem:$0x3FFE];
	_ =	sdelay $0x1  }
0x8a: {  	s1 =	srdreg.scid  }
0x8b: {  	s0 =	sand.u32 $0x1, s1  }
0x8c: {  	s14 =	sshll.u32 s0, $0xA;
	s2 =	sadd.s32 s3, s2  }
0x8d: {  	s2 =	sadd.s32 s2, s14  }
0x8e: {  	[smem:$0x3FB9] =	sst s2  }
0x8f: {  	_ = 	snop  }
0x90: {  	s2 =	sld [smem:$0x3FD0];
	_ =	sdelay $0x2  }
0x91: {  	s15 =	simm.s32 $0xB;
	s4 =	simm.s32 $0x10  }
0x92: {  	[smem:s4], [sflag:s15] =	dma.local [hbm:s2], $0x1  }
0x93: {  	_ =	swait.eq [sflag:s15], $0x1  }
0x94: {  	[sflag:s15] =	ssyncset.done $0x0  }
0x95: {  	s16 =	sld [smem:$0x10];
	[sflag:s15] =	ssyncadd.s32 $0xFFFFFFFF  }
0x96: {  	s17 =	sld [smem:$0x11];
	(tm) =	ssettm $0x1  }
0x97: {  	s18 =	sld [smem:$0x3FFB];
	_ =	sdelay $0x3  }
0x98: {  	_ =	strace s18  }
0x99: {  	s4 =	sld [smem:$0x3FFC];
	_ =	sdelay $0x3  }
0x9a: {  	_ =	strace s4  }
0x9b: {  	s4 =	sld [smem:$0x3FFD];
	_ =	sdelay $0x3  }
0x9c: {  	_ =	strace s4  }
0x9d: {  	_ =	strace $0x8FFFFFFF  }
0x9e: {  	s19 =	sld [smem:$0x3FDB];
	_ =	sdelay $0x1  }
0x9f: {  	s5 =	simm.s32 $_scs_section_size  }
0xa0: {  	s6 =	simm.s32 $_size__tile_overlayer_lowered;
	s7 =	simm.s32 $_tile_overlayer_lowered  }
0xa1: {  	s22 =	simm.s32 $0x1BFF;
	s21 =	sshll.u32 s7, $0x1;
	s4 =	sadd.s32 s5, s19  }
0xa2: {  	s8 =	simm.s32 $0x0;
	s20 =	sshll.u32 s6, $0x1;
	s6 =	sadd.s32 s21, s4  }
0xa3: {  	[timem:s8], [sflag:s22] =	dma.local [hbm:s6], s20  }
0xa4: {  	_ =	swait.ge [sflag:s22], s20  }
0xa5: {  	s5 =	ssub.s32 $0x0, s20;
	[sflag:s22] =	ssyncset.done $0x0  }
0xa6: {  	[sflag:s22] =	ssyncadd.s32 s5;
	_ =	sdelay $0x1  }
0xa7: {  	s23 =	simm.s32 $0x1B8B  }
0xa8: {  	_ =	swait.ge [sflag:s23], $0x1  }
0xa9: {  	[sflag:s23] =	ssyncset.done $0x0  }
0xaa: {  	s25 =	simm.s32 $0x1B8E;
	s24 =	sld [smem:$0x3FFE];
	[sflag:s23] =	ssyncadd.s32 $0xFFFFFFFF  }
0xab: {  	s26 =	simm.s32 $execute0_lowered;
	[smem:$0x3FD2] =	sst s25  }
0xac: {  	s6 =	sshll.u32 s26, $0x1;
	_ =	strace $0x80000046;
	[dreg:$0x1] =	wrdreg $0xFFFFFFFF  }
0xad: {  	s28 =	simm.s32 $_size_execute0_lowered;
	s4 =	sadd.s32 s4, s6;
	[dreg:$0x0] =	wrdreg $0x0  }
0xae: {  	s6 =	sshll.u32 s28, $0x1;
	[dreg:$0x2] =	wrdreg s4  }
0xaf: {  	[dreg:$0x3] =	wrdreg s6  }
0xb0: {  	[dreg:$0x4] =	wrdreg $0xC0  }
0xb1: {  	_ =	task [dreg:s8], $0x5FFFF  }
0xb2: {  	[dreg:$0x1] =	wrdreg $0xFFFFFFFF  }
0xb3: {  	[dreg:$0x0] =	wrdreg $0x60  }
0xb4: {  	[dreg:$0x2] =	wrdreg s16  }
0xb5: {  	[dreg:$0x3] =	wrdreg s24  }
0xb6: {  	[dreg:$0x4] =	wrdreg s17  }
0xb7: {  	[dreg:$0x5] =	wrdreg $0xA  }
0xb8: {  	_ =	task.clear_ibuf [dreg:s8], $0x6FFFF;
	_ =	strace $0x90000046  }
0xb9: {  	s29 =	simm.s32 $0xA;
	_ =	strace $0x80000048  }
0xba: {  	_ =	swait.ge [sflag:s29], $0x1  }
0xbb: {  	[sflag:s29] =	ssyncadd.s32 $0xFFFFFFFF  }
0xbc: {  	_ =	strace $0x90000048  }
0xbd: {  	_ =	sfence  }
0xbe: {  	s30 =	sld [smem:$0x0];
	_ =	sdelay $0x2  }
0xbf: {  	s31 =	sshll.u32 s1, $0xD;
	s1 =	sshrl.u32 s1, $0x2  }
0xc0: {  	s3 =	sand.u32 $0x4000, s31;
	s1 =	sadd.s32 s1, s30  }
0xc1: {  	s0 =	sor.u32 s3, s0;
	s1 =	sshll.u32 s1, $0x11  }
0xc2: {  	s0 =	sor.u32 s1, s0  }
0xc3: {  	s0 =	sadd.s32 $0x8F2B, s0  }
0xc4: {  	[sflag:s0] =	ssyncadd.remote.s32 $0x1  }
0xc5: {  	_ =	sfence.sel $0xFFFF  }
0xc6: {  	[dreg:$0x0] =	wrdreg $0xFFFFFFFF;
	(pc) =	sbr.abs _section_cstart, $3  }
0xc7: {  	[dreg:$0x1] =	wrdreg $0xFFFFFFFF  }
0xc8: {  	_ =	task.clear_ibuf [dreg:s8], $0x2FFFF;
	_ =	strace $0x9FFFFFFF  }
0xc9: {  	(tm) =	ssettm $0x7FFFFFFF  }
tec
execute0_lowered:
.L_overlay_start_1:
0x0: {  	(tag) =	ssettag $0x1  }
0x1: {  	s1 =	rddreg [dreg:$0x0]  }
0x2: {  	s0 =	rddreg [dreg:$0x1]  }
0x3: {  	s2 =	rddreg [dreg:$0x2];
	s4 =	srdreg.scid  }
0x4: {  	s6 =	stileid.u32;
	s3 =	simm.s32 $0x0;
	s12 =	simm.s32 $0x5  }
0x5: {  	s14 =	simm.s32 $0x50;
	s15 =	simm.s32 $0x4000;
	s16 =	simm.s32 $0x9000  }
0x6: {  	s18 =	simm.s32 $0x6800;
	s20 =	simm.s32 $0xB800;
	s21 =	simm.s32 $0x1  }
0x7: {  	s22 =	simm.s32 $0xE000;
	s23 =	simm.s32 $0x2;
	s24 =	simm.s32 $0x10800  }
0x8: {  	s5 =	sand.u32 $0x1, s4;
	s26 =	sshll.u32 s6, $0x1;
	[smem:$0x7FF] =	sst s3  }
0x9: {  	s4 =	sadd.s32 $0xA600, s0;
	s6 =	sor.u32 s5, s26;
	_ =	strace $0x80000047  }
0xa: {  	s9 =	ssub.s32 $0x2, s5;
	s5 =	sadd.s32 $0x31800, s0;
	s10 =	smul.u32 $0x9D800, s6  }
0xb: {  	s7 =	sshll.u32 s6, $0xA;
	s29 =	sshrl.u32 s9, $0x1;
	s6 =	smul.u32 $0x13B0, s6  }
0xc: {  	s8 =	sadd.s32 s7, s0;
	s0 =	ssub.s32 s9, s29;
	s2 =	sadd.s32 s2, s7  }
0xd: {  	[dreg:$0x4] =	wrdreg s2;
	s30 =	sshrl.u32 s10, $0x3;
	s31 =	sadd.s32 $0x2600, s8  }
0xe: {  	s0 =	smax.u32 s0, $0x1;
	[dreg:$0x5] =	wrdreg s31;
	s2 =	sadd.s32 s5, s30  }
0xf: {  	s25 =	simm.s32 $0x3;
	[dreg:$0x7] =	wrdreg s0;
	s2 =	sadd.s32 $0x13600, s2  }
0x10: {  	s28 =	simm.s32 $0x0;
	s9 =	sadd.s32 $0x50, s6;
	[dreg:$0x6] =	wrdreg s2  }
.LBB2_1:
0x11: {  	s0 =	rddreg [dreg:$0x4]  }
0x12: {  	[tilespmem:s3], [sflag:$0x5] =	stream.linear.gather [hbm4b:s0+s3], $0x1F80, $0x38;
	[tilespmem:$0x13000] =	vst v63  }
0x13: {  	_ =	swait.ge [sflag:s12], $0x1F80  }
0x14: {  	[sflag:s12] =	ssyncset.done $0x0  }
0x15: {  	s2 =	simm.s32 $0x2000;
	s26 =	rddreg [dreg:$0x5];
	[sflag:s12] =	ssyncadd.s32 $0xFFFFE080  }
0x16: {  	[tilespmem:s2], [sflag:$0x5] =	stream.linear.gather [hbm4b:s26+s3], $0x1F80, $0x38;
	[tilespmem:$0x13000] =	vst v63  }
0x17: {  	_ =	swait.ge [sflag:s12], $0x1F80  }
0x18: {  	[sflag:s12] =	ssyncset.done $0x0  }
0x19: {  	[sflag:s12] =	ssyncadd.s32 $0xFFFFE080  }
0x1a: {  	[tilespmem:s15], [sflag:$0x1] =	stream.indirect.gather [hbm4b:s1+s14], $0x80, s3, s14, $0xb8;
	[tilespmem:$0x13000] =	vst v63  }
0x1b: {  	_ = 	snop  }
0x1c: {  	[tilespmem:s16], [sflag:$0x1] =	stream.indirect.gather [hbm4b:s4+s14], $0x80, s2, s14, $0xb8;
	[tilespmem:$0x13000] =	vst v63  }
0x1d: {  	s30 =	simm.s32 $0x80  }
0x1e: {  	[tilespmem:s18], [sflag:$0x2] =	stream.indirect.gather [hbm4b:s1+s14], $0x80, s30, s14, $0xb8;
	[tilespmem:$0x13000] =	vst v63  }
0x1f: {  	s31 =	simm.s32 $0x2080;
	s29 =	simm.s32 $0x0  }
0x20: {  	[tilespmem:s20], [sflag:$0x2] =	stream.indirect.gather [hbm4b:s4+s14], $0x80, s31, s14, $0xb8;
	[tilespmem:$0x13000] =	vst v63  }
.LBB2_2:
0x21: {  	_ =	swait.ge [sflag:s21], $0x2800  }
0x22: {  	[sflag:s21] =	ssyncset.done $0x0  }
0x23: {  	[sflag:s21] =	ssyncadd.s32 $0xFFFFD800  }
0x24: {  	_ =	swait.ge [sflag:s21], $0x2800  }
0x25: {  	p0 =	seq.s32 s29, $0x0;
	[sflag:s21] =	ssyncset.done $0x0  }
0x26: {  	s0 =	simm.s32 @!p0 $0x3;
	[sflag:s21] =	ssyncadd.s32 $0xFFFFD800  }
0x27: {  	_ =	swait.ge @!p0 [sflag:s0], $0x2800  }
0x28: {  	[sflag:s0] =	ssyncset.done @!p0 $0x0  }
0x29: {  	s10 =	simm.s32 $0x4080;
	[sflag:s0] =	ssyncadd.s32 @!p0 $0xFFFFD800  }
0x2a: {  	s8 =	simm.s32 $0x9080;
	v0 =	vld [tilespmem:s10+$0x0]  }
0x2b: {  	v1 =	vld [tilespmem:s8+$0x0];
	_ =	sdelay $0x4  }
0x2c: {  	v0 =	vadd.f32 v1, v0  }
0x2d: {  	s31 =	simm.s32 $0xE080  }
0x2e: {  	[tilespmem:s31+$0x0] =	vst v0  }
0x2f: {  	v0 =	vld [tilespmem:s10+$0x10]  }
0x30: {  	v1 =	vld [tilespmem:s8+$0x10]  }
0x31: {  	v2 =	vld [tilespmem:s8+$0xFFFFFF80]  }
0x32: {  	v3 =	vld [tilespmem:s10+$0xFFFFFF80];
	_ =	sdelay $0x2  }
0x33: {  	v0 =	vadd.f32 v1, v0;
	_ =	sdelay $0x1  }
0x34: {  	[tilespmem:s31+$0x10] =	vst v0;
	v0 =	vadd.f32 v2, v3  }
0x35: {  	v1 =	vld [tilespmem:s10+$0x20]  }
0x36: {  	v2 =	vld [tilespmem:s8+$0x20];
	[tilespmem:s31+$0xFFFFFF80] =	vst v0  }
0x37: {  	v0 =	vld [tilespmem:s10+$0xFFFFFF90]  }
0x38: {  	v3 =	vld [tilespmem:s8+$0xFFFFFF90];
	_ =	sdelay $0x2  }
0x39: {  	v1 =	vadd.f32 v2, v1;
	_ =	sdelay $0x1  }
0x3a: {  	[tilespmem:s31+$0x20] =	vst v1;
	v0 =	vadd.f32 v3, v0  }
0x3b: {  	v1 =	vld [tilespmem:s10+$0x30]  }
0x3c: {  	v2 =	vld [tilespmem:s8+$0x30];
	[tilespmem:s31+$0xFFFFFF90] =	vst v0  }
0x3d: {  	v0 =	vld [tilespmem:s10+$0xFFFFFFA0]  }
0x3e: {  	s2 =	simm.s32 $0x4180;
	v3 =	vld [tilespmem:s8+$0xFFFFFFA0]  }
0x3f: {  	s17 =	simm.s32 $0x9180;
	v4 =	vld [tilespmem:s2+$0x0]  }
0x40: {  	v5 =	vld [tilespmem:s17+$0x0]  }
0x41: {  	v6 =	vld [tilespmem:s2+$0xFFFFFF80];
	v1 =	vadd.f32 v2, v1  }
0x42: {  	v2 =	vld [tilespmem:s17+$0xFFFFFF80]  }
0x43: {  	[tilespmem:s31+$0x30] =	vst v1;
	v0 =	vadd.f32 v3, v0  }
0x44: {  	v1 =	vld [tilespmem:s10+$0x40]  }
0x45: {  	v3 =	vld [tilespmem:s8+$0x40];
	[tilespmem:s31+$0xFFFFFFA0] =	vst v0;
	v0 =	vadd.f32 v5, v4  }
0x46: {  	s0 =	simm.s32 $0xE180;
	v4 =	vld [tilespmem:s10+$0xFFFFFFB0]  }
0x47: {  	v5 =	vld [tilespmem:s8+$0xFFFFFFB0];
	v2 =	vadd.f32 v2, v6;
	[tilespmem:s0+$0x0] =	vst v0  }
0x48: {  	v0 =	vld [tilespmem:s2+$0x10]  }
0x49: {  	[tilespmem:s0+$0xFFFFFF80] =	vst v2;
	v2 =	vld [tilespmem:s17+$0x10]  }
0x4a: {  	v1 =	vadd.f32 v3, v1;
	v3 =	vld [tilespmem:s2+$0xFFFFFF90]  }
0x4b: {  	v6 =	vld [tilespmem:s17+$0xFFFFFF90]  }
0x4c: {  	[tilespmem:s31+$0x40] =	vst v1;
	v1 =	vadd.f32 v5, v4  }
0x4d: {  	v4 =	vld [tilespmem:s10+$0x50]  }
0x4e: {  	v5 =	vld [tilespmem:s8+$0x50];
	[tilespmem:s31+$0xFFFFFFB0] =	vst v1;
	v0 =	vadd.f32 v2, v0  }
0x4f: {  	v1 =	vld [tilespmem:s10+$0xFFFFFFC0]  }
0x50: {  	v2 =	vld [tilespmem:s8+$0xFFFFFFC0];
	v3 =	vadd.f32 v6, v3;
	[tilespmem:s0+$0x10] =	vst v0  }
0x51: {  	v0 =	vld [tilespmem:s2+$0x20]  }
0x52: {  	[tilespmem:s0+$0xFFFFFF90] =	vst v3;
	v3 =	vld [tilespmem:s17+$0x20]  }
0x53: {  	v4 =	vadd.f32 v5, v4;
	v5 =	vld [tilespmem:s2+$0xFFFFFFA0]  }
0x54: {  	v6 =	vld [tilespmem:s17+$0xFFFFFFA0]  }
0x55: {  	s7 =	simm.s32 $0x9280  }
0x56: {  	v8 =	vld [tilespmem:s7+$0x0];
	[tilespmem:s31+$0x50] =	vst v4  }
0x57: {  	v1 =	vadd.f32 v2, v1;
	v2 =	vld [tilespmem:s10+$0x60];
	v0 =	vadd.f32 v3, v0  }
0x58: {  	s19 =	simm.s32 $0x4280;
	v4 =	vld [tilespmem:s8+$0x60]  }
0x59: {  	v9 =	vld [tilespmem:s19+$0xFFFFFF80];
	v5 =	vadd.f32 v6, v5;
	[tilespmem:s0+$0x20] =	vst v0  }
0x5a: {  	[tilespmem:s31+$0xFFFFFFC0] =	vst v1;
	v0 =	vld [tilespmem:s2+$0x30]  }
0x5b: {  	[tilespmem:s0+$0xFFFFFFA0] =	vst v5;
	v5 =	vld [tilespmem:s17+$0x30]  }
0x5c: {  	v1 =	vld [tilespmem:s10+$0xFFFFFFD0]  }
0x5d: {  	v3 =	vld [tilespmem:s8+$0xFFFFFFD0];
	v2 =	vadd.f32 v4, v2  }
0x5e: {  	v6 =	vld [tilespmem:s19+$0x0]  }
0x5f: {  	v4 =	vld [tilespmem:s2+$0xFFFFFFB0];
	[tilespmem:s31+$0x60] =	vst v2  }
0x60: {  	v2 =	vld [tilespmem:s10+$0x70];
	v0 =	vadd.f32 v5, v0  }
0x61: {  	v7 =	vld [tilespmem:s8+$0x70]  }
0x62: {  	v5 =	vld [tilespmem:s7+$0xFFFFFF80];
	[tilespmem:s0+$0x30] =	vst v0  }
0x63: {  	v0 =	vadd.f32 v3, v1;
	v1 =	vld [tilespmem:s2+$0x40]  }
0x64: {  	v3 =	vld [tilespmem:s17+$0x40]  }
0x65: {  	[tilespmem:s31+$0xFFFFFFD0] =	vst v0;
	v0 =	vadd.f32 v8, v6;
	v6 =	vld [tilespmem:s17+$0xFFFFFFB0]  }
0x66: {  	s13 =	simm.s32 $0xE280;
	v8 =	vld [tilespmem:s10+$0xFFFFFFE0]  }
0x67: {  	v5 =	vadd.f32 v5, v9;
	[tilespmem:s13+$0x0] =	vst v0;
	v0 =	vld [tilespmem:s8+$0xFFFFFFE0]  }
0x68: {  	v61 =	vld [tilespmem:s19+$0x10]  }
0x69: {  	[tilespmem:s13+$0xFFFFFF80] =	vst v5;
	v5 =	vld [tilespmem:s7+$0x10];
	v1 =	vadd.f32 v3, v1  }
0x6a: {  	v3 =	vld [tilespmem:s19+$0xFFFFFF90]  }
0x6b: {  	v4 =	vadd.f32 v6, v4;
	v6 =	vld [tilespmem:s7+$0xFFFFFF90];
	[tilespmem:s0+$0x40] =	vst v1  }
0x6c: {  	v1 =	vld [tilespmem:s2+$0x50]  }
0x6d: {  	[tilespmem:s0+$0xFFFFFFB0] =	vst v4;
	v0 =	vadd.f32 v0, v8;
	v4 =	vld [tilespmem:s17+$0x50]  }
0x6e: {  	v5 =	vadd.f32 v5, v61;
	v8 =	vld [tilespmem:s2+$0xFFFFFFC0]  }
0x6f: {  	v62 =	vld [tilespmem:s17+$0xFFFFFFC0];
	[tilespmem:s31+$0xFFFFFFE0] =	vst v0  }
0x70: {  	v3 =	vadd.f32 v6, v3;
	[tilespmem:s13+$0x10] =	vst v5;
	v0 =	vld [tilespmem:s10+$0xFFFFFFF0]  }
0x71: {  	v5 =	vld [tilespmem:s19+$0x20]  }
0x72: {  	[tilespmem:s13+$0xFFFFFF90] =	vst v3;
	v3 =	vld [tilespmem:s7+$0x20];
	v1 =	vadd.f32 v4, v1  }
0x73: {  	v6 =	vld [tilespmem:s19+$0xFFFFFFA0]  }
0x74: {  	v10 =	vld [tilespmem:s7+$0xFFFFFFA0];
	v4 =	vadd.f32 v62, v8;
	[tilespmem:s0+$0x50] =	vst v1  }
0x75: {  	v8 =	vld [tilespmem:s2+$0x60]  }
0x76: {  	[tilespmem:s0+$0xFFFFFFC0] =	vst v4;
	v63 =	vld [tilespmem:s17+$0x60]  }
0x77: {  	v4 =	vld [tilespmem:s17+$0xFFFFFFD0];
	v1 =	vadd.f32 v3, v5  }
0x78: {  	v3 =	vld [tilespmem:s2+$0xFFFFFFD0]  }
0x79: {  	v5 =	vadd.f32 v10, v6;
	[tilespmem:s13+$0x20] =	vst v1;
	v1 =	vld [tilespmem:s8+$0xFFFFFFF0]  }
0x7a: {  	v2 =	vadd.f32 v7, v2;
	v6 =	vld [tilespmem:s19+$0x30]  }
0x7b: {  	s30 =	sshll.u32 s29, $0x8;
	[tilespmem:s13+$0xFFFFFFA0] =	vst v5;
	v7 =	vld [tilespmem:s7+$0x30];
	v5 =	vadd.f32 v63, v8  }
0x7c: {  	s11 =	simm.s32 $0x4380;
	[tilespmem:s31+$0x70] =	vst v2;
	s10 =	simm.s32 $0x4;
	s8 =	simm.s32 $0x9280;
	v2 =	vld [tilespmem:s19+$0xFFFFFFB0]  }
.LBB2_3:
0x7d: {  	v8 =	vld [tilespmem:s11+$0x0];
	v3 =	vadd.f32 v4, v3;
	[tilespmem:s0+$0x60] =	vst v5  }
0x7e: {  	v4 =	vld [tilespmem:s2+$0x70];
	v0 =	vadd.f32 v1, v0  }
0x7f: {  	s7 =	sadd.s32 $0x100, s7;
	[tilespmem:s0+$0xFFFFFFD0] =	vst v3;
	v1 =	vld [tilespmem:s17+$0x70]  }
0x80: {  	v3 =	vld [tilespmem:s7+$0x0];
	v5 =	vadd.f32 v7, v6;
	[tilespmem:s31+$0xFFFFFFF0] =	vst v0;
	s31 =	smov.u32 s0;
	s0 =	smov.u32 s13  }
0x81: {  	v0 =	vld [tilespmem:s7+$0xFFFFFF80]  }
0x82: {  	v6 =	vld [tilespmem:s11+$0xFFFFFF80];
	[tilespmem:s13+$0x30] =	vst v5  }
0x83: {  	v5 =	vld [tilespmem:s19+$0x40]  }
0x84: {  	v7 =	vld [tilespmem:s8+$0x40];
	v1 =	vadd.f32 v1, v4  }
0x85: {  	v3 =	vadd.f32 v3, v8;
	v4 =	vld [tilespmem:s8+$0xFFFFFFB0]  }
0x86: {  	s13 =	sadd.s32 $0x100, s13;
	v8 =	vld [tilespmem:s2+$0xFFFFFFE0];
	[tilespmem:s31+$0x70] =	vst v1  }
0x87: {  	s10 =	sadd.s32 $0x2, s10;
	v0 =	vadd.f32 v0, v6;
	[tilespmem:s13+$0x0] =	vst v3;
	v1 =	vld [tilespmem:s17+$0xFFFFFFE0]  }
0x88: {  	p1 =	slt.u32 s10, $0x4E;
	v3 =	vld [tilespmem:s11+$0x10]  }
0x89: {  	[tilespmem:s13+$0xFFFFFF80] =	vst v0;
	v0 =	vld [tilespmem:s7+$0x10];
	v5 =	vadd.f32 v7, v5  }
0x8a: {  	v6 =	vld [tilespmem:s11+$0xFFFFFF90];
	v2 =	vadd.f32 v4, v2  }
0x8b: {  	v4 =	vld [tilespmem:s7+$0xFFFFFF90];
	[tilespmem:s0+$0x40] =	vst v5  }
0x8c: {  	[tilespmem:s0+$0xFFFFFFB0] =	vst v2;
	v2 =	vld [tilespmem:s19+$0x50];
	v1 =	vadd.f32 v1, v8  }
0x8d: {  	v5 =	vld [tilespmem:s8+$0x50]  }
0x8e: {  	v0 =	vadd.f32 v0, v3;
	v3 =	vld [tilespmem:s19+$0xFFFFFFC0];
	[tilespmem:s31+$0xFFFFFFE0] =	vst v1  }
0x8f: {  	v1 =	vld [tilespmem:s8+$0xFFFFFFC0]  }
0x90: {  	v4 =	vadd.f32 v4, v6;
	[tilespmem:s13+$0x10] =	vst v0;
	v0 =	vld [tilespmem:s2+$0xFFFFFFF0];
	s2 =	smov.u32 s19;
	s19 =	smov.u32 s11  }
0x91: {  	v6 =	vld [tilespmem:s11+$0x20]  }
0x92: {  	[tilespmem:s13+$0xFFFFFF90] =	vst v4;
	v4 =	vld [tilespmem:s7+$0x20];
	v2 =	vadd.f32 v5, v2  }
0x93: {  	v5 =	vld [tilespmem:s11+$0xFFFFFFA0]  }
0x94: {  	v7 =	vld [tilespmem:s7+$0xFFFFFFA0];
	v1 =	vadd.f32 v1, v3;
	[tilespmem:s0+$0x50] =	vst v2  }
0x95: {  	v2 =	vld [tilespmem:s2+$0x60]  }
0x96: {  	[tilespmem:s0+$0xFFFFFFC0] =	vst v1;
	v8 =	vld [tilespmem:s8+$0x60]  }
0x97: {  	v1 =	vadd.f32 v4, v6;
	v3 =	vld [tilespmem:s2+$0xFFFFFFD0]  }
.Ltmp0:
0x98: {  	v4 =	vld [tilespmem:s8+$0xFFFFFFD0];
	(pc) =	sbr.rel @p1 .LBB2_3-.Ltmp0, $4  }
0x99: {  	v5 =	vadd.f32 v7, v5;
	[tilespmem:s13+$0x20] =	vst v1;
	v1 =	vld [tilespmem:s17+$0xFFFFFFF0];
	s17 =	smov.u32 s8;
	s8 =	smov.u32 s7  }
0x9a: {  	v6 =	vld [tilespmem:s11+$0x30]  }
0x9b: {  	[tilespmem:s13+$0xFFFFFFA0] =	vst v5;
	v7 =	vld [tilespmem:s7+$0x30];
	v5 =	vadd.f32 v8, v2  }
0x9c: {  	s11 =	sadd.s32 $0x100, s11;
	v2 =	vld [tilespmem:s19+$0xFFFFFFB0]  }
0x9d: {  	v8 =	vld [tilespmem:s8+$0xFFFFFFB0];
	_ =	sdelay $0x2  }
0x9e: {  	v6 =	vadd.f32 v7, v6;
	_ =	sdelay $0x1  }
0x9f: {  	[tilespmem:s13+$0x30] =	vst v6;
	v2 =	vadd.f32 v8, v2  }
0xa0: {  	v6 =	vld [tilespmem:s19+$0x40]  }
0xa1: {  	v7 =	vld [tilespmem:s8+$0x40];
	[tilespmem:s13+$0xFFFFFFB0] =	vst v2  }
0xa2: {  	v2 =	vld [tilespmem:s19+$0xFFFFFFC0]  }
0xa3: {  	v8 =	vld [tilespmem:s8+$0xFFFFFFC0];
	_ =	sdelay $0x2  }
0xa4: {  	v6 =	vadd.f32 v7, v6;
	_ =	sdelay $0x1  }
0xa5: {  	[tilespmem:s13+$0x40] =	vst v6;
	v2 =	vadd.f32 v8, v2  }
0xa6: {  	v6 =	vld [tilespmem:s19+$0x50]  }
0xa7: {  	v7 =	vld [tilespmem:s8+$0x50];
	[tilespmem:s13+$0xFFFFFFC0] =	vst v2  }
0xa8: {  	v2 =	vld [tilespmem:s19+$0xFFFFFFD0]  }
0xa9: {  	v8 =	vld [tilespmem:s8+$0xFFFFFFD0]  }
0xaa: {  	v3 =	vadd.f32 v4, v3;
	_ =	sdelay $0x1  }
0xab: {  	[tilespmem:s0+$0xFFFFFFD0] =	vst v3;
	v3 =	vadd.f32 v7, v6  }
0xac: {  	v4 =	vld [tilespmem:s2+$0xFFFFFFE0]  }
0xad: {  	v6 =	vld [tilespmem:s17+$0xFFFFFFE0];
	[tilespmem:s13+$0x50] =	vst v3;
	v2 =	vadd.f32 v8, v2  }
0xae: {  	v3 =	vld [tilespmem:s19+$0x60]  }
0xaf: {  	v7 =	vld [tilespmem:s8+$0x60];
	[tilespmem:s13+$0xFFFFFFD0] =	vst v2  }
0xb0: {  	v2 =	vld [tilespmem:s19+$0xFFFFFFE0]  }
0xb1: {  	v8 =	vld [tilespmem:s8+$0xFFFFFFE0]  }
0xb2: {  	[tilespmem:s0+$0x60] =	vst v5;
	v4 =	vadd.f32 v6, v4  }
0xb3: {  	v5 =	vld [tilespmem:s2+$0x70]  }
0xb4: {  	v6 =	vld [tilespmem:s17+$0x70];
	[tilespmem:s0+$0xFFFFFFE0] =	vst v4;
	v3 =	vadd.f32 v7, v3  }
0xb5: {  	v4 =	vld [tilespmem:s2+$0xFFFFFFF0]  }
0xb6: {  	v7 =	vld [tilespmem:s17+$0xFFFFFFF0];
	[tilespmem:s13+$0x60] =	vst v3;
	v2 =	vadd.f32 v8, v2  }
0xb7: {  	v3 =	vld [tilespmem:s19+$0x70]  }
0xb8: {  	v8 =	vld [tilespmem:s8+$0x70];
	[tilespmem:s13+$0xFFFFFFE0] =	vst v2  }
0xb9: {  	v2 =	vld [tilespmem:s19+$0xFFFFFFF0]  }
0xba: {  	v9 =	vld [tilespmem:s8+$0xFFFFFFF0]  }
0xbb: {  	v0 =	vadd.f32 v1, v0  }
0xbc: {  	v1 =	vadd.f32 v6, v5  }
0xbd: {  	[tilespmem:s31+$0xFFFFFFF0] =	vst v0;
	s31 =	smul.u32 $0xA0, s29;
	v0 =	vadd.f32 v7, v4  }
0xbe: {  	[tilespmem:s0+$0x70] =	vst v1;
	v1 =	vadd.f32 v8, v3  }
0xbf: {  	s17 =	sadd.s32 s6, s31;
	[tilespmem:s0+$0xFFFFFFF0] =	vst v0;
	v0 =	vadd.f32 v9, v2  }
0xc0: {  	s0 =	sshll.u32 s17, $0x4;
	[tilespmem:s13+$0x70] =	vst v1  }
0xc1: {  	s0 =	sadd.s32 s5, s0;
	[tilespmem:s13+$0xFFFFFFF0] =	vst v0  }
0xc2: {  	[hbm4b:s0+s3] =	stream.linear.scatter [tilespmem:s22], [sflag:$0x3], $0x2800, $0x38;
	[tilespmem:$0x13000] =	vst v63  }
0xc3: {  	s19 =	sadd.s32 $0x100, s30  }
0xc4: {  	[tilespmem:s15], [sflag:$0x1] =	stream.indirect.gather [hbm4b:s1+s14], $0x80, s19, s14, $0xb8;
	[tilespmem:$0x13000] =	vst v63  }
0xc5: {  	s26 =	sadd.s32 $0x2100, s30  }
0xc6: {  	[tilespmem:s16], [sflag:$0x1] =	stream.indirect.gather [hbm4b:s4+s14], $0x80, s26, s14, $0xb8;
	[tilespmem:$0x13000] =	vst v63  }
0xc7: {  	_ =	swait.ge [sflag:s23], $0x2800  }
0xc8: {  	[sflag:s23] =	ssyncset.done $0x0  }
0xc9: {  	[sflag:s23] =	ssyncadd.s32 $0xFFFFD800  }
0xca: {  	_ =	swait.ge [sflag:s23], $0x2800  }
0xcb: {  	[sflag:s23] =	ssyncset.done $0x0  }
0xcc: {  	s0 =	simm.s32 @!p0 $0x4;
	[sflag:s23] =	ssyncadd.s32 $0xFFFFD800  }
0xcd: {  	_ =	swait.ge @!p0 [sflag:s0], $0x2800  }
0xce: {  	[sflag:s0] =	ssyncset.done @!p0 $0x0  }
0xcf: {  	s11 =	simm.s32 $0x6880;
	[sflag:s0] =	ssyncadd.s32 @!p0 $0xFFFFD800  }
0xd0: {  	s10 =	simm.s32 $0xB880;
	v0 =	vld [tilespmem:s11+$0x0]  }
0xd1: {  	v1 =	vld [tilespmem:s10+$0x0];
	_ =	sdelay $0x4  }
0xd2: {  	v0 =	vadd.f32 v1, v0  }
0xd3: {  	s0 =	simm.s32 $0x10880  }
0xd4: {  	[tilespmem:s0+$0x0] =	vst v0  }
0xd5: {  	v0 =	vld [tilespmem:s11+$0x10]  }
0xd6: {  	v1 =	vld [tilespmem:s10+$0x10]  }
0xd7: {  	v2 =	vld [tilespmem:s10+$0xFFFFFF80]  }
0xd8: {  	v3 =	vld [tilespmem:s11+$0xFFFFFF80];
	_ =	sdelay $0x2  }
0xd9: {  	v0 =	vadd.f32 v1, v0;
	_ =	sdelay $0x1  }
0xda: {  	[tilespmem:s0+$0x10] =	vst v0;
	v0 =	vadd.f32 v2, v3  }
0xdb: {  	v1 =	vld [tilespmem:s11+$0x20]  }
0xdc: {  	v2 =	vld [tilespmem:s10+$0x20];
	[tilespmem:s0+$0xFFFFFF80] =	vst v0  }
0xdd: {  	v0 =	vld [tilespmem:s11+$0xFFFFFF90]  }
0xde: {  	v3 =	vld [tilespmem:s10+$0xFFFFFF90];
	_ =	sdelay $0x2  }
0xdf: {  	v1 =	vadd.f32 v2, v1;
	_ =	sdelay $0x1  }
0xe0: {  	[tilespmem:s0+$0x20] =	vst v1;
	v0 =	vadd.f32 v3, v0  }
0xe1: {  	v1 =	vld [tilespmem:s11+$0x30]  }
0xe2: {  	v2 =	vld [tilespmem:s10+$0x30];
	[tilespmem:s0+$0xFFFFFF90] =	vst v0  }
0xe3: {  	v0 =	vld [tilespmem:s11+$0xFFFFFFA0]  }
0xe4: {  	s17 =	simm.s32 $0x6980;
	v3 =	vld [tilespmem:s10+$0xFFFFFFA0]  }
0xe5: {  	s19 =	simm.s32 $0xB980;
	v4 =	vld [tilespmem:s17+$0x0]  }
0xe6: {  	v5 =	vld [tilespmem:s19+$0x0]  }
0xe7: {  	v6 =	vld [tilespmem:s17+$0xFFFFFF80];
	v1 =	vadd.f32 v2, v1  }
0xe8: {  	v2 =	vld [tilespmem:s19+$0xFFFFFF80]  }
0xe9: {  	[tilespmem:s0+$0x30] =	vst v1;
	v0 =	vadd.f32 v3, v0  }
0xea: {  	v1 =	vld [tilespmem:s11+$0x40]  }
0xeb: {  	v3 =	vld [tilespmem:s10+$0x40];
	[tilespmem:s0+$0xFFFFFFA0] =	vst v0;
	v0 =	vadd.f32 v5, v4  }
0xec: {  	s2 =	simm.s32 $0x10980;
	v4 =	vld [tilespmem:s11+$0xFFFFFFB0]  }
0xed: {  	v5 =	vld [tilespmem:s10+$0xFFFFFFB0];
	v2 =	vadd.f32 v2, v6;
	[tilespmem:s2+$0x0] =	vst v0  }
0xee: {  	v0 =	vld [tilespmem:s17+$0x10]  }
0xef: {  	[tilespmem:s2+$0xFFFFFF80] =	vst v2;
	v2 =	vld [tilespmem:s19+$0x10]  }
0xf0: {  	v1 =	vadd.f32 v3, v1;
	v3 =	vld [tilespmem:s17+$0xFFFFFF90]  }
0xf1: {  	v6 =	vld [tilespmem:s19+$0xFFFFFF90]  }
0xf2: {  	[tilespmem:s0+$0x40] =	vst v1;
	v1 =	vadd.f32 v5, v4  }
0xf3: {  	v4 =	vld [tilespmem:s11+$0x50]  }
0xf4: {  	v5 =	vld [tilespmem:s10+$0x50];
	[tilespmem:s0+$0xFFFFFFB0] =	vst v1;
	v0 =	vadd.f32 v2, v0  }
0xf5: {  	v1 =	vld [tilespmem:s11+$0xFFFFFFC0]  }
0xf6: {  	v2 =	vld [tilespmem:s10+$0xFFFFFFC0];
	v3 =	vadd.f32 v6, v3;
	[tilespmem:s2+$0x10] =	vst v0  }
0xf7: {  	v0 =	vld [tilespmem:s17+$0x20]  }
0xf8: {  	[tilespmem:s2+$0xFFFFFF90] =	vst v3;
	v3 =	vld [tilespmem:s19+$0x20]  }
0xf9: {  	v4 =	vadd.f32 v5, v4;
	v5 =	vld [tilespmem:s17+$0xFFFFFFA0]  }
0xfa: {  	v6 =	vld [tilespmem:s19+$0xFFFFFFA0]  }
0xfb: {  	s8 =	simm.s32 $0xBA80  }
0xfc: {  	v8 =	vld [tilespmem:s8+$0x0];
	[tilespmem:s0+$0x50] =	vst v4  }
0xfd: {  	v1 =	vadd.f32 v2, v1;
	v2 =	vld [tilespmem:s11+$0x60];
	v0 =	vadd.f32 v3, v0  }
0xfe: {  	s13 =	simm.s32 $0x6A80;
	v4 =	vld [tilespmem:s10+$0x60]  }
0xff: {  	v60 =	vld [tilespmem:s13+$0xFFFFFF80];
	v5 =	vadd.f32 v6, v5;
	[tilespmem:s2+$0x20] =	vst v0  }
0x100: {  	[tilespmem:s0+$0xFFFFFFC0] =	vst v1;
	v0 =	vld [tilespmem:s17+$0x30]  }
0x101: {  	[tilespmem:s2+$0xFFFFFFA0] =	vst v5;
	v5 =	vld [tilespmem:s19+$0x30]  }
0x102: {  	v1 =	vld [tilespmem:s11+$0xFFFFFFD0]  }
0x103: {  	v3 =	vld [tilespmem:s10+$0xFFFFFFD0];
	v2 =	vadd.f32 v4, v2  }
0x104: {  	v6 =	vld [tilespmem:s13+$0x0]  }
0x105: {  	v4 =	vld [tilespmem:s17+$0xFFFFFFB0];
	[tilespmem:s0+$0x60] =	vst v2  }
0x106: {  	v2 =	vld [tilespmem:s11+$0x70];
	v0 =	vadd.f32 v5, v0  }
0x107: {  	v7 =	vld [tilespmem:s10+$0x70]  }
0x108: {  	v5 =	vld [tilespmem:s8+$0xFFFFFF80];
	[tilespmem:s2+$0x30] =	vst v0  }
0x109: {  	v0 =	vadd.f32 v3, v1;
	v1 =	vld [tilespmem:s17+$0x40]  }
0x10a: {  	v3 =	vld [tilespmem:s19+$0x40]  }
0x10b: {  	[tilespmem:s0+$0xFFFFFFD0] =	vst v0;
	v0 =	vadd.f32 v8, v6;
	v6 =	vld [tilespmem:s19+$0xFFFFFFB0]  }
0x10c: {  	s7 =	simm.s32 $0x10A80;
	v8 =	vld [tilespmem:s11+$0xFFFFFFE0]  }
0x10d: {  	v5 =	vadd.f32 v5, v60;
	[tilespmem:s7+$0x0] =	vst v0;
	v0 =	vld [tilespmem:s10+$0xFFFFFFE0]  }
0x10e: {  	v61 =	vld [tilespmem:s13+$0x10]  }
0x10f: {  	[tilespmem:s7+$0xFFFFFF80] =	vst v5;
	v5 =	vld [tilespmem:s8+$0x10];
	v1 =	vadd.f32 v3, v1  }
0x110: {  	v3 =	vld [tilespmem:s13+$0xFFFFFF90]  }
0x111: {  	v4 =	vadd.f32 v6, v4;
	v6 =	vld [tilespmem:s8+$0xFFFFFF90];
	[tilespmem:s2+$0x40] =	vst v1  }
0x112: {  	v1 =	vld [tilespmem:s17+$0x50]  }
0x113: {  	[tilespmem:s2+$0xFFFFFFB0] =	vst v4;
	v0 =	vadd.f32 v0, v8;
	v4 =	vld [tilespmem:s19+$0x50]  }
0x114: {  	v5 =	vadd.f32 v5, v61;
	v8 =	vld [tilespmem:s17+$0xFFFFFFC0]  }
0x115: {  	v62 =	vld [tilespmem:s19+$0xFFFFFFC0];
	[tilespmem:s0+$0xFFFFFFE0] =	vst v0  }
0x116: {  	v3 =	vadd.f32 v6, v3;
	[tilespmem:s7+$0x10] =	vst v5;
	v0 =	vld [tilespmem:s11+$0xFFFFFFF0]  }
0x117: {  	v5 =	vld [tilespmem:s13+$0x20]  }
0x118: {  	[tilespmem:s7+$0xFFFFFF90] =	vst v3;
	v3 =	vld [tilespmem:s8+$0x20];
	v1 =	vadd.f32 v4, v1  }
0x119: {  	v6 =	vld [tilespmem:s13+$0xFFFFFFA0]  }
0x11a: {  	v10 =	vld [tilespmem:s8+$0xFFFFFFA0];
	v4 =	vadd.f32 v62, v8;
	[tilespmem:s2+$0x50] =	vst v1  }
0x11b: {  	v8 =	vld [tilespmem:s17+$0x60]  }
0x11c: {  	[tilespmem:s2+$0xFFFFFFC0] =	vst v4;
	v63 =	vld [tilespmem:s19+$0x60]  }
0x11d: {  	v4 =	vld [tilespmem:s19+$0xFFFFFFD0];
	v1 =	vadd.f32 v3, v5  }
0x11e: {  	v3 =	vld [tilespmem:s17+$0xFFFFFFD0]  }
0x11f: {  	v5 =	vadd.f32 v10, v6;
	[tilespmem:s7+$0x20] =	vst v1;
	v1 =	vld [tilespmem:s10+$0xFFFFFFF0]  }
0x120: {  	v2 =	vadd.f32 v7, v2;
	v6 =	vld [tilespmem:s13+$0x30]  }
0x121: {  	[tilespmem:s7+$0xFFFFFFA0] =	vst v5;
	v7 =	vld [tilespmem:s8+$0x30];
	v5 =	vadd.f32 v63, v8  }
0x122: {  	s26 =	simm.s32 $0x6B80;
	[tilespmem:s0+$0x70] =	vst v2;
	s11 =	simm.s32 $0x4;
	s10 =	simm.s32 $0xBA80;
	v2 =	vld [tilespmem:s13+$0xFFFFFFB0]  }
.LBB2_5:
0x123: {  	v8 =	vld [tilespmem:s26+$0x0];
	v3 =	vadd.f32 v4, v3;
	[tilespmem:s2+$0x60] =	vst v5  }
0x124: {  	v4 =	vld [tilespmem:s17+$0x70];
	v0 =	vadd.f32 v1, v0  }
0x125: {  	s8 =	sadd.s32 $0x100, s8;
	[tilespmem:s2+$0xFFFFFFD0] =	vst v3;
	v1 =	vld [tilespmem:s19+$0x70]  }
0x126: {  	v3 =	vld [tilespmem:s8+$0x0];
	v5 =	vadd.f32 v7, v6;
	[tilespmem:s0+$0xFFFFFFF0] =	vst v0;
	s0 =	smov.u32 s2;
	s2 =	smov.u32 s7  }
0x127: {  	v0 =	vld [tilespmem:s8+$0xFFFFFF80]  }
0x128: {  	v6 =	vld [tilespmem:s26+$0xFFFFFF80];
	[tilespmem:s7+$0x30] =	vst v5  }
0x129: {  	v5 =	vld [tilespmem:s13+$0x40]  }
0x12a: {  	v7 =	vld [tilespmem:s10+$0x40];
	v1 =	vadd.f32 v1, v4  }
0x12b: {  	v3 =	vadd.f32 v3, v8;
	v4 =	vld [tilespmem:s10+$0xFFFFFFB0]  }
0x12c: {  	s7 =	sadd.s32 $0x100, s7;
	v8 =	vld [tilespmem:s17+$0xFFFFFFE0];
	[tilespmem:s0+$0x70] =	vst v1  }
0x12d: {  	s11 =	sadd.s32 $0x2, s11;
	v0 =	vadd.f32 v0, v6;
	[tilespmem:s7+$0x0] =	vst v3;
	v1 =	vld [tilespmem:s19+$0xFFFFFFE0]  }
0x12e: {  	p0 =	slt.u32 s11, $0x4E;
	v3 =	vld [tilespmem:s26+$0x10]  }
0x12f: {  	[tilespmem:s7+$0xFFFFFF80] =	vst v0;
	v0 =	vld [tilespmem:s8+$0x10];
	v5 =	vadd.f32 v7, v5  }
0x130: {  	v6 =	vld [tilespmem:s26+$0xFFFFFF90];
	v2 =	vadd.f32 v4, v2  }
0x131: {  	v4 =	vld [tilespmem:s8+$0xFFFFFF90];
	[tilespmem:s2+$0x40] =	vst v5  }
0x132: {  	[tilespmem:s2+$0xFFFFFFB0] =	vst v2;
	v2 =	vld [tilespmem:s13+$0x50];
	v1 =	vadd.f32 v1, v8  }
0x133: {  	v5 =	vld [tilespmem:s10+$0x50]  }
0x134: {  	v0 =	vadd.f32 v0, v3;
	v3 =	vld [tilespmem:s13+$0xFFFFFFC0];
	[tilespmem:s0+$0xFFFFFFE0] =	vst v1  }
0x135: {  	v1 =	vld [tilespmem:s10+$0xFFFFFFC0]  }
0x136: {  	v4 =	vadd.f32 v4, v6;
	[tilespmem:s7+$0x10] =	vst v0;
	v0 =	vld [tilespmem:s17+$0xFFFFFFF0];
	s17 =	smov.u32 s13;
	s13 =	smov.u32 s26  }
0x137: {  	v6 =	vld [tilespmem:s26+$0x20]  }
0x138: {  	[tilespmem:s7+$0xFFFFFF90] =	vst v4;
	v4 =	vld [tilespmem:s8+$0x20];
	v2 =	vadd.f32 v5, v2  }
0x139: {  	v5 =	vld [tilespmem:s26+$0xFFFFFFA0]  }
0x13a: {  	v7 =	vld [tilespmem:s8+$0xFFFFFFA0];
	v1 =	vadd.f32 v1, v3;
	[tilespmem:s2+$0x50] =	vst v2  }
0x13b: {  	v2 =	vld [tilespmem:s17+$0x60]  }
0x13c: {  	[tilespmem:s2+$0xFFFFFFC0] =	vst v1;
	v8 =	vld [tilespmem:s10+$0x60]  }
0x13d: {  	v1 =	vadd.f32 v4, v6;
	v3 =	vld [tilespmem:s17+$0xFFFFFFD0]  }
.Ltmp1:
0x13e: {  	v4 =	vld [tilespmem:s10+$0xFFFFFFD0];
	(pc) =	sbr.rel @p0 .LBB2_5-.Ltmp1, $4  }
0x13f: {  	v5 =	vadd.f32 v7, v5;
	[tilespmem:s7+$0x20] =	vst v1;
	v1 =	vld [tilespmem:s19+$0xFFFFFFF0];
	s19 =	smov.u32 s10;
	s10 =	smov.u32 s8  }
0x140: {  	v6 =	vld [tilespmem:s26+$0x30]  }
0x141: {  	[tilespmem:s7+$0xFFFFFFA0] =	vst v5;
	v7 =	vld [tilespmem:s8+$0x30];
	v5 =	vadd.f32 v8, v2  }
0x142: {  	s26 =	sadd.s32 $0x100, s26;
	v2 =	vld [tilespmem:s13+$0xFFFFFFB0]  }
0x143: {  	v8 =	vld [tilespmem:s10+$0xFFFFFFB0];
	_ =	sdelay $0x2  }
0x144: {  	v6 =	vadd.f32 v7, v6;
	_ =	sdelay $0x1  }
0x145: {  	[tilespmem:s7+$0x30] =	vst v6;
	v2 =	vadd.f32 v8, v2  }
0x146: {  	v6 =	vld [tilespmem:s13+$0x40]  }
0x147: {  	v48 =	vld [tilespmem:s10+$0x40];
	[tilespmem:s7+$0xFFFFFFB0] =	vst v2  }
0x148: {  	v2 =	vld [tilespmem:s13+$0xFFFFFFC0]  }
0x149: {  	v49 =	vld [tilespmem:s10+$0xFFFFFFC0];
	_ =	sdelay $0x2  }
0x14a: {  	v6 =	vadd.f32 v48, v6;
	_ =	sdelay $0x1  }
0x14b: {  	[tilespmem:s7+$0x40] =	vst v6;
	v2 =	vadd.f32 v49, v2  }
0x14c: {  	v6 =	vld [tilespmem:s13+$0x50]  }
0x14d: {  	v50 =	vld [tilespmem:s10+$0x50];
	[tilespmem:s7+$0xFFFFFFC0] =	vst v2  }
0x14e: {  	v2 =	vld [tilespmem:s13+$0xFFFFFFD0]  }
0x14f: {  	v51 =	vld [tilespmem:s10+$0xFFFFFFD0]  }
0x150: {  	v3 =	vadd.f32 v4, v3;
	_ =	sdelay $0x1  }
0x151: {  	[tilespmem:s2+$0xFFFFFFD0] =	vst v3;
	v52 =	vadd.f32 v50, v6  }
0x152: {  	v53 =	vld [tilespmem:s17+$0xFFFFFFE0]  }
0x153: {  	v54 =	vld [tilespmem:s19+$0xFFFFFFE0];
	[tilespmem:s7+$0x50] =	vst v52;
	v2 =	vadd.f32 v51, v2  }
0x154: {  	v3 =	vld [tilespmem:s13+$0x60]  }
0x155: {  	v55 =	vld [tilespmem:s10+$0x60];
	[tilespmem:s7+$0xFFFFFFD0] =	vst v2  }
0x156: {  	v2 =	vld [tilespmem:s13+$0xFFFFFFE0]  }
0x157: {  	v56 =	vld [tilespmem:s10+$0xFFFFFFE0]  }
0x158: {  	[tilespmem:s2+$0x60] =	vst v5;
	v4 =	vadd.f32 v54, v53  }
0x159: {  	v5 =	vld [tilespmem:s17+$0x70]  }
0x15a: {  	v57 =	vld [tilespmem:s19+$0x70];
	[tilespmem:s2+$0xFFFFFFE0] =	vst v4;
	v3 =	vadd.f32 v55, v3  }
0x15b: {  	v4 =	vld [tilespmem:s17+$0xFFFFFFF0]  }
0x15c: {  	v58 =	vld [tilespmem:s19+$0xFFFFFFF0];
	[tilespmem:s7+$0x60] =	vst v3;
	v2 =	vadd.f32 v56, v2  }
0x15d: {  	v3 =	vld [tilespmem:s13+$0x70]  }
0x15e: {  	v59 =	vld [tilespmem:s10+$0x70];
	[tilespmem:s7+$0xFFFFFFE0] =	vst v2  }
0x15f: {  	v2 =	vld [tilespmem:s13+$0xFFFFFFF0]  }
0x160: {  	v9 =	vld [tilespmem:s10+$0xFFFFFFF0]  }
0x161: {  	v0 =	vadd.f32 v1, v0  }
0x162: {  	v60 =	vadd.f32 v57, v5  }
0x163: {  	p0 =	seq.s32 s29, $0x1E;
	[tilespmem:s0+$0xFFFFFFF0] =	vst v0;
	v61 =	vadd.f32 v58, v4  }
.Ltmp2:
0x164: {  	[tilespmem:s2+$0x70] =	vst v60;
	v62 =	vadd.f32 v59, v3;
	(pc) =	sbr.rel @p0 .LBB2_8-.Ltmp2, $4  }
0x165: {  	s31 =	sadd.s32 s31, s9;
	[tilespmem:s2+$0xFFFFFFF0] =	vst v61;
	v63 =	vadd.f32 v9, v2  }
0x166: {  	s0 =	sshll.u32 s31, $0x4;
	[tilespmem:s7+$0x70] =	vst v62  }
0x167: {  	s0 =	sadd.s32 s5, s0;
	[tilespmem:s7+$0xFFFFFFF0] =	vst v63  }
0x168: {  	[hbm4b:s0+s3] =	stream.linear.scatter [tilespmem:s24], [sflag:$0x4], $0x2800, $0x38;
	[tilespmem:$0x13000] =	vst v63  }
.Ltmp3:
0x169: {  	(pc) =	sbr.rel .LBB2_2-.Ltmp3, $4  }
0x16a: {  	s0 =	sadd.s32 $0x180, s30  }
0x16b: {  	[tilespmem:s18], [sflag:$0x2] =	stream.indirect.gather [hbm4b:s1+s14], $0x80, s0, s14, $0xb8;
	[tilespmem:$0x13000] =	vst v63  }
0x16c: {  	s31 =	sadd.s32 $0x2180, s30;
	s29 =	sadd.s32 $0x1, s29  }
0x16d: {  	[tilespmem:s20], [sflag:$0x2] =	stream.indirect.gather [hbm4b:s4+s14], $0x80, s31, s14, $0xb8;
	[tilespmem:$0x13000] =	vst v63  }
.LBB2_8:
0x16e: {  	_ =	swait.ge [sflag:s21], $0x2800  }
0x16f: {  	[sflag:s21] =	ssyncset.done $0x0  }
0x170: {  	[sflag:s21] =	ssyncadd.s32 $0xFFFFD800  }
0x171: {  	_ =	swait.ge [sflag:s21], $0x2800  }
0x172: {  	[sflag:s21] =	ssyncset.done $0x0  }
0x173: {  	[sflag:s21] =	ssyncadd.s32 $0xFFFFD800  }
0x174: {  	_ =	swait.ge [sflag:s25], $0x2800  }
0x175: {  	[sflag:s25] =	ssyncset.done $0x0  }
0x176: {  	s11 =	simm.s32 $0x4080;
	[sflag:s25] =	ssyncadd.s32 $0xFFFFD800  }
0x177: {  	s10 =	simm.s32 $0x9080;
	v0 =	vld [tilespmem:s11+$0x0]  }
0x178: {  	v1 =	vld [tilespmem:s10+$0x0];
	_ =	sdelay $0x4  }
0x179: {  	v0 =	vadd.f32 v1, v0  }
0x17a: {  	s0 =	simm.s32 $0xE080  }
0x17b: {  	[tilespmem:s0+$0x0] =	vst v0  }
0x17c: {  	v0 =	vld [tilespmem:s11+$0x10]  }
0x17d: {  	v1 =	vld [tilespmem:s10+$0x10]  }
0x17e: {  	v2 =	vld [tilespmem:s10+$0xFFFFFF80]  }
0x17f: {  	v3 =	vld [tilespmem:s11+$0xFFFFFF80];
	_ =	sdelay $0x2  }
0x180: {  	v0 =	vadd.f32 v1, v0;
	_ =	sdelay $0x1  }
0x181: {  	[tilespmem:s0+$0x10] =	vst v0;
	v0 =	vadd.f32 v2, v3  }
0x182: {  	v1 =	vld [tilespmem:s11+$0x20]  }
0x183: {  	v2 =	vld [tilespmem:s10+$0x20];
	[tilespmem:s0+$0xFFFFFF80] =	vst v0  }
0x184: {  	v0 =	vld [tilespmem:s11+$0xFFFFFF90]  }
0x185: {  	v3 =	vld [tilespmem:s10+$0xFFFFFF90];
	_ =	sdelay $0x2  }
0x186: {  	v1 =	vadd.f32 v2, v1;
	_ =	sdelay $0x1  }
0x187: {  	[tilespmem:s0+$0x20] =	vst v1;
	v0 =	vadd.f32 v3, v0  }
0x188: {  	v1 =	vld [tilespmem:s11+$0x30]  }
0x189: {  	v2 =	vld [tilespmem:s10+$0x30];
	[tilespmem:s0+$0xFFFFFF90] =	vst v0  }
0x18a: {  	v0 =	vld [tilespmem:s11+$0xFFFFFFA0]  }
0x18b: {  	s17 =	simm.s32 $0x4180;
	v3 =	vld [tilespmem:s10+$0xFFFFFFA0]  }
0x18c: {  	s19 =	simm.s32 $0x9180;
	v4 =	vld [tilespmem:s17+$0x0]  }
0x18d: {  	v5 =	vld [tilespmem:s19+$0x0]  }
0x18e: {  	v6 =	vld [tilespmem:s17+$0xFFFFFF80];
	v1 =	vadd.f32 v2, v1  }
0x18f: {  	v2 =	vld [tilespmem:s19+$0xFFFFFF80]  }
0x190: {  	[tilespmem:s0+$0x30] =	vst v1;
	v0 =	vadd.f32 v3, v0  }
0x191: {  	v1 =	vld [tilespmem:s11+$0x40]  }
0x192: {  	v3 =	vld [tilespmem:s10+$0x40];
	[tilespmem:s0+$0xFFFFFFA0] =	vst v0;
	v0 =	vadd.f32 v5, v4  }
0x193: {  	s2 =	simm.s32 $0xE180;
	v4 =	vld [tilespmem:s11+$0xFFFFFFB0]  }
0x194: {  	v5 =	vld [tilespmem:s10+$0xFFFFFFB0];
	v2 =	vadd.f32 v2, v6;
	[tilespmem:s2+$0x0] =	vst v0  }
0x195: {  	v0 =	vld [tilespmem:s17+$0x10]  }
0x196: {  	[tilespmem:s2+$0xFFFFFF80] =	vst v2;
	v2 =	vld [tilespmem:s19+$0x10]  }
0x197: {  	v1 =	vadd.f32 v3, v1;
	v3 =	vld [tilespmem:s17+$0xFFFFFF90]  }
0x198: {  	v6 =	vld [tilespmem:s19+$0xFFFFFF90]  }
0x199: {  	[tilespmem:s0+$0x40] =	vst v1;
	v1 =	vadd.f32 v5, v4  }
0x19a: {  	v4 =	vld [tilespmem:s11+$0x50]  }
0x19b: {  	v5 =	vld [tilespmem:s10+$0x50];
	[tilespmem:s0+$0xFFFFFFB0] =	vst v1;
	v0 =	vadd.f32 v2, v0  }
0x19c: {  	v1 =	vld [tilespmem:s11+$0xFFFFFFC0]  }
0x19d: {  	v2 =	vld [tilespmem:s10+$0xFFFFFFC0];
	v3 =	vadd.f32 v6, v3;
	[tilespmem:s2+$0x10] =	vst v0  }
0x19e: {  	v0 =	vld [tilespmem:s17+$0x20]  }
0x19f: {  	[tilespmem:s2+$0xFFFFFF90] =	vst v3;
	v3 =	vld [tilespmem:s19+$0x20]  }
0x1a0: {  	v4 =	vadd.f32 v5, v4;
	v5 =	vld [tilespmem:s17+$0xFFFFFFA0]  }
0x1a1: {  	v6 =	vld [tilespmem:s19+$0xFFFFFFA0]  }
0x1a2: {  	s8 =	simm.s32 $0x9280  }
0x1a3: {  	v8 =	vld [tilespmem:s8+$0x0];
	[tilespmem:s0+$0x50] =	vst v4  }
0x1a4: {  	v1 =	vadd.f32 v2, v1;
	v2 =	vld [tilespmem:s11+$0x60];
	v0 =	vadd.f32 v3, v0  }
0x1a5: {  	s13 =	simm.s32 $0x4280;
	v4 =	vld [tilespmem:s10+$0x60]  }
0x1a6: {  	v9 =	vld [tilespmem:s13+$0xFFFFFF80];
	v5 =	vadd.f32 v6, v5;
	[tilespmem:s2+$0x20] =	vst v0  }
0x1a7: {  	[tilespmem:s0+$0xFFFFFFC0] =	vst v1;
	v0 =	vld [tilespmem:s17+$0x30]  }
0x1a8: {  	[tilespmem:s2+$0xFFFFFFA0] =	vst v5;
	v5 =	vld [tilespmem:s19+$0x30]  }
0x1a9: {  	v1 =	vld [tilespmem:s11+$0xFFFFFFD0]  }
0x1aa: {  	v3 =	vld [tilespmem:s10+$0xFFFFFFD0];
	v2 =	vadd.f32 v4, v2  }
0x1ab: {  	v6 =	vld [tilespmem:s13+$0x0]  }
0x1ac: {  	v4 =	vld [tilespmem:s17+$0xFFFFFFB0];
	[tilespmem:s0+$0x60] =	vst v2  }
0x1ad: {  	v2 =	vld [tilespmem:s11+$0x70];
	v0 =	vadd.f32 v5, v0  }
0x1ae: {  	v7 =	vld [tilespmem:s10+$0x70]  }
0x1af: {  	v5 =	vld [tilespmem:s8+$0xFFFFFF80];
	[tilespmem:s2+$0x30] =	vst v0  }
0x1b0: {  	v0 =	vadd.f32 v3, v1;
	v1 =	vld [tilespmem:s17+$0x40]  }
0x1b1: {  	v3 =	vld [tilespmem:s19+$0x40]  }
0x1b2: {  	[tilespmem:s0+$0xFFFFFFD0] =	vst v0;
	v0 =	vadd.f32 v8, v6;
	v6 =	vld [tilespmem:s19+$0xFFFFFFB0]  }
0x1b3: {  	s7 =	simm.s32 $0xE280;
	v8 =	vld [tilespmem:s11+$0xFFFFFFE0]  }
0x1b4: {  	v5 =	vadd.f32 v5, v9;
	[tilespmem:s7+$0x0] =	vst v0;
	v0 =	vld [tilespmem:s10+$0xFFFFFFE0]  }
0x1b5: {  	v61 =	vld [tilespmem:s13+$0x10]  }
0x1b6: {  	[tilespmem:s7+$0xFFFFFF80] =	vst v5;
	v5 =	vld [tilespmem:s8+$0x10];
	v1 =	vadd.f32 v3, v1  }
0x1b7: {  	v3 =	vld [tilespmem:s13+$0xFFFFFF90]  }
0x1b8: {  	v4 =	vadd.f32 v6, v4;
	v6 =	vld [tilespmem:s8+$0xFFFFFF90];
	[tilespmem:s2+$0x40] =	vst v1  }
0x1b9: {  	v1 =	vld [tilespmem:s17+$0x50]  }
0x1ba: {  	[tilespmem:s2+$0xFFFFFFB0] =	vst v4;
	v0 =	vadd.f32 v0, v8;
	v4 =	vld [tilespmem:s19+$0x50]  }
0x1bb: {  	v5 =	vadd.f32 v5, v61;
	v8 =	vld [tilespmem:s17+$0xFFFFFFC0]  }
0x1bc: {  	v62 =	vld [tilespmem:s19+$0xFFFFFFC0];
	[tilespmem:s0+$0xFFFFFFE0] =	vst v0  }
0x1bd: {  	v3 =	vadd.f32 v6, v3;
	[tilespmem:s7+$0x10] =	vst v5;
	v0 =	vld [tilespmem:s11+$0xFFFFFFF0]  }
0x1be: {  	v5 =	vld [tilespmem:s13+$0x20]  }
0x1bf: {  	[tilespmem:s7+$0xFFFFFF90] =	vst v3;
	v3 =	vld [tilespmem:s8+$0x20];
	v1 =	vadd.f32 v4, v1  }
0x1c0: {  	v6 =	vld [tilespmem:s13+$0xFFFFFFA0]  }
0x1c1: {  	v10 =	vld [tilespmem:s8+$0xFFFFFFA0];
	v4 =	vadd.f32 v62, v8;
	[tilespmem:s2+$0x50] =	vst v1  }
0x1c2: {  	v8 =	vld [tilespmem:s17+$0x60]  }
0x1c3: {  	[tilespmem:s2+$0xFFFFFFC0] =	vst v4;
	v63 =	vld [tilespmem:s19+$0x60]  }
0x1c4: {  	v4 =	vld [tilespmem:s19+$0xFFFFFFD0];
	v1 =	vadd.f32 v3, v5  }
0x1c5: {  	v3 =	vld [tilespmem:s17+$0xFFFFFFD0]  }
0x1c6: {  	v5 =	vadd.f32 v10, v6;
	[tilespmem:s7+$0x20] =	vst v1;
	v1 =	vld [tilespmem:s10+$0xFFFFFFF0]  }
0x1c7: {  	v2 =	vadd.f32 v7, v2;
	v6 =	vld [tilespmem:s13+$0x30]  }
0x1c8: {  	[tilespmem:s7+$0xFFFFFFA0] =	vst v5;
	v7 =	vld [tilespmem:s8+$0x30];
	v5 =	vadd.f32 v63, v8  }
0x1c9: {  	s26 =	simm.s32 $0x4380;
	[tilespmem:s0+$0x70] =	vst v2;
	s11 =	simm.s32 $0x4;
	s10 =	simm.s32 $0x9280;
	v2 =	vld [tilespmem:s13+$0xFFFFFFB0]  }
.LBB2_9:
0x1ca: {  	v8 =	vld [tilespmem:s26+$0x0];
	v3 =	vadd.f32 v4, v3;
	[tilespmem:s2+$0x60] =	vst v5  }
0x1cb: {  	v4 =	vld [tilespmem:s17+$0x70];
	v0 =	vadd.f32 v1, v0  }
0x1cc: {  	s8 =	sadd.s32 $0x100, s8;
	[tilespmem:s2+$0xFFFFFFD0] =	vst v3;
	v1 =	vld [tilespmem:s19+$0x70]  }
0x1cd: {  	v3 =	vld [tilespmem:s8+$0x0];
	v5 =	vadd.f32 v7, v6;
	[tilespmem:s0+$0xFFFFFFF0] =	vst v0;
	s0 =	smov.u32 s2;
	s2 =	smov.u32 s7  }
0x1ce: {  	v0 =	vld [tilespmem:s8+$0xFFFFFF80]  }
0x1cf: {  	v6 =	vld [tilespmem:s26+$0xFFFFFF80];
	[tilespmem:s7+$0x30] =	vst v5  }
0x1d0: {  	v5 =	vld [tilespmem:s13+$0x40]  }
0x1d1: {  	v7 =	vld [tilespmem:s10+$0x40];
	v1 =	vadd.f32 v1, v4  }
0x1d2: {  	v3 =	vadd.f32 v3, v8;
	v4 =	vld [tilespmem:s10+$0xFFFFFFB0]  }
0x1d3: {  	s7 =	sadd.s32 $0x100, s7;
	v8 =	vld [tilespmem:s17+$0xFFFFFFE0];
	[tilespmem:s0+$0x70] =	vst v1  }
0x1d4: {  	s11 =	sadd.s32 $0x2, s11;
	v0 =	vadd.f32 v0, v6;
	[tilespmem:s7+$0x0] =	vst v3;
	v1 =	vld [tilespmem:s19+$0xFFFFFFE0]  }
0x1d5: {  	p0 =	slt.u32 s11, $0x4E;
	v3 =	vld [tilespmem:s26+$0x10]  }
0x1d6: {  	[tilespmem:s7+$0xFFFFFF80] =	vst v0;
	v0 =	vld [tilespmem:s8+$0x10];
	v5 =	vadd.f32 v7, v5  }
0x1d7: {  	v6 =	vld [tilespmem:s26+$0xFFFFFF90];
	v2 =	vadd.f32 v4, v2  }
0x1d8: {  	v4 =	vld [tilespmem:s8+$0xFFFFFF90];
	[tilespmem:s2+$0x40] =	vst v5  }
0x1d9: {  	[tilespmem:s2+$0xFFFFFFB0] =	vst v2;
	v2 =	vld [tilespmem:s13+$0x50];
	v1 =	vadd.f32 v1, v8  }
0x1da: {  	v5 =	vld [tilespmem:s10+$0x50]  }
0x1db: {  	v0 =	vadd.f32 v0, v3;
	v3 =	vld [tilespmem:s13+$0xFFFFFFC0];
	[tilespmem:s0+$0xFFFFFFE0] =	vst v1  }
0x1dc: {  	v1 =	vld [tilespmem:s10+$0xFFFFFFC0]  }
0x1dd: {  	v4 =	vadd.f32 v4, v6;
	[tilespmem:s7+$0x10] =	vst v0;
	v0 =	vld [tilespmem:s17+$0xFFFFFFF0];
	s17 =	smov.u32 s13;
	s13 =	smov.u32 s26  }
0x1de: {  	v6 =	vld [tilespmem:s26+$0x20]  }
0x1df: {  	[tilespmem:s7+$0xFFFFFF90] =	vst v4;
	v4 =	vld [tilespmem:s8+$0x20];
	v2 =	vadd.f32 v5, v2  }
0x1e0: {  	v5 =	vld [tilespmem:s26+$0xFFFFFFA0]  }
0x1e1: {  	v7 =	vld [tilespmem:s8+$0xFFFFFFA0];
	v1 =	vadd.f32 v1, v3;
	[tilespmem:s2+$0x50] =	vst v2  }
0x1e2: {  	v2 =	vld [tilespmem:s17+$0x60]  }
0x1e3: {  	[tilespmem:s2+$0xFFFFFFC0] =	vst v1;
	v8 =	vld [tilespmem:s10+$0x60]  }
0x1e4: {  	v1 =	vadd.f32 v4, v6;
	v3 =	vld [tilespmem:s17+$0xFFFFFFD0]  }
.Ltmp4:
0x1e5: {  	v4 =	vld [tilespmem:s10+$0xFFFFFFD0];
	(pc) =	sbr.rel @p0 .LBB2_9-.Ltmp4, $4  }
0x1e6: {  	v5 =	vadd.f32 v7, v5;
	[tilespmem:s7+$0x20] =	vst v1;
	v1 =	vld [tilespmem:s19+$0xFFFFFFF0];
	s19 =	smov.u32 s10;
	s10 =	smov.u32 s8  }
0x1e7: {  	v6 =	vld [tilespmem:s26+$0x30]  }
0x1e8: {  	[tilespmem:s7+$0xFFFFFFA0] =	vst v5;
	v7 =	vld [tilespmem:s8+$0x30];
	v5 =	vadd.f32 v8, v2  }
0x1e9: {  	s26 =	sadd.s32 $0x100, s26;
	v2 =	vld [tilespmem:s13+$0xFFFFFFB0]  }
0x1ea: {  	v8 =	vld [tilespmem:s10+$0xFFFFFFB0];
	_ =	sdelay $0x2  }
0x1eb: {  	v6 =	vadd.f32 v7, v6;
	_ =	sdelay $0x1  }
0x1ec: {  	[tilespmem:s7+$0x30] =	vst v6;
	v2 =	vadd.f32 v8, v2  }
0x1ed: {  	v6 =	vld [tilespmem:s13+$0x40]  }
0x1ee: {  	v48 =	vld [tilespmem:s10+$0x40];
	[tilespmem:s7+$0xFFFFFFB0] =	vst v2  }
0x1ef: {  	v2 =	vld [tilespmem:s13+$0xFFFFFFC0]  }
0x1f0: {  	v49 =	vld [tilespmem:s10+$0xFFFFFFC0];
	_ =	sdelay $0x2  }
0x1f1: {  	v6 =	vadd.f32 v48, v6;
	_ =	sdelay $0x1  }
0x1f2: {  	[tilespmem:s7+$0x40] =	vst v6;
	v2 =	vadd.f32 v49, v2  }
0x1f3: {  	v6 =	vld [tilespmem:s13+$0x50]  }
0x1f4: {  	v50 =	vld [tilespmem:s10+$0x50];
	[tilespmem:s7+$0xFFFFFFC0] =	vst v2  }
0x1f5: {  	v2 =	vld [tilespmem:s13+$0xFFFFFFD0]  }
0x1f6: {  	v51 =	vld [tilespmem:s10+$0xFFFFFFD0]  }
0x1f7: {  	v3 =	vadd.f32 v4, v3;
	_ =	sdelay $0x1  }
0x1f8: {  	[tilespmem:s2+$0xFFFFFFD0] =	vst v3;
	v52 =	vadd.f32 v50, v6  }
0x1f9: {  	v53 =	vld [tilespmem:s17+$0xFFFFFFE0]  }
0x1fa: {  	v54 =	vld [tilespmem:s19+$0xFFFFFFE0];
	[tilespmem:s7+$0x50] =	vst v52;
	v2 =	vadd.f32 v51, v2  }
0x1fb: {  	v3 =	vld [tilespmem:s13+$0x60]  }
0x1fc: {  	v55 =	vld [tilespmem:s10+$0x60];
	[tilespmem:s7+$0xFFFFFFD0] =	vst v2  }
0x1fd: {  	v2 =	vld [tilespmem:s13+$0xFFFFFFE0]  }
0x1fe: {  	v56 =	vld [tilespmem:s10+$0xFFFFFFE0]  }
0x1ff: {  	[tilespmem:s2+$0x60] =	vst v5;
	v4 =	vadd.f32 v54, v53  }
0x200: {  	v5 =	vld [tilespmem:s17+$0x70]  }
0x201: {  	v57 =	vld [tilespmem:s19+$0x70];
	[tilespmem:s2+$0xFFFFFFE0] =	vst v4;
	v3 =	vadd.f32 v55, v3  }
0x202: {  	v4 =	vld [tilespmem:s17+$0xFFFFFFF0]  }
0x203: {  	v58 =	vld [tilespmem:s19+$0xFFFFFFF0];
	[tilespmem:s7+$0x60] =	vst v3;
	v2 =	vadd.f32 v56, v2  }
0x204: {  	v3 =	vld [tilespmem:s13+$0x70]  }
0x205: {  	v59 =	vld [tilespmem:s10+$0x70];
	[tilespmem:s7+$0xFFFFFFE0] =	vst v2  }
0x206: {  	v2 =	vld [tilespmem:s13+$0xFFFFFFF0]  }
0x207: {  	v9 =	vld [tilespmem:s10+$0xFFFFFFF0]  }
0x208: {  	v0 =	vadd.f32 v1, v0  }
0x209: {  	v60 =	vadd.f32 v57, v5  }
0x20a: {  	[tilespmem:s0+$0xFFFFFFF0] =	vst v0;
	v61 =	vadd.f32 v58, v4  }
0x20b: {  	[tilespmem:s2+$0x70] =	vst v60;
	v62 =	vadd.f32 v59, v3  }
0x20c: {  	[tilespmem:s2+$0xFFFFFFF0] =	vst v61;
	v63 =	vadd.f32 v9, v2  }
0x20d: {  	[tilespmem:s7+$0x70] =	vst v62  }
0x20e: {  	[tilespmem:s7+$0xFFFFFFF0] =	vst v63  }
0x20f: {  	s30 =	simm.s32 $0x4;
	s0 =	rddreg [dreg:$0x6]  }
0x210: {  	[hbm4b:s0+s3] =	stream.linear.scatter [tilespmem:s22], [sflag:$0x3], $0x2800, $0x38;
	[tilespmem:$0x13000] =	vst v63  }
0x211: {  	_ =	swait.ge [sflag:s30], $0x2800  }
0x212: {  	[sflag:s30] =	ssyncset.done $0x0  }
0x213: {  	[sflag:s30] =	ssyncadd.s32 $0xFFFFD800  }
0x214: {  	_ =	swait.ge [sflag:s25], $0x2800  }
0x215: {  	s28 =	sadd.s32 $0x1, s28;
	s31 =	rddreg [dreg:$0x7]  }
0x216: {  	p0 =	sne.s32 s28, s31  }
.Ltmp5:
0x217: {  	_ = 	snop;
	(pc) =	sbr.rel @p0 .LBB2_1-.Ltmp5, $3  }
0x218: {  	_ =	sdelay $0x1  }
0x219: {  	[sflag:s25] =	ssyncset.done $0x0  }
0x21a: {  	[sflag:s25] =	ssyncadd.s32 $0xFFFFD800  }
0x21b: {  	_ =	sfence.sel $0x180000  }
0x21c: {  	[bflag:$0x0] =	sbarrier.arrive $0xFFFF  }
0x21d: {  	_ =	strace $0x90000047  }
0x21e: {  	s0 =	stileid.u32;
	[bflag:$0x2] =	sbarrier.arrive $0xFFFF  }
0x21f: {  	p0 =	sne.s32 s0, $0x0;
	s0 =	rddreg [dreg:$0x3]  }
0x220: {  	s0 =	sadd.s32 @!p0 $0x100000, s0  }
0x221: {  	[sflag:s0] =	ssyncadd.tile.s32 @!p0 $0x1;
	_ =	shalt  }
.Lfunc_end2:
_tile_overlayer_lowered:
.L_overlay_start_2:
0x222: {  	(tag) =	ssettag $0x2  }
0x223: {  	s0 =	rddreg [dreg:$0x0];
	s2 =	stileid.u32  }
0x224: {  	s1 =	rddreg [dreg:$0x1];
	p0 =	sne.s32 s2, $0x0  }
0x225: {  	s3 =	rddreg [dreg:$0x2];
	[bflag:$0x3] =	sbarrier.arrive $0xFFFF;
	s2 =	simm.s32 @!p0 $0x1C05  }
0x226: {  	[timem:s3], [sflag:s2] =	dma.local @!p0 [hbm:s0], s1  }
0x227: {  	s0 =	simm.s32 @!p0 $0x5  }
0x228: {  	_ =	swait.ge @!p0 [sflag:s0], s1  }
0x229: {  	s1 =	ssub.s32 @!p0 $0x0, s1;
	[sflag:s0] =	ssyncset.done @!p0 $0x0  }
0x22a: {  	[sflag:s0] =	ssyncadd.s32 @!p0 s1  }
0x22b: {  	[bflag:$0x3] =	sbarrier.arrive $0xFFFF  }
0x22c: {  	_ =	shalt  }

// kernel: kernel.13.cloned.1.call-start
scs
__scs_entry_jumppad:
0x0: {  	(pc) =	sbr.rel $0x88, $3  }
0x1: {  	(tag) =	ssettag $0x0;
	lr =	simm.s32 $0x1  }
0x2: {  	[smem:$0x3F92] =	sst lr;
	_ =	strace $0xD0000000  }
0x3: {  	_ = 	snop  }
0x4: {  	_ = 	snop  }
0x5: {  	_ = 	snop  }
0x6: {  	_ = 	snop  }
0x7: {  	_ = 	snop  }
__scs_overlays_trampoline_lowered:
0x8: {  	[smem:$0x3FA1] =	sst s0  }
0x9: {  	[smem:$0x3FA2] =	sst s1  }
0xa: {  	[smem:$0x3FA3] =	sst s2  }
0xb: {  	[smem:$0x3FA4] =	sst s3  }
0xc: {  	[smem:$0x3FA5] =	sst s4  }
0xd: {  	[smem:$0x3FA6] =	sst s5  }
0xe: {  	[smem:$0x3FA7] =	sst s6  }
0xf: {  	[smem:$0x3FA8] =	sst s7  }
0x10: {  	[smem:$0x3FA9] =	sst s8  }
0x11: {  	[smem:$0x3FAA] =	sst s9;
	s0 =	simm.s32 @!p0 $0x0  }
0x12: {  	s1 =	sld [smem:$0x3F90];
	s0 =	simm.s32 @p0 $0x1  }
0x13: {  	[smem:$0x3FAB] =	sst s0;
	s0 =	simm.s32 @!p1 $0x0  }
0x14: {  	s2 =	sld [smem:$0x3F8F];
	s0 =	simm.s32 @p1 $0x1  }
0x15: {  	[smem:$0x3FAC] =	sst s0;
	s0 =	simm.s32 @!p2 $0x0  }
0x16: {  	s3 =	sld [smem:$0x3FDB];
	s0 =	simm.s32 @p2 $0x1  }
0x17: {  	s4 =	simm.s32 $0x1BF5;
	[smem:$0x3FAE] =	sst s0  }
0x18: {  	s0 =	sld [smem:$0x3F91];
	_ =	swait.ge [sflag:s4], $0x0  }
0x19: {  	s7 =	sld [smem:$0x3F92]  }
0x1a: {  	s8 =	sadd.s32 $0xFFFFE003, lr  }
0x1b: {  	s9 =	sadd.s32 $0xFFFFFEF7, lr;
	s5 =	simm.s32 $0xFFFFFFFF;
	p2 =	slt.u32 s8, $0xFFFFF086  }
0x1c: {  	p1 =	slt.u32 s9, $0xF7A;
	s5 =	simm.s32 @!p2 $0x0  }
0x1d: {  	s5 =	simm.s32 @p1 $0x1;
	p0 =	seq.s32 s7, s2  }
0x1e: {  	s7 =	smul.u32 @!p0 $0xF7A, s2;
	p2 =	seq.s32 @!p0 s5, $0x0  }
0x1f: {  	s9 =	smul.u32 $0xF7A, s1;
	s8 =	simm.s32 @!p0 $0x1BF5;
	p2 =	por !p2, p0  }
0x20: {  	[sflag:s8] =	ssyncset.s32 @!p0 $0xFFFFF086;
	s6 =	sadd.s32 @!p0 s3, s7;
	s7 =	simm.s32 @!p0 $0x108  }
0x21: {  	s3 =	sadd.s32 s3, s9;
	s6 =	sadd.s32 @!p0 $0x88, s6;
	s7 =	simm.s32 @p2 $0x1082  }
0x22: {  	[simem:s7], [sflag:s8] =	dma.local @!p0 [hbm:s6], $0xF7A  }
0x23: {  	s9 =	sor.u32 $0xD0000000, s2;
	s6 =	simm.s32 $0x108;
	_ =	swait.ge @!p0 [sflag:s8], $0x0  }
0x24: {  	s3 =	sadd.s32 $0x88, s3;
	s6 =	simm.s32 @!p1 $0x1082;
	[sflag:s4] =	ssyncset.s32 $0xFFFFF086  }
0x25: {  	[simem:s6], [sflag:s4] =	dma.local [hbm:s3], $0xF7A  }
0x26: {  	[smem:$0x3F92] =	sst s1;
	(tag) =	ssettag s2;
	_ =	strace s9  }
0x27: {  	s1 =	sld [smem:$0x3FA2]  }
0x28: {  	s2 =	sld [smem:$0x3FA3]  }
0x29: {  	s4 =	sld [smem:$0x3FA5]  }
0x2a: {  	p0 =	seq.s32 s5, $0x0;
	s5 =	sld [smem:$0x3FA6]  }
0x2b: {  	s6 =	sld [smem:$0x3FA7]  }
0x2c: {  	s7 =	sld [smem:$0x3FA8]  }
0x2d: {  	s3 =	simm.s32 $0x108;
	s8 =	sld [smem:$0x3FA9]  }
0x2e: {  	s3 =	simm.s32 @!p0 $0x1082;
	s9 =	sld [smem:$0x3FAA]  }
0x2f: {  	lr =	sadd.s32 s0, s3;
	s0 =	sld [smem:$0x3FA1]  }
0x30: {  	s3 =	sld [smem:$0x3FA4]  }
0x31: {  	[smem:$0x3FAD] =	sst s10  }
0x32: {  	s10 =	sld [smem:$0x3FAB];
	_ =	sdelay $0x3  }
0x33: {  	p0 =	seq.s32 s10, $0x1;
	s10 =	sld [smem:$0x3FAD];
	_ =	sdelay $0x3  }
0x34: {  	[smem:$0x3FAD] =	sst s10  }
0x35: {  	s10 =	sld [smem:$0x3FAC];
	_ =	sdelay $0x3  }
0x36: {  	p1 =	seq.s32 s10, $0x1;
	s10 =	sld [smem:$0x3FAD];
	_ =	sdelay $0x3  }
0x37: {  	[smem:$0x3FAD] =	sst s10  }
0x38: {  	s10 =	sld [smem:$0x3FAE]  }
0x39: {  	_ = 	snop;
	(pc) =	sbr.ind lr, $3  }
0x3a: {  	_ = 	snop  }
0x3b: {  	_ = 	snop  }
0x3c: {  	p2 =	seq.s32 s10, $0x1;
	s10 =	sld [smem:$0x3FAD]  }
0x3d: {  	_ =	shalt  }
0x3e: {  	_ =	shalt  }
0x3f: {  	_ =	shalt  }
0x40: {  	_ =	shalt  }
0x41: {  	_ =	shalt  }
0x42: {  	_ =	shalt  }
0x43: {  	_ =	shalt  }
0x44: {  	_ =	shalt  }
0x45: {  	_ =	shalt  }
0x46: {  	_ =	shalt  }
0x47: {  	_ =	shalt  }
0x48: {  	_ =	shalt  }
0x49: {  	_ =	shalt  }
0x4a: {  	_ =	shalt  }
0x4b: {  	_ =	shalt  }
0x4c: {  	_ =	shalt  }
0x4d: {  	_ =	shalt  }
0x4e: {  	_ =	shalt  }
0x4f: {  	_ =	shalt  }
0x50: {  	_ =	shalt  }
0x51: {  	_ =	shalt  }
0x52: {  	_ =	shalt  }
0x53: {  	_ =	shalt  }
0x54: {  	_ =	shalt  }
0x55: {  	_ =	shalt  }
0x56: {  	_ =	shalt  }
0x57: {  	_ =	shalt  }
0x58: {  	_ =	shalt  }
0x59: {  	_ =	shalt  }
0x5a: {  	_ =	shalt  }
0x5b: {  	_ =	shalt  }
0x5c: {  	_ =	shalt  }
0x5d: {  	_ =	shalt  }
0x5e: {  	_ =	shalt  }
0x5f: {  	_ =	shalt  }
0x60: {  	_ =	shalt  }
0x61: {  	_ =	shalt  }
0x62: {  	_ =	shalt  }
0x63: {  	_ =	shalt  }
0x64: {  	_ =	shalt  }
0x65: {  	_ =	shalt  }
0x66: {  	_ =	shalt  }
0x67: {  	_ =	shalt  }
0x68: {  	_ =	shalt  }
0x69: {  	_ =	shalt  }
0x6a: {  	_ =	shalt  }
0x6b: {  	_ =	shalt  }
0x6c: {  	_ =	shalt  }
0x6d: {  	_ =	shalt  }
0x6e: {  	_ =	shalt  }
0x6f: {  	_ =	shalt  }
0x70: {  	_ =	shalt  }
0x71: {  	_ =	shalt  }
0x72: {  	_ =	shalt  }
0x73: {  	_ =	shalt  }
0x74: {  	_ =	shalt  }
0x75: {  	_ =	shalt  }
0x76: {  	_ =	shalt  }
0x77: {  	_ =	shalt  }
0x78: {  	_ =	shalt  }
0x79: {  	_ =	shalt  }
0x7a: {  	_ =	shalt  }
0x7b: {  	_ =	shalt  }
0x7c: {  	_ =	shalt  }
0x7d: {  	_ =	shalt  }
0x7e: {  	_ =	shalt  }
0x7f: {  	_ =	shalt  }
0x80: {  	_ =	shalt  }
0x81: {  	_ =	shalt  }
0x82: {  	_ =	shalt  }
0x83: {  	_ =	shalt  }
0x84: {  	_ =	shalt  }
0x85: {  	_ =	shalt  }
0x86: {  	_ =	shalt  }
0x87: {  	_ =	shalt  }
.Lfunc_end0:
.L_simem_size_0:
called_computation.1_lowered:
.L_overlay_start_0:
0x88: {  	s2 =	sld [smem:$0x3FD9]  }
0x89: {  	s3 =	sld [smem:$0x3FFE];
	_ =	sdelay $0x1  }
0x8a: {  	s1 =	srdreg.scid  }
0x8b: {  	s0 =	sand.u32 $0x1, s1  }
0x8c: {  	s15 =	sshll.u32 s0, $0xA;
	s2 =	sadd.s32 s3, s2  }
0x8d: {  	s2 =	sadd.s32 s2, s15  }
0x8e: {  	[smem:$0x3FB9] =	sst s2  }
0x8f: {  	_ = 	snop  }
0x90: {  	s2 =	sld [smem:$0x3FD0];
	_ =	sdelay $0x2  }
0x91: {  	s16 =	simm.s32 $0xB;
	s4 =	simm.s32 $0x10  }
0x92: {  	[smem:s4], [sflag:s16] =	dma.local [hbm:s2], $0x1  }
0x93: {  	_ =	swait.eq [sflag:s16], $0x1  }
0x94: {  	[sflag:s16] =	ssyncset.done $0x0  }
0x95: {  	[sflag:s16] =	ssyncadd.s32 $0xFFFFFFFF  }
0x96: {  	s17 =	sld [smem:$0x10];
	(tm) =	ssettm $0x1  }
0x97: {  	s18 =	sld [smem:$0x3FFB];
	_ =	sdelay $0x3  }
0x98: {  	_ =	strace s18  }
0x99: {  	s2 =	sld [smem:$0x3FFC];
	_ =	sdelay $0x3  }
0x9a: {  	_ =	strace s2  }
0x9b: {  	s2 =	sld [smem:$0x3FFD];
	_ =	sdelay $0x3  }
0x9c: {  	_ =	strace s2  }
0x9d: {  	_ =	strace $0x8FFFFFFF  }
0x9e: {  	s19 =	sld [smem:$0x3FDB];
	_ =	sdelay $0x1  }
0x9f: {  	s20 =	simm.s32 $_scs_section_size  }
0xa0: {  	s5 =	simm.s32 $_size__tile_overlayer_lowered;
	s6 =	simm.s32 $_tile_overlayer_lowered  }
0xa1: {  	s7 =	simm.s32 $0x1BFF;
	s21 =	sshll.u32 s6, $0x1;
	s4 =	sadd.s32 s20, s19  }
0xa2: {  	s22 =	simm.s32 $0x0;
	s5 =	sshll.u32 s5, $0x1;
	s6 =	sadd.s32 s21, s4  }
0xa3: {  	[timem:s22], [sflag:s7] =	dma.local [hbm:s6], s5  }
0xa4: {  	_ =	swait.ge [sflag:s7], s5  }
0xa5: {  	s5 =	ssub.s32 $0x0, s5;
	[sflag:s7] =	ssyncset.done $0x0  }
0xa6: {  	[sflag:s7] =	ssyncadd.s32 s5;
	_ =	sdelay $0x1  }
0xa7: {  	s23 =	simm.s32 $0x1B8B  }
0xa8: {  	_ =	swait.ge [sflag:s23], $0x1  }
0xa9: {  	[sflag:s23] =	ssyncset.done $0x0  }
0xaa: {  	[sflag:s23] =	ssyncadd.s32 $0xFFFFFFFF  }
0xab: {  	s5 =	sld [smem:$0x0]  }
0xac: {  	s6 =	sand.u32 $0xFFFFFFFE, s1  }
0xad: {  	p0 =	sne.s32 s1, s6  }
0xae: {  	s6 =	sshll.u32 @p0 s6, $0xE  }
0xaf: {  	s6 =	sadd.s32 @p0 $0x11B8D, s6;
	s7 =	sshll.u32 @p0 s5, $0x11  }
0xb0: {  	s6 =	sor.u32 @p0 s7, s6  }
0xb1: {  	[sflag:s6] =	ssyncadd.remote.s32 @p0 $0x1;
	_ =	sdelay $0x1  }
0xb2: {  	s6 =	simm.s32 @p0 $0x1B8D  }
0xb3: {  	_ =	swait.eq @p0 [sflag:s6], $0x1  }
0xb4: {  	[sflag:s6] =	ssyncadd.s32 @p0 $0xFFFFFFFF  }
0xb5: {  	s7 =	sshll.u32 @!p0 s1, $0xE  }
0xb6: {  	s7 =	sor.u32 @!p0 $0x4000, s7;
	s6 =	simm.s32 @!p0 $0x1B8D  }
0xb7: {  	s5 =	sshll.u32 @!p0 s5, $0x11;
	s7 =	sadd.s32 @!p0 $0x11B8D, s7;
	_ =	swait.eq @!p0 [sflag:s6], $0x1  }
0xb8: {  	s5 =	sor.u32 @!p0 s5, s7;
	[sflag:s6] =	ssyncadd.s32 @!p0 $0xFFFFFFFF  }
0xb9: {  	s25 =	simm.s32 $0x1B8E;
	s24 =	sld [smem:$0x3FFE];
	[sflag:s5] =	ssyncadd.remote.s32 @!p0 $0x1  }
0xba: {  	s26 =	simm.s32 $execute0_lowered;
	[smem:$0x3FD2] =	sst s25  }
0xbb: {  	s6 =	sshll.u32 s26, $0x1;
	_ =	strace $0x80000049;
	[dreg:$0x1] =	wrdreg $0xFFFFFFFF  }
0xbc: {  	s28 =	simm.s32 $_size_execute0_lowered;
	s4 =	sadd.s32 s4, s6;
	[dreg:$0x0] =	wrdreg $0x0  }
0xbd: {  	s6 =	sshll.u32 s28, $0x1;
	[dreg:$0x2] =	wrdreg s4  }
0xbe: {  	[dreg:$0x3] =	wrdreg s6  }
0xbf: {  	[dreg:$0x4] =	wrdreg $0xC0  }
0xc0: {  	_ =	task [dreg:s22], $0x5FFFF  }
0xc1: {  	[dreg:$0x1] =	wrdreg $0xFFFFFFFF  }
0xc2: {  	[dreg:$0x0] =	wrdreg $0x60  }
0xc3: {  	[dreg:$0x2] =	wrdreg s17  }
0xc4: {  	[dreg:$0x3] =	wrdreg s24  }
0xc5: {  	[dreg:$0x4] =	wrdreg $0x9  }
0xc6: {  	_ =	task.clear_ibuf [dreg:s22], $0x5FFFF;
	_ =	strace $0x90000049  }
0xc7: {  	s29 =	simm.s32 $0x9;
	_ =	strace $0x8000004B  }
0xc8: {  	_ =	swait.ge [sflag:s29], $0x1  }
0xc9: {  	[sflag:s29] =	ssyncadd.s32 $0xFFFFFFFF  }
0xca: {  	_ =	strace $0x9000004B  }
0xcb: {  	_ =	sfence  }
0xcc: {  	s30 =	sld [smem:$0x0];
	_ =	sdelay $0x2  }
0xcd: {  	s31 =	sshll.u32 s1, $0xD;
	s1 =	sshrl.u32 s1, $0x2  }
0xce: {  	s4 =	sand.u32 $0x4000, s31;
	s1 =	sadd.s32 s1, s30  }
0xcf: {  	s0 =	sor.u32 s4, s0;
	s1 =	sshll.u32 s1, $0x11  }
0xd0: {  	s0 =	sor.u32 s1, s0  }
0xd1: {  	s0 =	sadd.s32 $0x8F2B, s0  }
0xd2: {  	[sflag:s0] =	ssyncadd.remote.s32 $0x1  }
0xd3: {  	_ =	sfence.sel $0xFFFF  }
0xd4: {  	[dreg:$0x0] =	wrdreg $0xFFFFFFFF;
	(pc) =	sbr.abs _section_cstart, $3  }
0xd5: {  	[dreg:$0x1] =	wrdreg $0xFFFFFFFF  }
0xd6: {  	_ =	task.clear_ibuf [dreg:s22], $0x2FFFF;
	_ =	strace $0x9FFFFFFF  }
0xd7: {  	(tm) =	ssettm $0x7FFFFFFF  }
tec
execute0_lowered:
.L_overlay_start_1:
0x0: {  	(tag) =	ssettag $0x1  }
0x1: {  	s2 =	rddreg [dreg:$0x0]  }
0x2: {  	s0 =	rddreg [dreg:$0x1];
	s1 =	srdreg.scid  }
0x3: {  	s4 =	stileid.u32;
	s3 =	simm.s32 $0x0;
	s11 =	simm.s32 $0x5  }
0x4: {  	s13 =	simm.s32 $0x50;
	s17 =	simm.s32 $0x6800;
	s19 =	simm.s32 $0xB800  }
0x5: {  	s20 =	simm.s32 $0x1;
	s21 =	simm.s32 $0xE000;
	s22 =	simm.s32 $0x2  }
0x6: {  	s23 =	simm.s32 $0x10800;
	s24 =	simm.s32 $0x3;
	s25 =	simm.s32 $0x4  }
0x7: {  	s1 =	sand.u32 $0x1, s1;
	s4 =	sshll.u32 s4, $0x1;
	[smem:$0x7FF] =	sst s3  }
0x8: {  	s26 =	simm.s32 $0x0;
	s6 =	sor.u32 s1, s4;
	_ =	strace $0x8000004A  }
.Ltmp0:
0x9: {  	s4 =	sadd.s32 $0xA600, s0;
	s5 =	sshll.u32 s6, $0xA;
	(pc) =	sbr.rel .LBB2_1-.Ltmp0, $4  }
0xa: {  	s1 =	ssub.s32 $0x2, s1;
	s6 =	smul.u32 $0x1360, s6;
	s7 =	sadd.s32 s5, s0  }
0xb: {  	s29 =	sshrl.u32 s1, $0x1;
	s5 =	sadd.s32 $0x2B7800, s0;
	s30 =	sadd.s32 $0x2AF800, s7  }
0xc: {  	s0 =	ssub.s32 s1, s29;
	s31 =	sadd.s32 $0x2A7800, s7;
	[dreg:$0x3] =	wrdreg s30  }
0xd: {  	s9 =	sadd.s32 $0x50, s6;
	s10 =	smax.u32 s0, $0x1;
	[dreg:$0x4] =	wrdreg s31  }
.LBB2_8:
0xe: {  	s26 =	sadd.s32 $0x1, s26  }
0xf: {  	_ =	swait.ge [sflag:s24], $0x2800;
	p0 =	sne.s32 s26, s10  }
.Ltmp1:
0x10: {  	[sflag:s24] =	ssyncset.done $0x0;
	(pc) =	sbr.rel @!p0 .LBB2_9-.Ltmp1, $4  }
0x11: {  	[sflag:s24] =	ssyncadd.s32 $0xFFFFD800  }
0x12: {  	_ =	swait.ge [sflag:s25], $0x2800  }
0x13: {  	[sflag:s25] =	ssyncset.done $0x0  }
0x14: {  	[sflag:s25] =	ssyncadd.s32 $0xFFFFD800  }
.LBB2_1:
0x15: {  	s0 =	rddreg [dreg:$0x3]  }
0x16: {  	[tilespmem:s3], [sflag:$0x5] =	stream.linear.gather [hbm4b:s0+s3], $0x1F00, $0x38;
	[tilespmem:$0x13000] =	vst v63  }
0x17: {  	_ =	swait.ge [sflag:s11], $0x1F00  }
0x18: {  	[sflag:s11] =	ssyncset.done $0x0  }
0x19: {  	s1 =	simm.s32 $0x2000;
	s16 =	rddreg [dreg:$0x4];
	[sflag:s11] =	ssyncadd.s32 $0xFFFFE100  }
0x1a: {  	[tilespmem:s1], [sflag:$0x5] =	stream.linear.gather [hbm4b:s16+s3], $0x1F00, $0x38;
	[tilespmem:$0x13000] =	vst v63  }
0x1b: {  	_ =	swait.ge [sflag:s11], $0x1F00  }
0x1c: {  	[sflag:s11] =	ssyncset.done $0x0  }
0x1d: {  	s18 =	simm.s32 $0x4000;
	[sflag:s11] =	ssyncadd.s32 $0xFFFFE100  }
0x1e: {  	[tilespmem:s18], [sflag:$0x1] =	stream.indirect.gather [hbm4b:s2+s13], $0x80, s3, s13, $0xb8;
	[tilespmem:$0x13000] =	vst v63  }
0x1f: {  	s29 =	simm.s32 $0x9000  }
0x20: {  	[tilespmem:s29], [sflag:$0x1] =	stream.indirect.gather [hbm4b:s4+s13], $0x80, s1, s13, $0xb8;
	[tilespmem:$0x13000] =	vst v63  }
0x21: {  	s30 =	simm.s32 $0x80  }
0x22: {  	[tilespmem:s17], [sflag:$0x2] =	stream.indirect.gather [hbm4b:s2+s13], $0x80, s30, s13, $0xb8;
	[tilespmem:$0x13000] =	vst v63  }
0x23: {  	s31 =	simm.s32 $0x2080;
	s28 =	simm.s32 $0x0  }
0x24: {  	[tilespmem:s19], [sflag:$0x2] =	stream.indirect.gather [hbm4b:s4+s13], $0x80, s31, s13, $0xb8;
	[tilespmem:$0x13000] =	vst v63  }
.LBB2_2:
0x25: {  	_ =	swait.ge [sflag:s20], $0x2800  }
0x26: {  	[sflag:s20] =	ssyncset.done $0x0  }
0x27: {  	[sflag:s20] =	ssyncadd.s32 $0xFFFFD800  }
0x28: {  	_ =	swait.ge [sflag:s20], $0x2800  }
0x29: {  	p0 =	seq.s32 s28, $0x0;
	[sflag:s20] =	ssyncset.done $0x0  }
0x2a: {  	s0 =	simm.s32 @!p0 $0x3;
	[sflag:s20] =	ssyncadd.s32 $0xFFFFD800  }
0x2b: {  	_ =	swait.ge @!p0 [sflag:s0], $0x2800  }
0x2c: {  	[sflag:s0] =	ssyncset.done @!p0 $0x0  }
0x2d: {  	s18 =	simm.s32 $0x4080;
	[sflag:s0] =	ssyncadd.s32 @!p0 $0xFFFFD800  }
0x2e: {  	s12 =	simm.s32 $0x9080;
	v0 =	vld [tilespmem:s18+$0x0]  }
0x2f: {  	v1 =	vld [tilespmem:s12+$0x0];
	_ =	sdelay $0x4  }
0x30: {  	v0 =	vadd.f32 v1, v0  }
0x31: {  	s30 =	simm.s32 $0xE080  }
0x32: {  	[tilespmem:s30+$0x0] =	vst v0  }
0x33: {  	v0 =	vld [tilespmem:s18+$0x10]  }
0x34: {  	v1 =	vld [tilespmem:s12+$0x10]  }
0x35: {  	v2 =	vld [tilespmem:s12+$0xFFFFFF80]  }
0x36: {  	v3 =	vld [tilespmem:s18+$0xFFFFFF80];
	_ =	sdelay $0x2  }
0x37: {  	v0 =	vadd.f32 v1, v0;
	_ =	sdelay $0x1  }
0x38: {  	[tilespmem:s30+$0x10] =	vst v0;
	v0 =	vadd.f32 v2, v3  }
0x39: {  	v1 =	vld [tilespmem:s18+$0x20]  }
0x3a: {  	v2 =	vld [tilespmem:s12+$0x20];
	[tilespmem:s30+$0xFFFFFF80] =	vst v0  }
0x3b: {  	v0 =	vld [tilespmem:s18+$0xFFFFFF90]  }
0x3c: {  	v3 =	vld [tilespmem:s12+$0xFFFFFF90];
	_ =	sdelay $0x2  }
0x3d: {  	v1 =	vadd.f32 v2, v1;
	_ =	sdelay $0x1  }
0x3e: {  	[tilespmem:s30+$0x20] =	vst v1;
	v0 =	vadd.f32 v3, v0  }
0x3f: {  	v1 =	vld [tilespmem:s18+$0x30]  }
0x40: {  	v2 =	vld [tilespmem:s12+$0x30];
	[tilespmem:s30+$0xFFFFFF90] =	vst v0  }
0x41: {  	v0 =	vld [tilespmem:s18+$0xFFFFFFA0]  }
0x42: {  	s0 =	simm.s32 $0x4180;
	v3 =	vld [tilespmem:s12+$0xFFFFFFA0]  }
0x43: {  	s1 =	simm.s32 $0x9180;
	v4 =	vld [tilespmem:s0+$0x0]  }
0x44: {  	v5 =	vld [tilespmem:s1+$0x0]  }
0x45: {  	v6 =	vld [tilespmem:s0+$0xFFFFFF80];
	v1 =	vadd.f32 v2, v1  }
0x46: {  	v2 =	vld [tilespmem:s1+$0xFFFFFF80]  }
0x47: {  	[tilespmem:s30+$0x30] =	vst v1;
	v0 =	vadd.f32 v3, v0  }
0x48: {  	v1 =	vld [tilespmem:s18+$0x40]  }
0x49: {  	v3 =	vld [tilespmem:s12+$0x40];
	[tilespmem:s30+$0xFFFFFFA0] =	vst v0;
	v0 =	vadd.f32 v5, v4  }
0x4a: {  	s31 =	simm.s32 $0xE180;
	v4 =	vld [tilespmem:s18+$0xFFFFFFB0]  }
0x4b: {  	v5 =	vld [tilespmem:s12+$0xFFFFFFB0];
	v2 =	vadd.f32 v2, v6;
	[tilespmem:s31+$0x0] =	vst v0  }
0x4c: {  	v0 =	vld [tilespmem:s0+$0x10]  }
0x4d: {  	[tilespmem:s31+$0xFFFFFF80] =	vst v2;
	v2 =	vld [tilespmem:s1+$0x10]  }
0x4e: {  	v1 =	vadd.f32 v3, v1;
	v3 =	vld [tilespmem:s0+$0xFFFFFF90]  }
0x4f: {  	v6 =	vld [tilespmem:s1+$0xFFFFFF90]  }
0x50: {  	[tilespmem:s30+$0x40] =	vst v1;
	v1 =	vadd.f32 v5, v4  }
0x51: {  	v4 =	vld [tilespmem:s18+$0x50]  }
0x52: {  	v5 =	vld [tilespmem:s12+$0x50];
	[tilespmem:s30+$0xFFFFFFB0] =	vst v1;
	v0 =	vadd.f32 v2, v0  }
0x53: {  	v1 =	vld [tilespmem:s18+$0xFFFFFFC0]  }
0x54: {  	v2 =	vld [tilespmem:s12+$0xFFFFFFC0];
	v3 =	vadd.f32 v6, v3;
	[tilespmem:s31+$0x10] =	vst v0  }
0x55: {  	v0 =	vld [tilespmem:s0+$0x20]  }
0x56: {  	[tilespmem:s31+$0xFFFFFF90] =	vst v3;
	v3 =	vld [tilespmem:s1+$0x20]  }
0x57: {  	v4 =	vadd.f32 v5, v4;
	v5 =	vld [tilespmem:s0+$0xFFFFFFA0]  }
0x58: {  	v6 =	vld [tilespmem:s1+$0xFFFFFFA0]  }
0x59: {  	s16 =	simm.s32 $0x9280  }
0x5a: {  	v8 =	vld [tilespmem:s16+$0x0];
	[tilespmem:s30+$0x50] =	vst v4  }
0x5b: {  	v1 =	vadd.f32 v2, v1;
	v2 =	vld [tilespmem:s18+$0x60];
	v0 =	vadd.f32 v3, v0  }
0x5c: {  	s14 =	simm.s32 $0x4280;
	v4 =	vld [tilespmem:s12+$0x60]  }
0x5d: {  	v9 =	vld [tilespmem:s14+$0xFFFFFF80];
	v5 =	vadd.f32 v6, v5;
	[tilespmem:s31+$0x20] =	vst v0  }
0x5e: {  	[tilespmem:s30+$0xFFFFFFC0] =	vst v1;
	v0 =	vld [tilespmem:s0+$0x30]  }
0x5f: {  	[tilespmem:s31+$0xFFFFFFA0] =	vst v5;
	v5 =	vld [tilespmem:s1+$0x30]  }
0x60: {  	v1 =	vld [tilespmem:s18+$0xFFFFFFD0]  }
0x61: {  	v3 =	vld [tilespmem:s12+$0xFFFFFFD0];
	v2 =	vadd.f32 v4, v2  }
0x62: {  	v6 =	vld [tilespmem:s14+$0x0]  }
0x63: {  	v4 =	vld [tilespmem:s0+$0xFFFFFFB0];
	[tilespmem:s30+$0x60] =	vst v2  }
0x64: {  	v2 =	vld [tilespmem:s18+$0x70];
	v0 =	vadd.f32 v5, v0  }
0x65: {  	v7 =	vld [tilespmem:s12+$0x70]  }
0x66: {  	v5 =	vld [tilespmem:s16+$0xFFFFFF80];
	[tilespmem:s31+$0x30] =	vst v0  }
0x67: {  	v0 =	vadd.f32 v3, v1;
	v1 =	vld [tilespmem:s0+$0x40]  }
0x68: {  	v3 =	vld [tilespmem:s1+$0x40]  }
0x69: {  	[tilespmem:s30+$0xFFFFFFD0] =	vst v0;
	v0 =	vadd.f32 v8, v6;
	v6 =	vld [tilespmem:s1+$0xFFFFFFB0]  }
0x6a: {  	s15 =	simm.s32 $0xE280;
	v8 =	vld [tilespmem:s18+$0xFFFFFFE0]  }
0x6b: {  	v5 =	vadd.f32 v5, v9;
	[tilespmem:s15+$0x0] =	vst v0;
	v0 =	vld [tilespmem:s12+$0xFFFFFFE0]  }
0x6c: {  	v61 =	vld [tilespmem:s14+$0x10]  }
0x6d: {  	[tilespmem:s15+$0xFFFFFF80] =	vst v5;
	v5 =	vld [tilespmem:s16+$0x10];
	v1 =	vadd.f32 v3, v1  }
0x6e: {  	v3 =	vld [tilespmem:s14+$0xFFFFFF90]  }
0x6f: {  	v4 =	vadd.f32 v6, v4;
	v6 =	vld [tilespmem:s16+$0xFFFFFF90];
	[tilespmem:s31+$0x40] =	vst v1  }
0x70: {  	v1 =	vld [tilespmem:s0+$0x50]  }
0x71: {  	[tilespmem:s31+$0xFFFFFFB0] =	vst v4;
	v0 =	vadd.f32 v0, v8;
	v4 =	vld [tilespmem:s1+$0x50]  }
0x72: {  	v5 =	vadd.f32 v5, v61;
	v8 =	vld [tilespmem:s0+$0xFFFFFFC0]  }
0x73: {  	v62 =	vld [tilespmem:s1+$0xFFFFFFC0];
	[tilespmem:s30+$0xFFFFFFE0] =	vst v0  }
0x74: {  	v3 =	vadd.f32 v6, v3;
	[tilespmem:s15+$0x10] =	vst v5;
	v0 =	vld [tilespmem:s18+$0xFFFFFFF0]  }
0x75: {  	v5 =	vld [tilespmem:s14+$0x20]  }
0x76: {  	[tilespmem:s15+$0xFFFFFF90] =	vst v3;
	v3 =	vld [tilespmem:s16+$0x20];
	v1 =	vadd.f32 v4, v1  }
0x77: {  	v6 =	vld [tilespmem:s14+$0xFFFFFFA0]  }
0x78: {  	v10 =	vld [tilespmem:s16+$0xFFFFFFA0];
	v4 =	vadd.f32 v62, v8;
	[tilespmem:s31+$0x50] =	vst v1  }
0x79: {  	v8 =	vld [tilespmem:s0+$0x60]  }
0x7a: {  	[tilespmem:s31+$0xFFFFFFC0] =	vst v4;
	v63 =	vld [tilespmem:s1+$0x60]  }
0x7b: {  	v4 =	vld [tilespmem:s1+$0xFFFFFFD0];
	v1 =	vadd.f32 v3, v5  }
0x7c: {  	v3 =	vld [tilespmem:s0+$0xFFFFFFD0]  }
0x7d: {  	v5 =	vadd.f32 v10, v6;
	[tilespmem:s15+$0x20] =	vst v1;
	v1 =	vld [tilespmem:s12+$0xFFFFFFF0]  }
0x7e: {  	v2 =	vadd.f32 v7, v2;
	v6 =	vld [tilespmem:s14+$0x30]  }
0x7f: {  	s29 =	sshll.u32 s28, $0x8;
	[tilespmem:s15+$0xFFFFFFA0] =	vst v5;
	v7 =	vld [tilespmem:s16+$0x30];
	v5 =	vadd.f32 v63, v8  }
0x80: {  	s7 =	simm.s32 $0x4;
	[tilespmem:s30+$0x70] =	vst v2;
	s18 =	simm.s32 $0x9280;
	s12 =	simm.s32 $0x4380;
	v2 =	vld [tilespmem:s14+$0xFFFFFFB0]  }
.LBB2_3:
0x81: {  	v8 =	vld [tilespmem:s12+$0x0];
	v3 =	vadd.f32 v4, v3;
	[tilespmem:s31+$0x60] =	vst v5  }
0x82: {  	v4 =	vld [tilespmem:s0+$0x70];
	v0 =	vadd.f32 v1, v0  }
0x83: {  	s16 =	sadd.s32 $0x100, s16;
	[tilespmem:s31+$0xFFFFFFD0] =	vst v3;
	v1 =	vld [tilespmem:s1+$0x70]  }
0x84: {  	v3 =	vld [tilespmem:s16+$0x0];
	v5 =	vadd.f32 v7, v6;
	[tilespmem:s30+$0xFFFFFFF0] =	vst v0;
	s30 =	smov.u32 s31;
	s31 =	smov.u32 s15  }
0x85: {  	v0 =	vld [tilespmem:s16+$0xFFFFFF80]  }
0x86: {  	v6 =	vld [tilespmem:s12+$0xFFFFFF80];
	[tilespmem:s15+$0x30] =	vst v5  }
0x87: {  	v5 =	vld [tilespmem:s14+$0x40]  }
0x88: {  	v7 =	vld [tilespmem:s18+$0x40];
	v1 =	vadd.f32 v1, v4  }
0x89: {  	v3 =	vadd.f32 v3, v8;
	v4 =	vld [tilespmem:s18+$0xFFFFFFB0]  }
0x8a: {  	s15 =	sadd.s32 $0x100, s15;
	v8 =	vld [tilespmem:s0+$0xFFFFFFE0];
	[tilespmem:s30+$0x70] =	vst v1  }
0x8b: {  	s7 =	sadd.s32 $0x2, s7;
	v0 =	vadd.f32 v0, v6;
	[tilespmem:s15+$0x0] =	vst v3;
	v1 =	vld [tilespmem:s1+$0xFFFFFFE0]  }
0x8c: {  	p1 =	slt.u32 s7, $0x4E;
	v3 =	vld [tilespmem:s12+$0x10]  }
0x8d: {  	[tilespmem:s15+$0xFFFFFF80] =	vst v0;
	v0 =	vld [tilespmem:s16+$0x10];
	v5 =	vadd.f32 v7, v5  }
0x8e: {  	v6 =	vld [tilespmem:s12+$0xFFFFFF90];
	v2 =	vadd.f32 v4, v2  }
0x8f: {  	v4 =	vld [tilespmem:s16+$0xFFFFFF90];
	[tilespmem:s31+$0x40] =	vst v5  }
0x90: {  	[tilespmem:s31+$0xFFFFFFB0] =	vst v2;
	v2 =	vld [tilespmem:s14+$0x50];
	v1 =	vadd.f32 v1, v8  }
0x91: {  	v5 =	vld [tilespmem:s18+$0x50]  }
0x92: {  	v0 =	vadd.f32 v0, v3;
	v3 =	vld [tilespmem:s14+$0xFFFFFFC0];
	[tilespmem:s30+$0xFFFFFFE0] =	vst v1  }
0x93: {  	v1 =	vld [tilespmem:s18+$0xFFFFFFC0]  }
0x94: {  	v4 =	vadd.f32 v4, v6;
	[tilespmem:s15+$0x10] =	vst v0;
	v0 =	vld [tilespmem:s0+$0xFFFFFFF0];
	s0 =	smov.u32 s14;
	s14 =	smov.u32 s12  }
0x95: {  	v6 =	vld [tilespmem:s12+$0x20]  }
0x96: {  	[tilespmem:s15+$0xFFFFFF90] =	vst v4;
	v4 =	vld [tilespmem:s16+$0x20];
	v2 =	vadd.f32 v5, v2  }
0x97: {  	v5 =	vld [tilespmem:s12+$0xFFFFFFA0]  }
0x98: {  	v7 =	vld [tilespmem:s16+$0xFFFFFFA0];
	v1 =	vadd.f32 v1, v3;
	[tilespmem:s31+$0x50] =	vst v2  }
0x99: {  	v2 =	vld [tilespmem:s0+$0x60]  }
0x9a: {  	[tilespmem:s31+$0xFFFFFFC0] =	vst v1;
	v8 =	vld [tilespmem:s18+$0x60]  }
0x9b: {  	v1 =	vadd.f32 v4, v6;
	v3 =	vld [tilespmem:s0+$0xFFFFFFD0]  }
.Ltmp2:
0x9c: {  	v4 =	vld [tilespmem:s18+$0xFFFFFFD0];
	(pc) =	sbr.rel @p1 .LBB2_3-.Ltmp2, $4  }
0x9d: {  	v5 =	vadd.f32 v7, v5;
	[tilespmem:s15+$0x20] =	vst v1;
	v1 =	vld [tilespmem:s1+$0xFFFFFFF0];
	s1 =	smov.u32 s18;
	s18 =	smov.u32 s16  }
0x9e: {  	v6 =	vld [tilespmem:s12+$0x30]  }
0x9f: {  	[tilespmem:s15+$0xFFFFFFA0] =	vst v5;
	v7 =	vld [tilespmem:s16+$0x30];
	v5 =	vadd.f32 v8, v2  }
0xa0: {  	s12 =	sadd.s32 $0x100, s12;
	v2 =	vld [tilespmem:s14+$0xFFFFFFB0]  }
0xa1: {  	v8 =	vld [tilespmem:s18+$0xFFFFFFB0];
	_ =	sdelay $0x2  }
0xa2: {  	v6 =	vadd.f32 v7, v6;
	_ =	sdelay $0x1  }
0xa3: {  	[tilespmem:s15+$0x30] =	vst v6;
	v2 =	vadd.f32 v8, v2  }
0xa4: {  	v6 =	vld [tilespmem:s14+$0x40]  }
0xa5: {  	v7 =	vld [tilespmem:s18+$0x40];
	[tilespmem:s15+$0xFFFFFFB0] =	vst v2  }
0xa6: {  	v2 =	vld [tilespmem:s14+$0xFFFFFFC0]  }
0xa7: {  	v8 =	vld [tilespmem:s18+$0xFFFFFFC0];
	_ =	sdelay $0x2  }
0xa8: {  	v6 =	vadd.f32 v7, v6;
	_ =	sdelay $0x1  }
0xa9: {  	[tilespmem:s15+$0x40] =	vst v6;
	v2 =	vadd.f32 v8, v2  }
0xaa: {  	v6 =	vld [tilespmem:s14+$0x50]  }
0xab: {  	v7 =	vld [tilespmem:s18+$0x50];
	[tilespmem:s15+$0xFFFFFFC0] =	vst v2  }
0xac: {  	v2 =	vld [tilespmem:s14+$0xFFFFFFD0]  }
0xad: {  	v8 =	vld [tilespmem:s18+$0xFFFFFFD0]  }
0xae: {  	v3 =	vadd.f32 v4, v3;
	_ =	sdelay $0x1  }
0xaf: {  	[tilespmem:s31+$0xFFFFFFD0] =	vst v3;
	v3 =	vadd.f32 v7, v6  }
0xb0: {  	v4 =	vld [tilespmem:s0+$0xFFFFFFE0]  }
0xb1: {  	v6 =	vld [tilespmem:s1+$0xFFFFFFE0];
	[tilespmem:s15+$0x50] =	vst v3;
	v2 =	vadd.f32 v8, v2  }
0xb2: {  	v3 =	vld [tilespmem:s14+$0x60]  }
0xb3: {  	v7 =	vld [tilespmem:s18+$0x60];
	[tilespmem:s15+$0xFFFFFFD0] =	vst v2  }
0xb4: {  	v2 =	vld [tilespmem:s14+$0xFFFFFFE0]  }
0xb5: {  	v8 =	vld [tilespmem:s18+$0xFFFFFFE0]  }
0xb6: {  	[tilespmem:s31+$0x60] =	vst v5;
	v4 =	vadd.f32 v6, v4  }
0xb7: {  	v5 =	vld [tilespmem:s0+$0x70]  }
0xb8: {  	v6 =	vld [tilespmem:s1+$0x70];
	[tilespmem:s31+$0xFFFFFFE0] =	vst v4;
	v3 =	vadd.f32 v7, v3  }
0xb9: {  	v4 =	vld [tilespmem:s0+$0xFFFFFFF0]  }
0xba: {  	v7 =	vld [tilespmem:s1+$0xFFFFFFF0];
	[tilespmem:s15+$0x60] =	vst v3;
	v2 =	vadd.f32 v8, v2  }
0xbb: {  	v3 =	vld [tilespmem:s14+$0x70]  }
0xbc: {  	v8 =	vld [tilespmem:s18+$0x70];
	[tilespmem:s15+$0xFFFFFFE0] =	vst v2  }
0xbd: {  	v2 =	vld [tilespmem:s14+$0xFFFFFFF0]  }
0xbe: {  	v9 =	vld [tilespmem:s18+$0xFFFFFFF0]  }
0xbf: {  	v0 =	vadd.f32 v1, v0  }
0xc0: {  	v1 =	vadd.f32 v6, v5  }
0xc1: {  	[tilespmem:s30+$0xFFFFFFF0] =	vst v0;
	s30 =	smul.u32 $0xA0, s28;
	v0 =	vadd.f32 v7, v4  }
0xc2: {  	[tilespmem:s31+$0x70] =	vst v1;
	v1 =	vadd.f32 v8, v3  }
0xc3: {  	s7 =	sadd.s32 s6, s30;
	[tilespmem:s31+$0xFFFFFFF0] =	vst v0;
	v0 =	vadd.f32 v9, v2  }
0xc4: {  	s0 =	sshll.u32 s7, $0x4;
	[tilespmem:s15+$0x70] =	vst v1  }
0xc5: {  	p1 =	seq.s32 s28, $0x1E;
	s0 =	sadd.s32 s5, s0;
	[tilespmem:s15+$0xFFFFFFF0] =	vst v0  }
0xc6: {  	[hbm4b:s0+s3] =	stream.linear.scatter [tilespmem:s21], [sflag:$0x3], $0x2800, $0x38;
	[tilespmem:$0x13000] =	vst v63  }
0xc7: {  	s1 =	simm.s32 @!p1 $0x50;
	s7 =	simm.s32 @!p1 $0x4000;
	s0 =	sadd.s32 @!p1 $0x100, s29  }
0xc8: {  	[tilespmem:s7], [sflag:$0x1] =	stream.indirect.gather @!p1 [hbm4b:s2+s1], $0x80, s0, s1, $0xb8;
	[tilespmem:$0x13000] =	vst v63  }
0xc9: {  	s0 =	sadd.s32 @!p1 $0x2100, s29;
	s7 =	simm.s32 @!p1 $0x9000  }
0xca: {  	[tilespmem:s7], [sflag:$0x1] =	stream.indirect.gather @!p1 [hbm4b:s4+s1], $0x80, s0, s1, $0xb8;
	[tilespmem:$0x13000] =	vst v63  }
0xcb: {  	_ =	swait.ge [sflag:s22], $0x2800  }
0xcc: {  	[sflag:s22] =	ssyncset.done $0x0  }
0xcd: {  	[sflag:s22] =	ssyncadd.s32 $0xFFFFD800  }
0xce: {  	_ =	swait.ge [sflag:s22], $0x2800  }
0xcf: {  	[sflag:s22] =	ssyncset.done $0x0  }
0xd0: {  	s0 =	simm.s32 @!p0 $0x4;
	[sflag:s22] =	ssyncadd.s32 $0xFFFFD800  }
0xd1: {  	_ =	swait.ge @!p0 [sflag:s0], $0x2800  }
0xd2: {  	[sflag:s0] =	ssyncset.done @!p0 $0x0  }
0xd3: {  	s8 =	simm.s32 $0x6880;
	[sflag:s0] =	ssyncadd.s32 @!p0 $0xFFFFD800  }
0xd4: {  	s12 =	simm.s32 $0xB880;
	v0 =	vld [tilespmem:s8+$0x0]  }
0xd5: {  	v1 =	vld [tilespmem:s12+$0x0];
	_ =	sdelay $0x4  }
0xd6: {  	v0 =	vadd.f32 v1, v0  }
0xd7: {  	s31 =	simm.s32 $0x10880  }
0xd8: {  	[tilespmem:s31+$0x0] =	vst v0  }
0xd9: {  	v0 =	vld [tilespmem:s8+$0x10]  }
0xda: {  	v1 =	vld [tilespmem:s12+$0x10]  }
0xdb: {  	v2 =	vld [tilespmem:s12+$0xFFFFFF80]  }
0xdc: {  	v3 =	vld [tilespmem:s8+$0xFFFFFF80];
	_ =	sdelay $0x2  }
0xdd: {  	v0 =	vadd.f32 v1, v0;
	_ =	sdelay $0x1  }
0xde: {  	[tilespmem:s31+$0x10] =	vst v0;
	v0 =	vadd.f32 v2, v3  }
0xdf: {  	v1 =	vld [tilespmem:s8+$0x20]  }
0xe0: {  	v2 =	vld [tilespmem:s12+$0x20];
	[tilespmem:s31+$0xFFFFFF80] =	vst v0  }
0xe1: {  	v0 =	vld [tilespmem:s8+$0xFFFFFF90]  }
0xe2: {  	v3 =	vld [tilespmem:s12+$0xFFFFFF90];
	_ =	sdelay $0x2  }
0xe3: {  	v1 =	vadd.f32 v2, v1;
	_ =	sdelay $0x1  }
0xe4: {  	[tilespmem:s31+$0x20] =	vst v1;
	v0 =	vadd.f32 v3, v0  }
0xe5: {  	v1 =	vld [tilespmem:s8+$0x30]  }
0xe6: {  	v2 =	vld [tilespmem:s12+$0x30];
	[tilespmem:s31+$0xFFFFFF90] =	vst v0  }
0xe7: {  	v0 =	vld [tilespmem:s8+$0xFFFFFFA0]  }
0xe8: {  	s1 =	simm.s32 $0x6980;
	v3 =	vld [tilespmem:s12+$0xFFFFFFA0]  }
0xe9: {  	s14 =	simm.s32 $0xB980;
	v4 =	vld [tilespmem:s1+$0x0]  }
0xea: {  	v5 =	vld [tilespmem:s14+$0x0]  }
0xeb: {  	v6 =	vld [tilespmem:s1+$0xFFFFFF80];
	v1 =	vadd.f32 v2, v1  }
0xec: {  	v2 =	vld [tilespmem:s14+$0xFFFFFF80]  }
0xed: {  	[tilespmem:s31+$0x30] =	vst v1;
	v0 =	vadd.f32 v3, v0  }
0xee: {  	v1 =	vld [tilespmem:s8+$0x40]  }
0xef: {  	v3 =	vld [tilespmem:s12+$0x40];
	[tilespmem:s31+$0xFFFFFFA0] =	vst v0;
	v0 =	vadd.f32 v5, v4  }
0xf0: {  	s0 =	simm.s32 $0x10980;
	v4 =	vld [tilespmem:s8+$0xFFFFFFB0]  }
0xf1: {  	v5 =	vld [tilespmem:s12+$0xFFFFFFB0];
	v2 =	vadd.f32 v2, v6;
	[tilespmem:s0+$0x0] =	vst v0  }
0xf2: {  	v0 =	vld [tilespmem:s1+$0x10]  }
0xf3: {  	[tilespmem:s0+$0xFFFFFF80] =	vst v2;
	v2 =	vld [tilespmem:s14+$0x10]  }
0xf4: {  	v1 =	vadd.f32 v3, v1;
	v3 =	vld [tilespmem:s1+$0xFFFFFF90]  }
0xf5: {  	v6 =	vld [tilespmem:s14+$0xFFFFFF90]  }
0xf6: {  	[tilespmem:s31+$0x40] =	vst v1;
	v1 =	vadd.f32 v5, v4  }
0xf7: {  	v4 =	vld [tilespmem:s8+$0x50]  }
0xf8: {  	v5 =	vld [tilespmem:s12+$0x50];
	[tilespmem:s31+$0xFFFFFFB0] =	vst v1;
	v0 =	vadd.f32 v2, v0  }
0xf9: {  	v1 =	vld [tilespmem:s8+$0xFFFFFFC0]  }
0xfa: {  	v2 =	vld [tilespmem:s12+$0xFFFFFFC0];
	v3 =	vadd.f32 v6, v3;
	[tilespmem:s0+$0x10] =	vst v0  }
0xfb: {  	v0 =	vld [tilespmem:s1+$0x20]  }
0xfc: {  	[tilespmem:s0+$0xFFFFFF90] =	vst v3;
	v3 =	vld [tilespmem:s14+$0x20]  }
0xfd: {  	v4 =	vadd.f32 v5, v4;
	v5 =	vld [tilespmem:s1+$0xFFFFFFA0]  }
0xfe: {  	v6 =	vld [tilespmem:s14+$0xFFFFFFA0]  }
0xff: {  	s18 =	simm.s32 $0xBA80  }
0x100: {  	v8 =	vld [tilespmem:s18+$0x0];
	[tilespmem:s31+$0x50] =	vst v4  }
0x101: {  	v1 =	vadd.f32 v2, v1;
	v2 =	vld [tilespmem:s8+$0x60];
	v0 =	vadd.f32 v3, v0  }
0x102: {  	s15 =	simm.s32 $0x6A80;
	v4 =	vld [tilespmem:s12+$0x60]  }
0x103: {  	v60 =	vld [tilespmem:s15+$0xFFFFFF80];
	v5 =	vadd.f32 v6, v5;
	[tilespmem:s0+$0x20] =	vst v0  }
0x104: {  	[tilespmem:s31+$0xFFFFFFC0] =	vst v1;
	v0 =	vld [tilespmem:s1+$0x30]  }
0x105: {  	[tilespmem:s0+$0xFFFFFFA0] =	vst v5;
	v5 =	vld [tilespmem:s14+$0x30]  }
0x106: {  	v1 =	vld [tilespmem:s8+$0xFFFFFFD0]  }
0x107: {  	v3 =	vld [tilespmem:s12+$0xFFFFFFD0];
	v2 =	vadd.f32 v4, v2  }
0x108: {  	v6 =	vld [tilespmem:s15+$0x0]  }
0x109: {  	v4 =	vld [tilespmem:s1+$0xFFFFFFB0];
	[tilespmem:s31+$0x60] =	vst v2  }
0x10a: {  	v2 =	vld [tilespmem:s8+$0x70];
	v0 =	vadd.f32 v5, v0  }
0x10b: {  	v7 =	vld [tilespmem:s12+$0x70]  }
0x10c: {  	v5 =	vld [tilespmem:s18+$0xFFFFFF80];
	[tilespmem:s0+$0x30] =	vst v0  }
0x10d: {  	v0 =	vadd.f32 v3, v1;
	v1 =	vld [tilespmem:s1+$0x40]  }
0x10e: {  	v3 =	vld [tilespmem:s14+$0x40]  }
0x10f: {  	[tilespmem:s31+$0xFFFFFFD0] =	vst v0;
	v0 =	vadd.f32 v8, v6;
	v6 =	vld [tilespmem:s14+$0xFFFFFFB0]  }
0x110: {  	s16 =	simm.s32 $0x10A80;
	v8 =	vld [tilespmem:s8+$0xFFFFFFE0]  }
0x111: {  	v5 =	vadd.f32 v5, v60;
	[tilespmem:s16+$0x0] =	vst v0;
	v0 =	vld [tilespmem:s12+$0xFFFFFFE0]  }
0x112: {  	v61 =	vld [tilespmem:s15+$0x10]  }
0x113: {  	[tilespmem:s16+$0xFFFFFF80] =	vst v5;
	v5 =	vld [tilespmem:s18+$0x10];
	v1 =	vadd.f32 v3, v1  }
0x114: {  	v3 =	vld [tilespmem:s15+$0xFFFFFF90]  }
0x115: {  	v4 =	vadd.f32 v6, v4;
	v6 =	vld [tilespmem:s18+$0xFFFFFF90];
	[tilespmem:s0+$0x40] =	vst v1  }
0x116: {  	v1 =	vld [tilespmem:s1+$0x50]  }
0x117: {  	[tilespmem:s0+$0xFFFFFFB0] =	vst v4;
	v0 =	vadd.f32 v0, v8;
	v4 =	vld [tilespmem:s14+$0x50]  }
0x118: {  	v5 =	vadd.f32 v5, v61;
	v8 =	vld [tilespmem:s1+$0xFFFFFFC0]  }
0x119: {  	v62 =	vld [tilespmem:s14+$0xFFFFFFC0];
	[tilespmem:s31+$0xFFFFFFE0] =	vst v0  }
0x11a: {  	v3 =	vadd.f32 v6, v3;
	[tilespmem:s16+$0x10] =	vst v5;
	v0 =	vld [tilespmem:s8+$0xFFFFFFF0]  }
0x11b: {  	v5 =	vld [tilespmem:s15+$0x20]  }
0x11c: {  	[tilespmem:s16+$0xFFFFFF90] =	vst v3;
	v3 =	vld [tilespmem:s18+$0x20];
	v1 =	vadd.f32 v4, v1  }
0x11d: {  	v6 =	vld [tilespmem:s15+$0xFFFFFFA0]  }
0x11e: {  	v10 =	vld [tilespmem:s18+$0xFFFFFFA0];
	v4 =	vadd.f32 v62, v8;
	[tilespmem:s0+$0x50] =	vst v1  }
0x11f: {  	v8 =	vld [tilespmem:s1+$0x60]  }
0x120: {  	[tilespmem:s0+$0xFFFFFFC0] =	vst v4;
	v63 =	vld [tilespmem:s14+$0x60]  }
0x121: {  	v4 =	vld [tilespmem:s14+$0xFFFFFFD0];
	v1 =	vadd.f32 v3, v5  }
0x122: {  	v3 =	vld [tilespmem:s1+$0xFFFFFFD0]  }
0x123: {  	v5 =	vadd.f32 v10, v6;
	[tilespmem:s16+$0x20] =	vst v1;
	v1 =	vld [tilespmem:s12+$0xFFFFFFF0]  }
0x124: {  	v2 =	vadd.f32 v7, v2;
	v6 =	vld [tilespmem:s15+$0x30]  }
0x125: {  	[tilespmem:s16+$0xFFFFFFA0] =	vst v5;
	v7 =	vld [tilespmem:s18+$0x30];
	v5 =	vadd.f32 v63, v8  }
0x126: {  	s7 =	simm.s32 $0x4;
	[tilespmem:s31+$0x70] =	vst v2;
	s8 =	simm.s32 $0x6B80;
	s12 =	simm.s32 $0xBA80;
	v2 =	vld [tilespmem:s15+$0xFFFFFFB0]  }
.LBB2_5:
0x127: {  	v8 =	vld [tilespmem:s8+$0x0];
	v3 =	vadd.f32 v4, v3;
	[tilespmem:s0+$0x60] =	vst v5  }
0x128: {  	v4 =	vld [tilespmem:s1+$0x70];
	v0 =	vadd.f32 v1, v0  }
0x129: {  	s18 =	sadd.s32 $0x100, s18;
	[tilespmem:s0+$0xFFFFFFD0] =	vst v3;
	v1 =	vld [tilespmem:s14+$0x70]  }
0x12a: {  	v3 =	vld [tilespmem:s18+$0x0];
	v5 =	vadd.f32 v7, v6;
	[tilespmem:s31+$0xFFFFFFF0] =	vst v0;
	s31 =	smov.u32 s0;
	s0 =	smov.u32 s16  }
0x12b: {  	v0 =	vld [tilespmem:s18+$0xFFFFFF80]  }
0x12c: {  	v6 =	vld [tilespmem:s8+$0xFFFFFF80];
	[tilespmem:s16+$0x30] =	vst v5  }
0x12d: {  	v5 =	vld [tilespmem:s15+$0x40]  }
0x12e: {  	v7 =	vld [tilespmem:s12+$0x40];
	v1 =	vadd.f32 v1, v4  }
0x12f: {  	v3 =	vadd.f32 v3, v8;
	v4 =	vld [tilespmem:s12+$0xFFFFFFB0]  }
0x130: {  	s16 =	sadd.s32 $0x100, s16;
	v8 =	vld [tilespmem:s1+$0xFFFFFFE0];
	[tilespmem:s31+$0x70] =	vst v1  }
0x131: {  	s7 =	sadd.s32 $0x2, s7;
	v0 =	vadd.f32 v0, v6;
	[tilespmem:s16+$0x0] =	vst v3;
	v1 =	vld [tilespmem:s14+$0xFFFFFFE0]  }
0x132: {  	p0 =	slt.u32 s7, $0x4E;
	v3 =	vld [tilespmem:s8+$0x10]  }
0x133: {  	[tilespmem:s16+$0xFFFFFF80] =	vst v0;
	v0 =	vld [tilespmem:s18+$0x10];
	v5 =	vadd.f32 v7, v5  }
0x134: {  	v6 =	vld [tilespmem:s8+$0xFFFFFF90];
	v2 =	vadd.f32 v4, v2  }
0x135: {  	v4 =	vld [tilespmem:s18+$0xFFFFFF90];
	[tilespmem:s0+$0x40] =	vst v5  }
0x136: {  	[tilespmem:s0+$0xFFFFFFB0] =	vst v2;
	v2 =	vld [tilespmem:s15+$0x50];
	v1 =	vadd.f32 v1, v8  }
0x137: {  	v5 =	vld [tilespmem:s12+$0x50]  }
0x138: {  	v0 =	vadd.f32 v0, v3;
	v3 =	vld [tilespmem:s15+$0xFFFFFFC0];
	[tilespmem:s31+$0xFFFFFFE0] =	vst v1  }
0x139: {  	v1 =	vld [tilespmem:s12+$0xFFFFFFC0]  }
0x13a: {  	v4 =	vadd.f32 v4, v6;
	[tilespmem:s16+$0x10] =	vst v0;
	v0 =	vld [tilespmem:s1+$0xFFFFFFF0];
	s1 =	smov.u32 s15;
	s15 =	smov.u32 s8  }
0x13b: {  	v6 =	vld [tilespmem:s8+$0x20]  }
0x13c: {  	[tilespmem:s16+$0xFFFFFF90] =	vst v4;
	v4 =	vld [tilespmem:s18+$0x20];
	v2 =	vadd.f32 v5, v2  }
0x13d: {  	v5 =	vld [tilespmem:s8+$0xFFFFFFA0]  }
0x13e: {  	v7 =	vld [tilespmem:s18+$0xFFFFFFA0];
	v1 =	vadd.f32 v1, v3;
	[tilespmem:s0+$0x50] =	vst v2  }
0x13f: {  	v2 =	vld [tilespmem:s1+$0x60]  }
0x140: {  	[tilespmem:s0+$0xFFFFFFC0] =	vst v1;
	v8 =	vld [tilespmem:s12+$0x60]  }
0x141: {  	v1 =	vadd.f32 v4, v6;
	v3 =	vld [tilespmem:s1+$0xFFFFFFD0]  }
.Ltmp3:
0x142: {  	v4 =	vld [tilespmem:s12+$0xFFFFFFD0];
	(pc) =	sbr.rel @p0 .LBB2_5-.Ltmp3, $4  }
0x143: {  	v5 =	vadd.f32 v7, v5;
	[tilespmem:s16+$0x20] =	vst v1;
	v1 =	vld [tilespmem:s14+$0xFFFFFFF0];
	s14 =	smov.u32 s12;
	s12 =	smov.u32 s18  }
0x144: {  	v6 =	vld [tilespmem:s8+$0x30]  }
0x145: {  	[tilespmem:s16+$0xFFFFFFA0] =	vst v5;
	v7 =	vld [tilespmem:s18+$0x30];
	v5 =	vadd.f32 v8, v2  }
0x146: {  	s8 =	sadd.s32 $0x100, s8;
	v2 =	vld [tilespmem:s15+$0xFFFFFFB0]  }
0x147: {  	v8 =	vld [tilespmem:s12+$0xFFFFFFB0];
	_ =	sdelay $0x2  }
0x148: {  	v6 =	vadd.f32 v7, v6;
	_ =	sdelay $0x1  }
0x149: {  	[tilespmem:s16+$0x30] =	vst v6;
	v2 =	vadd.f32 v8, v2  }
0x14a: {  	v6 =	vld [tilespmem:s15+$0x40]  }
0x14b: {  	v48 =	vld [tilespmem:s12+$0x40];
	[tilespmem:s16+$0xFFFFFFB0] =	vst v2  }
0x14c: {  	v2 =	vld [tilespmem:s15+$0xFFFFFFC0]  }
0x14d: {  	v49 =	vld [tilespmem:s12+$0xFFFFFFC0];
	_ =	sdelay $0x2  }
0x14e: {  	v6 =	vadd.f32 v48, v6;
	_ =	sdelay $0x1  }
0x14f: {  	[tilespmem:s16+$0x40] =	vst v6;
	v2 =	vadd.f32 v49, v2  }
0x150: {  	v6 =	vld [tilespmem:s15+$0x50]  }
0x151: {  	v50 =	vld [tilespmem:s12+$0x50];
	[tilespmem:s16+$0xFFFFFFC0] =	vst v2  }
0x152: {  	v2 =	vld [tilespmem:s15+$0xFFFFFFD0]  }
0x153: {  	v51 =	vld [tilespmem:s12+$0xFFFFFFD0]  }
0x154: {  	v3 =	vadd.f32 v4, v3;
	_ =	sdelay $0x1  }
0x155: {  	[tilespmem:s0+$0xFFFFFFD0] =	vst v3;
	v52 =	vadd.f32 v50, v6  }
0x156: {  	v53 =	vld [tilespmem:s1+$0xFFFFFFE0]  }
0x157: {  	v54 =	vld [tilespmem:s14+$0xFFFFFFE0];
	[tilespmem:s16+$0x50] =	vst v52;
	v2 =	vadd.f32 v51, v2  }
0x158: {  	v3 =	vld [tilespmem:s15+$0x60]  }
0x159: {  	v55 =	vld [tilespmem:s12+$0x60];
	[tilespmem:s16+$0xFFFFFFD0] =	vst v2  }
0x15a: {  	v2 =	vld [tilespmem:s15+$0xFFFFFFE0]  }
0x15b: {  	v56 =	vld [tilespmem:s12+$0xFFFFFFE0]  }
0x15c: {  	[tilespmem:s0+$0x60] =	vst v5;
	v4 =	vadd.f32 v54, v53  }
0x15d: {  	v5 =	vld [tilespmem:s1+$0x70]  }
0x15e: {  	v57 =	vld [tilespmem:s14+$0x70];
	[tilespmem:s0+$0xFFFFFFE0] =	vst v4;
	v3 =	vadd.f32 v55, v3  }
0x15f: {  	v4 =	vld [tilespmem:s1+$0xFFFFFFF0]  }
0x160: {  	v58 =	vld [tilespmem:s14+$0xFFFFFFF0];
	[tilespmem:s16+$0x60] =	vst v3;
	v2 =	vadd.f32 v56, v2  }
0x161: {  	v3 =	vld [tilespmem:s15+$0x70]  }
0x162: {  	v59 =	vld [tilespmem:s12+$0x70];
	[tilespmem:s16+$0xFFFFFFE0] =	vst v2  }
0x163: {  	v2 =	vld [tilespmem:s15+$0xFFFFFFF0]  }
0x164: {  	v9 =	vld [tilespmem:s12+$0xFFFFFFF0]  }
0x165: {  	v0 =	vadd.f32 v1, v0  }
0x166: {  	v60 =	vadd.f32 v57, v5  }
0x167: {  	[tilespmem:s31+$0xFFFFFFF0] =	vst v0;
	v61 =	vadd.f32 v58, v4  }
.Ltmp4:
0x168: {  	[tilespmem:s0+$0x70] =	vst v60;
	v62 =	vadd.f32 v59, v3;
	(pc) =	sbr.rel @p1 .LBB2_8-.Ltmp4, $4  }
0x169: {  	s31 =	sadd.s32 s30, s9;
	[tilespmem:s0+$0xFFFFFFF0] =	vst v61;
	v63 =	vadd.f32 v9, v2  }
0x16a: {  	s0 =	sshll.u32 s31, $0x4;
	[tilespmem:s16+$0x70] =	vst v62  }
0x16b: {  	s0 =	sadd.s32 s5, s0;
	[tilespmem:s16+$0xFFFFFFF0] =	vst v63  }
0x16c: {  	[hbm4b:s0+s3] =	stream.linear.scatter [tilespmem:s23], [sflag:$0x4], $0x2800, $0x38;
	[tilespmem:$0x13000] =	vst v63  }
.Ltmp5:
0x16d: {  	(pc) =	sbr.rel .LBB2_2-.Ltmp5, $4  }
0x16e: {  	s0 =	sadd.s32 $0x180, s29  }
0x16f: {  	[tilespmem:s17], [sflag:$0x2] =	stream.indirect.gather [hbm4b:s2+s13], $0x80, s0, s13, $0xb8;
	[tilespmem:$0x13000] =	vst v63  }
0x170: {  	s31 =	sadd.s32 $0x2180, s29;
	s28 =	sadd.s32 $0x1, s28  }
0x171: {  	[tilespmem:s19], [sflag:$0x2] =	stream.indirect.gather [hbm4b:s4+s13], $0x80, s31, s13, $0xb8;
	[tilespmem:$0x13000] =	vst v63  }
.LBB2_9:
0x172: {  	_ =	sfence.sel $0x180000  }
0x173: {  	[bflag:$0x0] =	sbarrier.arrive $0xFFFF  }
0x174: {  	_ =	strace $0x9000004A  }
0x175: {  	s0 =	stileid.u32;
	[bflag:$0x2] =	sbarrier.arrive $0xFFFF  }
0x176: {  	p0 =	sne.s32 s0, $0x0;
	s0 =	rddreg [dreg:$0x2]  }
0x177: {  	s0 =	sadd.s32 @!p0 $0x100000, s0  }
0x178: {  	[sflag:s0] =	ssyncadd.tile.s32 @!p0 $0x1;
	_ =	shalt  }
.Lfunc_end2:
_tile_overlayer_lowered:
.L_overlay_start_2:
0x179: {  	(tag) =	ssettag $0x2  }
0x17a: {  	s0 =	rddreg [dreg:$0x0];
	s2 =	stileid.u32  }
0x17b: {  	s1 =	rddreg [dreg:$0x1];
	p0 =	sne.s32 s2, $0x0  }
0x17c: {  	s3 =	rddreg [dreg:$0x2];
	[bflag:$0x3] =	sbarrier.arrive $0xFFFF;
	s2 =	simm.s32 @!p0 $0x1C05  }
0x17d: {  	[timem:s3], [sflag:s2] =	dma.local @!p0 [hbm:s0], s1  }
0x17e: {  	s0 =	simm.s32 @!p0 $0x5  }
0x17f: {  	_ =	swait.ge @!p0 [sflag:s0], s1  }
0x180: {  	s1 =	ssub.s32 @!p0 $0x0, s1;
	[sflag:s0] =	ssyncset.done @!p0 $0x0  }
0x181: {  	[sflag:s0] =	ssyncadd.s32 @!p0 s1  }
0x182: {  	[bflag:$0x3] =	sbarrier.arrive $0xFFFF  }
0x183: {  	_ =	shalt  }

// kernel: kernel.16.cloned.1.call-start
scs
__scs_entry_jumppad:
0x0: {  	(pc) =	sbr.rel $0x88, $3  }
0x1: {  	(tag) =	ssettag $0x0;
	lr =	simm.s32 $0x1  }
0x2: {  	[smem:$0x3F92] =	sst lr;
	_ =	strace $0xD0000000  }
0x3: {  	_ = 	snop  }
0x4: {  	_ = 	snop  }
0x5: {  	_ = 	snop  }
0x6: {  	_ = 	snop  }
0x7: {  	_ = 	snop  }
__scs_overlays_trampoline_lowered:
0x8: {  	[smem:$0x3FA1] =	sst s0  }
0x9: {  	[smem:$0x3FA2] =	sst s1  }
0xa: {  	[smem:$0x3FA3] =	sst s2  }
0xb: {  	[smem:$0x3FA4] =	sst s3  }
0xc: {  	[smem:$0x3FA5] =	sst s4  }
0xd: {  	[smem:$0x3FA6] =	sst s5  }
0xe: {  	[smem:$0x3FA7] =	sst s6  }
0xf: {  	[smem:$0x3FA8] =	sst s7  }
0x10: {  	[smem:$0x3FA9] =	sst s8  }
0x11: {  	[smem:$0x3FAA] =	sst s9;
	s0 =	simm.s32 @!p0 $0x0  }
0x12: {  	s1 =	sld [smem:$0x3F90];
	s0 =	simm.s32 @p0 $0x1  }
0x13: {  	[smem:$0x3FAB] =	sst s0;
	s0 =	simm.s32 @!p1 $0x0  }
0x14: {  	s2 =	sld [smem:$0x3F8F];
	s0 =	simm.s32 @p1 $0x1  }
0x15: {  	[smem:$0x3FAC] =	sst s0;
	s0 =	simm.s32 @!p2 $0x0  }
0x16: {  	s3 =	sld [smem:$0x3FDB];
	s0 =	simm.s32 @p2 $0x1  }
0x17: {  	s4 =	simm.s32 $0x1BF5;
	[smem:$0x3FAE] =	sst s0  }
0x18: {  	s0 =	sld [smem:$0x3F91];
	_ =	swait.ge [sflag:s4], $0x0  }
0x19: {  	s7 =	sld [smem:$0x3F92]  }
0x1a: {  	s8 =	sadd.s32 $0xFFFFE003, lr  }
0x1b: {  	s9 =	sadd.s32 $0xFFFFFEF7, lr;
	s5 =	simm.s32 $0xFFFFFFFF;
	p2 =	slt.u32 s8, $0xFFFFF086  }
0x1c: {  	p1 =	slt.u32 s9, $0xF7A;
	s5 =	simm.s32 @!p2 $0x0  }
0x1d: {  	s5 =	simm.s32 @p1 $0x1;
	p0 =	seq.s32 s7, s2  }
0x1e: {  	s7 =	smul.u32 @!p0 $0xF7A, s2;
	p2 =	seq.s32 @!p0 s5, $0x0  }
0x1f: {  	s9 =	smul.u32 $0xF7A, s1;
	s8 =	simm.s32 @!p0 $0x1BF5;
	p2 =	por !p2, p0  }
0x20: {  	[sflag:s8] =	ssyncset.s32 @!p0 $0xFFFFF086;
	s6 =	sadd.s32 @!p0 s3, s7;
	s7 =	simm.s32 @!p0 $0x108  }
0x21: {  	s3 =	sadd.s32 s3, s9;
	s6 =	sadd.s32 @!p0 $0x88, s6;
	s7 =	simm.s32 @p2 $0x1082  }
0x22: {  	[simem:s7], [sflag:s8] =	dma.local @!p0 [hbm:s6], $0xF7A  }
0x23: {  	s9 =	sor.u32 $0xD0000000, s2;
	s6 =	simm.s32 $0x108;
	_ =	swait.ge @!p0 [sflag:s8], $0x0  }
0x24: {  	s3 =	sadd.s32 $0x88, s3;
	s6 =	simm.s32 @!p1 $0x1082;
	[sflag:s4] =	ssyncset.s32 $0xFFFFF086  }
0x25: {  	[simem:s6], [sflag:s4] =	dma.local [hbm:s3], $0xF7A  }
0x26: {  	[smem:$0x3F92] =	sst s1;
	(tag) =	ssettag s2;
	_ =	strace s9  }
0x27: {  	s1 =	sld [smem:$0x3FA2]  }
0x28: {  	s2 =	sld [smem:$0x3FA3]  }
0x29: {  	s4 =	sld [smem:$0x3FA5]  }
0x2a: {  	p0 =	seq.s32 s5, $0x0;
	s5 =	sld [smem:$0x3FA6]  }
0x2b: {  	s6 =	sld [smem:$0x3FA7]  }
0x2c: {  	s7 =	sld [smem:$0x3FA8]  }
0x2d: {  	s3 =	simm.s32 $0x108;
	s8 =	sld [smem:$0x3FA9]  }
0x2e: {  	s3 =	simm.s32 @!p0 $0x1082;
	s9 =	sld [smem:$0x3FAA]  }
0x2f: {  	lr =	sadd.s32 s0, s3;
	s0 =	sld [smem:$0x3FA1]  }
0x30: {  	s3 =	sld [smem:$0x3FA4]  }
0x31: {  	[smem:$0x3FAD] =	sst s10  }
0x32: {  	s10 =	sld [smem:$0x3FAB];
	_ =	sdelay $0x3  }
0x33: {  	p0 =	seq.s32 s10, $0x1;
	s10 =	sld [smem:$0x3FAD];
	_ =	sdelay $0x3  }
0x34: {  	[smem:$0x3FAD] =	sst s10  }
0x35: {  	s10 =	sld [smem:$0x3FAC];
	_ =	sdelay $0x3  }
0x36: {  	p1 =	seq.s32 s10, $0x1;
	s10 =	sld [smem:$0x3FAD];
	_ =	sdelay $0x3  }
0x37: {  	[smem:$0x3FAD] =	sst s10  }
0x38: {  	s10 =	sld [smem:$0x3FAE]  }
0x39: {  	_ = 	snop;
	(pc) =	sbr.ind lr, $3  }
0x3a: {  	_ = 	snop  }
0x3b: {  	_ = 	snop  }
0x3c: {  	p2 =	seq.s32 s10, $0x1;
	s10 =	sld [smem:$0x3FAD]  }
0x3d: {  	_ =	shalt  }
0x3e: {  	_ =	shalt  }
0x3f: {  	_ =	shalt  }
0x40: {  	_ =	shalt  }
0x41: {  	_ =	shalt  }
0x42: {  	_ =	shalt  }
0x43: {  	_ =	shalt  }
0x44: {  	_ =	shalt  }
0x45: {  	_ =	shalt  }
0x46: {  	_ =	shalt  }
0x47: {  	_ =	shalt  }
0x48: {  	_ =	shalt  }
0x49: {  	_ =	shalt  }
0x4a: {  	_ =	shalt  }
0x4b: {  	_ =	shalt  }
0x4c: {  	_ =	shalt  }
0x4d: {  	_ =	shalt  }
0x4e: {  	_ =	shalt  }
0x4f: {  	_ =	shalt  }
0x50: {  	_ =	shalt  }
0x51: {  	_ =	shalt  }
0x52: {  	_ =	shalt  }
0x53: {  	_ =	shalt  }
0x54: {  	_ =	shalt  }
0x55: {  	_ =	shalt  }
0x56: {  	_ =	shalt  }
0x57: {  	_ =	shalt  }
0x58: {  	_ =	shalt  }
0x59: {  	_ =	shalt  }
0x5a: {  	_ =	shalt  }
0x5b: {  	_ =	shalt  }
0x5c: {  	_ =	shalt  }
0x5d: {  	_ =	shalt  }
0x5e: {  	_ =	shalt  }
0x5f: {  	_ =	shalt  }
0x60: {  	_ =	shalt  }
0x61: {  	_ =	shalt  }
0x62: {  	_ =	shalt  }
0x63: {  	_ =	shalt  }
0x64: {  	_ =	shalt  }
0x65: {  	_ =	shalt  }
0x66: {  	_ =	shalt  }
0x67: {  	_ =	shalt  }
0x68: {  	_ =	shalt  }
0x69: {  	_ =	shalt  }
0x6a: {  	_ =	shalt  }
0x6b: {  	_ =	shalt  }
0x6c: {  	_ =	shalt  }
0x6d: {  	_ =	shalt  }
0x6e: {  	_ =	shalt  }
0x6f: {  	_ =	shalt  }
0x70: {  	_ =	shalt  }
0x71: {  	_ =	shalt  }
0x72: {  	_ =	shalt  }
0x73: {  	_ =	shalt  }
0x74: {  	_ =	shalt  }
0x75: {  	_ =	shalt  }
0x76: {  	_ =	shalt  }
0x77: {  	_ =	shalt  }
0x78: {  	_ =	shalt  }
0x79: {  	_ =	shalt  }
0x7a: {  	_ =	shalt  }
0x7b: {  	_ =	shalt  }
0x7c: {  	_ =	shalt  }
0x7d: {  	_ =	shalt  }
0x7e: {  	_ =	shalt  }
0x7f: {  	_ =	shalt  }
0x80: {  	_ =	shalt  }
0x81: {  	_ =	shalt  }
0x82: {  	_ =	shalt  }
0x83: {  	_ =	shalt  }
0x84: {  	_ =	shalt  }
0x85: {  	_ =	shalt  }
0x86: {  	_ =	shalt  }
0x87: {  	_ =	shalt  }
.Lfunc_end0:
.L_simem_size_0:
called_computation.2_lowered:
.L_overlay_start_0:
0x88: {  	s2 =	sld [smem:$0x3FD9]  }
0x89: {  	s3 =	sld [smem:$0x3FFE];
	_ =	sdelay $0x1  }
0x8a: {  	s1 =	srdreg.scid  }
0x8b: {  	s0 =	sand.u32 $0x1, s1  }
0x8c: {  	s17 =	sshll.u32 s0, $0xA;
	s2 =	sadd.s32 s3, s2  }
0x8d: {  	s2 =	sadd.s32 s2, s17  }
0x8e: {  	[smem:$0x3FB9] =	sst s2  }
0x8f: {  	_ = 	snop  }
0x90: {  	(tm) =	ssettm $0x1  }
0x91: {  	s18 =	sld [smem:$0x3FFB];
	_ =	sdelay $0x3  }
0x92: {  	_ =	strace s18  }
0x93: {  	s2 =	sld [smem:$0x3FFC];
	_ =	sdelay $0x3  }
0x94: {  	_ =	strace s2  }
0x95: {  	s2 =	sld [smem:$0x3FFD];
	_ =	sdelay $0x3  }
0x96: {  	_ =	strace s2  }
0x97: {  	_ =	strace $0x8FFFFFFF  }
0x98: {  	s19 =	sld [smem:$0x3FDB];
	_ =	sdelay $0x1  }
0x99: {  	s20 =	simm.s32 $_scs_section_size  }
0x9a: {  	s4 =	simm.s32 $_size__tile_overlayer_lowered;
	s5 =	simm.s32 $_tile_overlayer_lowered  }
0x9b: {  	s6 =	simm.s32 $0x1BFF;
	s21 =	sshll.u32 s5, $0x1;
	s3 =	sadd.s32 s20, s19  }
0x9c: {  	s22 =	simm.s32 $0x0;
	s4 =	sshll.u32 s4, $0x1;
	s5 =	sadd.s32 s21, s3  }
0x9d: {  	[timem:s22], [sflag:s6] =	dma.local [hbm:s5], s4  }
0x9e: {  	_ =	swait.ge [sflag:s6], s4  }
0x9f: {  	s4 =	ssub.s32 $0x0, s4;
	[sflag:s6] =	ssyncset.done $0x0  }
0xa0: {  	[sflag:s6] =	ssyncadd.s32 s4;
	_ =	sdelay $0x1  }
0xa1: {  	s23 =	simm.s32 $0x1B8B  }
0xa2: {  	_ =	swait.ge [sflag:s23], $0x1  }
0xa3: {  	[sflag:s23] =	ssyncset.done $0x0  }
0xa4: {  	[sflag:s23] =	ssyncadd.s32 $0xFFFFFFFF  }
0xa5: {  	s4 =	sld [smem:$0x0]  }
0xa6: {  	s5 =	sand.u32 $0xFFFFFFFE, s1  }
0xa7: {  	p0 =	sne.s32 s1, s5  }
0xa8: {  	s5 =	sshll.u32 @p0 s5, $0xE  }
0xa9: {  	s5 =	sadd.s32 @p0 $0x11B8D, s5;
	s6 =	sshll.u32 @p0 s4, $0x11  }
0xaa: {  	s5 =	sor.u32 @p0 s6, s5  }
0xab: {  	[sflag:s5] =	ssyncadd.remote.s32 @p0 $0x1;
	_ =	sdelay $0x1  }
0xac: {  	s5 =	simm.s32 @p0 $0x1B8D  }
0xad: {  	_ =	swait.eq @p0 [sflag:s5], $0x1  }
0xae: {  	[sflag:s5] =	ssyncadd.s32 @p0 $0xFFFFFFFF  }
0xaf: {  	s6 =	sshll.u32 @!p0 s1, $0xE  }
0xb0: {  	s6 =	sor.u32 @!p0 $0x4000, s6;
	s5 =	simm.s32 @!p0 $0x1B8D  }
0xb1: {  	s4 =	sshll.u32 @!p0 s4, $0x11;
	s6 =	sadd.s32 @!p0 $0x11B8D, s6;
	_ =	swait.eq @!p0 [sflag:s5], $0x1  }
0xb2: {  	s4 =	sor.u32 @!p0 s4, s6;
	[sflag:s5] =	ssyncadd.s32 @!p0 $0xFFFFFFFF  }
0xb3: {  	s25 =	simm.s32 $0x1B8E;
	s24 =	sld [smem:$0x3FFE];
	[sflag:s4] =	ssyncadd.remote.s32 @!p0 $0x1  }
0xb4: {  	s26 =	simm.s32 $execute0_lowered;
	[smem:$0x3FD2] =	sst s25  }
0xb5: {  	s5 =	sshll.u32 s26, $0x1;
	_ =	strace $0x8000004C;
	[dreg:$0x1] =	wrdreg $0xFFFFFFFF  }
0xb6: {  	s28 =	simm.s32 $_size_execute0_lowered;
	s3 =	sadd.s32 s3, s5;
	[dreg:$0x0] =	wrdreg $0x0  }
0xb7: {  	s5 =	sshll.u32 s28, $0x1;
	[dreg:$0x2] =	wrdreg s3  }
0xb8: {  	[dreg:$0x3] =	wrdreg s5  }
0xb9: {  	[dreg:$0x4] =	wrdreg $0xC0  }
0xba: {  	_ =	task [dreg:s22], $0x5FFFF  }
0xbb: {  	[dreg:$0x1] =	wrdreg $0xFFFFFFFF  }
0xbc: {  	[dreg:$0x0] =	wrdreg $0x60  }
0xbd: {  	[dreg:$0x2] =	wrdreg s24  }
0xbe: {  	[dreg:$0x3] =	wrdreg $0x98000  }
0xbf: {  	[dreg:$0x4] =	wrdreg $0xA  }
0xc0: {  	_ =	task.clear_ibuf [dreg:s22], $0x5FFFF;
	_ =	strace $0x9000004C  }
0xc1: {  	s29 =	simm.s32 $0xA;
	_ =	strace $0x8000004E  }
0xc2: {  	_ =	swait.ge [sflag:s29], $0x1  }
0xc3: {  	[sflag:s29] =	ssyncadd.s32 $0xFFFFFFFF  }
0xc4: {  	_ =	strace $0x9000004E  }
0xc5: {  	_ =	sfence  }
0xc6: {  	s30 =	sld [smem:$0x0];
	_ =	sdelay $0x2  }
0xc7: {  	s31 =	sshll.u32 s1, $0xD;
	s1 =	sshrl.u32 s1, $0x2  }
0xc8: {  	s4 =	sand.u32 $0x4000, s31;
	s1 =	sadd.s32 s1, s30  }
0xc9: {  	s0 =	sor.u32 s4, s0;
	s1 =	sshll.u32 s1, $0x11  }
0xca: {  	s0 =	sor.u32 s1, s0  }
0xcb: {  	s0 =	sadd.s32 $0x8F2B, s0  }
0xcc: {  	[sflag:s0] =	ssyncadd.remote.s32 $0x1  }
0xcd: {  	_ =	sfence.sel $0xFFFF  }
0xce: {  	[dreg:$0x0] =	wrdreg $0xFFFFFFFF;
	(pc) =	sbr.abs _section_cstart, $3  }
0xcf: {  	[dreg:$0x1] =	wrdreg $0xFFFFFFFF  }
0xd0: {  	_ =	task.clear_ibuf [dreg:s22], $0x2FFFF;
	_ =	strace $0x9FFFFFFF  }
0xd1: {  	(tm) =	ssettm $0x7FFFFFFF  }
tec
execute0_lowered:
.L_overlay_start_1:
0x0: {  	(tag) =	ssettag $0x1  }
0x1: {  	s4 =	rddreg [dreg:$0x0]  }
0x2: {  	s2 =	rddreg [dreg:$0x1];
	s3 =	srdreg.scid  }
0x3: {  	s0 =	rddreg [dreg:$0x2];
	s1 =	stileid.u32  }
0x4: {  	s15 =	simm.s32 $0x2000;
	s16 =	simm.s32 $0x4800;
	s17 =	simm.s32 $0x1  }
0x5: {  	s18 =	simm.s32 $0x50;
	s19 =	simm.s32 $0x2;
	s20 =	simm.s32 $0x1E00  }
0x6: {  	s21 =	simm.s32 $0x1E80;
	s22 =	simm.s32 $0x1F00;
	s8 =	smul.u32 $0x2800, s1  }
0x7: {  	s23 =	simm.s32 $0x0;
	s6 =	sand.u32 $0x1, s3;
	s13 =	smul.u32 $0xA000, s1  }
0x8: {  	s3 =	simm.s32 $0x0;
	s10 =	sadd.s32 $0x523A00, s4;
	s14 =	smul.u32 $0x27600, s1  }
0x9: {  	s5 =	sshll.u32 s1, $0x1;
	s26 =	ssub.s32 $0x8C, s1;
	s7 =	smul.u32 $0x138800, s6  }
0xa: {  	[smem:$0x7FF] =	sst s3;
	s5 =	sor.u32 s6, s5;
	s29 =	smul.u32 $0x13B00, s6  }
0xb: {  	s24 =	ssub.s32 $0x2, s6;
	_ =	strace $0x8000004D;
	s11 =	smul.u32 $0x13B00, s5  }
0xc: {  	s9 =	sshll.u32 s5, $0xA;
	s25 =	sshrl.u32 s24, $0x1;
	s5 =	smul.u32 $0x9D800, s5  }
0xd: {  	s30 =	sshrl.u32 s13, $0x2;
	s13 =	simm.s32 $0x7000;
	s7 =	sadd.s32 s8, s7  }
0xe: {  	s9 =	sadd.s32 s9, s4;
	s8 =	ssub.s32 s24, s25;
	s7 =	sshrl.u32 s7, $0x3  }
0xf: {  	s28 =	sshrl.u32 s5, $0x3;
	s5 =	sadd.s32 $0x2600, s9;
	s6 =	sadd.s32 s10, s11  }
0x10: {  	s8 =	smax.u32 s8, $0x1;
	s12 =	sadd.s32 s7, s4;
	s4 =	sshrl.u32 s26, $0x4  }
0x11: {  	s7 =	sadd.s32 s10, s28;
	s10 =	sadd.s32 s14, s10;
	s9 =	sadd.s32 $0x13600, s6  }
0x12: {  	s14 =	simm.s32 $0x3;
	s7 =	sadd.s32 $0x500, s7;
	s31 =	sadd.s32 s29, s10  }
0x13: {  	v0 =	vimm.f32 $0.0e+00;
	s10 =	sadd.s32 s30, s2;
	s12 =	sadd.s32 $0x31800, s12;
	s11 =	sadd.s32 $0xF00, s31  }
.LBB2_1:
0x14: {  	s24 =	simm.s32 $0x0;
	s25 =	simm.s32 $0x200  }
.LBB2_2:
0x15: {  	p0 =	sne.s32 s25, $0x9E00;
	[tilespmem:s24+$0x7070] =	vst v0  }
0x16: {  	[tilespmem:s24+$0x7000] =	vst v0  }
0x17: {  	[tilespmem:s24+$0x7010] =	vst v0  }
.Ltmp0:
0x18: {  	[tilespmem:s24+$0x7020] =	vst v0;
	(pc) =	sbr.rel @p0 .LBB2_2-.Ltmp0, $4  }
0x19: {  	[tilespmem:s24+$0x7030] =	vst v0  }
0x1a: {  	[tilespmem:s24+$0x7040] =	vst v0  }
0x1b: {  	[tilespmem:s24+$0x7050] =	vst v0  }
0x1c: {  	[tilespmem:s24+$0x7060] =	vst v0;
	s24 =	sshra.s32 s25, $0x2;
	s25 =	sadd.s32 $0x200, s25  }
0x1d: {  	[tilespmem:s24+$0x7070] =	vst v0  }
0x1e: {  	[tilespmem:s24+$0x7000] =	vst v0  }
0x1f: {  	[tilespmem:s24+$0x7010] =	vst v0  }
0x20: {  	[tilespmem:s24+$0x7020] =	vst v0  }
0x21: {  	[tilespmem:s24+$0x7030] =	vst v0  }
0x22: {  	[tilespmem:s24+$0x7040] =	vst v0;
	p0 =	sne.s32 s4, $0x1  }
.Ltmp1:
0x23: {  	[tilespmem:s24+$0x7050] =	vst v0;
	(pc) =	sbr.rel @!p0 .LBB2_5-.Ltmp1, $4  }
0x24: {  	[tilespmem:s24+$0x7060] =	vst v0  }
0x25: {  	[spmem:s10] =	stream.linear.scatter [tilespmem:s13], [sflag:$0x3], $0x2800, $0x38;
	[tilespmem:$0x1D080] =	vst v63  }
0x26: {  	_ =	swait.ge [sflag:s14], $0x2800  }
0x27: {  	s24 =	sadd.s32 $0xFFFFFFFF, s4;
	s25 =	smov.u32 s10;
	[sflag:s14] =	ssyncset.done $0x0  }
.LBB2_4:
0x28: {  	p1 =	sne.s32 s24, $0x1;
	[sflag:s14] =	ssyncadd.s32 $0xFFFFD800;
	s25 =	sadd.s32 $0x28000, s25  }
.Ltmp2:
0x29: {  	s24 =	sadd.s32 $0xFFFFFFFF, s24;
	(pc) =	sbr.rel @p1 .LBB2_4-.Ltmp2, $4  }
0x2a: {  	_ = 	snop  }
0x2b: {  	[spmem:s25] =	stream.linear.scatter [tilespmem:s13], [sflag:$0x3], $0x2800, $0x38;
	[tilespmem:$0x1D080] =	vst v63  }
0x2c: {  	_ =	swait.ge [sflag:s14], $0x2800  }
0x2d: {  	[sflag:s14] =	ssyncset.done $0x0  }
.LBB2_5:
0x2e: {  	[sflag:s14] =	ssyncadd.s32 $0xFFFFD800;
	s24 =	simm.s32 $0x0  }
0x2f: {  	[tilespmem:s24], [sflag:$0x3] =	stream.linear.gather [hbm4b:s5+s24], $0x1F80, $0x38;
	[tilespmem:$0x1D080] =	vst v63  }
0x30: {  	_ =	swait.ge [sflag:s14], $0x1F80  }
0x31: {  	[sflag:s14] =	ssyncset.done $0x0  }
0x32: {  	[sflag:s14] =	ssyncadd.s32 $0xFFFFE080  }
0x33: {  	[bflag:$0x0] =	sbarrier.arrive $0xFFFF  }
0x34: {  	[tilespmem:s15], [sflag:$0x1] =	stream.linear.gather [hbm4b:s6+s24], $0x2800, $0x38;
	[tilespmem:$0x1D080] =	vst v63  }
0x35: {  	_ = 	snop  }
0x36: {  	[tilespmem:s16], [sflag:$0x2] =	stream.linear.gather [hbm4b:s7+s24], $0x2800, $0x38;
	[tilespmem:$0x1D080] =	vst v63  }
0x37: {  	_ =	swait.ge [sflag:s17], $0x2800  }
0x38: {  	[sflag:s17] =	ssyncset.done $0x0  }
0x39: {  	s29 =	simm.s32 $0x0;
	[sflag:s17] =	ssyncadd.s32 $0xFFFFD800  }
0x3a: {  	[spmem:s2] =	stream.indirect.scatter.add.f32 [tilespmem:s15], [sflag:$0x3], $0x80, s29, s18, $0xb8;
	[tilespmem:$0x1D080] =	vst v63  }
0x3b: {  	_ =	swait.ge [sflag:s14], $0x2800  }
0x3c: {  	[sflag:s14] =	ssyncset.done $0x0  }
0x3d: {  	s30 =	sadd.s32 $0xFFFFFB00, s11;
	[sflag:s14] =	ssyncadd.s32 $0xFFFFD800  }
0x3e: {  	[tilespmem:s15], [sflag:$0x1] =	stream.linear.gather [hbm4b:s30+s3], $0x2800, $0x38;
	[tilespmem:$0x1D080] =	vst v63  }
0x3f: {  	_ =	swait.ge [sflag:s19], $0x2800  }
0x40: {  	[sflag:s19] =	ssyncset.done $0x0  }
0x41: {  	s31 =	simm.s32 $0x80;
	[sflag:s19] =	ssyncadd.s32 $0xFFFFD800  }
0x42: {  	[spmem:s2] =	stream.indirect.scatter.add.f32 [tilespmem:s16], [sflag:$0x3], $0x80, s31, s18, $0xb8;
	[tilespmem:$0x1D080] =	vst v63  }
0x43: {  	_ =	swait.ge [sflag:s14], $0x2800  }
0x44: {  	s25 =	sadd.s32 $0xA00, s11;
	[sflag:s14] =	ssyncset.done $0x0  }
0x45: {  	s26 =	smov.u32 s11;
	s24 =	simm.s32 $0x400;
	[sflag:s14] =	ssyncadd.s32 $0xFFFFD800  }
.LBB2_6:
0x46: {  	[tilespmem:s16], [sflag:$0x2] =	stream.linear.gather [hbm4b:s26+s3], $0x2800, $0x38;
	[tilespmem:$0x1D080] =	vst v63  }
0x47: {  	s28 =	smov.u32 s24;
	s26 =	smov.u32 s25  }
0x48: {  	p1 =	sne.s32 s24, $0x7400;
	s24 =	sadd.s32 $0x400, s24;
	_ =	swait.ge [sflag:s17], $0x2800  }
0x49: {  	[sflag:s17] =	ssyncset.done $0x0  }
0x4a: {  	s28 =	sshra.s32 s28, $0x2;
	[sflag:s17] =	ssyncadd.s32 $0xFFFFD800  }
0x4b: {  	[spmem:s2] =	stream.indirect.scatter.add.f32 [tilespmem:s15], [sflag:$0x3], $0x80, s28, s18, $0xb8;
	[tilespmem:$0x1D080] =	vst v63  }
0x4c: {  	_ =	swait.ge [sflag:s14], $0x2800  }
0x4d: {  	[sflag:s14] =	ssyncset.done $0x0  }
0x4e: {  	s29 =	sadd.s32 $0xFFFFFB00, s25;
	[sflag:s14] =	ssyncadd.s32 $0xFFFFD800  }
0x4f: {  	[tilespmem:s15], [sflag:$0x1] =	stream.linear.gather [hbm4b:s29+s3], $0x2800, $0x38;
	[tilespmem:$0x1D080] =	vst v63  }
0x50: {  	_ =	swait.ge [sflag:s19], $0x2800  }
0x51: {  	[sflag:s19] =	ssyncset.done $0x0  }
.Ltmp3:
0x52: {  	s28 =	sadd.s32 $0x80, s28;
	[sflag:s19] =	ssyncadd.s32 $0xFFFFD800;
	(pc) =	sbr.rel @p1 .LBB2_6-.Ltmp3, $4  }
0x53: {  	[spmem:s2] =	stream.indirect.scatter.add.f32 [tilespmem:s16], [sflag:$0x3], $0x80, s28, s18, $0xb8;
	[tilespmem:$0x1D080] =	vst v63  }
0x54: {  	_ =	swait.ge [sflag:s14], $0x2800  }
0x55: {  	[sflag:s14] =	ssyncset.done $0x0  }
0x56: {  	s25 =	sadd.s32 $0xA00, s25;
	[sflag:s14] =	ssyncadd.s32 $0xFFFFD800  }
0x57: {  	[tilespmem:s16], [sflag:$0x2] =	stream.linear.gather [hbm4b:s26+s3], $0x2800, $0x38;
	[tilespmem:$0x1D080] =	vst v63  }
0x58: {  	_ =	swait.ge [sflag:s17], $0x2800  }
0x59: {  	[sflag:s17] =	ssyncset.done $0x0  }
0x5a: {  	[sflag:s17] =	ssyncadd.s32 $0xFFFFD800  }
0x5b: {  	[spmem:s2] =	stream.indirect.scatter.add.f32 [tilespmem:s15], [sflag:$0x3], $0x80, s20, s18, $0xb8;
	[tilespmem:$0x1D080] =	vst v63  }
0x5c: {  	_ =	swait.ge [sflag:s14], $0x2800  }
0x5d: {  	[sflag:s14] =	ssyncset.done $0x0  }
0x5e: {  	[sflag:s14] =	ssyncadd.s32 $0xFFFFD800  }
0x5f: {  	[tilespmem:s15], [sflag:$0x1] =	stream.linear.gather [hbm4b:s9+s3], $0x2800, $0x38;
	[tilespmem:$0x1D080] =	vst v63  }
0x60: {  	_ =	swait.ge [sflag:s19], $0x2800  }
0x61: {  	[sflag:s19] =	ssyncset.done $0x0  }
0x62: {  	[sflag:s19] =	ssyncadd.s32 $0xFFFFD800  }
0x63: {  	[spmem:s2] =	stream.indirect.scatter.add.f32 [tilespmem:s16], [sflag:$0x3], $0x80, s21, s18, $0xb8;
	[tilespmem:$0x1D080] =	vst v63  }
0x64: {  	_ =	swait.ge [sflag:s14], $0x2800  }
0x65: {  	[sflag:s14] =	ssyncset.done $0x0  }
0x66: {  	[sflag:s14] =	ssyncadd.s32 $0xFFFFD800  }
0x67: {  	_ =	swait.ge [sflag:s17], $0x2800  }
0x68: {  	[sflag:s17] =	ssyncset.done $0x0  }
0x69: {  	[sflag:s17] =	ssyncadd.s32 $0xFFFFD800  }
0x6a: {  	[spmem:s2] =	stream.indirect.scatter.add.f32 [tilespmem:s15], [sflag:$0x3], $0x80, s22, s18, $0xb8;
	[tilespmem:$0x1D080] =	vst v63  }
0x6b: {  	_ =	swait.ge [sflag:s14], $0x2800  }
.Ltmp4:
0x6c: {  	[sflag:s14] =	ssyncset.done $0x0;
	(pc) =	sbr.rel @!p0 .LBB2_9-.Ltmp4, $4  }
0x6d: {  	s24 =	sshll.u32 s1, $0x6;
	s25 =	sshrl.u32 s10, $0x3;
	[sflag:s14] =	ssyncadd.s32 $0xFFFFD800  }
0x6e: {  	s26 =	sadd.s32 $0x5000, s12;
	s24 =	sor.u32 $0x1C03, s24;
	[bflag:$0x0] =	sbarrier.arrive $0xFFFF  }
0x6f: {  	[hbm:s12], [sflag:s24] =	dma.local [spmem:s25], $0x500  }
0x70: {  	s28 =	smov.u32 s10;
	s25 =	sadd.s32 $0xFFFFFFFF, s4;
	_ =	swait.ge [sflag:s14], $0x500  }
.LBB2_8:
0x71: {  	[sflag:s14] =	ssyncset.done $0x0;
	s28 =	sadd.s32 $0x28000, s28;
	p0 =	sne.s32 s25, $0x1  }
.Ltmp5:
0x72: {  	s29 =	sshrl.u32 s28, $0x3;
	[sflag:s14] =	ssyncadd.s32 $0xFFFFFB00;
	(pc) =	sbr.rel @p0 .LBB2_8-.Ltmp5, $3  }
0x73: {  	[hbm:s26], [sflag:s24] =	dma.local [spmem:s29], $0x500  }
0x74: {  	s25 =	sadd.s32 $0xFFFFFFFF, s25;
	_ =	sdelay $0x1  }
0x75: {  	s26 =	sadd.s32 $0x5000, s26;
	_ =	swait.ge [sflag:s14], $0x500  }
.LBB2_9:
0x76: {  	s23 =	sadd.s32 $0x1, s23  }
0x77: {  	p0 =	sne.s32 s23, s8  }
.Ltmp6:
0x78: {  	_ = 	snop;
	(pc) =	sbr.rel @p0 .LBB2_1-.Ltmp6, $3  }
0x79: {  	_ =	sdelay $0x1  }
0x7a: {  	[sflag:s14] =	ssyncset.done $0x0  }
0x7b: {  	[sflag:s14] =	ssyncadd.s32 $0xFFFFFB00  }
0x7c: {  	_ =	sfence.sel $0x180000  }
0x7d: {  	[bflag:$0x0] =	sbarrier.arrive $0xFFFF  }
0x7e: {  	p0 =	sne.s32 s1, $0x0;
	_ =	strace $0x9000004D  }
0x7f: {  	s0 =	sadd.s32 @!p0 $0x100000, s0;
	[bflag:$0x2] =	sbarrier.arrive $0xFFFF  }
0x80: {  	[sflag:s0] =	ssyncadd.tile.s32 @!p0 $0x1;
	_ =	shalt  }
.Lfunc_end2:
_tile_overlayer_lowered:
.L_overlay_start_2:
0x81: {  	(tag) =	ssettag $0x2  }
0x82: {  	s0 =	rddreg [dreg:$0x0];
	s2 =	stileid.u32  }
0x83: {  	s1 =	rddreg [dreg:$0x1];
	p0 =	sne.s32 s2, $0x0  }
0x84: {  	s3 =	rddreg [dreg:$0x2];
	[bflag:$0x3] =	sbarrier.arrive $0xFFFF;
	s2 =	simm.s32 @!p0 $0x1C03  }
0x85: {  	[timem:s3], [sflag:s2] =	dma.local @!p0 [hbm:s0], s1  }
0x86: {  	s0 =	simm.s32 @!p0 $0x3  }
0x87: {  	_ =	swait.ge @!p0 [sflag:s0], s1  }
0x88: {  	s1 =	ssub.s32 @!p0 $0x0, s1;
	[sflag:s0] =	ssyncset.done @!p0 $0x0  }
0x89: {  	[sflag:s0] =	ssyncadd.s32 @!p0 s1  }
0x8a: {  	[bflag:$0x3] =	sbarrier.arrive $0xFFFF  }
0x8b: {  	_ =	shalt  }

// kernel: kernel.19.cloned.1.call-start
scs
__scs_entry_jumppad:
0x0: {  	(pc) =	sbr.rel $0x88, $3  }
0x1: {  	(tag) =	ssettag $0x0;
	lr =	simm.s32 $0x1  }
0x2: {  	[smem:$0x3F92] =	sst lr;
	_ =	strace $0xD0000000  }
0x3: {  	_ = 	snop  }
0x4: {  	_ = 	snop  }
0x5: {  	_ = 	snop  }
0x6: {  	_ = 	snop  }
0x7: {  	_ = 	snop  }
__scs_overlays_trampoline_lowered:
0x8: {  	[smem:$0x3FA1] =	sst s0  }
0x9: {  	[smem:$0x3FA2] =	sst s1  }
0xa: {  	[smem:$0x3FA3] =	sst s2  }
0xb: {  	[smem:$0x3FA4] =	sst s3  }
0xc: {  	[smem:$0x3FA5] =	sst s4  }
0xd: {  	[smem:$0x3FA6] =	sst s5  }
0xe: {  	[smem:$0x3FA7] =	sst s6  }
0xf: {  	[smem:$0x3FA8] =	sst s7  }
0x10: {  	[smem:$0x3FA9] =	sst s8  }
0x11: {  	[smem:$0x3FAA] =	sst s9;
	s0 =	simm.s32 @!p0 $0x0  }
0x12: {  	s1 =	sld [smem:$0x3F90];
	s0 =	simm.s32 @p0 $0x1  }
0x13: {  	[smem:$0x3FAB] =	sst s0;
	s0 =	simm.s32 @!p1 $0x0  }
0x14: {  	s2 =	sld [smem:$0x3F8F];
	s0 =	simm.s32 @p1 $0x1  }
0x15: {  	[smem:$0x3FAC] =	sst s0;
	s0 =	simm.s32 @!p2 $0x0  }
0x16: {  	s3 =	sld [smem:$0x3FDB];
	s0 =	simm.s32 @p2 $0x1  }
0x17: {  	s4 =	simm.s32 $0x1BF5;
	[smem:$0x3FAE] =	sst s0  }
0x18: {  	s0 =	sld [smem:$0x3F91];
	_ =	swait.ge [sflag:s4], $0x0  }
0x19: {  	s7 =	sld [smem:$0x3F92]  }
0x1a: {  	s8 =	sadd.s32 $0xFFFFE003, lr  }
0x1b: {  	s9 =	sadd.s32 $0xFFFFFEF7, lr;
	s5 =	simm.s32 $0xFFFFFFFF;
	p2 =	slt.u32 s8, $0xFFFFF086  }
0x1c: {  	p1 =	slt.u32 s9, $0xF7A;
	s5 =	simm.s32 @!p2 $0x0  }
0x1d: {  	s5 =	simm.s32 @p1 $0x1;
	p0 =	seq.s32 s7, s2  }
0x1e: {  	s7 =	smul.u32 @!p0 $0xF7A, s2;
	p2 =	seq.s32 @!p0 s5, $0x0  }
0x1f: {  	s9 =	smul.u32 $0xF7A, s1;
	s8 =	simm.s32 @!p0 $0x1BF5;
	p2 =	por !p2, p0  }
0x20: {  	[sflag:s8] =	ssyncset.s32 @!p0 $0xFFFFF086;
	s6 =	sadd.s32 @!p0 s3, s7;
	s7 =	simm.s32 @!p0 $0x108  }
0x21: {  	s3 =	sadd.s32 s3, s9;
	s6 =	sadd.s32 @!p0 $0x88, s6;
	s7 =	simm.s32 @p2 $0x1082  }
0x22: {  	[simem:s7], [sflag:s8] =	dma.local @!p0 [hbm:s6], $0xF7A  }
0x23: {  	s9 =	sor.u32 $0xD0000000, s2;
	s6 =	simm.s32 $0x108;
	_ =	swait.ge @!p0 [sflag:s8], $0x0  }
0x24: {  	s3 =	sadd.s32 $0x88, s3;
	s6 =	simm.s32 @!p1 $0x1082;
	[sflag:s4] =	ssyncset.s32 $0xFFFFF086  }
0x25: {  	[simem:s6], [sflag:s4] =	dma.local [hbm:s3], $0xF7A  }
0x26: {  	[smem:$0x3F92] =	sst s1;
	(tag) =	ssettag s2;
	_ =	strace s9  }
0x27: {  	s1 =	sld [smem:$0x3FA2]  }
0x28: {  	s2 =	sld [smem:$0x3FA3]  }
0x29: {  	s4 =	sld [smem:$0x3FA5]  }
0x2a: {  	p0 =	seq.s32 s5, $0x0;
	s5 =	sld [smem:$0x3FA6]  }
0x2b: {  	s6 =	sld [smem:$0x3FA7]  }
0x2c: {  	s7 =	sld [smem:$0x3FA8]  }
0x2d: {  	s3 =	simm.s32 $0x108;
	s8 =	sld [smem:$0x3FA9]  }
0x2e: {  	s3 =	simm.s32 @!p0 $0x1082;
	s9 =	sld [smem:$0x3FAA]  }
0x2f: {  	lr =	sadd.s32 s0, s3;
	s0 =	sld [smem:$0x3FA1]  }
0x30: {  	s3 =	sld [smem:$0x3FA4]  }
0x31: {  	[smem:$0x3FAD] =	sst s10  }
0x32: {  	s10 =	sld [smem:$0x3FAB];
	_ =	sdelay $0x3  }
0x33: {  	p0 =	seq.s32 s10, $0x1;
	s10 =	sld [smem:$0x3FAD];
	_ =	sdelay $0x3  }
0x34: {  	[smem:$0x3FAD] =	sst s10  }
0x35: {  	s10 =	sld [smem:$0x3FAC];
	_ =	sdelay $0x3  }
0x36: {  	p1 =	seq.s32 s10, $0x1;
	s10 =	sld [smem:$0x3FAD];
	_ =	sdelay $0x3  }
0x37: {  	[smem:$0x3FAD] =	sst s10  }
0x38: {  	s10 =	sld [smem:$0x3FAE]  }
0x39: {  	_ = 	snop;
	(pc) =	sbr.ind lr, $3  }
0x3a: {  	_ = 	snop  }
0x3b: {  	_ = 	snop  }
0x3c: {  	p2 =	seq.s32 s10, $0x1;
	s10 =	sld [smem:$0x3FAD]  }
0x3d: {  	_ =	shalt  }
0x3e: {  	_ =	shalt  }
0x3f: {  	_ =	shalt  }
0x40: {  	_ =	shalt  }
0x41: {  	_ =	shalt  }
0x42: {  	_ =	shalt  }
0x43: {  	_ =	shalt  }
0x44: {  	_ =	shalt  }
0x45: {  	_ =	shalt  }
0x46: {  	_ =	shalt  }
0x47: {  	_ =	shalt  }
0x48: {  	_ =	shalt  }
0x49: {  	_ =	shalt  }
0x4a: {  	_ =	shalt  }
0x4b: {  	_ =	shalt  }
0x4c: {  	_ =	shalt  }
0x4d: {  	_ =	shalt  }
0x4e: {  	_ =	shalt  }
0x4f: {  	_ =	shalt  }
0x50: {  	_ =	shalt  }
0x51: {  	_ =	shalt  }
0x52: {  	_ =	shalt  }
0x53: {  	_ =	shalt  }
0x54: {  	_ =	shalt  }
0x55: {  	_ =	shalt  }
0x56: {  	_ =	shalt  }
0x57: {  	_ =	shalt  }
0x58: {  	_ =	shalt  }
0x59: {  	_ =	shalt  }
0x5a: {  	_ =	shalt  }
0x5b: {  	_ =	shalt  }
0x5c: {  	_ =	shalt  }
0x5d: {  	_ =	shalt  }
0x5e: {  	_ =	shalt  }
0x5f: {  	_ =	shalt  }
0x60: {  	_ =	shalt  }
0x61: {  	_ =	shalt  }
0x62: {  	_ =	shalt  }
0x63: {  	_ =	shalt  }
0x64: {  	_ =	shalt  }
0x65: {  	_ =	shalt  }
0x66: {  	_ =	shalt  }
0x67: {  	_ =	shalt  }
0x68: {  	_ =	shalt  }
0x69: {  	_ =	shalt  }
0x6a: {  	_ =	shalt  }
0x6b: {  	_ =	shalt  }
0x6c: {  	_ =	shalt  }
0x6d: {  	_ =	shalt  }
0x6e: {  	_ =	shalt  }
0x6f: {  	_ =	shalt  }
0x70: {  	_ =	shalt  }
0x71: {  	_ =	shalt  }
0x72: {  	_ =	shalt  }
0x73: {  	_ =	shalt  }
0x74: {  	_ =	shalt  }
0x75: {  	_ =	shalt  }
0x76: {  	_ =	shalt  }
0x77: {  	_ =	shalt  }
0x78: {  	_ =	shalt  }
0x79: {  	_ =	shalt  }
0x7a: {  	_ =	shalt  }
0x7b: {  	_ =	shalt  }
0x7c: {  	_ =	shalt  }
0x7d: {  	_ =	shalt  }
0x7e: {  	_ =	shalt  }
0x7f: {  	_ =	shalt  }
0x80: {  	_ =	shalt  }
0x81: {  	_ =	shalt  }
0x82: {  	_ =	shalt  }
0x83: {  	_ =	shalt  }
0x84: {  	_ =	shalt  }
0x85: {  	_ =	shalt  }
0x86: {  	_ =	shalt  }
0x87: {  	_ =	shalt  }
.Lfunc_end0:
.L_simem_size_0:
called_computation.3_lowered:
.L_overlay_start_0:
0x88: {  	s2 =	sld [smem:$0x3FD9]  }
0x89: {  	s3 =	sld [smem:$0x3FFE];
	_ =	sdelay $0x1  }
0x8a: {  	s1 =	srdreg.scid  }
0x8b: {  	s0 =	sand.u32 $0x1, s1  }
0x8c: {  	s17 =	sshll.u32 s0, $0xA;
	s2 =	sadd.s32 s3, s2  }
0x8d: {  	s2 =	sadd.s32 s2, s17  }
0x8e: {  	[smem:$0x3FB9] =	sst s2  }
0x8f: {  	_ = 	snop  }
0x90: {  	(tm) =	ssettm $0x1  }
0x91: {  	s18 =	sld [smem:$0x3FFB];
	_ =	sdelay $0x3  }
0x92: {  	_ =	strace s18  }
0x93: {  	s2 =	sld [smem:$0x3FFC];
	_ =	sdelay $0x3  }
0x94: {  	_ =	strace s2  }
0x95: {  	s2 =	sld [smem:$0x3FFD];
	_ =	sdelay $0x3  }
0x96: {  	_ =	strace s2  }
0x97: {  	_ =	strace $0x8FFFFFFF  }
0x98: {  	s19 =	sld [smem:$0x3FDB];
	_ =	sdelay $0x1  }
0x99: {  	s20 =	simm.s32 $_scs_section_size  }
0x9a: {  	s4 =	simm.s32 $_size__tile_overlayer_lowered;
	s5 =	simm.s32 $_tile_overlayer_lowered  }
0x9b: {  	s6 =	simm.s32 $0x1BFF;
	s21 =	sshll.u32 s5, $0x1;
	s3 =	sadd.s32 s20, s19  }
0x9c: {  	s22 =	simm.s32 $0x0;
	s4 =	sshll.u32 s4, $0x1;
	s5 =	sadd.s32 s21, s3  }
0x9d: {  	[timem:s22], [sflag:s6] =	dma.local [hbm:s5], s4  }
0x9e: {  	_ =	swait.ge [sflag:s6], s4  }
0x9f: {  	s4 =	ssub.s32 $0x0, s4;
	[sflag:s6] =	ssyncset.done $0x0  }
0xa0: {  	[sflag:s6] =	ssyncadd.s32 s4;
	_ =	sdelay $0x1  }
0xa1: {  	s23 =	simm.s32 $0x1B8B  }
0xa2: {  	_ =	swait.ge [sflag:s23], $0x1  }
0xa3: {  	[sflag:s23] =	ssyncset.done $0x0  }
0xa4: {  	[sflag:s23] =	ssyncadd.s32 $0xFFFFFFFF  }
0xa5: {  	s4 =	sld [smem:$0x0]  }
0xa6: {  	s5 =	sand.u32 $0xFFFFFFFE, s1  }
0xa7: {  	p0 =	sne.s32 s1, s5  }
0xa8: {  	s5 =	sshll.u32 @p0 s5, $0xE  }
0xa9: {  	s5 =	sadd.s32 @p0 $0x11B8D, s5;
	s6 =	sshll.u32 @p0 s4, $0x11  }
0xaa: {  	s5 =	sor.u32 @p0 s6, s5  }
0xab: {  	[sflag:s5] =	ssyncadd.remote.s32 @p0 $0x1;
	_ =	sdelay $0x1  }
0xac: {  	s5 =	simm.s32 @p0 $0x1B8D  }
0xad: {  	_ =	swait.eq @p0 [sflag:s5], $0x1  }
0xae: {  	[sflag:s5] =	ssyncadd.s32 @p0 $0xFFFFFFFF  }
0xaf: {  	s6 =	sshll.u32 @!p0 s1, $0xE  }
0xb0: {  	s6 =	sor.u32 @!p0 $0x4000, s6;
	s5 =	simm.s32 @!p0 $0x1B8D  }
0xb1: {  	s4 =	sshll.u32 @!p0 s4, $0x11;
	s6 =	sadd.s32 @!p0 $0x11B8D, s6;
	_ =	swait.eq @!p0 [sflag:s5], $0x1  }
0xb2: {  	s4 =	sor.u32 @!p0 s4, s6;
	[sflag:s5] =	ssyncadd.s32 @!p0 $0xFFFFFFFF  }
0xb3: {  	s25 =	simm.s32 $0x1B8E;
	s24 =	sld [smem:$0x3FFE];
	[sflag:s4] =	ssyncadd.remote.s32 @!p0 $0x1  }
0xb4: {  	s26 =	simm.s32 $execute0_lowered;
	[smem:$0x3FD2] =	sst s25  }
0xb5: {  	s5 =	sshll.u32 s26, $0x1;
	_ =	strace $0x8000004F;
	[dreg:$0x1] =	wrdreg $0xFFFFFFFF  }
0xb6: {  	s28 =	simm.s32 $_size_execute0_lowered;
	s3 =	sadd.s32 s3, s5;
	[dreg:$0x0] =	wrdreg $0x0  }
0xb7: {  	s5 =	sshll.u32 s28, $0x1;
	[dreg:$0x2] =	wrdreg s3  }
0xb8: {  	[dreg:$0x3] =	wrdreg s5  }
0xb9: {  	[dreg:$0x4] =	wrdreg $0xC0  }
0xba: {  	_ =	task [dreg:s22], $0x5FFFF  }
0xbb: {  	[dreg:$0x1] =	wrdreg $0xFFFFFFFF  }
0xbc: {  	[dreg:$0x0] =	wrdreg $0x60  }
0xbd: {  	[dreg:$0x2] =	wrdreg s24  }
0xbe: {  	[dreg:$0x3] =	wrdreg $0x98000  }
0xbf: {  	[dreg:$0x4] =	wrdreg $0x9  }
0xc0: {  	_ =	task.clear_ibuf [dreg:s22], $0x5FFFF;
	_ =	strace $0x9000004F  }
0xc1: {  	s29 =	simm.s32 $0x9;
	_ =	strace $0x80000051  }
0xc2: {  	_ =	swait.ge [sflag:s29], $0x1  }
0xc3: {  	[sflag:s29] =	ssyncadd.s32 $0xFFFFFFFF  }
0xc4: {  	_ =	strace $0x90000051  }
0xc5: {  	_ =	sfence  }
0xc6: {  	s30 =	sld [smem:$0x0];
	_ =	sdelay $0x2  }
0xc7: {  	s31 =	sshll.u32 s1, $0xD;
	s1 =	sshrl.u32 s1, $0x2  }
0xc8: {  	s4 =	sand.u32 $0x4000, s31;
	s1 =	sadd.s32 s1, s30  }
0xc9: {  	s0 =	sor.u32 s4, s0;
	s1 =	sshll.u32 s1, $0x11  }
0xca: {  	s0 =	sor.u32 s1, s0  }
0xcb: {  	s0 =	sadd.s32 $0x8F2B, s0  }
0xcc: {  	[sflag:s0] =	ssyncadd.remote.s32 $0x1  }
0xcd: {  	_ =	sfence.sel $0xFFFF  }
0xce: {  	[dreg:$0x0] =	wrdreg $0xFFFFFFFF;
	(pc) =	sbr.abs _section_cstart, $3  }
0xcf: {  	[dreg:$0x1] =	wrdreg $0xFFFFFFFF  }
0xd0: {  	_ =	task.clear_ibuf [dreg:s22], $0x2FFFF;
	_ =	strace $0x9FFFFFFF  }
0xd1: {  	(tm) =	ssettm $0x7FFFFFFF  }
tec
execute0_lowered:
.L_overlay_start_1:
0x0: {  	(tag) =	ssettag $0x1  }
0x1: {  	s4 =	rddreg [dreg:$0x0]  }
0x2: {  	s2 =	rddreg [dreg:$0x1];
	s1 =	srdreg.scid  }
0x3: {  	s0 =	rddreg [dreg:$0x2];
	s3 =	simm.s32 $0x0;
	s15 =	simm.s32 $0x4800  }
0x4: {  	s16 =	simm.s32 $0x1;
	s17 =	simm.s32 $0x50;
	s18 =	simm.s32 $0x2  }
0x5: {  	s19 =	simm.s32 $0x1E00;
	s20 =	simm.s32 $0x1E80;
	s7 =	sand.u32 $0x1, s1  }
0x6: {  	s21 =	simm.s32 $0x0;
	s1 =	stileid.u32;
	s5 =	smul.u32 $0x138800, s7  }
0x7: {  	[smem:$0x7FF] =	sst s3;
	s23 =	sadd.s32 $0x799A00, s4;
	s8 =	smul.u32 $0x2800, s1  }
0x8: {  	s6 =	sshll.u32 s1, $0x1;
	_ =	strace $0x80000050;
	s26 =	smul.u32 $0xA000, s1  }
0x9: {  	s24 =	ssub.s32 $0x2, s7;
	s12 =	ssub.s32 $0x8C, s1;
	s14 =	smul.u32 $0x26C00, s1  }
0xa: {  	s29 =	smul.u32 $0x13600, s7;
	s6 =	sor.u32 s7, s6;
	s25 =	sshrl.u32 s24, $0x1  }
0xb: {  	s9 =	sshll.u32 s6, $0xA;
	s5 =	sadd.s32 s8, s5;
	s10 =	smul.u32 $0x13600, s6  }
0xc: {  	s6 =	smul.u32 $0x9B000, s6;
	s13 =	ssub.s32 s24, s25;
	s30 =	sshrl.u32 s26, $0x2  }
0xd: {  	s31 =	sadd.s32 s14, s23;
	s14 =	simm.s32 $0x2000;
	s9 =	sadd.s32 s9, s4  }
0xe: {  	s5 =	sshrl.u32 s5, $0x3;
	s8 =	smax.u32 s13, $0x1;
	s13 =	simm.s32 $0x3  }
0xf: {  	s11 =	sadd.s32 s5, s4;
	s4 =	sshrl.u32 s12, $0x4;
	s5 =	sadd.s32 $0x2A7800, s9  }
0x10: {  	s28 =	sshrl.u32 s6, $0x3;
	s6 =	sadd.s32 s23, s10;
	s10 =	sadd.s32 s29, s31  }
0x11: {  	s12 =	simm.s32 $0x7000;
	s9 =	sadd.s32 s23, s28;
	s10 =	sadd.s32 $0xF00, s10  }
0x12: {  	v0 =	vimm.f32 $0.0e+00;
	s11 =	sadd.s32 $0x7FA00, s11;
	s7 =	sadd.s32 $0x500, s9;
	s9 =	sadd.s32 s30, s2  }
.LBB2_1:
0x13: {  	s22 =	simm.s32 $0x0;
	s23 =	simm.s32 $0x200  }
.LBB2_2:
0x14: {  	p0 =	sne.s32 s23, $0x9E00;
	[tilespmem:s22+$0x7070] =	vst v0  }
0x15: {  	[tilespmem:s22+$0x7000] =	vst v0  }
0x16: {  	[tilespmem:s22+$0x7010] =	vst v0  }
.Ltmp0:
0x17: {  	[tilespmem:s22+$0x7020] =	vst v0;
	(pc) =	sbr.rel @p0 .LBB2_2-.Ltmp0, $4  }
0x18: {  	[tilespmem:s22+$0x7030] =	vst v0  }
0x19: {  	[tilespmem:s22+$0x7040] =	vst v0  }
0x1a: {  	[tilespmem:s22+$0x7050] =	vst v0  }
0x1b: {  	[tilespmem:s22+$0x7060] =	vst v0;
	s22 =	sshra.s32 s23, $0x2;
	s23 =	sadd.s32 $0x200, s23  }
0x1c: {  	[tilespmem:s22+$0x7070] =	vst v0  }
0x1d: {  	[tilespmem:s22+$0x7000] =	vst v0  }
0x1e: {  	[tilespmem:s22+$0x7010] =	vst v0  }
0x1f: {  	[tilespmem:s22+$0x7020] =	vst v0  }
0x20: {  	[tilespmem:s22+$0x7030] =	vst v0  }
0x21: {  	[tilespmem:s22+$0x7040] =	vst v0;
	p0 =	sne.s32 s4, $0x1  }
.Ltmp1:
0x22: {  	[tilespmem:s22+$0x7050] =	vst v0;
	(pc) =	sbr.rel @!p0 .LBB2_5-.Ltmp1, $4  }
0x23: {  	[tilespmem:s22+$0x7060] =	vst v0  }
0x24: {  	[spmem:s9] =	stream.linear.scatter [tilespmem:s12], [sflag:$0x3], $0x2800, $0x38;
	[tilespmem:$0x1D080] =	vst v63  }
0x25: {  	_ =	swait.ge [sflag:s13], $0x2800  }
0x26: {  	s22 =	sadd.s32 $0xFFFFFFFF, s4;
	s23 =	smov.u32 s9;
	[sflag:s13] =	ssyncset.done $0x0  }
.LBB2_4:
0x27: {  	p1 =	sne.s32 s22, $0x1;
	[sflag:s13] =	ssyncadd.s32 $0xFFFFD800;
	s23 =	sadd.s32 $0x28000, s23  }
.Ltmp2:
0x28: {  	s22 =	sadd.s32 $0xFFFFFFFF, s22;
	(pc) =	sbr.rel @p1 .LBB2_4-.Ltmp2, $4  }
0x29: {  	_ = 	snop  }
0x2a: {  	[spmem:s23] =	stream.linear.scatter [tilespmem:s12], [sflag:$0x3], $0x2800, $0x38;
	[tilespmem:$0x1D080] =	vst v63  }
0x2b: {  	_ =	swait.ge [sflag:s13], $0x2800  }
0x2c: {  	[sflag:s13] =	ssyncset.done $0x0  }
.LBB2_5:
0x2d: {  	[sflag:s13] =	ssyncadd.s32 $0xFFFFD800;
	s22 =	simm.s32 $0x0  }
0x2e: {  	[tilespmem:s22], [sflag:$0x3] =	stream.linear.gather [hbm4b:s5+s22], $0x1F00, $0x38;
	[tilespmem:$0x1D080] =	vst v63  }
0x2f: {  	_ =	swait.ge [sflag:s13], $0x1F00  }
0x30: {  	[sflag:s13] =	ssyncset.done $0x0  }
0x31: {  	[sflag:s13] =	ssyncadd.s32 $0xFFFFE100  }
0x32: {  	[bflag:$0x0] =	sbarrier.arrive $0xFFFF  }
0x33: {  	[tilespmem:s14], [sflag:$0x1] =	stream.linear.gather [hbm4b:s6+s22], $0x2800, $0x38;
	[tilespmem:$0x1D080] =	vst v63  }
0x34: {  	_ = 	snop  }
0x35: {  	[tilespmem:s15], [sflag:$0x2] =	stream.linear.gather [hbm4b:s7+s22], $0x2800, $0x38;
	[tilespmem:$0x1D080] =	vst v63  }
0x36: {  	_ =	swait.ge [sflag:s16], $0x2800  }
0x37: {  	[sflag:s16] =	ssyncset.done $0x0  }
0x38: {  	s29 =	simm.s32 $0x0;
	[sflag:s16] =	ssyncadd.s32 $0xFFFFD800  }
0x39: {  	[spmem:s2] =	stream.indirect.scatter.add.f32 [tilespmem:s14], [sflag:$0x3], $0x80, s29, s17, $0xb8;
	[tilespmem:$0x1D080] =	vst v63  }
0x3a: {  	_ =	swait.ge [sflag:s13], $0x2800  }
0x3b: {  	[sflag:s13] =	ssyncset.done $0x0  }
0x3c: {  	s30 =	sadd.s32 $0xFFFFFB00, s10;
	[sflag:s13] =	ssyncadd.s32 $0xFFFFD800  }
0x3d: {  	[tilespmem:s14], [sflag:$0x1] =	stream.linear.gather [hbm4b:s30+s3], $0x2800, $0x38;
	[tilespmem:$0x1D080] =	vst v63  }
0x3e: {  	_ =	swait.ge [sflag:s18], $0x2800  }
0x3f: {  	[sflag:s18] =	ssyncset.done $0x0  }
0x40: {  	s31 =	simm.s32 $0x80;
	[sflag:s18] =	ssyncadd.s32 $0xFFFFD800  }
0x41: {  	[spmem:s2] =	stream.indirect.scatter.add.f32 [tilespmem:s15], [sflag:$0x3], $0x80, s31, s17, $0xb8;
	[tilespmem:$0x1D080] =	vst v63  }
0x42: {  	_ =	swait.ge [sflag:s13], $0x2800  }
0x43: {  	s23 =	sadd.s32 $0xA00, s10;
	[sflag:s13] =	ssyncset.done $0x0  }
0x44: {  	s24 =	smov.u32 s10;
	s22 =	simm.s32 $0x400;
	[sflag:s13] =	ssyncadd.s32 $0xFFFFD800  }
.LBB2_6:
0x45: {  	[tilespmem:s15], [sflag:$0x2] =	stream.linear.gather [hbm4b:s24+s3], $0x2800, $0x38;
	[tilespmem:$0x1D080] =	vst v63  }
0x46: {  	s25 =	smov.u32 s22;
	s24 =	smov.u32 s23  }
0x47: {  	p1 =	sne.s32 s22, $0x7400;
	s22 =	sadd.s32 $0x400, s22;
	_ =	swait.ge [sflag:s16], $0x2800  }
0x48: {  	[sflag:s16] =	ssyncset.done $0x0  }
0x49: {  	s25 =	sshra.s32 s25, $0x2;
	[sflag:s16] =	ssyncadd.s32 $0xFFFFD800  }
0x4a: {  	[spmem:s2] =	stream.indirect.scatter.add.f32 [tilespmem:s14], [sflag:$0x3], $0x80, s25, s17, $0xb8;
	[tilespmem:$0x1D080] =	vst v63  }
0x4b: {  	_ =	swait.ge [sflag:s13], $0x2800  }
0x4c: {  	[sflag:s13] =	ssyncset.done $0x0  }
0x4d: {  	s26 =	sadd.s32 $0xFFFFFB00, s23;
	[sflag:s13] =	ssyncadd.s32 $0xFFFFD800  }
0x4e: {  	[tilespmem:s14], [sflag:$0x1] =	stream.linear.gather [hbm4b:s26+s3], $0x2800, $0x38;
	[tilespmem:$0x1D080] =	vst v63  }
0x4f: {  	_ =	swait.ge [sflag:s18], $0x2800  }
0x50: {  	[sflag:s18] =	ssyncset.done $0x0  }
.Ltmp3:
0x51: {  	s25 =	sadd.s32 $0x80, s25;
	[sflag:s18] =	ssyncadd.s32 $0xFFFFD800;
	(pc) =	sbr.rel @p1 .LBB2_6-.Ltmp3, $4  }
0x52: {  	[spmem:s2] =	stream.indirect.scatter.add.f32 [tilespmem:s15], [sflag:$0x3], $0x80, s25, s17, $0xb8;
	[tilespmem:$0x1D080] =	vst v63  }
0x53: {  	_ =	swait.ge [sflag:s13], $0x2800  }
0x54: {  	[sflag:s13] =	ssyncset.done $0x0  }
0x55: {  	s23 =	sadd.s32 $0xA00, s23;
	[sflag:s13] =	ssyncadd.s32 $0xFFFFD800  }
0x56: {  	[tilespmem:s15], [sflag:$0x2] =	stream.linear.gather [hbm4b:s24+s3], $0x2800, $0x38;
	[tilespmem:$0x1D080] =	vst v63  }
0x57: {  	_ =	swait.ge [sflag:s16], $0x2800  }
0x58: {  	[sflag:s16] =	ssyncset.done $0x0  }
0x59: {  	[sflag:s16] =	ssyncadd.s32 $0xFFFFD800  }
0x5a: {  	[spmem:s2] =	stream.indirect.scatter.add.f32 [tilespmem:s14], [sflag:$0x3], $0x80, s19, s17, $0xb8;
	[tilespmem:$0x1D080] =	vst v63  }
0x5b: {  	_ =	swait.ge [sflag:s13], $0x2800  }
0x5c: {  	[sflag:s13] =	ssyncset.done $0x0  }
0x5d: {  	[sflag:s13] =	ssyncadd.s32 $0xFFFFD800  }
0x5e: {  	_ =	swait.ge [sflag:s18], $0x2800  }
0x5f: {  	[sflag:s18] =	ssyncset.done $0x0  }
0x60: {  	[sflag:s18] =	ssyncadd.s32 $0xFFFFD800  }
0x61: {  	[spmem:s2] =	stream.indirect.scatter.add.f32 [tilespmem:s15], [sflag:$0x3], $0x80, s20, s17, $0xb8;
	[tilespmem:$0x1D080] =	vst v63  }
0x62: {  	_ =	swait.ge [sflag:s13], $0x2800  }
.Ltmp4:
0x63: {  	[sflag:s13] =	ssyncset.done $0x0;
	(pc) =	sbr.rel @!p0 .LBB2_9-.Ltmp4, $4  }
0x64: {  	s22 =	sshll.u32 s1, $0x6;
	s23 =	sshrl.u32 s9, $0x3;
	[sflag:s13] =	ssyncadd.s32 $0xFFFFD800  }
0x65: {  	s24 =	sadd.s32 $0x5000, s11;
	s22 =	sor.u32 $0x1C03, s22;
	[bflag:$0x0] =	sbarrier.arrive $0xFFFF  }
0x66: {  	[hbm:s11], [sflag:s22] =	dma.local [spmem:s23], $0x500  }
0x67: {  	s25 =	smov.u32 s9;
	s23 =	sadd.s32 $0xFFFFFFFF, s4;
	_ =	swait.ge [sflag:s13], $0x500  }
.LBB2_8:
0x68: {  	[sflag:s13] =	ssyncset.done $0x0;
	s25 =	sadd.s32 $0x28000, s25;
	p0 =	sne.s32 s23, $0x1  }
.Ltmp5:
0x69: {  	s26 =	sshrl.u32 s25, $0x3;
	[sflag:s13] =	ssyncadd.s32 $0xFFFFFB00;
	(pc) =	sbr.rel @p0 .LBB2_8-.Ltmp5, $3  }
0x6a: {  	[hbm:s24], [sflag:s22] =	dma.local [spmem:s26], $0x500  }
0x6b: {  	s23 =	sadd.s32 $0xFFFFFFFF, s23;
	_ =	sdelay $0x1  }
0x6c: {  	s24 =	sadd.s32 $0x5000, s24;
	_ =	swait.ge [sflag:s13], $0x500  }
.LBB2_9:
0x6d: {  	s21 =	sadd.s32 $0x1, s21  }
0x6e: {  	p0 =	sne.s32 s21, s8  }
.Ltmp6:
0x6f: {  	_ = 	snop;
	(pc) =	sbr.rel @p0 .LBB2_1-.Ltmp6, $3  }
0x70: {  	_ =	sdelay $0x1  }
0x71: {  	[sflag:s13] =	ssyncset.done $0x0  }
0x72: {  	[sflag:s13] =	ssyncadd.s32 $0xFFFFFB00  }
0x73: {  	_ =	sfence.sel $0x180000  }
0x74: {  	[bflag:$0x0] =	sbarrier.arrive $0xFFFF  }
0x75: {  	p0 =	sne.s32 s1, $0x0;
	_ =	strace $0x90000050  }
0x76: {  	s0 =	sadd.s32 @!p0 $0x100000, s0;
	[bflag:$0x2] =	sbarrier.arrive $0xFFFF  }
0x77: {  	[sflag:s0] =	ssyncadd.tile.s32 @!p0 $0x1;
	_ =	shalt  }
.Lfunc_end2:
_tile_overlayer_lowered:
.L_overlay_start_2:
0x78: {  	(tag) =	ssettag $0x2  }
0x79: {  	s0 =	rddreg [dreg:$0x0];
	s2 =	stileid.u32  }
0x7a: {  	s1 =	rddreg [dreg:$0x1];
	p0 =	sne.s32 s2, $0x0  }
0x7b: {  	s3 =	rddreg [dreg:$0x2];
	[bflag:$0x3] =	sbarrier.arrive $0xFFFF;
	s2 =	simm.s32 @!p0 $0x1C03  }
0x7c: {  	[timem:s3], [sflag:s2] =	dma.local @!p0 [hbm:s0], s1  }
0x7d: {  	s0 =	simm.s32 @!p0 $0x3  }
0x7e: {  	_ =	swait.ge @!p0 [sflag:s0], s1  }
0x7f: {  	s1 =	ssub.s32 @!p0 $0x0, s1;
	[sflag:s0] =	ssyncset.done @!p0 $0x0  }
0x80: {  	[sflag:s0] =	ssyncadd.s32 @!p0 s1  }
0x81: {  	[bflag:$0x3] =	sbarrier.arrive $0xFFFF  }
0x82: {  	_ =	shalt  }

</sc_bundles>
